<compile_context>
chip_gen: v7x
topology: tpu7x:2x2x1
jax: 0.10.2.dev20260603
libtpu: 0.0.44.dev20260713+nightly
codegen_flags: <defaults>
</compile_context>

<pallas_src>
import functools

import jax
import jax.numpy as jnp
from jax import lax
from jax.experimental import pallas as pl
from jax.experimental.pallas import tpu as pltpu
from jax.experimental.pallas import tpu_sc as plsc

N = 10000
NP = 10240
E = 320000
G = 16
RATIO = 0.5
F = 129
FP = 136
NC, NS, L = 2, 16, 16
NT = NC * NS
CH = 64
CPT = 158
EPT = CH * CPT
EP = NT * EPT
RPT = NP // NS


def _mm2_body(x_ref, w1_ref, b1_ref, w2_ref, o_ref):
    h = jnp.maximum(
        jnp.dot(x_ref[...], w1_ref[...], preferred_element_type=jnp.float32)
        + b1_ref[...], 0.0)
    o_ref[...] = jnp.dot(h, w2_ref[...], preferred_element_type=jnp.float32)


def _mm2(x, w1, b1, w2, bm=1024):
    nb = NP // bm
    return pl.pallas_call(
        _mm2_body,
        grid=(nb,),
        in_specs=[
            pl.BlockSpec((bm, FP), lambda i: (i, 0)),
            pl.BlockSpec((FP, 256), lambda i: (0, 0)),
            pl.BlockSpec((1, 256), lambda i: (0, 0)),
            pl.BlockSpec((256, 128), lambda i: (0, 0)),
        ],
        out_specs=pl.BlockSpec((bm, 128), lambda i: (i, 0)),
        out_shape=jax.ShapeDtypeStruct((NP, 128), jnp.float32),
    )(x, w1, b1, w2)


def _scale_a_body(hp_ref, nm_ref, a_ref, sn_ref):
    degraw = jnp.sum(hp_ref[...], axis=0)
    nm = nm_ref[...]
    deg = nm * degraw + nm
    pos = deg > 0
    dis = jnp.where(pos, lax.rsqrt(jnp.maximum(deg, 1e-12)), 0.0)
    a_ref[...] = dis * nm
    sn_ref[...] = jnp.where(pos, 1.0 / jnp.maximum(deg, 1e-12), 0.0) * nm


def _scale_a(histp3, nm2d, bm=16):
    nb = (NP // 128) // bm
    return pl.pallas_call(
        _scale_a_body,
        grid=(nb,),
        in_specs=[
            pl.BlockSpec((NT, bm, 128), lambda i: (0, i, 0)),
            pl.BlockSpec((bm, 128), lambda i: (i, 0)),
        ],
        out_specs=[
            pl.BlockSpec((bm, 128), lambda i: (i, 0)),
            pl.BlockSpec((bm, 128), lambda i: (i, 0)),
        ],
        out_shape=[
            jax.ShapeDtypeStruct((NP // 128, 128), jnp.float32),
            jax.ShapeDtypeStruct((NP // 128, 128), jnp.float32),
        ],
    )(histp3, nm2d)


def _scale_y_body(a_ref, xw_ref, y_ref):
    y_ref[...] = a_ref[...] * xw_ref[...]


def _scale_y(a, xw, bm=1024):
    nb = NP // bm
    return pl.pallas_call(
        _scale_y_body,
        grid=(nb,),
        in_specs=[
            pl.BlockSpec((bm, 1), lambda i: (i, 0)),
            pl.BlockSpec((bm, 128), lambda i: (i, 0)),
        ],
        out_specs=pl.BlockSpec((bm, 128), lambda i: (i, 0)),
        out_shape=jax.ShapeDtypeStruct((NP, 128), jnp.float32),
    )(a, xw)


def _conv_body(nb, ep_ref, a_ref, sn_ref, xw_ref, b_ref, nm_ref, p_ref,
               nrm_ref, batch_ref, h_ref, s_ref, t_ref, k_ref, cnt_acc):
    i = pl.program_id(0)

    @pl.when(i == 0)
    def _():
        cnt_acc[...] = jnp.zeros_like(cnt_acc)

    nm = nm_ref[...]
    agg = (ep_ref[0] + ep_ref[1]) * a_ref[...]
    h = jnp.maximum((agg + sn_ref[...] * xw_ref[...] + b_ref[...]) * nm, 0.0)
    h = h * nm
    h_ref[...] = h
    s = jnp.dot(h, p_ref[...], preferred_element_type=jnp.float32) / nrm_ref[...]
    sm = jnp.where(nm > 0, s, -1e30)
    s_ref[...] = sm
    t_ref[...] = jnp.tanh(sm)
    oh = (batch_ref[...] == lax.broadcasted_iota(jnp.int32, (1, G), 1)
          ).astype(jnp.float32) * nm
    cnt_acc[...] += jnp.sum(oh, axis=0, keepdims=True)

    @pl.when(i == nb - 1)
    def _():
        k_ref[...] = jnp.ceil(RATIO * cnt_acc[...])


def _conv(ep, a, sn, xw, b, nm, p_raw, p_nrm, batch, bm=1024):
    nb = NP // bm
    return pl.pallas_call(
        functools.partial(_conv_body, nb),
        grid=(nb,),
        in_specs=[
            pl.BlockSpec((2, bm, 128), lambda i: (0, i, 0)),
            pl.BlockSpec((bm, 1), lambda i: (i, 0)),
            pl.BlockSpec((bm, 1), lambda i: (i, 0)),
            pl.BlockSpec((bm, 128), lambda i: (i, 0)),
            pl.BlockSpec((1, 128), lambda i: (0, 0)),
            pl.BlockSpec((bm, 1), lambda i: (i, 0)),
            pl.BlockSpec((128, 1), lambda i: (0, 0)),
            pl.BlockSpec((1, 1), lambda i: (0, 0)),
            pl.BlockSpec((bm, 1), lambda i: (i, 0)),
        ],
        out_specs=[
            pl.BlockSpec((bm, 128), lambda i: (i, 0)),
            pl.BlockSpec((bm, 1), lambda i: (i, 0)),
            pl.BlockSpec((bm, 1), lambda i: (i, 0)),
            pl.BlockSpec((1, G), lambda i: (0, 0)),
        ],
        out_shape=[
            jax.ShapeDtypeStruct((NP, 128), jnp.float32),
            jax.ShapeDtypeStruct((NP, 1), jnp.float32),
            jax.ShapeDtypeStruct((NP, 1), jnp.float32),
            jax.ShapeDtypeStruct((1, G), jnp.float32),
        ],
        scratch_shapes=[pltpu.VMEM((1, G), jnp.float32)],
    )(ep, a, sn, xw, b, nm, p_raw, p_nrm, batch)


def _rank_body(bm, bn, s_ref, b_ref, al_ref, sc_ref, bc_ref, alc_ref, k_ref,
               lo_ref, hi_ref, kept_ref, cnt_ref):
    i = pl.program_id(0)
    sr = s_ref[...]
    br = b_ref[...]
    ar = al_ref[...]
    irow = i * bm + lax.broadcasted_iota(jnp.int32, (bm, 1), 0)
    cnt_ref[...] = jnp.zeros((bm, 1), jnp.float32)
    lo = lo_ref[i]
    hi = hi_ref[i]
    for cb in range(NP // bn):
        @pl.when((cb >= lo) & (cb <= hi))
        def _():
            sc = sc_ref[:, cb * bn:(cb + 1) * bn]
            bc = bc_ref[:, cb * bn:(cb + 1) * bn]
            ac = alc_ref[:, cb * bn:(cb + 1) * bn]
            jcol = cb * bn + lax.broadcasted_iota(jnp.int32, (1, bn), 1)
            better = (sc > sr) | ((sc == sr) & (jcol < irow))
            m = better & (bc == br) & (ac > 0)
            cnt_ref[...] += jnp.sum(m.astype(jnp.float32), axis=1,
                                    keepdims=True)
    oh = (br == lax.broadcasted_iota(jnp.int32, (bm, G), 1)).astype(jnp.float32)
    kr = jnp.sum(oh * k_ref[...], axis=1, keepdims=True)
    kept_ref[...] = jnp.where((ar > 0) & (cnt_ref[...] < kr), 1.0, 0.0)


def _rank(s, batch, alive, s_c, b_c, al_c, k, cb_lo, cb_hi, bm=256, bn=512):
    nb = NP // bm
    return pl.pallas_call(
        functools.partial(_rank_body, bm, bn),
        grid=(nb,),
        in_specs=[
            pl.BlockSpec((bm, 1), lambda i: (i, 0)),
            pl.BlockSpec((bm, 1), lambda i: (i, 0)),
            pl.BlockSpec((bm, 1), lambda i: (i, 0)),
            pl.BlockSpec((1, NP), lambda i: (0, 0)),
            pl.BlockSpec((1, NP), lambda i: (0, 0)),
            pl.BlockSpec((1, NP), lambda i: (0, 0)),
            pl.BlockSpec((1, G), lambda i: (0, 0)),
            pl.BlockSpec((NP // bm,), lambda i: (0,), memory_space=pltpu.SMEM),
            pl.BlockSpec((NP // bm,), lambda i: (0,), memory_space=pltpu.SMEM),
        ],
        out_specs=pl.BlockSpec((bm, 1), lambda i: (i, 0)),
        out_shape=jax.ShapeDtypeStruct((NP, 1), jnp.float32),
        scratch_shapes=[pltpu.VMEM((bm, 1), jnp.float32)],
    )(s, batch, alive, s_c, b_c, al_c, k, cb_lo, cb_hi)


def _att_body(nb, with_xw, h_ref, t_ref, kept_ref, batch_ref, aw_ref, ab_ref,
              wn_ref, prev_ref, out_ref, xw_ref, m_acc, d_acc, num_acc):
    i = pl.program_id(0)

    @pl.when(i == 0)
    def _():
        m_acc[...] = jnp.full_like(m_acc, -1e30)
        d_acc[...] = jnp.zeros_like(d_acc)
        num_acc[...] = jnp.zeros_like(num_acc)

    kept = kept_ref[...]
    hp = h_ref[...] * t_ref[...] * kept
    if with_xw:
        xw_ref[...] = jnp.dot(hp, wn_ref[...],
                              preferred_element_type=jnp.float32)
    g = jnp.dot(hp, aw_ref[...], preferred_element_type=jnp.float32) \
        + ab_ref[...]
    gm = jnp.where(kept > 0, g, -1e30)
    oh = (batch_ref[...] == lax.broadcasted_iota(jnp.int32, (1, G), 1))
    ohf = oh.astype(jnp.float32)
    bmax = jnp.max(jnp.where(oh, gm, -1e30), axis=0, keepdims=True)
    m_old = m_acc[...]
    m_new = jnp.maximum(m_old, bmax)
    alpha = jnp.exp(m_old - m_new)
    m_acc[...] = m_new
    mn = jnp.sum(ohf * m_new, axis=1, keepdims=True)
    e = jnp.exp(gm - mn) * kept
    d_acc[...] = d_acc[...] * alpha + jnp.sum(ohf * e, axis=0, keepdims=True)
    eye = (lax.broadcasted_iota(jnp.int32, (G, G), 0)
           == lax.broadcasted_iota(jnp.int32, (G, G), 1)).astype(jnp.float32)
    alpha_c = jnp.sum(eye * alpha, axis=1, keepdims=True)
    contrib = lax.dot_general(ohf * e, hp, (((0,), (0,)), ((), ())),
                              precision=lax.Precision.HIGHEST,
                              preferred_element_type=jnp.float32)
    num_acc[...] = num_acc[...] * alpha_c + contrib

    @pl.when(i == nb - 1)
    def _():
        d_c = jnp.sum(eye * d_acc[...], axis=1, keepdims=True)
        out_ref[...] = prev_ref[...] + num_acc[...] / jnp.maximum(d_c, 1e-16)


def _att(h, t, kept, batch, aw, ab, wn, prev, with_xw, bm=1024):
    nb = NP // bm
    out_shape = [jax.ShapeDtypeStruct((G, 128), jnp.float32),
                 jax.ShapeDtypeStruct((NP, 128), jnp.float32)]
    out_specs = [pl.BlockSpec((G, 128), lambda i: (0, 0)),
                 pl.BlockSpec((bm, 128), lambda i: (i, 0))]
    return pl.pallas_call(
        functools.partial(_att_body, nb, with_xw),
        grid=(nb,),
        in_specs=[
            pl.BlockSpec((bm, 128), lambda i: (i, 0)),
            pl.BlockSpec((bm, 1), lambda i: (i, 0)),
            pl.BlockSpec((bm, 1), lambda i: (i, 0)),
            pl.BlockSpec((bm, 1), lambda i: (i, 0)),
            pl.BlockSpec((128, 1), lambda i: (0, 0)),
            pl.BlockSpec((1, 1), lambda i: (0, 0)),
            pl.BlockSpec((128, 128), lambda i: (0, 0)),
            pl.BlockSpec((G, 128), lambda i: (0, 0)),
        ],
        out_specs=out_specs,
        out_shape=out_shape,
        scratch_shapes=[pltpu.VMEM((1, G), jnp.float32),
                        pltpu.VMEM((1, G), jnp.float32),
                        pltpu.VMEM((G, 128), jnp.float32)],
    )(h, t, kept, batch, aw, ab, wn, prev)


def _hist_body(c_hbm, src_hbm, dst_hbm, out_hbm, c_v, src_v, dst_v, acc_v):
    wid = lax.axis_index("s") * NC + lax.axis_index("c")
    pltpu.sync_copy(c_hbm, c_v)
    pltpu.sync_copy(src_hbm.at[wid], src_v)
    pltpu.sync_copy(dst_hbm.at[wid], dst_v)

    def zero(i, _):
        acc_v[pl.ds(i * L, L)] = jnp.zeros((L,), jnp.float32)
        return 0

    lax.fori_loop(0, NP // L, zero, 0)

    def step(i, _):
        s16 = src_v[pl.ds(i * L, L)]
        d16 = dst_v[pl.ds(i * L, L)]
        vals = plsc.load_gather(c_v, [s16])
        plsc.addupdate_scatter(acc_v, [d16], vals)
        return 0

    lax.fori_loop(0, EPT // L, step, 0)
    pltpu.sync_copy(acc_v, out_hbm.at[wid])


@functools.lru_cache(maxsize=None)
def _hist_kernel():
    return pl.kernel(
        _hist_body,
        out_type=jax.ShapeDtypeStruct((NT, NP), jnp.float32),
        mesh=plsc.VectorSubcoreMesh(
            core_axis_name="c", subcore_axis_name="s",
            num_cores=NC, num_subcores=NS),
        compiler_params=pltpu.CompilerParams(needs_layout_passes=False),
        scratch_types=[
            pltpu.VMEM((NP,), jnp.float32),
            pltpu.VMEM((EPT,), jnp.int32),
            pltpu.VMEM((EPT,), jnp.int32),
            pltpu.VMEM((NP,), jnp.float32),
        ],
    )


def _hist_call(c, src2, dst2):
    return _hist_kernel()(c, src2, dst2)


def _edge_body(y_hbm, src_hbm, dst_hbm, out_hbm,
               src_v, dst_v, rows0, rows1, acc_sh, sem0, sem1):
    cid = lax.axis_index("c")
    sid = lax.axis_index("s")
    tid = cid * NS + sid
    pltpu.sync_copy(src_hbm.at[tid], src_v)
    pltpu.sync_copy(dst_hbm.at[tid], dst_v)

    def sidx(j):
        return src_v.at[pl.ds(j * CH, CH)]

    def zrow(i, _):
        rows0[i // (128 // L), pl.ds((i % (128 // L)) * L, L)] = (
            jnp.zeros((L,), jnp.float32))
        return 0

    lax.fori_loop(0, CH * (128 // L), zrow, 0)
    for j in range(RPT // CH):
        pltpu.sync_copy(rows0, acc_sh.at[pl.ds(sid * RPT + j * CH, CH)])
    plsc.subcore_barrier()

    pltpu.async_copy(y_hbm.at[sidx(0)], rows0, sem0)

    def pair(p, _):
        j = 2 * p
        pltpu.make_async_copy(y_hbm.at[sidx(j)], rows0, sem0).wait()
        pltpu.async_copy(y_hbm.at[sidx(j + 1)], rows1, sem1)
        pltpu.sync_copy(rows0, acc_sh.at[dst_v.at[j]], add=True)
        jn = jnp.minimum(j + 2, CPT - 1)
        pltpu.async_copy(y_hbm.at[sidx(jn)], rows0, sem0)
        pltpu.make_async_copy(y_hbm.at[sidx(j + 1)], rows1, sem1).wait()
        pltpu.sync_copy(rows1, acc_sh.at[dst_v.at[j + 1]], add=True)
        return 0

    lax.fori_loop(0, CPT // 2, pair, 0)
    pltpu.make_async_copy(y_hbm.at[sidx(0)], rows0, sem0).wait()
    plsc.subcore_barrier()
    for j in range(RPT // CH):
        r0 = sid * RPT + j * CH
        pltpu.sync_copy(acc_sh.at[pl.ds(r0, CH)], rows0)
        pltpu.sync_copy(rows0, out_hbm.at[cid, pl.ds(r0, CH)])


@functools.lru_cache(maxsize=None)
def _edge_kernel():
    return pl.kernel(
        _edge_body,
        out_type=jax.ShapeDtypeStruct((NC, NP, 128), jnp.float32),
        mesh=plsc.VectorSubcoreMesh(
            core_axis_name="c", subcore_axis_name="s",
            num_cores=NC, num_subcores=NS),
        compiler_params=pltpu.CompilerParams(needs_layout_passes=False),
        scratch_types=[
            pltpu.VMEM((EPT,), jnp.int32),
            pltpu.VMEM((CPT, CH), jnp.int32),
            pltpu.VMEM((CH, 128), jnp.float32),
            pltpu.VMEM((CH, 128), jnp.float32),
            pltpu.VMEM_SHARED((NP, 128), jnp.float32),
            pltpu.SemaphoreType.DMA,
            pltpu.SemaphoreType.DMA,
        ],
    )


def _edge_call(y, src2, dst3):
    return _edge_kernel()(y, src2, dst3)


def kernel(x, edge_index, batch, lin_W, lin_b, gcl1_W, gcl1_b, pool1_p,
           hgcl0_W, hgcl0_b, pool2_p, att_W, att_b):
    f32 = jnp.float32
    xp = jnp.zeros((NP, FP), f32).at[:N, :F].set(x)
    w1 = jnp.zeros((FP, 256), f32).at[:F].set(lin_W)
    batch_p = jnp.full((NP,), G - 1, jnp.int32).at[:N].set(batch)
    batch_c = batch_p.reshape(1, NP)
    batch_r = batch_p.reshape(NP, 1)
    valid = (jnp.arange(NP) < N).astype(f32).reshape(NP, 1)
    src = jnp.full((EP,), N, jnp.int32).at[:E].set(edge_index[0])
    dst = jnp.full((EP,), N, jnp.int32).at[:E].set(edge_index[1])
    src2 = src.reshape(NT, EPT)
    dst2 = dst.reshape(NT, EPT)
    dst3 = dst.reshape(NT, CPT, CH)
    p1 = pool1_p.reshape(128, 1)
    n1 = jnp.maximum(jnp.linalg.norm(pool1_p), 1e-12).reshape(1, 1)
    p2 = pool2_p.reshape(128, 1)
    n2 = jnp.maximum(jnp.linalg.norm(pool2_p), 1e-12).reshape(1, 1)
    aw = att_W.reshape(128, 1)
    ab = att_b.reshape(1, 1)
    zero_out = jnp.zeros((G, 128), f32)
    rb_bm, rk_bn = 256, 512
    gids = jnp.arange(G, dtype=batch_p.dtype)
    starts_g = jnp.searchsorted(batch_p, gids, side="left").astype(jnp.int32)
    ends_g = jnp.searchsorted(batch_p, gids, side="right").astype(jnp.int32)
    rb_idx = jnp.arange(NP // rb_bm) * rb_bm
    cb_lo = (starts_g[batch_p[rb_idx]] // rk_bn).astype(jnp.int32)
    cb_hi = jnp.maximum(
        ((ends_g[batch_p[rb_idx + rb_bm - 1]] - 1) // rk_bn).astype(jnp.int32),
        cb_lo)

    xw1 = _mm2(xp, w1, lin_b.reshape(1, 256), gcl1_W)
    hist1 = _hist_call(valid[:, 0], src2, dst2)
    a1_2d, sn1_2d = _scale_a(hist1.reshape(NT, NP // 128, 128),
                             valid.reshape(NP // 128, 128))
    a1 = a1_2d.reshape(NP, 1)
    sn1 = sn1_2d.reshape(NP, 1)
    y1 = _scale_y(a1, xw1)
    ep1 = _edge_call(y1, src2, dst3)
    h1, s1, t1, k1 = _conv(ep1, a1, sn1, xw1, gcl1_b.reshape(1, 128), valid,
                           p1, n1, batch_r)
    kept1 = _rank(s1, batch_r, valid, s1.reshape(1, NP), batch_c,
                  valid.reshape(1, NP), k1, cb_lo, cb_hi)
    out1, xw2 = _att(h1, t1, kept1, batch_r, aw, ab, hgcl0_W, zero_out,
                     with_xw=True)

    hist2 = _hist_call(kept1[:, 0], src2, dst2)
    a2_2d, sn2_2d = _scale_a(hist2.reshape(NT, NP // 128, 128),
                             kept1.reshape(NP // 128, 128))
    a2 = a2_2d.reshape(NP, 1)
    sn2 = sn2_2d.reshape(NP, 1)
    y2 = _scale_y(a2, xw2)
    ep2 = _edge_call(y2, src2, dst3)
    h2, s2, t2, k2 = _conv(ep2, a2, sn2, xw2, hgcl0_b.reshape(1, 128), kept1,
                           p2, n2, batch_r)
    kept2 = _rank(s2, batch_r, kept1, s2.reshape(1, NP), batch_c,
                  kept1.reshape(1, NP), k2, cb_lo, cb_hi)
    out, _ = _att(h2, t2, kept2, batch_r, aw, ab, hgcl0_W, out1, with_xw=False)
    return out

# --- scband reference (transcript-rebuilt; emitter-appended) ---
"""Pipeline reference for scband-graph-conv-encoder-67903432949846 (READ-ONLY COPY).

The authoritative reference and input builder live on the scoring server;
editing this copy changes nothing except your own understanding.
"""

import jax, jax.numpy as jnp
import numpy as np

NUM_GRAPHS = 16
RATIO = 0.5


def _gcn_conv(x, W, b, src, dst, edge_mask, node_mask):
    # GCNConv (Kipf & Welling) with self-loops and symmetric normalization,
    # expressed over a fixed-size edge list with float masks for pooled-away
    # nodes/edges (keeps shapes static, math identical to the compacted graph).
    N = x.shape[0]
    xw = x @ W
    deg = jax.ops.segment_sum(edge_mask, dst, num_segments=N) + node_mask  # +1 self loop for alive nodes
    dis = jnp.where(deg > 0, 1.0 / jnp.sqrt(jnp.maximum(deg, 1e-12)), 0.0)
    norm = dis[src] * dis[dst] * edge_mask
    agg = jax.ops.segment_sum(norm[:, None] * xw[src], dst, num_segments=N)
    self_norm = jnp.where(deg > 0, 1.0 / jnp.maximum(deg, 1e-12), 0.0) * node_mask
    out = agg + self_norm[:, None] * xw + b[None, :]
    return out * node_mask[:, None]


def _topk_pool(x, p, batch, node_mask, edge_mask, src, dst):
    # PyG TopKPooling: score = x.p/||p||, keep top ceil(ratio*n_i) per graph,
    # gate kept nodes by tanh(score). Implemented with masks instead of
    # physical compaction so shapes stay static.
    N = x.shape[0]
    score = (x @ p) / jnp.maximum(jnp.linalg.norm(p), 1e-12)
    masked = jnp.where(node_mask > 0, score, -1e30)
    order = jnp.lexsort((-masked, batch))  # group by graph, descending score
    b_sorted = batch[order]
    counts = jnp.bincount(batch, length=NUM_GRAPHS)
    starts = jnp.concatenate([jnp.zeros((1,), counts.dtype), jnp.cumsum(counts)[:-1]])
    rank = jnp.arange(N) - starts[b_sorted]  # rank within graph (alive first)
    alive = jax.ops.segment_sum(node_mask, batch, num_segments=NUM_GRAPHS)
    k = jnp.ceil(RATIO * alive)
    kept_sorted = rank < k[b_sorted]
    kept = jnp.zeros((N,), bool).at[order].set(kept_sorted)
    kept_f = kept.astype(jnp.float32) * node_mask
    x_new = x * jnp.tanh(score)[:, None] * kept_f[:, None]
    edge_mask_new = edge_mask * kept_f[src] * kept_f[dst]
    return x_new, kept_f, edge_mask_new


def _att_pool(x, att_W, att_b, batch, node_mask):
    # AttentionalAggregation with gate_nn = Linear(hidden, 1): per-graph
    # masked softmax over gate logits, then weighted segment sum.
    gate = (x @ att_W + att_b)[:, 0]
    gate = jnp.where(node_mask > 0, gate, -1e30)
    gmax = jax.ops.segment_max(gate, batch, num_segments=NUM_GRAPHS)
    gmax = jnp.where(jnp.isfinite(gmax), gmax, 0.0)
    e = jnp.exp(gate - gmax[batch]) * node_mask
    denom = jax.ops.segment_sum(e, batch, num_segments=NUM_GRAPHS)
    alpha = e / jnp.maximum(denom[batch], 1e-16)
    return jax.ops.segment_sum(alpha[:, None] * x, batch, num_segments=NUM_GRAPHS)


def _forward(x, edge_index, batch, lin_W, lin_b, gcl1_W, gcl1_b, pool1_p,
             hgcl0_W, hgcl0_b, pool2_p, att_W, att_b):
    src = edge_index[0]
    dst = edge_index[1]
    N = x.shape[0]
    E = src.shape[0]
    node_mask = jnp.ones((N,), jnp.float32)
    edge_mask = jnp.ones((E,), jnp.float32)
    h = jax.nn.relu(x @ lin_W + lin_b)                      # __hidden_layers: Linear(129,256)+ReLU
    h = jax.nn.relu(_gcn_conv(h, gcl1_W, gcl1_b, src, dst, edge_mask, node_mask))  # input_GCL
    h, node_mask, edge_mask = _topk_pool(h, pool1_p, batch, node_mask, edge_mask, src, dst)  # input_GPL
    out = _att_pool(h, att_W, att_b, batch, node_mask)
    # n_hidden_layers - 1 = 1 hidden block
    h = jax.nn.relu(_gcn_conv(h, hgcl0_W, hgcl0_b, src, dst, edge_mask, node_mask))  # hidden_GCL0
    h, node_mask, edge_mask = _topk_pool(h, pool2_p, batch, node_mask, edge_mask, src, dst)  # hidden_GPL0
    out = out + _att_pool(h, att_W, att_b, batch, node_mask)
    return out


def setup_inputs(seed: int = 0):
    key = jax.random.key(seed)
    ks = jax.random.split(key, 10)
    N, E = 10000, 320000
    x = jax.random.normal(ks[0], (N, 129), dtype=jnp.float32)
    edge_index = jax.random.randint(ks[1], (2, E), 0, N, dtype=jnp.int32)
    batch = jnp.sort(jax.random.randint(ks[2], (N,), 0, NUM_GRAPHS, dtype=jnp.int32))

    def glorot(k, shape):
        lim = float(np.sqrt(6.0 / (shape[0] + shape[1])))
        return jax.random.uniform(k, shape, jnp.float32, -lim, lim)

    return {
        'x': x,
        'edge_index': edge_index,
        'batch': batch,
        'lin_W': glorot(ks[3], (129, 256)),
        'lin_b': jnp.zeros((256,), jnp.float32),
        'gcl1_W': glorot(ks[4], (256, 128)),
        'gcl1_b': jnp.zeros((128,), jnp.float32),
        'pool1_p': jax.random.normal(ks[5], (128,), jnp.float32) * 0.1,
        'hgcl0_W': glorot(ks[6], (128, 128)),
        'hgcl0_b': jnp.zeros((128,), jnp.float32),
        'pool2_p': jax.random.normal(ks[7], (128,), jnp.float32) * 0.1,
        'att_W': glorot(ks[8], (128, 1)),
        'att_b': jnp.zeros((1,), jnp.float32),
    }


def reference(x, edge_index, batch, lin_W, lin_b, gcl1_W, gcl1_b, pool1_p,
              hgcl0_W, hgcl0_b, pool2_p, att_W, att_b):
    return _forward(x, edge_index, batch, lin_W, lin_b, gcl1_W, gcl1_b, pool1_p,
                    hgcl0_W, hgcl0_b, pool2_p, att_W, att_b)

if __name__ == "__main__":
    import jax
    _d = setup_inputs()
    print(jax.jit(kernel)(*tuple(_d.values())))

</pallas_src>

<mosaic_0001>
#map = affine_map<(d0, d1) -> (0)>
#map1 = affine_map<(d0, d1) -> (0, 0)>
module attributes {stable_mosaic.version = 14 : i64} {
  func.func @_hist_body(%arg0: i32, %arg1: i32, %arg2: memref<10240xf32, #tpu.memory_space<hbm>>, %arg3: memref<32x10112xi32, #tpu.memory_space<hbm>>, %arg4: memref<32x10112xi32, #tpu.memory_space<hbm>>, %arg5: memref<32x10240xf32, #tpu.memory_space<hbm>>, %arg6: memref<10240xf32, #tpu.memory_space<vmem>>, %arg7: memref<10112xi32, #tpu.memory_space<vmem>>, %arg8: memref<10112xi32, #tpu.memory_space<vmem>>, %arg9: memref<10240xf32, #tpu.memory_space<vmem>>) attributes {dimension_semantics = [#tpu.dimension_semantics<core_parallel>, #tpu.dimension_semantics<subcore_parallel>], iteration_bounds = array<i64: 2, 16>, scalar_prefetch = 0 : i64, scratch_operands = 4 : i64, tpu.core_type = #tpu.core_type<sc_vector_subcore>, window_params = [{transform_indices = #map}, {transform_indices = #map1}, {transform_indices = #map1}, {transform_indices = #map1}]} {
    %mul3A = arith.constant 2 : i32
    %mul3A_0 = arith.muli %arg1, %mul3A : i32
    %add3A = arith.addi %mul3A_0, %arg0 : i32
    "tpu.region"() ({
      %run_scoped3A = tpu.sem_alloc : memref<!tpu.dma_semaphore, #tpu.memory_space<semaphore_mem>>
      tpu.enqueue_dma source(%arg2 : memref<10240xf32, #tpu.memory_space<hbm>>) target(%arg6 : memref<10240xf32, #tpu.memory_space<vmem>>) target_semaphore(%run_scoped3A : memref<!tpu.dma_semaphore, #tpu.memory_space<semaphore_mem>>)
      tpu.wait_dma2 semaphore(%run_scoped3A : memref<!tpu.dma_semaphore, #tpu.memory_space<semaphore_mem>>) src(%arg2 : memref<10240xf32, #tpu.memory_space<hbm>>) dst(%arg6 : memref<10240xf32, #tpu.memory_space<vmem>>)
      tpu.yield
    }) : () -> ()
    "tpu.region"() ({
      %run_scoped3A = tpu.sem_alloc : memref<!tpu.dma_semaphore, #tpu.memory_space<semaphore_mem>>
      %dma_start3A = arith.constant 0 : i32
      %dma_start3A_14 = tpu.memref_slice %arg3[%add3A, %dma_start3A] : memref<32x10112xi32, #tpu.memory_space<hbm>> -> memref<1x10112xi32, #tpu.memory_space<hbm>>
      %dma_start3A_15 = tpu.memref_squeeze %dma_start3A_14 : memref<1x10112xi32, #tpu.memory_space<hbm>> -> memref<10112xi32, #tpu.memory_space<hbm>>
      %dma_start3A_16 = arith.constant 0 : i32
      %dma_start3A_17 = tpu.memref_slice %arg3[%add3A, %dma_start3A_16] : memref<32x10112xi32, #tpu.memory_space<hbm>> -> memref<1x10112xi32, #tpu.memory_space<hbm>>
      %dma_start3A_18 = tpu.memref_squeeze %dma_start3A_17 : memref<1x10112xi32, #tpu.memory_space<hbm>> -> memref<10112xi32, #tpu.memory_space<hbm>>
      tpu.enqueue_dma source(%dma_start3A_18 : memref<10112xi32, #tpu.memory_space<hbm>>) target(%arg7 : memref<10112xi32, #tpu.memory_space<vmem>>) target_semaphore(%run_scoped3A : memref<!tpu.dma_semaphore, #tpu.memory_space<semaphore_mem>>)
      %dma_wait3A = arith.constant 0 : i32
      %dma_wait3A_19 = tpu.memref_slice %arg3[%add3A, %dma_wait3A] : memref<32x10112xi32, #tpu.memory_space<hbm>> -> memref<1x10112xi32, #tpu.memory_space<hbm>>
      %dma_wait3A_20 = tpu.memref_squeeze %dma_wait3A_19 : memref<1x10112xi32, #tpu.memory_space<hbm>> -> memref<10112xi32, #tpu.memory_space<hbm>>
      %dma_wait3A_21 = arith.constant 0 : i32
      %dma_wait3A_22 = tpu.memref_slice %arg3[%add3A, %dma_wait3A_21] : memref<32x10112xi32, #tpu.memory_space<hbm>> -> memref<1x10112xi32, #tpu.memory_space<hbm>>
      %dma_wait3A_23 = tpu.memref_squeeze %dma_wait3A_22 : memref<1x10112xi32, #tpu.memory_space<hbm>> -> memref<10112xi32, #tpu.memory_space<hbm>>
      tpu.wait_dma2 semaphore(%run_scoped3A : memref<!tpu.dma_semaphore, #tpu.memory_space<semaphore_mem>>) src(%dma_wait3A_23 : memref<10112xi32, #tpu.memory_space<hbm>>) dst(%arg7 : memref<10112xi32, #tpu.memory_space<vmem>>)
      tpu.yield
    }) : () -> ()
    "tpu.region"() ({
      %run_scoped3A = tpu.sem_alloc : memref<!tpu.dma_semaphore, #tpu.memory_space<semaphore_mem>>
      %dma_start3A = arith.constant 0 : i32
      %dma_start3A_14 = tpu.memref_slice %arg4[%add3A, %dma_start3A] : memref<32x10112xi32, #tpu.memory_space<hbm>> -> memref<1x10112xi32, #tpu.memory_space<hbm>>
      %dma_start3A_15 = tpu.memref_squeeze %dma_start3A_14 : memref<1x10112xi32, #tpu.memory_space<hbm>> -> memref<10112xi32, #tpu.memory_space<hbm>>
      %dma_start3A_16 = arith.constant 0 : i32
      %dma_start3A_17 = tpu.memref_slice %arg4[%add3A, %dma_start3A_16] : memref<32x10112xi32, #tpu.memory_space<hbm>> -> memref<1x10112xi32, #tpu.memory_space<hbm>>
      %dma_start3A_18 = tpu.memref_squeeze %dma_start3A_17 : memref<1x10112xi32, #tpu.memory_space<hbm>> -> memref<10112xi32, #tpu.memory_space<hbm>>
      tpu.enqueue_dma source(%dma_start3A_18 : memref<10112xi32, #tpu.memory_space<hbm>>) target(%arg8 : memref<10112xi32, #tpu.memory_space<vmem>>) target_semaphore(%run_scoped3A : memref<!tpu.dma_semaphore, #tpu.memory_space<semaphore_mem>>)
      %dma_wait3A = arith.constant 0 : i32
      %dma_wait3A_19 = tpu.memref_slice %arg4[%add3A, %dma_wait3A] : memref<32x10112xi32, #tpu.memory_space<hbm>> -> memref<1x10112xi32, #tpu.memory_space<hbm>>
      %dma_wait3A_20 = tpu.memref_squeeze %dma_wait3A_19 : memref<1x10112xi32, #tpu.memory_space<hbm>> -> memref<10112xi32, #tpu.memory_space<hbm>>
      %dma_wait3A_21 = arith.constant 0 : i32
      %dma_wait3A_22 = tpu.memref_slice %arg4[%add3A, %dma_wait3A_21] : memref<32x10112xi32, #tpu.memory_space<hbm>> -> memref<1x10112xi32, #tpu.memory_space<hbm>>
      %dma_wait3A_23 = tpu.memref_squeeze %dma_wait3A_22 : memref<1x10112xi32, #tpu.memory_space<hbm>> -> memref<10112xi32, #tpu.memory_space<hbm>>
      tpu.wait_dma2 semaphore(%run_scoped3A : memref<!tpu.dma_semaphore, #tpu.memory_space<semaphore_mem>>) src(%dma_wait3A_23 : memref<10112xi32, #tpu.memory_space<hbm>>) dst(%arg8 : memref<10112xi32, #tpu.memory_space<vmem>>)
      tpu.yield
    }) : () -> ()
    %scan3A = arith.constant 0 : i32
    %scan3A_1 = arith.constant 0 : i32
    %scan3A_2 = arith.constant 640 : i32
    %scan3A_3 = arith.addi %scan3A_1, %scan3A_2 : i32
    %scan3A_4 = arith.constant 1 : i32
    %scan3A_5 = scf.for %scan3A_14 = %scan3A_1 to %scan3A_3 step %scan3A_4 iter_args(%scan3A_15 = %scan3A) -> (i32)  : i32 {
      %broadcast_in_dim3A = arith.constant 0.000000e+00 : f32
      %broadcast_in_dim3A_16 = vector.broadcast %broadcast_in_dim3A : f32 to vector<16xf32>
      %mul3A_17 = arith.constant 16 : i32
      %mul3A_18 = arith.muli %scan3A_14, %mul3A_17 : i32
      %swap3A = arith.index_cast %mul3A_18 : i32 to index
      %swap3A_19 = tpu.vector_load %arg9[%swap3A] {strides = array<i32>} : memref<10240xf32, #tpu.memory_space<vmem>>, vector<16xf32>,
      tpu.vector_store %arg9[%swap3A], %broadcast_in_dim3A_16 {strides = array<i32>} : memref<10240xf32, #tpu.memory_space<vmem>>, vector<16xf32>,
      %scan3A_20 = arith.constant 0 : i32
      scf.yield %scan3A_20 : i32
    }
    %scan3A_6 = arith.constant 640 : i32
    %scan3A_7 = arith.constant 0 : i32
    %scan3A_8 = arith.constant 0 : i32
    %scan3A_9 = arith.constant 632 : i32
    %scan3A_10 = arith.addi %scan3A_8, %scan3A_9 : i32
    %scan3A_11 = arith.constant 1 : i32
    %scan3A_12 = scf.for %scan3A_14 = %scan3A_8 to %scan3A_10 step %scan3A_11 iter_args(%scan3A_15 = %scan3A_7) -> (i32)  : i32 {
      %mul3A_16 = arith.constant 16 : i32
      %mul3A_17 = arith.muli %scan3A_14, %mul3A_16 : i32
      %get3A = arith.index_cast %mul3A_17 : i32 to index
      %get3A_18 = tpu.vector_load %arg7[%get3A] {strides = array<i32>} : memref<10112xi32, #tpu.memory_space<vmem>>, vector<16xi32>,
      %mul3A_19 = arith.constant 16 : i32
      %mul3A_20 = arith.muli %scan3A_14, %mul3A_19 : i32
      %get3A_21 = arith.index_cast %mul3A_20 : i32 to index
      %get3A_22 = tpu.vector_load %arg8[%get3A_21] {strides = array<i32>} : memref<10112xi32, #tpu.memory_space<vmem>>, vector<16xi32>,
      %gather3A = tpu.vector_load_idx %arg6[%get3A_18] : memref<10240xf32, #tpu.memory_space<vmem>>[vector<16xi32>], vector<16xf32>,
      tpu.vector_store_idx %arg9[%get3A_22], %gather3A {add = true} : memref<10240xf32, #tpu.memory_space<vmem>>[vector<16xi32>], vector<16xf32>,
      %scan3A_23 = arith.constant 0 : i32
      scf.yield %scan3A_23 : i32
    }
    %scan3A_13 = arith.constant 632 : i32
    "tpu.region"() ({
      %run_scoped3A = tpu.sem_alloc : memref<!tpu.dma_semaphore, #tpu.memory_space<semaphore_mem>>
      %dma_start3A = arith.constant 0 : i32
      %dma_start3A_14 = tpu.memref_slice %arg5[%add3A, %dma_start3A] : memref<32x10240xf32, #tpu.memory_space<hbm>> -> memref<1x10240xf32, #tpu.memory_space<hbm>>
      %dma_start3A_15 = tpu.memref_squeeze %dma_start3A_14 : memref<1x10240xf32, #tpu.memory_space<hbm>> -> memref<10240xf32, #tpu.memory_space<hbm>>
      %dma_start3A_16 = arith.constant 0 : i32
      %dma_start3A_17 = tpu.memref_slice %arg5[%add3A, %dma_start3A_16] : memref<32x10240xf32, #tpu.memory_space<hbm>> -> memref<1x10240xf32, #tpu.memory_space<hbm>>
      %dma_start3A_18 = tpu.memref_squeeze %dma_start3A_17 : memref<1x10240xf32, #tpu.memory_space<hbm>> -> memref<10240xf32, #tpu.memory_space<hbm>>
      tpu.enqueue_dma source(%arg9 : memref<10240xf32, #tpu.memory_space<vmem>>) target(%dma_start3A_18 : memref<10240xf32, #tpu.memory_space<hbm>>) target_semaphore(%run_scoped3A : memref<!tpu.dma_semaphore, #tpu.memory_space<semaphore_mem>>)
      %dma_wait3A = arith.constant 0 : i32
      %dma_wait3A_19 = tpu.memref_slice %arg5[%add3A, %dma_wait3A] : memref<32x10240xf32, #tpu.memory_space<hbm>> -> memref<1x10240xf32, #tpu.memory_space<hbm>>
      %dma_wait3A_20 = tpu.memref_squeeze %dma_wait3A_19 : memref<1x10240xf32, #tpu.memory_space<hbm>> -> memref<10240xf32, #tpu.memory_space<hbm>>
      %dma_wait3A_21 = arith.constant 0 : i32
      %dma_wait3A_22 = tpu.memref_slice %arg5[%add3A, %dma_wait3A_21] : memref<32x10240xf32, #tpu.memory_space<hbm>> -> memref<1x10240xf32, #tpu.memory_space<hbm>>
      %dma_wait3A_23 = tpu.memref_squeeze %dma_wait3A_22 : memref<1x10240xf32, #tpu.memory_space<hbm>> -> memref<10240xf32, #tpu.memory_space<hbm>>
      tpu.wait_dma2 semaphore(%run_scoped3A : memref<!tpu.dma_semaphore, #tpu.memory_space<semaphore_mem>>) src(%arg9 : memref<10240xf32, #tpu.memory_space<vmem>>) dst(%dma_wait3A_23 : memref<10240xf32, #tpu.memory_space<hbm>>)
      tpu.yield
    }) : () -> ()
    return
  }
}

#map = affine_map<(d0, d1) -> (0, 0)>
#map1 = affine_map<(d0, d1) -> (0, 0, 0)>
module attributes {stable_mosaic.version = 14 : i64} {
  func.func @_edge_body(%arg0: i32, %arg1: i32, %arg2: memref<10240x128xf32, #tpu.memory_space<hbm>>, %arg3: memref<32x10112xi32, #tpu.memory_space<hbm>>, %arg4: memref<32x158x64xi32, #tpu.memory_space<hbm>>, %arg5: memref<2x10240x128xf32, #tpu.memory_space<hbm>>, %arg6: memref<10112xi32, #tpu.memory_space<vmem>>, %arg7: memref<158x64xi32, #tpu.memory_space<vmem>>, %arg8: memref<64x128xf32, #tpu.memory_space<vmem>>, %arg9: memref<64x128xf32, #tpu.memory_space<vmem>>, %arg10: memref<10240x128xf32, #tpu.memory_space<vmem_shared>>, %arg11: memref<!tpu.dma_semaphore, #tpu.memory_space<semaphore_mem>>, %arg12: memref<!tpu.dma_semaphore, #tpu.memory_space<semaphore_mem>>) attributes {dimension_semantics = [#tpu.dimension_semantics<core_parallel>, #tpu.dimension_semantics<subcore_parallel>], iteration_bounds = array<i64: 2, 16>, scalar_prefetch = 0 : i64, scratch_operands = 7 : i64, tpu.core_type = #tpu.core_type<sc_vector_subcore>, window_params = [{transform_indices = #map}, {transform_indices = #map}, {transform_indices = #map1}, {transform_indices = #map1}]} {
    %mul3A = arith.constant 16 : i32
    %mul3A_0 = arith.muli %arg0, %mul3A : i32
    %add3A = arith.addi %mul3A_0, %arg1 : i32
    "tpu.region"() ({
      %run_scoped3A = tpu.sem_alloc : memref<!tpu.dma_semaphore, #tpu.memory_space<semaphore_mem>>
      %dma_start3A_103 = arith.constant 0 : i32
      %dma_start3A_104 = tpu.memref_slice %arg3[%add3A, %dma_start3A_103] : memref<32x10112xi32, #tpu.memory_space<hbm>> -> memref<1x10112xi32, #tpu.memory_space<hbm>>
      %dma_start3A_105 = tpu.memref_squeeze %dma_start3A_104 : memref<1x10112xi32, #tpu.memory_space<hbm>> -> memref<10112xi32, #tpu.memory_space<hbm>>
      %dma_start3A_106 = arith.constant 0 : i32
      %dma_start3A_107 = tpu.memref_slice %arg3[%add3A, %dma_start3A_106] : memref<32x10112xi32, #tpu.memory_space<hbm>> -> memref<1x10112xi32, #tpu.memory_space<hbm>>
      %dma_start3A_108 = tpu.memref_squeeze %dma_start3A_107 : memref<1x10112xi32, #tpu.memory_space<hbm>> -> memref<10112xi32, #tpu.memory_space<hbm>>
      tpu.enqueue_dma source(%dma_start3A_108 : memref<10112xi32, #tpu.memory_space<hbm>>) target(%arg6 : memref<10112xi32, #tpu.memory_space<vmem>>) target_semaphore(%run_scoped3A : memref<!tpu.dma_semaphore, #tpu.memory_space<semaphore_mem>>)
      %dma_wait3A_109 = arith.constant 0 : i32
      %dma_wait3A_110 = tpu.memref_slice %arg3[%add3A, %dma_wait3A_109] : memref<32x10112xi32, #tpu.memory_space<hbm>> -> memref<1x10112xi32, #tpu.memory_space<hbm>>
      %dma_wait3A_111 = tpu.memref_squeeze %dma_wait3A_110 : memref<1x10112xi32, #tpu.memory_space<hbm>> -> memref<10112xi32, #tpu.memory_space<hbm>>
      %dma_wait3A_112 = arith.constant 0 : i32
      %dma_wait3A_113 = tpu.memref_slice %arg3[%add3A, %dma_wait3A_112] : memref<32x10112xi32, #tpu.memory_space<hbm>> -> memref<1x10112xi32, #tpu.memory_space<hbm>>
      %dma_wait3A_114 = tpu.memref_squeeze %dma_wait3A_113 : memref<1x10112xi32, #tpu.memory_space<hbm>> -> memref<10112xi32, #tpu.memory_space<hbm>>
      tpu.wait_dma2 semaphore(%run_scoped3A : memref<!tpu.dma_semaphore, #tpu.memory_space<semaphore_mem>>) src(%dma_wait3A_114 : memref<10112xi32, #tpu.memory_space<hbm>>) dst(%arg6 : memref<10112xi32, #tpu.memory_space<vmem>>)
      tpu.yield
    }) : () -> ()
    "tpu.region"() ({
      %run_scoped3A = tpu.sem_alloc : memref<!tpu.dma_semaphore, #tpu.memory_space<semaphore_mem>>
      %dma_start3A_103 = arith.constant 0 : i32
      %dma_start3A_104 = arith.constant 0 : i32
      %dma_start3A_105 = tpu.memref_slice %arg4[%add3A, %dma_start3A_103, %dma_start3A_104] : memref<32x158x64xi32, #tpu.memory_space<hbm>> -> memref<1x158x64xi32, #tpu.memory_space<hbm>>
      %dma_start3A_106 = tpu.memref_squeeze %dma_start3A_105 : memref<1x158x64xi32, #tpu.memory_space<hbm>> -> memref<158x64xi32, #tpu.memory_space<hbm>>
      %dma_start3A_107 = arith.constant 0 : i32
      %dma_start3A_108 = arith.constant 0 : i32
      %dma_start3A_109 = tpu.memref_slice %arg4[%add3A, %dma_start3A_107, %dma_start3A_108] : memref<32x158x64xi32, #tpu.memory_space<hbm>> -> memref<1x158x64xi32, #tpu.memory_space<hbm>>
      %dma_start3A_110 = tpu.memref_squeeze %dma_start3A_109 : memref<1x158x64xi32, #tpu.memory_space<hbm>> -> memref<158x64xi32, #tpu.memory_space<hbm>>
      tpu.enqueue_dma source(%dma_start3A_110 : memref<158x64xi32, #tpu.memory_space<hbm>>) target(%arg7 : memref<158x64xi32, #tpu.memory_space<vmem>>) target_semaphore(%run_scoped3A : memref<!tpu.dma_semaphore, #tpu.memory_space<semaphore_mem>>)
      %dma_wait3A_111 = arith.constant 0 : i32
      %dma_wait3A_112 = arith.constant 0 : i32
      %dma_wait3A_113 = tpu.memref_slice %arg4[%add3A, %dma_wait3A_111, %dma_wait3A_112] : memref<32x158x64xi32, #tpu.memory_space<hbm>> -> memref<1x158x64xi32, #tpu.memory_space<hbm>>
      %dma_wait3A_114 = tpu.memref_squeeze %dma_wait3A_113 : memref<1x158x64xi32, #tpu.memory_space<hbm>> -> memref<158x64xi32, #tpu.memory_space<hbm>>
      %dma_wait3A_115 = arith.constant 0 : i32
      %dma_wait3A_116 = arith.constant 0 : i32
      %dma_wait3A_117 = tpu.memref_slice %arg4[%add3A, %dma_wait3A_115, %dma_wait3A_116] : memref<32x158x64xi32, #tpu.memory_space<hbm>> -> memref<1x158x64xi32, #tpu.memory_space<hbm>>
      %dma_wait3A_118 = tpu.memref_squeeze %dma_wait3A_117 : memref<1x158x64xi32, #tpu.memory_space<hbm>> -> memref<158x64xi32, #tpu.memory_space<hbm>>
      tpu.wait_dma2 semaphore(%run_scoped3A : memref<!tpu.dma_semaphore, #tpu.memory_space<semaphore_mem>>) src(%dma_wait3A_118 : memref<158x64xi32, #tpu.memory_space<hbm>>) dst(%arg7 : memref<158x64xi32, #tpu.memory_space<vmem>>)
      tpu.yield
    }) : () -> ()
    %scan3A = arith.constant 0 : i32
    %scan3A_1 = arith.constant 0 : i32
    %scan3A_2 = arith.constant 512 : i32
    %scan3A_3 = arith.addi %scan3A_1, %scan3A_2 : i32
    %scan3A_4 = arith.constant 1 : i32
    %scan3A_5 = scf.for %scan3A_103 = %scan3A_1 to %scan3A_3 step %scan3A_4 iter_args(%scan3A_104 = %scan3A) -> (i32)  : i32 {
      %broadcast_in_dim3A = arith.constant 0.000000e+00 : f32
      %broadcast_in_dim3A_105 = vector.broadcast %broadcast_in_dim3A : f32 to vector<16xf32>
      %jit3A = arith.constant 8 : i32
      %div3A = arith.divsi %scan3A_103, %jit3A : i32
      %sign3A = arith.constant 0 : i32
      %sign3A_106 = arith.cmpi sgt, %scan3A_103, %sign3A : i32
      %sign3A_107 = arith.extui %sign3A_106 : i1 to i32
      %sign3A_108 = arith.constant 0 : i32
      %sign3A_109 = arith.cmpi slt, %scan3A_103, %sign3A_108 : i32
      %sign3A_110 = arith.extui %sign3A_109 : i1 to i32
      %sign3A_111 = arith.subi %sign3A_107, %sign3A_110 : i32
      %sign3A_112 = arith.constant 0 : i32
      %sign3A_113 = arith.cmpi sgt, %jit3A, %sign3A_112 : i32
      %sign3A_114 = arith.extui %sign3A_113 : i1 to i32
      %sign3A_115 = arith.constant 0 : i32
      %sign3A_116 = arith.cmpi slt, %jit3A, %sign3A_115 : i32
      %sign3A_117 = arith.extui %sign3A_116 : i1 to i32
      %sign3A_118 = arith.subi %sign3A_114, %sign3A_117 : i32
      %ne3A = arith.cmpi ne, %sign3A_111, %sign3A_118 : i32
      %rem3A = arith.remsi %scan3A_103, %jit3A : i32
      %ne3A_119 = arith.constant 0 : i32
      %ne3A_120 = arith.cmpi ne, %rem3A, %ne3A_119 : i32
      %and3A = arith.andi %ne3A, %ne3A_120 : i1
      %sub3A = arith.constant 1 : i32
      %sub3A_121 = arith.subi %div3A, %sub3A : i32
      %select_n3A = arith.select %and3A, %sub3A_121, %div3A : i32
      %jit3A_122 = arith.constant 8 : i32
      %eq3A = arith.constant 0 : i32
      %eq3A_123 = arith.cmpi eq, %jit3A_122, %eq3A : i32
      %jit3A_124 = arith.constant 1 : i32
      %select_n3A_125 = arith.select %eq3A_123, %jit3A_124, %jit3A_122 : i32
      %rem3A_126 = arith.remsi %scan3A_103, %select_n3A_125 : i32
      %ne3A_127 = arith.constant 0 : i32
      %ne3A_128 = arith.cmpi ne, %rem3A_126, %ne3A_127 : i32
      %lt3A = arith.constant 0 : i32
      %lt3A_129 = arith.cmpi slt, %rem3A_126, %lt3A : i32
      %lt3A_130 = arith.constant 0 : i32
      %lt3A_131 = arith.cmpi slt, %select_n3A_125, %lt3A_130 : i32
      %ne3A_132 = arith.xori %lt3A_129, %lt3A_131 : i1
      %and3A_133 = arith.andi %ne3A_132, %ne3A_128 : i1
      %add3A_134 = arith.addi %rem3A_126, %select_n3A_125 : i32
      %select_n3A_135 = arith.select %and3A_133, %add3A_134, %rem3A_126 : i32
      %mul3A_136 = arith.constant 16 : i32
      %mul3A_137 = arith.muli %select_n3A_135, %mul3A_136 : i32
      %swap3A = arith.index_cast %select_n3A : i32 to index
      %swap3A_138 = arith.index_cast %mul3A_137 : i32 to index
      %swap3A_139 = tpu.vector_load %arg8[%swap3A, %swap3A_138] {strides = array<i32>} : memref<64x128xf32, #tpu.memory_space<vmem>>, vector<16xf32>,
      tpu.vector_store %arg8[%swap3A, %swap3A_138], %broadcast_in_dim3A_105 {strides = array<i32>} : memref<64x128xf32, #tpu.memory_space<vmem>>, vector<16xf32>,
      %scan3A_140 = arith.constant 0 : i32
      scf.yield %scan3A_140 : i32
    }
    %scan3A_6 = arith.constant 512 : i32
    %mul3A_7 = arith.constant 640 : i32
    %mul3A_8 = arith.muli %arg1, %mul3A_7 : i32
    %add3A_9 = arith.constant 0 : i32
    %add3A_10 = arith.addi %mul3A_8, %add3A_9 : i32
    "tpu.region"() ({
      %run_scoped3A = tpu.sem_alloc : memref<!tpu.dma_semaphore, #tpu.memory_space<semaphore_mem>>
      %dma_start3A_103 = arith.constant 0 : i32
      %dma_start3A_104 = tpu.memref_slice %arg10[%add3A_10, %dma_start3A_103] : memref<10240x128xf32, #tpu.memory_space<vmem_shared>> -> memref<64x128xf32, #tpu.memory_space<vmem_shared>>
      %dma_start3A_105 = arith.constant 0 : i32
      %dma_start3A_106 = tpu.memref_slice %arg10[%add3A_10, %dma_start3A_105] : memref<10240x128xf32, #tpu.memory_space<vmem_shared>> -> memref<64x128xf32, #tpu.memory_space<vmem_shared>>
      tpu.enqueue_dma source(%arg8 : memref<64x128xf32, #tpu.memory_space<vmem>>) target(%dma_start3A_106 : memref<64x128xf32, #tpu.memory_space<vmem_shared>>) target_semaphore(%run_scoped3A : memref<!tpu.dma_semaphore, #tpu.memory_space<semaphore_mem>>)
      %dma_wait3A_107 = arith.constant 0 : i32
      %dma_wait3A_108 = tpu.memref_slice %arg10[%add3A_10, %dma_wait3A_107] : memref<10240x128xf32, #tpu.memory_space<vmem_shared>> -> memref<64x128xf32, #tpu.memory_space<vmem_shared>>
      %dma_wait3A_109 = arith.constant 0 : i32
      %dma_wait3A_110 = tpu.memref_slice %arg10[%add3A_10, %dma_wait3A_109] : memref<10240x128xf32, #tpu.memory_space<vmem_shared>> -> memref<64x128xf32, #tpu.memory_space<vmem_shared>>
      tpu.wait_dma2 semaphore(%run_scoped3A : memref<!tpu.dma_semaphore, #tpu.memory_space<semaphore_mem>>) src(%arg8 : memref<64x128xf32, #tpu.memory_space<vmem>>) dst(%dma_wait3A_110 : memref<64x128xf32, #tpu.memory_space<vmem_shared>>)
      tpu.yield
    }) : () -> ()
    %mul3A_11 = arith.constant 640 : i32
    %mul3A_12 = arith.muli %arg1, %mul3A_11 : i32
    %add3A_13 = arith.constant 64 : i32
    %add3A_14 = arith.addi %mul3A_12, %add3A_13 : i32
    "tpu.region"() ({
      %run_scoped3A = tpu.sem_alloc : memref<!tpu.dma_semaphore, #tpu.memory_space<semaphore_mem>>
      %dma_start3A_103 = arith.constant 0 : i32
      %dma_start3A_104 = tpu.memref_slice %arg10[%add3A_14, %dma_start3A_103] : memref<10240x128xf32, #tpu.memory_space<vmem_shared>> -> memref<64x128xf32, #tpu.memory_space<vmem_shared>>
      %dma_start3A_105 = arith.constant 0 : i32
      %dma_start3A_106 = tpu.memref_slice %arg10[%add3A_14, %dma_start3A_105] : memref<10240x128xf32, #tpu.memory_space<vmem_shared>> -> memref<64x128xf32, #tpu.memory_space<vmem_shared>>
      tpu.enqueue_dma source(%arg8 : memref<64x128xf32, #tpu.memory_space<vmem>>) target(%dma_start3A_106 : memref<64x128xf32, #tpu.memory_space<vmem_shared>>) target_semaphore(%run_scoped3A : memref<!tpu.dma_semaphore, #tpu.memory_space<semaphore_mem>>)
      %dma_wait3A_107 = arith.constant 0 : i32
      %dma_wait3A_108 = tpu.memref_slice %arg10[%add3A_14, %dma_wait3A_107] : memref<10240x128xf32, #tpu.memory_space<vmem_shared>> -> memref<64x128xf32, #tpu.memory_space<vmem_shared>>
      %dma_wait3A_109 = arith.constant 0 : i32
      %dma_wait3A_110 = tpu.memref_slice %arg10[%add3A_14, %dma_wait3A_109] : memref<10240x128xf32, #tpu.memory_space<vmem_shared>> -> memref<64x128xf32, #tpu.memory_space<vmem_shared>>
      tpu.wait_dma2 semaphore(%run_scoped3A : memref<!tpu.dma_semaphore, #tpu.memory_space<semaphore_mem>>) src(%arg8 : memref<64x128xf32, #tpu.memory_space<vmem>>) dst(%dma_wait3A_110 : memref<64x128xf32, #tpu.memory_space<vmem_shared>>)
      tpu.yield
    }) : () -> ()
    %mul3A_15 = arith.constant 640 : i32
    %mul3A_16 = arith.muli %arg1, %mul3A_15 : i32
    %add3A_17 = arith.constant 128 : i32
    %add3A_18 = arith.addi %mul3A_16, %add3A_17 : i32
    "tpu.region"() ({
      %run_scoped3A = tpu.sem_alloc : memref<!tpu.dma_semaphore, #tpu.memory_space<semaphore_mem>>
      %dma_start3A_103 = arith.constant 0 : i32
      %dma_start3A_104 = tpu.memref_slice %arg10[%add3A_18, %dma_start3A_103] : memref<10240x128xf32, #tpu.memory_space<vmem_shared>> -> memref<64x128xf32, #tpu.memory_space<vmem_shared>>
      %dma_start3A_105 = arith.constant 0 : i32
      %dma_start3A_106 = tpu.memref_slice %arg10[%add3A_18, %dma_start3A_105] : memref<10240x128xf32, #tpu.memory_space<vmem_shared>> -> memref<64x128xf32, #tpu.memory_space<vmem_shared>>
      tpu.enqueue_dma source(%arg8 : memref<64x128xf32, #tpu.memory_space<vmem>>) target(%dma_start3A_106 : memref<64x128xf32, #tpu.memory_space<vmem_shared>>) target_semaphore(%run_scoped3A : memref<!tpu.dma_semaphore, #tpu.memory_space<semaphore_mem>>)
      %dma_wait3A_107 = arith.constant 0 : i32
      %dma_wait3A_108 = tpu.memref_slice %arg10[%add3A_18, %dma_wait3A_107] : memref<10240x128xf32, #tpu.memory_space<vmem_shared>> -> memref<64x128xf32, #tpu.memory_space<vmem_shared>>
      %dma_wait3A_109 = arith.constant 0 : i32
      %dma_wait3A_110 = tpu.memref_slice %arg10[%add3A_18, %dma_wait3A_109] : memref<10240x128xf32, #tpu.memory_space<vmem_shared>> -> memref<64x128xf32, #tpu.memory_space<vmem_shared>>
      tpu.wait_dma2 semaphore(%run_scoped3A : memref<!tpu.dma_semaphore, #tpu.memory_space<semaphore_mem>>) src(%arg8 : memref<64x128xf32, #tpu.memory_space<vmem>>) dst(%dma_wait3A_110 : memref<64x128xf32, #tpu.memory_space<vmem_shared>>)
      tpu.yield
    }) : () -> ()
    %mul3A_19 = arith.constant 640 : i32
    %mul3A_20 = arith.muli %arg1, %mul3A_19 : i32
    %add3A_21 = arith.constant 192 : i32
    %add3A_22 = arith.addi %mul3A_20, %add3A_21 : i32
    "tpu.region"() ({
      %run_scoped3A = tpu.sem_alloc : memref<!tpu.dma_semaphore, #tpu.memory_space<semaphore_mem>>
      %dma_start3A_103 = arith.constant 0 : i32
      %dma_start3A_104 = tpu.memref_slice %arg10[%add3A_22, %dma_start3A_103] : memref<10240x128xf32, #tpu.memory_space<vmem_shared>> -> memref<64x128xf32, #tpu.memory_space<vmem_shared>>
      %dma_start3A_105 = arith.constant 0 : i32
      %dma_start3A_106 = tpu.memref_slice %arg10[%add3A_22, %dma_start3A_105] : memref<10240x128xf32, #tpu.memory_space<vmem_shared>> -> memref<64x128xf32, #tpu.memory_space<vmem_shared>>
      tpu.enqueue_dma source(%arg8 : memref<64x128xf32, #tpu.memory_space<vmem>>) target(%dma_start3A_106 : memref<64x128xf32, #tpu.memory_space<vmem_shared>>) target_semaphore(%run_scoped3A : memref<!tpu.dma_semaphore, #tpu.memory_space<semaphore_mem>>)
      %dma_wait3A_107 = arith.constant 0 : i32
      %dma_wait3A_108 = tpu.memref_slice %arg10[%add3A_22, %dma_wait3A_107] : memref<10240x128xf32, #tpu.memory_space<vmem_shared>> -> memref<64x128xf32, #tpu.memory_space<vmem_shared>>
      %dma_wait3A_109 = arith.constant 0 : i32
      %dma_wait3A_110 = tpu.memref_slice %arg10[%add3A_22, %dma_wait3A_109] : memref<10240x128xf32, #tpu.memory_space<vmem_shared>> -> memref<64x128xf32, #tpu.memory_space<vmem_shared>>
      tpu.wait_dma2 semaphore(%run_scoped3A : memref<!tpu.dma_semaphore, #tpu.memory_space<semaphore_mem>>) src(%arg8 : memref<64x128xf32, #tpu.memory_space<vmem>>) dst(%dma_wait3A_110 : memref<64x128xf32, #tpu.memory_space<vmem_shared>>)
      tpu.yield
    }) : () -> ()
    %mul3A_23 = arith.constant 640 : i32
    %mul3A_24 = arith.muli %arg1, %mul3A_23 : i32
    %add3A_25 = arith.constant 256 : i32
    %add3A_26 = arith.addi %mul3A_24, %add3A_25 : i32
    "tpu.region"() ({
      %run_scoped3A = tpu.sem_alloc : memref<!tpu.dma_semaphore, #tpu.memory_space<semaphore_mem>>
      %dma_start3A_103 = arith.constant 0 : i32
      %dma_start3A_104 = tpu.memref_slice %arg10[%add3A_26, %dma_start3A_103] : memref<10240x128xf32, #tpu.memory_space<vmem_shared>> -> memref<64x128xf32, #tpu.memory_space<vmem_shared>>
      %dma_start3A_105 = arith.constant 0 : i32
      %dma_start3A_106 = tpu.memref_slice %arg10[%add3A_26, %dma_start3A_105] : memref<10240x128xf32, #tpu.memory_space<vmem_shared>> -> memref<64x128xf32, #tpu.memory_space<vmem_shared>>
      tpu.enqueue_dma source(%arg8 : memref<64x128xf32, #tpu.memory_space<vmem>>) target(%dma_start3A_106 : memref<64x128xf32, #tpu.memory_space<vmem_shared>>) target_semaphore(%run_scoped3A : memref<!tpu.dma_semaphore, #tpu.memory_space<semaphore_mem>>)
      %dma_wait3A_107 = arith.constant 0 : i32
      %dma_wait3A_108 = tpu.memref_slice %arg10[%add3A_26, %dma_wait3A_107] : memref<10240x128xf32, #tpu.memory_space<vmem_shared>> -> memref<64x128xf32, #tpu.memory_space<vmem_shared>>
      %dma_wait3A_109 = arith.constant 0 : i32
      %dma_wait3A_110 = tpu.memref_slice %arg10[%add3A_26, %dma_wait3A_109] : memref<10240x128xf32, #tpu.memory_space<vmem_shared>> -> memref<64x128xf32, #tpu.memory_space<vmem_shared>>
      tpu.wait_dma2 semaphore(%run_scoped3A : memref<!tpu.dma_semaphore, #tpu.memory_space<semaphore_mem>>) src(%arg8 : memref<64x128xf32, #tpu.memory_space<vmem>>) dst(%dma_wait3A_110 : memref<64x128xf32, #tpu.memory_space<vmem_shared>>)
      tpu.yield
    }) : () -> ()
    %mul3A_27 = arith.constant 640 : i32
    %mul3A_28 = arith.muli %arg1, %mul3A_27 : i32
    %add3A_29 = arith.constant 320 : i32
    %add3A_30 = arith.addi %mul3A_28, %add3A_29 : i32
    "tpu.region"() ({
      %run_scoped3A = tpu.sem_alloc : memref<!tpu.dma_semaphore, #tpu.memory_space<semaphore_mem>>
      %dma_start3A_103 = arith.constant 0 : i32
      %dma_start3A_104 = tpu.memref_slice %arg10[%add3A_30, %dma_start3A_103] : memref<10240x128xf32, #tpu.memory_space<vmem_shared>> -> memref<64x128xf32, #tpu.memory_space<vmem_shared>>
      %dma_start3A_105 = arith.constant 0 : i32
      %dma_start3A_106 = tpu.memref_slice %arg10[%add3A_30, %dma_start3A_105] : memref<10240x128xf32, #tpu.memory_space<vmem_shared>> -> memref<64x128xf32, #tpu.memory_space<vmem_shared>>
      tpu.enqueue_dma source(%arg8 : memref<64x128xf32, #tpu.memory_space<vmem>>) target(%dma_start3A_106 : memref<64x128xf32, #tpu.memory_space<vmem_shared>>) target_semaphore(%run_scoped3A : memref<!tpu.dma_semaphore, #tpu.memory_space<semaphore_mem>>)
      %dma_wait3A_107 = arith.constant 0 : i32
      %dma_wait3A_108 = tpu.memref_slice %arg10[%add3A_30, %dma_wait3A_107] : memref<10240x128xf32, #tpu.memory_space<vmem_shared>> -> memref<64x128xf32, #tpu.memory_space<vmem_shared>>
      %dma_wait3A_109 = arith.constant 0 : i32
      %dma_wait3A_110 = tpu.memref_slice %arg10[%add3A_30, %dma_wait3A_109] : memref<10240x128xf32, #tpu.memory_space<vmem_shared>> -> memref<64x128xf32, #tpu.memory_space<vmem_shared>>
      tpu.wait_dma2 semaphore(%run_scoped3A : memref<!tpu.dma_semaphore, #tpu.memory_space<semaphore_mem>>) src(%arg8 : memref<64x128xf32, #tpu.memory_space<vmem>>) dst(%dma_wait3A_110 : memref<64x128xf32, #tpu.memory_space<vmem_shared>>)
      tpu.yield
    }) : () -> ()
    %mul3A_31 = arith.constant 640 : i32
    %mul3A_32 = arith.muli %arg1, %mul3A_31 : i32
    %add3A_33 = arith.constant 384 : i32
    %add3A_34 = arith.addi %mul3A_32, %add3A_33 : i32
    "tpu.region"() ({
      %run_scoped3A = tpu.sem_alloc : memref<!tpu.dma_semaphore, #tpu.memory_space<semaphore_mem>>
      %dma_start3A_103 = arith.constant 0 : i32
      %dma_start3A_104 = tpu.memref_slice %arg10[%add3A_34, %dma_start3A_103] : memref<10240x128xf32, #tpu.memory_space<vmem_shared>> -> memref<64x128xf32, #tpu.memory_space<vmem_shared>>
      %dma_start3A_105 = arith.constant 0 : i32
      %dma_start3A_106 = tpu.memref_slice %arg10[%add3A_34, %dma_start3A_105] : memref<10240x128xf32, #tpu.memory_space<vmem_shared>> -> memref<64x128xf32, #tpu.memory_space<vmem_shared>>
      tpu.enqueue_dma source(%arg8 : memref<64x128xf32, #tpu.memory_space<vmem>>) target(%dma_start3A_106 : memref<64x128xf32, #tpu.memory_space<vmem_shared>>) target_semaphore(%run_scoped3A : memref<!tpu.dma_semaphore, #tpu.memory_space<semaphore_mem>>)
      %dma_wait3A_107 = arith.constant 0 : i32
      %dma_wait3A_108 = tpu.memref_slice %arg10[%add3A_34, %dma_wait3A_107] : memref<10240x128xf32, #tpu.memory_space<vmem_shared>> -> memref<64x128xf32, #tpu.memory_space<vmem_shared>>
      %dma_wait3A_109 = arith.constant 0 : i32
      %dma_wait3A_110 = tpu.memref_slice %arg10[%add3A_34, %dma_wait3A_109] : memref<10240x128xf32, #tpu.memory_space<vmem_shared>> -> memref<64x128xf32, #tpu.memory_space<vmem_shared>>
      tpu.wait_dma2 semaphore(%run_scoped3A : memref<!tpu.dma_semaphore, #tpu.memory_space<semaphore_mem>>) src(%arg8 : memref<64x128xf32, #tpu.memory_space<vmem>>) dst(%dma_wait3A_110 : memref<64x128xf32, #tpu.memory_space<vmem_shared>>)
      tpu.yield
    }) : () -> ()
    %mul3A_35 = arith.constant 640 : i32
    %mul3A_36 = arith.muli %arg1, %mul3A_35 : i32
    %add3A_37 = arith.constant 448 : i32
    %add3A_38 = arith.addi %mul3A_36, %add3A_37 : i32
    "tpu.region"() ({
      %run_scoped3A = tpu.sem_alloc : memref<!tpu.dma_semaphore, #tpu.memory_space<semaphore_mem>>
      %dma_start3A_103 = arith.constant 0 : i32
      %dma_start3A_104 = tpu.memref_slice %arg10[%add3A_38, %dma_start3A_103] : memref<10240x128xf32, #tpu.memory_space<vmem_shared>> -> memref<64x128xf32, #tpu.memory_space<vmem_shared>>
      %dma_start3A_105 = arith.constant 0 : i32
      %dma_start3A_106 = tpu.memref_slice %arg10[%add3A_38, %dma_start3A_105] : memref<10240x128xf32, #tpu.memory_space<vmem_shared>> -> memref<64x128xf32, #tpu.memory_space<vmem_shared>>
      tpu.enqueue_dma source(%arg8 : memref<64x128xf32, #tpu.memory_space<vmem>>) target(%dma_start3A_106 : memref<64x128xf32, #tpu.memory_space<vmem_shared>>) target_semaphore(%run_scoped3A : memref<!tpu.dma_semaphore, #tpu.memory_space<semaphore_mem>>)
      %dma_wait3A_107 = arith.constant 0 : i32
      %dma_wait3A_108 = tpu.memref_slice %arg10[%add3A_38, %dma_wait3A_107] : memref<10240x128xf32, #tpu.memory_space<vmem_shared>> -> memref<64x128xf32, #tpu.memory_space<vmem_shared>>
      %dma_wait3A_109 = arith.constant 0 : i32
      %dma_wait3A_110 = tpu.memref_slice %arg10[%add3A_38, %dma_wait3A_109] : memref<10240x128xf32, #tpu.memory_space<vmem_shared>> -> memref<64x128xf32, #tpu.memory_space<vmem_shared>>
      tpu.wait_dma2 semaphore(%run_scoped3A : memref<!tpu.dma_semaphore, #tpu.memory_space<semaphore_mem>>) src(%arg8 : memref<64x128xf32, #tpu.memory_space<vmem>>) dst(%dma_wait3A_110 : memref<64x128xf32, #tpu.memory_space<vmem_shared>>)
      tpu.yield
    }) : () -> ()
    %mul3A_39 = arith.constant 640 : i32
    %mul3A_40 = arith.muli %arg1, %mul3A_39 : i32
    %add3A_41 = arith.constant 512 : i32
    %add3A_42 = arith.addi %mul3A_40, %add3A_41 : i32
    "tpu.region"() ({
      %run_scoped3A = tpu.sem_alloc : memref<!tpu.dma_semaphore, #tpu.memory_space<semaphore_mem>>
      %dma_start3A_103 = arith.constant 0 : i32
      %dma_start3A_104 = tpu.memref_slice %arg10[%add3A_42, %dma_start3A_103] : memref<10240x128xf32, #tpu.memory_space<vmem_shared>> -> memref<64x128xf32, #tpu.memory_space<vmem_shared>>
      %dma_start3A_105 = arith.constant 0 : i32
      %dma_start3A_106 = tpu.memref_slice %arg10[%add3A_42, %dma_start3A_105] : memref<10240x128xf32, #tpu.memory_space<vmem_shared>> -> memref<64x128xf32, #tpu.memory_space<vmem_shared>>
      tpu.enqueue_dma source(%arg8 : memref<64x128xf32, #tpu.memory_space<vmem>>) target(%dma_start3A_106 : memref<64x128xf32, #tpu.memory_space<vmem_shared>>) target_semaphore(%run_scoped3A : memref<!tpu.dma_semaphore, #tpu.memory_space<semaphore_mem>>)
      %dma_wait3A_107 = arith.constant 0 : i32
      %dma_wait3A_108 = tpu.memref_slice %arg10[%add3A_42, %dma_wait3A_107] : memref<10240x128xf32, #tpu.memory_space<vmem_shared>> -> memref<64x128xf32, #tpu.memory_space<vmem_shared>>
      %dma_wait3A_109 = arith.constant 0 : i32
      %dma_wait3A_110 = tpu.memref_slice %arg10[%add3A_42, %dma_wait3A_109] : memref<10240x128xf32, #tpu.memory_space<vmem_shared>> -> memref<64x128xf32, #tpu.memory_space<vmem_shared>>
      tpu.wait_dma2 semaphore(%run_scoped3A : memref<!tpu.dma_semaphore, #tpu.memory_space<semaphore_mem>>) src(%arg8 : memref<64x128xf32, #tpu.memory_space<vmem>>) dst(%dma_wait3A_110 : memref<64x128xf32, #tpu.memory_space<vmem_shared>>)
      tpu.yield
    }) : () -> ()
    %mul3A_43 = arith.constant 640 : i32
    %mul3A_44 = arith.muli %arg1, %mul3A_43 : i32
    %add3A_45 = arith.constant 576 : i32
    %add3A_46 = arith.addi %mul3A_44, %add3A_45 : i32
    "tpu.region"() ({
      %run_scoped3A = tpu.sem_alloc : memref<!tpu.dma_semaphore, #tpu.memory_space<semaphore_mem>>
      %dma_start3A_103 = arith.constant 0 : i32
      %dma_start3A_104 = tpu.memref_slice %arg10[%add3A_46, %dma_start3A_103] : memref<10240x128xf32, #tpu.memory_space<vmem_shared>> -> memref<64x128xf32, #tpu.memory_space<vmem_shared>>
      %dma_start3A_105 = arith.constant 0 : i32
      %dma_start3A_106 = tpu.memref_slice %arg10[%add3A_46, %dma_start3A_105] : memref<10240x128xf32, #tpu.memory_space<vmem_shared>> -> memref<64x128xf32, #tpu.memory_space<vmem_shared>>
      tpu.enqueue_dma source(%arg8 : memref<64x128xf32, #tpu.memory_space<vmem>>) target(%dma_start3A_106 : memref<64x128xf32, #tpu.memory_space<vmem_shared>>) target_semaphore(%run_scoped3A : memref<!tpu.dma_semaphore, #tpu.memory_space<semaphore_mem>>)
      %dma_wait3A_107 = arith.constant 0 : i32
      %dma_wait3A_108 = tpu.memref_slice %arg10[%add3A_46, %dma_wait3A_107] : memref<10240x128xf32, #tpu.memory_space<vmem_shared>> -> memref<64x128xf32, #tpu.memory_space<vmem_shared>>
      %dma_wait3A_109 = arith.constant 0 : i32
      %dma_wait3A_110 = tpu.memref_slice %arg10[%add3A_46, %dma_wait3A_109] : memref<10240x128xf32, #tpu.memory_space<vmem_shared>> -> memref<64x128xf32, #tpu.memory_space<vmem_shared>>
      tpu.wait_dma2 semaphore(%run_scoped3A : memref<!tpu.dma_semaphore, #tpu.memory_space<semaphore_mem>>) src(%arg8 : memref<64x128xf32, #tpu.memory_space<vmem>>) dst(%dma_wait3A_110 : memref<64x128xf32, #tpu.memory_space<vmem_shared>>)
      tpu.yield
    }) : () -> ()
    %barrier3A = arith.constant 0 : index
    tpu.barrier barrier_id(%barrier3A)
    %dma_start3A = arith.constant 0 : i32
    %dma_start3A_47 = tpu.memref_slice %arg6[%dma_start3A] : memref<10112xi32, #tpu.memory_space<vmem>> -> memref<64xi32, #tpu.memory_space<vmem>>
    %dma_start3A_48 = arith.constant 0 : i32
    %dma_start3A_49 = arith.constant 0 : i32
    %dma_start3A_50 = tpu.memref_slice %arg2[%dma_start3A_48, %dma_start3A_49] : memref<10240x128xf32, #tpu.memory_space<hbm>> -> memref<10240x128xf32, #tpu.memory_space<hbm>>
    tpu.enqueue_indirect_dma source(%dma_start3A_50 : memref<10240x128xf32, #tpu.memory_space<hbm>>) target(%arg8 : memref<64x128xf32, #tpu.memory_space<vmem>>) offsets(%dma_start3A_47 : memref<64xi32, #tpu.memory_space<vmem>>) semaphore(%arg11 : memref<!tpu.dma_semaphore, #tpu.memory_space<semaphore_mem>>)
    %scan3A_51 = arith.constant 0 : i32
    %scan3A_52 = arith.constant 0 : i32
    %scan3A_53 = arith.constant 79 : i32
    %scan3A_54 = arith.addi %scan3A_52, %scan3A_53 : i32
    %scan3A_55 = arith.constant 1 : i32
    %scan3A_56 = scf.for %scan3A_103 = %scan3A_52 to %scan3A_54 step %scan3A_55 iter_args(%scan3A_104 = %scan3A_51) -> (i32)  : i32 {
      %mul3A_105 = arith.constant 2 : i32
      %mul3A_106 = arith.muli %mul3A_105, %scan3A_103 : i32
      %mul3A_107 = arith.constant 64 : i32
      %mul3A_108 = arith.muli %mul3A_106, %mul3A_107 : i32
      %dma_wait3A_109 = tpu.memref_slice %arg6[%mul3A_108] : memref<10112xi32, #tpu.memory_space<vmem>> -> memref<64xi32, #tpu.memory_space<vmem>>
      %dma_wait3A_110 = arith.constant 0 : i32
      %dma_wait3A_111 = arith.constant 0 : i32
      %dma_wait3A_112 = tpu.memref_slice %arg2[%dma_wait3A_110, %dma_wait3A_111] : memref<10240x128xf32, #tpu.memory_space<hbm>> -> memref<10240x128xf32, #tpu.memory_space<hbm>>
      tpu.wait_indirect_dma semaphore(%arg11 : memref<!tpu.dma_semaphore, #tpu.memory_space<semaphore_mem>>) src(%dma_wait3A_112 : memref<10240x128xf32, #tpu.memory_space<hbm>>) dst(%arg8 : memref<64x128xf32, #tpu.memory_space<vmem>>)
      %add3A_113 = arith.constant 1 : i32
      %add3A_114 = arith.addi %mul3A_106, %add3A_113 : i32
      %mul3A_115 = arith.constant 64 : i32
      %mul3A_116 = arith.muli %add3A_114, %mul3A_115 : i32
      %dma_start3A_117 = tpu.memref_slice %arg6[%mul3A_116] : memref<10112xi32, #tpu.memory_space<vmem>> -> memref<64xi32, #tpu.memory_space<vmem>>
      %dma_start3A_118 = arith.constant 0 : i32
      %dma_start3A_119 = arith.constant 0 : i32
      %dma_start3A_120 = tpu.memref_slice %arg2[%dma_start3A_118, %dma_start3A_119] : memref<10240x128xf32, #tpu.memory_space<hbm>> -> memref<10240x128xf32, #tpu.memory_space<hbm>>
      tpu.enqueue_indirect_dma source(%dma_start3A_120 : memref<10240x128xf32, #tpu.memory_space<hbm>>) target(%arg9 : memref<64x128xf32, #tpu.memory_space<vmem>>) offsets(%dma_start3A_117 : memref<64xi32, #tpu.memory_space<vmem>>) semaphore(%arg12 : memref<!tpu.dma_semaphore, #tpu.memory_space<semaphore_mem>>)
      "tpu.region"() ({
        %run_scoped3A = tpu.sem_alloc : memref<!tpu.dma_semaphore, #tpu.memory_space<semaphore_mem>>
        %dma_start3A_141 = arith.constant 0 : i32
        %dma_start3A_142 = tpu.memref_slice %arg7[%mul3A_106, %dma_start3A_141] : memref<158x64xi32, #tpu.memory_space<vmem>> -> memref<1x64xi32, #tpu.memory_space<vmem>>
        %dma_start3A_143 = tpu.memref_squeeze %dma_start3A_142 : memref<1x64xi32, #tpu.memory_space<vmem>> -> memref<64xi32, #tpu.memory_space<vmem>>
        %dma_start3A_144 = arith.constant 0 : i32
        %dma_start3A_145 = arith.constant 0 : i32
        %dma_start3A_146 = tpu.memref_slice %arg10[%dma_start3A_144, %dma_start3A_145] : memref<10240x128xf32, #tpu.memory_space<vmem_shared>> -> memref<10240x128xf32, #tpu.memory_space<vmem_shared>>
        tpu.enqueue_indirect_dma source(%arg8 : memref<64x128xf32, #tpu.memory_space<vmem>>) target(%dma_start3A_146 : memref<10240x128xf32, #tpu.memory_space<vmem_shared>>) offsets(%dma_start3A_143 : memref<64xi32, #tpu.memory_space<vmem>>) semaphore(%run_scoped3A : memref<!tpu.dma_semaphore, #tpu.memory_space<semaphore_mem>>) {add = true}
        %dma_wait3A_147 = arith.constant 0 : i32
        %dma_wait3A_148 = tpu.memref_slice %arg7[%mul3A_106, %dma_wait3A_147] : memref<158x64xi32, #tpu.memory_space<vmem>> -> memref<1x64xi32, #tpu.memory_space<vmem>>
        %dma_wait3A_149 = tpu.memref_squeeze %dma_wait3A_148 : memref<1x64xi32, #tpu.memory_space<vmem>> -> memref<64xi32, #tpu.memory_space<vmem>>
        %dma_wait3A_150 = arith.constant 0 : i32
        %dma_wait3A_151 = arith.constant 0 : i32
        %dma_wait3A_152 = tpu.memref_slice %arg10[%dma_wait3A_150, %dma_wait3A_151] : memref<10240x128xf32, #tpu.memory_space<vmem_shared>> -> memref<10240x128xf32, #tpu.memory_space<vmem_shared>>
        tpu.wait_indirect_dma semaphore(%run_scoped3A : memref<!tpu.dma_semaphore, #tpu.memory_space<semaphore_mem>>) src(%arg8 : memref<64x128xf32, #tpu.memory_space<vmem>>) dst(%dma_wait3A_152 : memref<10240x128xf32, #tpu.memory_space<vmem_shared>>)
        tpu.yield
      }) : () -> ()
      %add3A_121 = arith.constant 2 : i32
      %add3A_122 = arith.addi %mul3A_106, %add3A_121 : i32
      %min3A = arith.constant 157 : i32
      %min3A_123 = arith.minsi %add3A_122, %min3A : i32
      %mul3A_124 = arith.constant 64 : i32
      %mul3A_125 = arith.muli %min3A_123, %mul3A_124 : i32
      %dma_start3A_126 = tpu.memref_slice %arg6[%mul3A_125] : memref<10112xi32, #tpu.memory_space<vmem>> -> memref<64xi32, #tpu.memory_space<vmem>>
      %dma_start3A_127 = arith.constant 0 : i32
      %dma_start3A_128 = arith.constant 0 : i32
      %dma_start3A_129 = tpu.memref_slice %arg2[%dma_start3A_127, %dma_start3A_128] : memref<10240x128xf32, #tpu.memory_space<hbm>> -> memref<10240x128xf32, #tpu.memory_space<hbm>>
      tpu.enqueue_indirect_dma source(%dma_start3A_129 : memref<10240x128xf32, #tpu.memory_space<hbm>>) target(%arg8 : memref<64x128xf32, #tpu.memory_space<vmem>>) offsets(%dma_start3A_126 : memref<64xi32, #tpu.memory_space<vmem>>) semaphore(%arg11 : memref<!tpu.dma_semaphore, #tpu.memory_space<semaphore_mem>>)
      %add3A_130 = arith.constant 1 : i32
      %add3A_131 = arith.addi %mul3A_106, %add3A_130 : i32
      %mul3A_132 = arith.constant 64 : i32
      %mul3A_133 = arith.muli %add3A_131, %mul3A_132 : i32
      %dma_wait3A_134 = tpu.memref_slice %arg6[%mul3A_133] : memref<10112xi32, #tpu.memory_space<vmem>> -> memref<64xi32, #tpu.memory_space<vmem>>
      %dma_wait3A_135 = arith.constant 0 : i32
      %dma_wait3A_136 = arith.constant 0 : i32
      %dma_wait3A_137 = tpu.memref_slice %arg2[%dma_wait3A_135, %dma_wait3A_136] : memref<10240x128xf32, #tpu.memory_space<hbm>> -> memref<10240x128xf32, #tpu.memory_space<hbm>>
      tpu.wait_indirect_dma semaphore(%arg12 : memref<!tpu.dma_semaphore, #tpu.memory_space<semaphore_mem>>) src(%dma_wait3A_137 : memref<10240x128xf32, #tpu.memory_space<hbm>>) dst(%arg9 : memref<64x128xf32, #tpu.memory_space<vmem>>)
      %add3A_138 = arith.constant 1 : i32
      %add3A_139 = arith.addi %mul3A_106, %add3A_138 : i32
      "tpu.region"() ({
        %run_scoped3A = tpu.sem_alloc : memref<!tpu.dma_semaphore, #tpu.memory_space<semaphore_mem>>
        %dma_start3A_141 = arith.constant 0 : i32
        %dma_start3A_142 = tpu.memref_slice %arg7[%add3A_139, %dma_start3A_141] : memref<158x64xi32, #tpu.memory_space<vmem>> -> memref<1x64xi32, #tpu.memory_space<vmem>>
        %dma_start3A_143 = tpu.memref_squeeze %dma_start3A_142 : memref<1x64xi32, #tpu.memory_space<vmem>> -> memref<64xi32, #tpu.memory_space<vmem>>
        %dma_start3A_144 = arith.constant 0 : i32
        %dma_start3A_145 = arith.constant 0 : i32
        %dma_start3A_146 = tpu.memref_slice %arg10[%dma_start3A_144, %dma_start3A_145] : memref<10240x128xf32, #tpu.memory_space<vmem_shared>> -> memref<10240x128xf32, #tpu.memory_space<vmem_shared>>
        tpu.enqueue_indirect_dma source(%arg9 : memref<64x128xf32, #tpu.memory_space<vmem>>) target(%dma_start3A_146 : memref<10240x128xf32, #tpu.memory_space<vmem_shared>>) offsets(%dma_start3A_143 : memref<64xi32, #tpu.memory_space<vmem>>) semaphore(%run_scoped3A : memref<!tpu.dma_semaphore, #tpu.memory_space<semaphore_mem>>) {add = true}
        %dma_wait3A_147 = arith.constant 0 : i32
        %dma_wait3A_148 = tpu.memref_slice %arg7[%add3A_139, %dma_wait3A_147] : memref<158x64xi32, #tpu.memory_space<vmem>> -> memref<1x64xi32, #tpu.memory_space<vmem>>
        %dma_wait3A_149 = tpu.memref_squeeze %dma_wait3A_148 : memref<1x64xi32, #tpu.memory_space<vmem>> -> memref<64xi32, #tpu.memory_space<vmem>>
        %dma_wait3A_150 = arith.constant 0 : i32
        %dma_wait3A_151 = arith.constant 0 : i32
        %dma_wait3A_152 = tpu.memref_slice %arg10[%dma_wait3A_150, %dma_wait3A_151] : memref<10240x128xf32, #tpu.memory_space<vmem_shared>> -> memref<10240x128xf32, #tpu.memory_space<vmem_shared>>
        tpu.wait_indirect_dma semaphore(%run_scoped3A : memref<!tpu.dma_semaphore, #tpu.memory_space<semaphore_mem>>) src(%arg9 : memref<64x128xf32, #tpu.memory_space<vmem>>) dst(%dma_wait3A_152 : memref<10240x128xf32, #tpu.memory_space<vmem_shared>>)
        tpu.yield
      }) : () -> ()
      %scan3A_140 = arith.constant 0 : i32
      scf.yield %scan3A_140 : i32
    }
    %scan3A_57 = arith.constant 79 : i32
    %dma_wait3A = arith.constant 0 : i32
    %dma_wait3A_58 = tpu.memref_slice %arg6[%dma_wait3A] : memref<10112xi32, #tpu.memory_space<vmem>> -> memref<64xi32, #tpu.memory_space<vmem>>
    %dma_wait3A_59 = arith.constant 0 : i32
    %dma_wait3A_60 = arith.constant 0 : i32
    %dma_wait3A_61 = tpu.memref_slice %arg2[%dma_wait3A_59, %dma_wait3A_60] : memref<10240x128xf32, #tpu.memory_space<hbm>> -> memref<10240x128xf32, #tpu.memory_space<hbm>>
    tpu.wait_indirect_dma semaphore(%arg11 : memref<!tpu.dma_semaphore, #tpu.memory_space<semaphore_mem>>) src(%dma_wait3A_61 : memref<10240x128xf32, #tpu.memory_space<hbm>>) dst(%arg8 : memref<64x128xf32, #tpu.memory_space<vmem>>)
    %barrier3A_62 = arith.constant 0 : index
    tpu.barrier barrier_id(%barrier3A_62)
    %mul3A_63 = arith.constant 640 : i32
    %mul3A_64 = arith.muli %arg1, %mul3A_63 : i32
    %add3A_65 = arith.constant 0 : i32
    %add3A_66 = arith.addi %mul3A_64, %add3A_65 : i32
    "tpu.region"() ({
      %run_scoped3A = tpu.sem_alloc : memref<!tpu.dma_semaphore, #tpu.memory_space<semaphore_mem>>
      %dma_start3A_103 = arith.constant 0 : i32
      %dma_start3A_104 = tpu.memref_slice %arg10[%add3A_66, %dma_start3A_103] : memref<10240x128xf32, #tpu.memory_space<vmem_shared>> -> memref<64x128xf32, #tpu.memory_space<vmem_shared>>
      %dma_start3A_105 = arith.constant 0 : i32
      %dma_start3A_106 = tpu.memref_slice %arg10[%add3A_66, %dma_start3A_105] : memref<10240x128xf32, #tpu.memory_space<vmem_shared>> -> memref<64x128xf32, #tpu.memory_space<vmem_shared>>
      tpu.enqueue_dma source(%dma_start3A_106 : memref<64x128xf32, #tpu.memory_space<vmem_shared>>) target(%arg8 : memref<64x128xf32, #tpu.memory_space<vmem>>) target_semaphore(%run_scoped3A : memref<!tpu.dma_semaphore, #tpu.memory_space<semaphore_mem>>)
      %dma_wait3A_107 = arith.constant 0 : i32
      %dma_wait3A_108 = tpu.memref_slice %arg10[%add3A_66, %dma_wait3A_107] : memref<10240x128xf32, #tpu.memory_space<vmem_shared>> -> memref<64x128xf32, #tpu.memory_space<vmem_shared>>
      %dma_wait3A_109 = arith.constant 0 : i32
      %dma_wait3A_110 = tpu.memref_slice %arg10[%add3A_66, %dma_wait3A_109] : memref<10240x128xf32, #tpu.memory_space<vmem_shared>> -> memref<64x128xf32, #tpu.memory_space<vmem_shared>>
      tpu.wait_dma2 semaphore(%run_scoped3A : memref<!tpu.dma_semaphore, #tpu.memory_space<semaphore_mem>>) src(%dma_wait3A_110 : memref<64x128xf32, #tpu.memory_space<vmem_shared>>) dst(%arg8 : memref<64x128xf32, #tpu.memory_space<vmem>>)
      tpu.yield
    }) : () -> ()
    "tpu.region"() ({
      %run_scoped3A = tpu.sem_alloc : memref<!tpu.dma_semaphore, #tpu.memory_space<semaphore_mem>>
      %dma_start3A_103 = arith.constant 0 : i32
      %dma_start3A_104 = tpu.memref_slice %arg5[%arg0, %add3A_66, %dma_start3A_103] : memref<2x10240x128xf32, #tpu.memory_space<hbm>> -> memref<1x64x128xf32, #tpu.memory_space<hbm>>
      %dma_start3A_105 = tpu.memref_squeeze %dma_start3A_104 : memref<1x64x128xf32, #tpu.memory_space<hbm>> -> memref<64x128xf32, #tpu.memory_space<hbm>>
      %dma_start3A_106 = arith.constant 0 : i32
      %dma_start3A_107 = tpu.memref_slice %arg5[%arg0, %add3A_66, %dma_start3A_106] : memref<2x10240x128xf32, #tpu.memory_space<hbm>> -> memref<1x64x128xf32, #tpu.memory_space<hbm>>
      %dma_start3A_108 = tpu.memref_squeeze %dma_start3A_107 : memref<1x64x128xf32, #tpu.memory_space<hbm>> -> memref<64x128xf32, #tpu.memory_space<hbm>>
      tpu.enqueue_dma source(%arg8 : memref<64x128xf32, #tpu.memory_space<vmem>>) target(%dma_start3A_108 : memref<64x128xf32, #tpu.memory_space<hbm>>) target_semaphore(%run_scoped3A : memref<!tpu.dma_semaphore, #tpu.memory_space<semaphore_mem>>)
      %dma_wait3A_109 = arith.constant 0 : i32
      %dma_wait3A_110 = tpu.memref_slice %arg5[%arg0, %add3A_66, %dma_wait3A_109] : memref<2x10240x128xf32, #tpu.memory_space<hbm>> -> memref<1x64x128xf32, #tpu.memory_space<hbm>>
      %dma_wait3A_111 = tpu.memref_squeeze %dma_wait3A_110 : memref<1x64x128xf32, #tpu.memory_space<hbm>> -> memref<64x128xf32, #tpu.memory_space<hbm>>
      %dma_wait3A_112 = arith.constant 0 : i32
      %dma_wait3A_113 = tpu.memref_slice %arg5[%arg0, %add3A_66, %dma_wait3A_112] : memref<2x10240x128xf32, #tpu.memory_space<hbm>> -> memref<1x64x128xf32, #tpu.memory_space<hbm>>
      %dma_wait3A_114 = tpu.memref_squeeze %dma_wait3A_113 : memref<1x64x128xf32, #tpu.memory_space<hbm>> -> memref<64x128xf32, #tpu.memory_space<hbm>>
      tpu.wait_dma2 semaphore(%run_scoped3A : memref<!tpu.dma_semaphore, #tpu.memory_space<semaphore_mem>>) src(%arg8 : memref<64x128xf32, #tpu.memory_space<vmem>>) dst(%dma_wait3A_114 : memref<64x128xf32, #tpu.memory_space<hbm>>)
      tpu.yield
    }) : () -> ()
    %mul3A_67 = arith.constant 640 : i32
    %mul3A_68 = arith.muli %arg1, %mul3A_67 : i32
    %add3A_69 = arith.constant 64 : i32
    %add3A_70 = arith.addi %mul3A_68, %add3A_69 : i32
    "tpu.region"() ({
      %run_scoped3A = tpu.sem_alloc : memref<!tpu.dma_semaphore, #tpu.memory_space<semaphore_mem>>
      %dma_start3A_103 = arith.constant 0 : i32
      %dma_start3A_104 = tpu.memref_slice %arg10[%add3A_70, %dma_start3A_103] : memref<10240x128xf32, #tpu.memory_space<vmem_shared>> -> memref<64x128xf32, #tpu.memory_space<vmem_shared>>
      %dma_start3A_105 = arith.constant 0 : i32
      %dma_start3A_106 = tpu.memref_slice %arg10[%add3A_70, %dma_start3A_105] : memref<10240x128xf32, #tpu.memory_space<vmem_shared>> -> memref<64x128xf32, #tpu.memory_space<vmem_shared>>
      tpu.enqueue_dma source(%dma_start3A_106 : memref<64x128xf32, #tpu.memory_space<vmem_shared>>) target(%arg8 : memref<64x128xf32, #tpu.memory_space<vmem>>) target_semaphore(%run_scoped3A : memref<!tpu.dma_semaphore, #tpu.memory_space<semaphore_mem>>)
      %dma_wait3A_107 = arith.constant 0 : i32
      %dma_wait3A_108 = tpu.memref_slice %arg10[%add3A_70, %dma_wait3A_107] : memref<10240x128xf32, #tpu.memory_space<vmem_shared>> -> memref<64x128xf32, #tpu.memory_space<vmem_shared>>
      %dma_wait3A_109 = arith.constant 0 : i32
      %dma_wait3A_110 = tpu.memref_slice %arg10[%add3A_70, %dma_wait3A_109] : memref<10240x128xf32, #tpu.memory_space<vmem_shared>> -> memref<64x128xf32, #tpu.memory_space<vmem_shared>>
      tpu.wait_dma2 semaphore(%run_scoped3A : memref<!tpu.dma_semaphore, #tpu.memory_space<semaphore_mem>>) src(%dma_wait3A_110 : memref<64x128xf32, #tpu.memory_space<vmem_shared>>) dst(%arg8 : memref<64x128xf32, #tpu.memory_space<vmem>>)
      tpu.yield
    }) : () -> ()
    "tpu.region"() ({
      %run_scoped3A = tpu.sem_alloc : memref<!tpu.dma_semaphore, #tpu.memory_space<semaphore_mem>>
      %dma_start3A_103 = arith.constant 0 : i32
      %dma_start3A_104 = tpu.memref_slice %arg5[%arg0, %add3A_70, %dma_start3A_103] : memref<2x10240x128xf32, #tpu.memory_space<hbm>> -> memref<1x64x128xf32, #tpu.memory_space<hbm>>
      %dma_start3A_105 = tpu.memref_squeeze %dma_start3A_104 : memref<1x64x128xf32, #tpu.memory_space<hbm>> -> memref<64x128xf32, #tpu.memory_space<hbm>>
      %dma_start3A_106 = arith.constant 0 : i32
      %dma_start3A_107 = tpu.memref_slice %arg5[%arg0, %add3A_70, %dma_start3A_106] : memref<2x10240x128xf32, #tpu.memory_space<hbm>> -> memref<1x64x128xf32, #tpu.memory_space<hbm>>
      %dma_start3A_108 = tpu.memref_squeeze %dma_start3A_107 : memref<1x64x128xf32, #tpu.memory_space<hbm>> -> memref<64x128xf32, #tpu.memory_space<hbm>>
      tpu.enqueue_dma source(%arg8 : memref<64x128xf32, #tpu.memory_space<vmem>>) target(%dma_start3A_108 : memref<64x128xf32, #tpu.memory_space<hbm>>) target_semaphore(%run_scoped3A : memref<!tpu.dma_semaphore, #tpu.memory_space<semaphore_mem>>)
      %dma_wait3A_109 = arith.constant 0 : i32
      %dma_wait3A_110 = tpu.memref_slice %arg5[%arg0, %add3A_70, %dma_wait3A_109] : memref<2x10240x128xf32, #tpu.memory_space<hbm>> -> memref<1x64x128xf32, #tpu.memory_space<hbm>>
      %dma_wait3A_111 = tpu.memref_squeeze %dma_wait3A_110 : memref<1x64x128xf32, #tpu.memory_space<hbm>> -> memref<64x128xf32, #tpu.memory_space<hbm>>
      %dma_wait3A_112 = arith.constant 0 : i32
      %dma_wait3A_113 = tpu.memref_slice %arg5[%arg0, %add3A_70, %dma_wait3A_112] : memref<2x10240x128xf32, #tpu.memory_space<hbm>> -> memref<1x64x128xf32, #tpu.memory_space<hbm>>
      %dma_wait3A_114 = tpu.memref_squeeze %dma_wait3A_113 : memref<1x64x128xf32, #tpu.memory_space<hbm>> -> memref<64x128xf32, #tpu.memory_space<hbm>>
      tpu.wait_dma2 semaphore(%run_scoped3A : memref<!tpu.dma_semaphore, #tpu.memory_space<semaphore_mem>>) src(%arg8 : memref<64x128xf32, #tpu.memory_space<vmem>>) dst(%dma_wait3A_114 : memref<64x128xf32, #tpu.memory_space<hbm>>)
      tpu.yield
    }) : () -> ()
    %mul3A_71 = arith.constant 640 : i32
    %mul3A_72 = arith.muli %arg1, %mul3A_71 : i32
    %add3A_73 = arith.constant 128 : i32
    %add3A_74 = arith.addi %mul3A_72, %add3A_73 : i32
    "tpu.region"() ({
      %run_scoped3A = tpu.sem_alloc : memref<!tpu.dma_semaphore, #tpu.memory_space<semaphore_mem>>
      %dma_start3A_103 = arith.constant 0 : i32
      %dma_start3A_104 = tpu.memref_slice %arg10[%add3A_74, %dma_start3A_103] : memref<10240x128xf32, #tpu.memory_space<vmem_shared>> -> memref<64x128xf32, #tpu.memory_space<vmem_shared>>
      %dma_start3A_105 = arith.constant 0 : i32
      %dma_start3A_106 = tpu.memref_slice %arg10[%add3A_74, %dma_start3A_105] : memref<10240x128xf32, #tpu.memory_space<vmem_shared>> -> memref<64x128xf32, #tpu.memory_space<vmem_shared>>
      tpu.enqueue_dma source(%dma_start3A_106 : memref<64x128xf32, #tpu.memory_space<vmem_shared>>) target(%arg8 : memref<64x128xf32, #tpu.memory_space<vmem>>) target_semaphore(%run_scoped3A : memref<!tpu.dma_semaphore, #tpu.memory_space<semaphore_mem>>)
      %dma_wait3A_107 = arith.constant 0 : i32
      %dma_wait3A_108 = tpu.memref_slice %arg10[%add3A_74, %dma_wait3A_107] : memref<10240x128xf32, #tpu.memory_space<vmem_shared>> -> memref<64x128xf32, #tpu.memory_space<vmem_shared>>
      %dma_wait3A_109 = arith.constant 0 : i32
      %dma_wait3A_110 = tpu.memref_slice %arg10[%add3A_74, %dma_wait3A_109] : memref<10240x128xf32, #tpu.memory_space<vmem_shared>> -> memref<64x128xf32, #tpu.memory_space<vmem_shared>>
      tpu.wait_dma2 semaphore(%run_scoped3A : memref<!tpu.dma_semaphore, #tpu.memory_space<semaphore_mem>>) src(%dma_wait3A_110 : memref<64x128xf32, #tpu.memory_space<vmem_shared>>) dst(%arg8 : memref<64x128xf32, #tpu.memory_space<vmem>>)
      tpu.yield
    }) : () -> ()
    "tpu.region"() ({
      %run_scoped3A = tpu.sem_alloc : memref<!tpu.dma_semaphore, #tpu.memory_space<semaphore_mem>>
      %dma_start3A_103 = arith.constant 0 : i32
      %dma_start3A_104 = tpu.memref_slice %arg5[%arg0, %add3A_74, %dma_start3A_103] : memref<2x10240x128xf32, #tpu.memory_space<hbm>> -> memref<1x64x128xf32, #tpu.memory_space<hbm>>
      %dma_start3A_105 = tpu.memref_squeeze %dma_start3A_104 : memref<1x64x128xf32, #tpu.memory_space<hbm>> -> memref<64x128xf32, #tpu.memory_space<hbm>>
      %dma_start3A_106 = arith.constant 0 : i32
      %dma_start3A_107 = tpu.memref_slice %arg5[%arg0, %add3A_74, %dma_start3A_106] : memref<2x10240x128xf32, #tpu.memory_space<hbm>> -> memref<1x64x128xf32, #tpu.memory_space<hbm>>
      %dma_start3A_108 = tpu.memref_squeeze %dma_start3A_107 : memref<1x64x128xf32, #tpu.memory_space<hbm>> -> memref<64x128xf32, #tpu.memory_space<hbm>>
      tpu.enqueue_dma source(%arg8 : memref<64x128xf32, #tpu.memory_space<vmem>>) target(%dma_start3A_108 : memref<64x128xf32, #tpu.memory_space<hbm>>) target_semaphore(%run_scoped3A : memref<!tpu.dma_semaphore, #tpu.memory_space<semaphore_mem>>)
      %dma_wait3A_109 = arith.constant 0 : i32
      %dma_wait3A_110 = tpu.memref_slice %arg5[%arg0, %add3A_74, %dma_wait3A_109] : memref<2x10240x128xf32, #tpu.memory_space<hbm>> -> memref<1x64x128xf32, #tpu.memory_space<hbm>>
      %dma_wait3A_111 = tpu.memref_squeeze %dma_wait3A_110 : memref<1x64x128xf32, #tpu.memory_space<hbm>> -> memref<64x128xf32, #tpu.memory_space<hbm>>
      %dma_wait3A_112 = arith.constant 0 : i32
      %dma_wait3A_113 = tpu.memref_slice %arg5[%arg0, %add3A_74, %dma_wait3A_112] : memref<2x10240x128xf32, #tpu.memory_space<hbm>> -> memref<1x64x128xf32, #tpu.memory_space<hbm>>
      %dma_wait3A_114 = tpu.memref_squeeze %dma_wait3A_113 : memref<1x64x128xf32, #tpu.memory_space<hbm>> -> memref<64x128xf32, #tpu.memory_space<hbm>>
      tpu.wait_dma2 semaphore(%run_scoped3A : memref<!tpu.dma_semaphore, #tpu.memory_space<semaphore_mem>>) src(%arg8 : memref<64x128xf32, #tpu.memory_space<vmem>>) dst(%dma_wait3A_114 : memref<64x128xf32, #tpu.memory_space<hbm>>)
      tpu.yield
    }) : () -> ()
    %mul3A_75 = arith.constant 640 : i32
    %mul3A_76 = arith.muli %arg1, %mul3A_75 : i32
    %add3A_77 = arith.constant 192 : i32
    %add3A_78 = arith.addi %mul3A_76, %add3A_77 : i32
    "tpu.region"() ({
      %run_scoped3A = tpu.sem_alloc : memref<!tpu.dma_semaphore, #tpu.memory_space<semaphore_mem>>
      %dma_start3A_103 = arith.constant 0 : i32
      %dma_start3A_104 = tpu.memref_slice %arg10[%add3A_78, %dma_start3A_103] : memref<10240x128xf32, #tpu.memory_space<vmem_shared>> -> memref<64x128xf32, #tpu.memory_space<vmem_shared>>
      %dma_start3A_105 = arith.constant 0 : i32
      %dma_start3A_106 = tpu.memref_slice %arg10[%add3A_78, %dma_start3A_105] : memref<10240x128xf32, #tpu.memory_space<vmem_shared>> -> memref<64x128xf32, #tpu.memory_space<vmem_shared>>
      tpu.enqueue_dma source(%dma_start3A_106 : memref<64x128xf32, #tpu.memory_space<vmem_shared>>) target(%arg8 : memref<64x128xf32, #tpu.memory_space<vmem>>) target_semaphore(%run_scoped3A : memref<!tpu.dma_semaphore, #tpu.memory_space<semaphore_mem>>)
      %dma_wait3A_107 = arith.constant 0 : i32
      %dma_wait3A_108 = tpu.memref_slice %arg10[%add3A_78, %dma_wait3A_107] : memref<10240x128xf32, #tpu.memory_space<vmem_shared>> -> memref<64x128xf32, #tpu.memory_space<vmem_shared>>
      %dma_wait3A_109 = arith.constant 0 : i32
      %dma_wait3A_110 = tpu.memref_slice %arg10[%add3A_78, %dma_wait3A_109] : memref<10240x128xf32, #tpu.memory_space<vmem_shared>> -> memref<64x128xf32, #tpu.memory_space<vmem_shared>>
      tpu.wait_dma2 semaphore(%run_scoped3A : memref<!tpu.dma_semaphore, #tpu.memory_space<semaphore_mem>>) src(%dma_wait3A_110 : memref<64x128xf32, #tpu.memory_space<vmem_shared>>) dst(%arg8 : memref<64x128xf32, #tpu.memory_space<vmem>>)
      tpu.yield
    }) : () -> ()
    "tpu.region"() ({
      %run_scoped3A = tpu.sem_alloc : memref<!tpu.dma_semaphore, #tpu.memory_space<semaphore_mem>>
      %dma_start3A_103 = arith.constant 0 : i32
      %dma_start3A_104 = tpu.memref_slice %arg5[%arg0, %add3A_78, %dma_start3A_103] : memref<2x10240x128xf32, #tpu.memory_space<hbm>> -> memref<1x64x128xf32, #tpu.memory_space<hbm>>
      %dma_start3A_105 = tpu.memref_squeeze %dma_start3A_104 : memref<1x64x128xf32, #tpu.memory_space<hbm>> -> memref<64x128xf32, #tpu.memory_space<hbm>>
      %dma_start3A_106 = arith.constant 0 : i32
      %dma_start3A_107 = tpu.memref_slice %arg5[%arg0, %add3A_78, %dma_start3A_106] : memref<2x10240x128xf32, #tpu.memory_space<hbm>> -> memref<1x64x128xf32, #tpu.memory_space<hbm>>
      %dma_start3A_108 = tpu.memref_squeeze %dma_start3A_107 : memref<1x64x128xf32, #tpu.memory_space<hbm>> -> memref<64x128xf32, #tpu.memory_space<hbm>>
      tpu.enqueue_dma source(%arg8 : memref<64x128xf32, #tpu.memory_space<vmem>>) target(%dma_start3A_108 : memref<64x128xf32, #tpu.memory_space<hbm>>) target_semaphore(%run_scoped3A : memref<!tpu.dma_semaphore, #tpu.memory_space<semaphore_mem>>)
      %dma_wait3A_109 = arith.constant 0 : i32
      %dma_wait3A_110 = tpu.memref_slice %arg5[%arg0, %add3A_78, %dma_wait3A_109] : memref<2x10240x128xf32, #tpu.memory_space<hbm>> -> memref<1x64x128xf32, #tpu.memory_space<hbm>>
      %dma_wait3A_111 = tpu.memref_squeeze %dma_wait3A_110 : memref<1x64x128xf32, #tpu.memory_space<hbm>> -> memref<64x128xf32, #tpu.memory_space<hbm>>
      %dma_wait3A_112 = arith.constant 0 : i32
      %dma_wait3A_113 = tpu.memref_slice %arg5[%arg0, %add3A_78, %dma_wait3A_112] : memref<2x10240x128xf32, #tpu.memory_space<hbm>> -> memref<1x64x128xf32, #tpu.memory_space<hbm>>
      %dma_wait3A_114 = tpu.memref_squeeze %dma_wait3A_113 : memref<1x64x128xf32, #tpu.memory_space<hbm>> -> memref<64x128xf32, #tpu.memory_space<hbm>>
      tpu.wait_dma2 semaphore(%run_scoped3A : memref<!tpu.dma_semaphore, #tpu.memory_space<semaphore_mem>>) src(%arg8 : memref<64x128xf32, #tpu.memory_space<vmem>>) dst(%dma_wait3A_114 : memref<64x128xf32, #tpu.memory_space<hbm>>)
      tpu.yield
    }) : () -> ()
    %mul3A_79 = arith.constant 640 : i32
    %mul3A_80 = arith.muli %arg1, %mul3A_79 : i32
    %add3A_81 = arith.constant 256 : i32
    %add3A_82 = arith.addi %mul3A_80, %add3A_81 : i32
    "tpu.region"() ({
      %run_scoped3A = tpu.sem_alloc : memref<!tpu.dma_semaphore, #tpu.memory_space<semaphore_mem>>
      %dma_start3A_103 = arith.constant 0 : i32
      %dma_start3A_104 = tpu.memref_slice %arg10[%add3A_82, %dma_start3A_103] : memref<10240x128xf32, #tpu.memory_space<vmem_shared>> -> memref<64x128xf32, #tpu.memory_space<vmem_shared>>
      %dma_start3A_105 = arith.constant 0 : i32
      %dma_start3A_106 = tpu.memref_slice %arg10[%add3A_82, %dma_start3A_105] : memref<10240x128xf32, #tpu.memory_space<vmem_shared>> -> memref<64x128xf32, #tpu.memory_space<vmem_shared>>
      tpu.enqueue_dma source(%dma_start3A_106 : memref<64x128xf32, #tpu.memory_space<vmem_shared>>) target(%arg8 : memref<64x128xf32, #tpu.memory_space<vmem>>) target_semaphore(%run_scoped3A : memref<!tpu.dma_semaphore, #tpu.memory_space<semaphore_mem>>)
      %dma_wait3A_107 = arith.constant 0 : i32
      %dma_wait3A_108 = tpu.memref_slice %arg10[%add3A_82, %dma_wait3A_107] : memref<10240x128xf32, #tpu.memory_space<vmem_shared>> -> memref<64x128xf32, #tpu.memory_space<vmem_shared>>
      %dma_wait3A_109 = arith.constant 0 : i32
      %dma_wait3A_110 = tpu.memref_slice %arg10[%add3A_82, %dma_wait3A_109] : memref<10240x128xf32, #tpu.memory_space<vmem_shared>> -> memref<64x128xf32, #tpu.memory_space<vmem_shared>>
      tpu.wait_dma2 semaphore(%run_scoped3A : memref<!tpu.dma_semaphore, #tpu.memory_space<semaphore_mem>>) src(%dma_wait3A_110 : memref<64x128xf32, #tpu.memory_space<vmem_shared>>) dst(%arg8 : memref<64x128xf32, #tpu.memory_space<vmem>>)
      tpu.yield
    }) : () -> ()
    "tpu.region"() ({
      %run_scoped3A = tpu.sem_alloc : memref<!tpu.dma_semaphore, #tpu.memory_space<semaphore_mem>>
      %dma_start3A_103 = arith.constant 0 : i32
      %dma_start3A_104 = tpu.memref_slice %arg5[%arg0, %add3A_82, %dma_start3A_103] : memref<2x10240x128xf32, #tpu.memory_space<hbm>> -> memref<1x64x128xf32, #tpu.memory_space<hbm>>
      %dma_start3A_105 = tpu.memref_squeeze %dma_start3A_104 : memref<1x64x128xf32, #tpu.memory_space<hbm>> -> memref<64x128xf32, #tpu.memory_space<hbm>>
      %dma_start3A_106 = arith.constant 0 : i32
      %dma_start3A_107 = tpu.memref_slice %arg5[%arg0, %add3A_82, %dma_start3A_106] : memref<2x10240x128xf32, #tpu.memory_space<hbm>> -> memref<1x64x128xf32, #tpu.memory_space<hbm>>
      %dma_start3A_108 = tpu.memref_squeeze %dma_start3A_107 : memref<1x64x128xf32, #tpu.memory_space<hbm>> -> memref<64x128xf32, #tpu.memory_space<hbm>>
      tpu.enqueue_dma source(%arg8 : memref<64x128xf32, #tpu.memory_space<vmem>>) target(%dma_start3A_108 : memref<64x128xf32, #tpu.memory_space<hbm>>) target_semaphore(%run_scoped3A : memref<!tpu.dma_semaphore, #tpu.memory_space<semaphore_mem>>)
      %dma_wait3A_109 = arith.constant 0 : i32
      %dma_wait3A_110 = tpu.memref_slice %arg5[%arg0, %add3A_82, %dma_wait3A_109] : memref<2x10240x128xf32, #tpu.memory_space<hbm>> -> memref<1x64x128xf32, #tpu.memory_space<hbm>>
      %dma_wait3A_111 = tpu.memref_squeeze %dma_wait3A_110 : memref<1x64x128xf32, #tpu.memory_space<hbm>> -> memref<64x128xf32, #tpu.memory_space<hbm>>
      %dma_wait3A_112 = arith.constant 0 : i32
      %dma_wait3A_113 = tpu.memref_slice %arg5[%arg0, %add3A_82, %dma_wait3A_112] : memref<2x10240x128xf32, #tpu.memory_space<hbm>> -> memref<1x64x128xf32, #tpu.memory_space<hbm>>
      %dma_wait3A_114 = tpu.memref_squeeze %dma_wait3A_113 : memref<1x64x128xf32, #tpu.memory_space<hbm>> -> memref<64x128xf32, #tpu.memory_space<hbm>>
      tpu.wait_dma2 semaphore(%run_scoped3A : memref<!tpu.dma_semaphore, #tpu.memory_space<semaphore_mem>>) src(%arg8 : memref<64x128xf32, #tpu.memory_space<vmem>>) dst(%dma_wait3A_114 : memref<64x128xf32, #tpu.memory_space<hbm>>)
      tpu.yield
    }) : () -> ()
    %mul3A_83 = arith.constant 640 : i32
    %mul3A_84 = arith.muli %arg1, %mul3A_83 : i32
    %add3A_85 = arith.constant 320 : i32
    %add3A_86 = arith.addi %mul3A_84, %add3A_85 : i32
    "tpu.region"() ({
      %run_scoped3A = tpu.sem_alloc : memref<!tpu.dma_semaphore, #tpu.memory_space<semaphore_mem>>
      %dma_start3A_103 = arith.constant 0 : i32
      %dma_start3A_104 = tpu.memref_slice %arg10[%add3A_86, %dma_start3A_103] : memref<10240x128xf32, #tpu.memory_space<vmem_shared>> -> memref<64x128xf32, #tpu.memory_space<vmem_shared>>
      %dma_start3A_105 = arith.constant 0 : i32
      %dma_start3A_106 = tpu.memref_slice %arg10[%add3A_86, %dma_start3A_105] : memref<10240x128xf32, #tpu.memory_space<vmem_shared>> -> memref<64x128xf32, #tpu.memory_space<vmem_shared>>
      tpu.enqueue_dma source(%dma_start3A_106 : memref<64x128xf32, #tpu.memory_space<vmem_shared>>) target(%arg8 : memref<64x128xf32, #tpu.memory_space<vmem>>) target_semaphore(%run_scoped3A : memref<!tpu.dma_semaphore, #tpu.memory_space<semaphore_mem>>)
      %dma_wait3A_107 = arith.constant 0 : i32
      %dma_wait3A_108 = tpu.memref_slice %arg10[%add3A_86, %dma_wait3A_107] : memref<10240x128xf32, #tpu.memory_space<vmem_shared>> -> memref<64x128xf32, #tpu.memory_space<vmem_shared>>
      %dma_wait3A_109 = arith.constant 0 : i32
      %dma_wait3A_110 = tpu.memref_slice %arg10[%add3A_86, %dma_wait3A_109] : memref<10240x128xf32, #tpu.memory_space<vmem_shared>> -> memref<64x128xf32, #tpu.memory_space<vmem_shared>>
      tpu.wait_dma2 semaphore(%run_scoped3A : memref<!tpu.dma_semaphore, #tpu.memory_space<semaphore_mem>>) src(%dma_wait3A_110 : memref<64x128xf32, #tpu.memory_space<vmem_shared>>) dst(%arg8 : memref<64x128xf32, #tpu.memory_space<vmem>>)
      tpu.yield
    }) : () -> ()
    "tpu.region"() ({
      %run_scoped3A = tpu.sem_alloc : memref<!tpu.dma_semaphore, #tpu.memory_space<semaphore_mem>>
      %dma_start3A_103 = arith.constant 0 : i32
      %dma_start3A_104 = tpu.memref_slice %arg5[%arg0, %add3A_86, %dma_start3A_103] : memref<2x10240x128xf32, #tpu.memory_space<hbm>> -> memref<1x64x128xf32, #tpu.memory_space<hbm>>
      %dma_start3A_105 = tpu.memref_squeeze %dma_start3A_104 : memref<1x64x128xf32, #tpu.memory_space<hbm>> -> memref<64x128xf32, #tpu.memory_space<hbm>>
      %dma_start3A_106 = arith.constant 0 : i32
      %dma_start3A_107 = tpu.memref_slice %arg5[%arg0, %add3A_86, %dma_start3A_106] : memref<2x10240x128xf32, #tpu.memory_space<hbm>> -> memref<1x64x128xf32, #tpu.memory_space<hbm>>
      %dma_start3A_108 = tpu.memref_squeeze %dma_start3A_107 : memref<1x64x128xf32, #tpu.memory_space<hbm>> -> memref<64x128xf32, #tpu.memory_space<hbm>>
      tpu.enqueue_dma source(%arg8 : memref<64x128xf32, #tpu.memory_space<vmem>>) target(%dma_start3A_108 : memref<64x128xf32, #tpu.memory_space<hbm>>) target_semaphore(%run_scoped3A : memref<!tpu.dma_semaphore, #tpu.memory_space<semaphore_mem>>)
      %dma_wait3A_109 = arith.constant 0 : i32
      %dma_wait3A_110 = tpu.memref_slice %arg5[%arg0, %add3A_86, %dma_wait3A_109] : memref<2x10240x128xf32, #tpu.memory_space<hbm>> -> memref<1x64x128xf32, #tpu.memory_space<hbm>>
      %dma_wait3A_111 = tpu.memref_squeeze %dma_wait3A_110 : memref<1x64x128xf32, #tpu.memory_space<hbm>> -> memref<64x128xf32, #tpu.memory_space<hbm>>
      %dma_wait3A_112 = arith.constant 0 : i32
      %dma_wait3A_113 = tpu.memref_slice %arg5[%arg0, %add3A_86, %dma_wait3A_112] : memref<2x10240x128xf32, #tpu.memory_space<hbm>> -> memref<1x64x128xf32, #tpu.memory_space<hbm>>
      %dma_wait3A_114 = tpu.memref_squeeze %dma_wait3A_113 : memref<1x64x128xf32, #tpu.memory_space<hbm>> -> memref<64x128xf32, #tpu.memory_space<hbm>>
      tpu.wait_dma2 semaphore(%run_scoped3A : memref<!tpu.dma_semaphore, #tpu.memory_space<semaphore_mem>>) src(%arg8 : memref<64x128xf32, #tpu.memory_space<vmem>>) dst(%dma_wait3A_114 : memref<64x128xf32, #tpu.memory_space<hbm>>)
      tpu.yield
    }) : () -> ()
    %mul3A_87 = arith.constant 640 : i32
    %mul3A_88 = arith.muli %arg1, %mul3A_87 : i32
    %add3A_89 = arith.constant 384 : i32
    %add3A_90 = arith.addi %mul3A_88, %add3A_89 : i32
    "tpu.region"() ({
      %run_scoped3A = tpu.sem_alloc : memref<!tpu.dma_semaphore, #tpu.memory_space<semaphore_mem>>
      %dma_start3A_103 = arith.constant 0 : i32
      %dma_start3A_104 = tpu.memref_slice %arg10[%add3A_90, %dma_start3A_103] : memref<10240x128xf32, #tpu.memory_space<vmem_shared>> -> memref<64x128xf32, #tpu.memory_space<vmem_shared>>
      %dma_start3A_105 = arith.constant 0 : i32
      %dma_start3A_106 = tpu.memref_slice %arg10[%add3A_90, %dma_start3A_105] : memref<10240x128xf32, #tpu.memory_space<vmem_shared>> -> memref<64x128xf32, #tpu.memory_space<vmem_shared>>
      tpu.enqueue_dma source(%dma_start3A_106 : memref<64x128xf32, #tpu.memory_space<vmem_shared>>) target(%arg8 : memref<64x128xf32, #tpu.memory_space<vmem>>) target_semaphore(%run_scoped3A : memref<!tpu.dma_semaphore, #tpu.memory_space<semaphore_mem>>)
      %dma_wait3A_107 = arith.constant 0 : i32
      %dma_wait3A_108 = tpu.memref_slice %arg10[%add3A_90, %dma_wait3A_107] : memref<10240x128xf32, #tpu.memory_space<vmem_shared>> -> memref<64x128xf32, #tpu.memory_space<vmem_shared>>
      %dma_wait3A_109 = arith.constant 0 : i32
      %dma_wait3A_110 = tpu.memref_slice %arg10[%add3A_90, %dma_wait3A_109] : memref<10240x128xf32, #tpu.memory_space<vmem_shared>> -> memref<64x128xf32, #tpu.memory_space<vmem_shared>>
      tpu.wait_dma2 semaphore(%run_scoped3A : memref<!tpu.dma_semaphore, #tpu.memory_space<semaphore_mem>>) src(%dma_wait3A_110 : memref<64x128xf32, #tpu.memory_space<vmem_shared>>) dst(%arg8 : memref<64x128xf32, #tpu.memory_space<vmem>>)
      tpu.yield
    }) : () -> ()
    "tpu.region"() ({
      %run_scoped3A = tpu.sem_alloc : memref<!tpu.dma_semaphore, #tpu.memory_space<semaphore_mem>>
      %dma_start3A_103 = arith.constant 0 : i32
      %dma_start3A_104 = tpu.memref_slice %arg5[%arg0, %add3A_90, %dma_start3A_103] : memref<2x10240x128xf32, #tpu.memory_space<hbm>> -> memref<1x64x128xf32, #tpu.memory_space<hbm>>
      %dma_start3A_105 = tpu.memref_squeeze %dma_start3A_104 : memref<1x64x128xf32, #tpu.memory_space<hbm>> -> memref<64x128xf32, #tpu.memory_space<hbm>>
      %dma_start3A_106 = arith.constant 0 : i32
      %dma_start3A_107 = tpu.memref_slice %arg5[%arg0, %add3A_90, %dma_start3A_106] : memref<2x10240x128xf32, #tpu.memory_space<hbm>> -> memref<1x64x128xf32, #tpu.memory_space<hbm>>
      %dma_start3A_108 = tpu.memref_squeeze %dma_start3A_107 : memref<1x64x128xf32, #tpu.memory_space<hbm>> -> memref<64x128xf32, #tpu.memory_space<hbm>>
      tpu.enqueue_dma source(%arg8 : memref<64x128xf32, #tpu.memory_space<vmem>>) target(%dma_start3A_108 : memref<64x128xf32, #tpu.memory_space<hbm>>) target_semaphore(%run_scoped3A : memref<!tpu.dma_semaphore, #tpu.memory_space<semaphore_mem>>)
      %dma_wait3A_109 = arith.constant 0 : i32
      %dma_wait3A_110 = tpu.memref_slice %arg5[%arg0, %add3A_90, %dma_wait3A_109] : memref<2x10240x128xf32, #tpu.memory_space<hbm>> -> memref<1x64x128xf32, #tpu.memory_space<hbm>>
      %dma_wait3A_111 = tpu.memref_squeeze %dma_wait3A_110 : memref<1x64x128xf32, #tpu.memory_space<hbm>> -> memref<64x128xf32, #tpu.memory_space<hbm>>
      %dma_wait3A_112 = arith.constant 0 : i32
      %dma_wait3A_113 = tpu.memref_slice %arg5[%arg0, %add3A_90, %dma_wait3A_112] : memref<2x10240x128xf32, #tpu.memory_space<hbm>> -> memref<1x64x128xf32, #tpu.memory_space<hbm>>
      %dma_wait3A_114 = tpu.memref_squeeze %dma_wait3A_113 : memref<1x64x128xf32, #tpu.memory_space<hbm>> -> memref<64x128xf32, #tpu.memory_space<hbm>>
      tpu.wait_dma2 semaphore(%run_scoped3A : memref<!tpu.dma_semaphore, #tpu.memory_space<semaphore_mem>>) src(%arg8 : memref<64x128xf32, #tpu.memory_space<vmem>>) dst(%dma_wait3A_114 : memref<64x128xf32, #tpu.memory_space<hbm>>)
      tpu.yield
    }) : () -> ()
    %mul3A_91 = arith.constant 640 : i32
    %mul3A_92 = arith.muli %arg1, %mul3A_91 : i32
    %add3A_93 = arith.constant 448 : i32
    %add3A_94 = arith.addi %mul3A_92, %add3A_93 : i32
    "tpu.region"() ({
      %run_scoped3A = tpu.sem_alloc : memref<!tpu.dma_semaphore, #tpu.memory_space<semaphore_mem>>
      %dma_start3A_103 = arith.constant 0 : i32
      %dma_start3A_104 = tpu.memref_slice %arg10[%add3A_94, %dma_start3A_103] : memref<10240x128xf32, #tpu.memory_space<vmem_shared>> -> memref<64x128xf32, #tpu.memory_space<vmem_shared>>
      %dma_start3A_105 = arith.constant 0 : i32
      %dma_start3A_106 = tpu.memref_slice %arg10[%add3A_94, %dma_start3A_105] : memref<10240x128xf32, #tpu.memory_space<vmem_shared>> -> memref<64x128xf32, #tpu.memory_space<vmem_shared>>
      tpu.enqueue_dma source(%dma_start3A_106 : memref<64x128xf32, #tpu.memory_space<vmem_shared>>) target(%arg8 : memref<64x128xf32, #tpu.memory_space<vmem>>) target_semaphore(%run_scoped3A : memref<!tpu.dma_semaphore, #tpu.memory_space<semaphore_mem>>)
      %dma_wait3A_107 = arith.constant 0 : i32
      %dma_wait3A_108 = tpu.memref_slice %arg10[%add3A_94, %dma_wait3A_107] : memref<10240x128xf32, #tpu.memory_space<vmem_shared>> -> memref<64x128xf32, #tpu.memory_space<vmem_shared>>
      %dma_wait3A_109 = arith.constant 0 : i32
      %dma_wait3A_110 = tpu.memref_slice %arg10[%add3A_94, %dma_wait3A_109] : memref<10240x128xf32, #tpu.memory_space<vmem_shared>> -> memref<64x128xf32, #tpu.memory_space<vmem_shared>>
      tpu.wait_dma2 semaphore(%run_scoped3A : memref<!tpu.dma_semaphore, #tpu.memory_space<semaphore_mem>>) src(%dma_wait3A_110 : memref<64x128xf32, #tpu.memory_space<vmem_shared>>) dst(%arg8 : memref<64x128xf32, #tpu.memory_space<vmem>>)
      tpu.yield
    }) : () -> ()
    "tpu.region"() ({
      %run_scoped3A = tpu.sem_alloc : memref<!tpu.dma_semaphore, #tpu.memory_space<semaphore_mem>>
      %dma_start3A_103 = arith.constant 0 : i32
      %dma_start3A_104 = tpu.memref_slice %arg5[%arg0, %add3A_94, %dma_start3A_103] : memref<2x10240x128xf32, #tpu.memory_space<hbm>> -> memref<1x64x128xf32, #tpu.memory_space<hbm>>
      %dma_start3A_105 = tpu.memref_squeeze %dma_start3A_104 : memref<1x64x128xf32, #tpu.memory_space<hbm>> -> memref<64x128xf32, #tpu.memory_space<hbm>>
      %dma_start3A_106 = arith.constant 0 : i32
      %dma_start3A_107 = tpu.memref_slice %arg5[%arg0, %add3A_94, %dma_start3A_106] : memref<2x10240x128xf32, #tpu.memory_space<hbm>> -> memref<1x64x128xf32, #tpu.memory_space<hbm>>
      %dma_start3A_108 = tpu.memref_squeeze %dma_start3A_107 : memref<1x64x128xf32, #tpu.memory_space<hbm>> -> memref<64x128xf32, #tpu.memory_space<hbm>>
      tpu.enqueue_dma source(%arg8 : memref<64x128xf32, #tpu.memory_space<vmem>>) target(%dma_start3A_108 : memref<64x128xf32, #tpu.memory_space<hbm>>) target_semaphore(%run_scoped3A : memref<!tpu.dma_semaphore, #tpu.memory_space<semaphore_mem>>)
      %dma_wait3A_109 = arith.constant 0 : i32
      %dma_wait3A_110 = tpu.memref_slice %arg5[%arg0, %add3A_94, %dma_wait3A_109] : memref<2x10240x128xf32, #tpu.memory_space<hbm>> -> memref<1x64x128xf32, #tpu.memory_space<hbm>>
      %dma_wait3A_111 = tpu.memref_squeeze %dma_wait3A_110 : memref<1x64x128xf32, #tpu.memory_space<hbm>> -> memref<64x128xf32, #tpu.memory_space<hbm>>
      %dma_wait3A_112 = arith.constant 0 : i32
      %dma_wait3A_113 = tpu.memref_slice %arg5[%arg0, %add3A_94, %dma_wait3A_112] : memref<2x10240x128xf32, #tpu.memory_space<hbm>> -> memref<1x64x128xf32, #tpu.memory_space<hbm>>
      %dma_wait3A_114 = tpu.memref_squeeze %dma_wait3A_113 : memref<1x64x128xf32, #tpu.memory_space<hbm>> -> memref<64x128xf32, #tpu.memory_space<hbm>>
      tpu.wait_dma2 semaphore(%run_scoped3A : memref<!tpu.dma_semaphore, #tpu.memory_space<semaphore_mem>>) src(%arg8 : memref<64x128xf32, #tpu.memory_space<vmem>>) dst(%dma_wait3A_114 : memref<64x128xf32, #tpu.memory_space<hbm>>)
      tpu.yield
    }) : () -> ()
    %mul3A_95 = arith.constant 640 : i32
    %mul3A_96 = arith.muli %arg1, %mul3A_95 : i32
    %add3A_97 = arith.constant 512 : i32
    %add3A_98 = arith.addi %mul3A_96, %add3A_97 : i32
    "tpu.region"() ({
      %run_scoped3A = tpu.sem_alloc : memref<!tpu.dma_semaphore, #tpu.memory_space<semaphore_mem>>
      %dma_start3A_103 = arith.constant 0 : i32
      %dma_start3A_104 = tpu.memref_slice %arg10[%add3A_98, %dma_start3A_103] : memref<10240x128xf32, #tpu.memory_space<vmem_shared>> -> memref<64x128xf32, #tpu.memory_space<vmem_shared>>
      %dma_start3A_105 = arith.constant 0 : i32
      %dma_start3A_106 = tpu.memref_slice %arg10[%add3A_98, %dma_start3A_105] : memref<10240x128xf32, #tpu.memory_space<vmem_shared>> -> memref<64x128xf32, #tpu.memory_space<vmem_shared>>
      tpu.enqueue_dma source(%dma_start3A_106 : memref<64x128xf32, #tpu.memory_space<vmem_shared>>) target(%arg8 : memref<64x128xf32, #tpu.memory_space<vmem>>) target_semaphore(%run_scoped3A : memref<!tpu.dma_semaphore, #tpu.memory_space<semaphore_mem>>)
      %dma_wait3A_107 = arith.constant 0 : i32
      %dma_wait3A_108 = tpu.memref_slice %arg10[%add3A_98, %dma_wait3A_107] : memref<10240x128xf32, #tpu.memory_space<vmem_shared>> -> memref<64x128xf32, #tpu.memory_space<vmem_shared>>
      %dma_wait3A_109 = arith.constant 0 : i32
      %dma_wait3A_110 = tpu.memref_slice %arg10[%add3A_98, %dma_wait3A_109] : memref<10240x128xf32, #tpu.memory_space<vmem_shared>> -> memref<64x128xf32, #tpu.memory_space<vmem_shared>>
      tpu.wait_dma2 semaphore(%run_scoped3A : memref<!tpu.dma_semaphore, #tpu.memory_space<semaphore_mem>>) src(%dma_wait3A_110 : memref<64x128xf32, #tpu.memory_space<vmem_shared>>) dst(%arg8 : memref<64x128xf32, #tpu.memory_space<vmem>>)
      tpu.yield
    }) : () -> ()
    "tpu.region"() ({
      %run_scoped3A = tpu.sem_alloc : memref<!tpu.dma_semaphore, #tpu.memory_space<semaphore_mem>>
      %dma_start3A_103 = arith.constant 0 : i32
      %dma_start3A_104 = tpu.memref_slice %arg5[%arg0, %add3A_98, %dma_start3A_103] : memref<2x10240x128xf32, #tpu.memory_space<hbm>> -> memref<1x64x128xf32, #tpu.memory_space<hbm>>
      %dma_start3A_105 = tpu.memref_squeeze %dma_start3A_104 : memref<1x64x128xf32, #tpu.memory_space<hbm>> -> memref<64x128xf32, #tpu.memory_space<hbm>>
      %dma_start3A_106 = arith.constant 0 : i32
      %dma_start3A_107 = tpu.memref_slice %arg5[%arg0, %add3A_98, %dma_start3A_106] : memref<2x10240x128xf32, #tpu.memory_space<hbm>> -> memref<1x64x128xf32, #tpu.memory_space<hbm>>
      %dma_start3A_108 = tpu.memref_squeeze %dma_start3A_107 : memref<1x64x128xf32, #tpu.memory_space<hbm>> -> memref<64x128xf32, #tpu.memory_space<hbm>>
      tpu.enqueue_dma source(%arg8 : memref<64x128xf32, #tpu.memory_space<vmem>>) target(%dma_start3A_108 : memref<64x128xf32, #tpu.memory_space<hbm>>) target_semaphore(%run_scoped3A : memref<!tpu.dma_semaphore, #tpu.memory_space<semaphore_mem>>)
      %dma_wait3A_109 = arith.constant 0 : i32
      %dma_wait3A_110 = tpu.memref_slice %arg5[%arg0, %add3A_98, %dma_wait3A_109] : memref<2x10240x128xf32, #tpu.memory_space<hbm>> -> memref<1x64x128xf32, #tpu.memory_space<hbm>>
      %dma_wait3A_111 = tpu.memref_squeeze %dma_wait3A_110 : memref<1x64x128xf32, #tpu.memory_space<hbm>> -> memref<64x128xf32, #tpu.memory_space<hbm>>
      %dma_wait3A_112 = arith.constant 0 : i32
      %dma_wait3A_113 = tpu.memref_slice %arg5[%arg0, %add3A_98, %dma_wait3A_112] : memref<2x10240x128xf32, #tpu.memory_space<hbm>> -> memref<1x64x128xf32, #tpu.memory_space<hbm>>
      %dma_wait3A_114 = tpu.memref_squeeze %dma_wait3A_113 : memref<1x64x128xf32, #tpu.memory_space<hbm>> -> memref<64x128xf32, #tpu.memory_space<hbm>>
      tpu.wait_dma2 semaphore(%run_scoped3A : memref<!tpu.dma_semaphore, #tpu.memory_space<semaphore_mem>>) src(%arg8 : memref<64x128xf32, #tpu.memory_space<vmem>>) dst(%dma_wait3A_114 : memref<64x128xf32, #tpu.memory_space<hbm>>)
      tpu.yield
    }) : () -> ()
    %mul3A_99 = arith.constant 640 : i32
    %mul3A_100 = arith.muli %arg1, %mul3A_99 : i32
    %add3A_101 = arith.constant 576 : i32
    %add3A_102 = arith.addi %mul3A_100, %add3A_101 : i32
    "tpu.region"() ({
      %run_scoped3A = tpu.sem_alloc : memref<!tpu.dma_semaphore, #tpu.memory_space<semaphore_mem>>
      %dma_start3A_103 = arith.constant 0 : i32
      %dma_start3A_104 = tpu.memref_slice %arg10[%add3A_102, %dma_start3A_103] : memref<10240x128xf32, #tpu.memory_space<vmem_shared>> -> memref<64x128xf32, #tpu.memory_space<vmem_shared>>
      %dma_start3A_105 = arith.constant 0 : i32
      %dma_start3A_106 = tpu.memref_slice %arg10[%add3A_102, %dma_start3A_105] : memref<10240x128xf32, #tpu.memory_space<vmem_shared>> -> memref<64x128xf32, #tpu.memory_space<vmem_shared>>
      tpu.enqueue_dma source(%dma_start3A_106 : memref<64x128xf32, #tpu.memory_space<vmem_shared>>) target(%arg8 : memref<64x128xf32, #tpu.memory_space<vmem>>) target_semaphore(%run_scoped3A : memref<!tpu.dma_semaphore, #tpu.memory_space<semaphore_mem>>)
      %dma_wait3A_107 = arith.constant 0 : i32
      %dma_wait3A_108 = tpu.memref_slice %arg10[%add3A_102, %dma_wait3A_107] : memref<10240x128xf32, #tpu.memory_space<vmem_shared>> -> memref<64x128xf32, #tpu.memory_space<vmem_shared>>
      %dma_wait3A_109 = arith.constant 0 : i32
      %dma_wait3A_110 = tpu.memref_slice %arg10[%add3A_102, %dma_wait3A_109] : memref<10240x128xf32, #tpu.memory_space<vmem_shared>> -> memref<64x128xf32, #tpu.memory_space<vmem_shared>>
      tpu.wait_dma2 semaphore(%run_scoped3A : memref<!tpu.dma_semaphore, #tpu.memory_space<semaphore_mem>>) src(%dma_wait3A_110 : memref<64x128xf32, #tpu.memory_space<vmem_shared>>) dst(%arg8 : memref<64x128xf32, #tpu.memory_space<vmem>>)
      tpu.yield
    }) : () -> ()
    "tpu.region"() ({
      %run_scoped3A = tpu.sem_alloc : memref<!tpu.dma_semaphore, #tpu.memory_space<semaphore_mem>>
      %dma_start3A_103 = arith.constant 0 : i32
      %dma_start3A_104 = tpu.memref_slice %arg5[%arg0, %add3A_102, %dma_start3A_103] : memref<2x10240x128xf32, #tpu.memory_space<hbm>> -> memref<1x64x128xf32, #tpu.memory_space<hbm>>
      %dma_start3A_105 = tpu.memref_squeeze %dma_start3A_104 : memref<1x64x128xf32, #tpu.memory_space<hbm>> -> memref<64x128xf32, #tpu.memory_space<hbm>>
      %dma_start3A_106 = arith.constant 0 : i32
      %dma_start3A_107 = tpu.memref_slice %arg5[%arg0, %add3A_102, %dma_start3A_106] : memref<2x10240x128xf32, #tpu.memory_space<hbm>> -> memref<1x64x128xf32, #tpu.memory_space<hbm>>
      %dma_start3A_108 = tpu.memref_squeeze %dma_start3A_107 : memref<1x64x128xf32, #tpu.memory_space<hbm>> -> memref<64x128xf32, #tpu.memory_space<hbm>>
      tpu.enqueue_dma source(%arg8 : memref<64x128xf32, #tpu.memory_space<vmem>>) target(%dma_start3A_108 : memref<64x128xf32, #tpu.memory_space<hbm>>) target_semaphore(%run_scoped3A : memref<!tpu.dma_semaphore, #tpu.memory_space<semaphore_mem>>)
      %dma_wait3A_109 = arith.constant 0 : i32
      %dma_wait3A_110 = tpu.memref_slice %arg5[%arg0, %add3A_102, %dma_wait3A_109] : memref<2x10240x128xf32, #tpu.memory_space<hbm>> -> memref<1x64x128xf32, #tpu.memory_space<hbm>>
      %dma_wait3A_111 = tpu.memref_squeeze %dma_wait3A_110 : memref<1x64x128xf32, #tpu.memory_space<hbm>> -> memref<64x128xf32, #tpu.memory_space<hbm>>
      %dma_wait3A_112 = arith.constant 0 : i32
      %dma_wait3A_113 = tpu.memref_slice %arg5[%arg0, %add3A_102, %dma_wait3A_112] : memref<2x10240x128xf32, #tpu.memory_space<hbm>> -> memref<1x64x128xf32, #tpu.memory_space<hbm>>
      %dma_wait3A_114 = tpu.memref_squeeze %dma_wait3A_113 : memref<1x64x128xf32, #tpu.memory_space<hbm>> -> memref<64x128xf32, #tpu.memory_space<hbm>>
      tpu.wait_dma2 semaphore(%run_scoped3A : memref<!tpu.dma_semaphore, #tpu.memory_space<semaphore_mem>>) src(%arg8 : memref<64x128xf32, #tpu.memory_space<vmem>>) dst(%dma_wait3A_114 : memref<64x128xf32, #tpu.memory_space<hbm>>)
      tpu.yield
    }) : () -> ()
    return
  }
}

#map = affine_map<(d0, d1) -> (0)>
#map1 = affine_map<(d0, d1) -> (0, 0)>
module attributes {stable_mosaic.version = 14 : i64} {
  func.func @_hist_body(%arg0: i32, %arg1: i32, %arg2: memref<10240xf32, #tpu.memory_space<hbm>>, %arg3: memref<32x10112xi32, #tpu.memory_space<hbm>>, %arg4: memref<32x10112xi32, #tpu.memory_space<hbm>>, %arg5: memref<32x10240xf32, #tpu.memory_space<hbm>>, %arg6: memref<10240xf32, #tpu.memory_space<vmem>>, %arg7: memref<10112xi32, #tpu.memory_space<vmem>>, %arg8: memref<10112xi32, #tpu.memory_space<vmem>>, %arg9: memref<10240xf32, #tpu.memory_space<vmem>>) attributes {dimension_semantics = [#tpu.dimension_semantics<core_parallel>, #tpu.dimension_semantics<subcore_parallel>], iteration_bounds = array<i64: 2, 16>, scalar_prefetch = 0 : i64, scratch_operands = 4 : i64, tpu.core_type = #tpu.core_type<sc_vector_subcore>, window_params = [{transform_indices = #map}, {transform_indices = #map1}, {transform_indices = #map1}, {transform_indices = #map1}]} {
    %mul3A = arith.constant 2 : i32
    %mul3A_0 = arith.muli %arg1, %mul3A : i32
    %add3A = arith.addi %mul3A_0, %arg0 : i32
    "tpu.region"() ({
      %run_scoped3A = tpu.sem_alloc : memref<!tpu.dma_semaphore, #tpu.memory_space<semaphore_mem>>
      tpu.enqueue_dma source(%arg2 : memref<10240xf32, #tpu.memory_space<hbm>>) target(%arg6 : memref<10240xf32, #tpu.memory_space<vmem>>) target_semaphore(%run_scoped3A : memref<!tpu.dma_semaphore, #tpu.memory_space<semaphore_mem>>)
      tpu.wait_dma2 semaphore(%run_scoped3A : memref<!tpu.dma_semaphore, #tpu.memory_space<semaphore_mem>>) src(%arg2 : memref<10240xf32, #tpu.memory_space<hbm>>) dst(%arg6 : memref<10240xf32, #tpu.memory_space<vmem>>)
      tpu.yield
    }) : () -> ()
    "tpu.region"() ({
      %run_scoped3A = tpu.sem_alloc : memref<!tpu.dma_semaphore, #tpu.memory_space<semaphore_mem>>
      %dma_start3A = arith.constant 0 : i32
      %dma_start3A_14 = tpu.memref_slice %arg3[%add3A, %dma_start3A] : memref<32x10112xi32, #tpu.memory_space<hbm>> -> memref<1x10112xi32, #tpu.memory_space<hbm>>
      %dma_start3A_15 = tpu.memref_squeeze %dma_start3A_14 : memref<1x10112xi32, #tpu.memory_space<hbm>> -> memref<10112xi32, #tpu.memory_space<hbm>>
      %dma_start3A_16 = arith.constant 0 : i32
      %dma_start3A_17 = tpu.memref_slice %arg3[%add3A, %dma_start3A_16] : memref<32x10112xi32, #tpu.memory_space<hbm>> -> memref<1x10112xi32, #tpu.memory_space<hbm>>
      %dma_start3A_18 = tpu.memref_squeeze %dma_start3A_17 : memref<1x10112xi32, #tpu.memory_space<hbm>> -> memref<10112xi32, #tpu.memory_space<hbm>>
      tpu.enqueue_dma source(%dma_start3A_18 : memref<10112xi32, #tpu.memory_space<hbm>>) target(%arg7 : memref<10112xi32, #tpu.memory_space<vmem>>) target_semaphore(%run_scoped3A : memref<!tpu.dma_semaphore, #tpu.memory_space<semaphore_mem>>)
      %dma_wait3A = arith.constant 0 : i32
      %dma_wait3A_19 = tpu.memref_slice %arg3[%add3A, %dma_wait3A] : memref<32x10112xi32, #tpu.memory_space<hbm>> -> memref<1x10112xi32, #tpu.memory_space<hbm>>
      %dma_wait3A_20 = tpu.memref_squeeze %dma_wait3A_19 : memref<1x10112xi32, #tpu.memory_space<hbm>> -> memref<10112xi32, #tpu.memory_space<hbm>>
      %dma_wait3A_21 = arith.constant 0 : i32
      %dma_wait3A_22 = tpu.memref_slice %arg3[%add3A, %dma_wait3A_21] : memref<32x10112xi32, #tpu.memory_space<hbm>> -> memref<1x10112xi32, #tpu.memory_space<hbm>>
      %dma_wait3A_23 = tpu.memref_squeeze %dma_wait3A_22 : memref<1x10112xi32, #tpu.memory_space<hbm>> -> memref<10112xi32, #tpu.memory_space<hbm>>
      tpu.wait_dma2 semaphore(%run_scoped3A : memref<!tpu.dma_semaphore, #tpu.memory_space<semaphore_mem>>) src(%dma_wait3A_23 : memref<10112xi32, #tpu.memory_space<hbm>>) dst(%arg7 : memref<10112xi32, #tpu.memory_space<vmem>>)
      tpu.yield
    }) : () -> ()
    "tpu.region"() ({
      %run_scoped3A = tpu.sem_alloc : memref<!tpu.dma_semaphore, #tpu.memory_space<semaphore_mem>>
      %dma_start3A = arith.constant 0 : i32
      %dma_start3A_14 = tpu.memref_slice %arg4[%add3A, %dma_start3A] : memref<32x10112xi32, #tpu.memory_space<hbm>> -> memref<1x10112xi32, #tpu.memory_space<hbm>>
      %dma_start3A_15 = tpu.memref_squeeze %dma_start3A_14 : memref<1x10112xi32, #tpu.memory_space<hbm>> -> memref<10112xi32, #tpu.memory_space<hbm>>
      %dma_start3A_16 = arith.constant 0 : i32
      %dma_start3A_17 = tpu.memref_slice %arg4[%add3A, %dma_start3A_16] : memref<32x10112xi32, #tpu.memory_space<hbm>> -> memref<1x10112xi32, #tpu.memory_space<hbm>>
      %dma_start3A_18 = tpu.memref_squeeze %dma_start3A_17 : memref<1x10112xi32, #tpu.memory_space<hbm>> -> memref<10112xi32, #tpu.memory_space<hbm>>
      tpu.enqueue_dma source(%dma_start3A_18 : memref<10112xi32, #tpu.memory_space<hbm>>) target(%arg8 : memref<10112xi32, #tpu.memory_space<vmem>>) target_semaphore(%run_scoped3A : memref<!tpu.dma_semaphore, #tpu.memory_space<semaphore_mem>>)
      %dma_wait3A = arith.constant 0 : i32
      %dma_wait3A_19 = tpu.memref_slice %arg4[%add3A, %dma_wait3A] : memref<32x10112xi32, #tpu.memory_space<hbm>> -> memref<1x10112xi32, #tpu.memory_space<hbm>>
      %dma_wait3A_20 = tpu.memref_squeeze %dma_wait3A_19 : memref<1x10112xi32, #tpu.memory_space<hbm>> -> memref<10112xi32, #tpu.memory_space<hbm>>
      %dma_wait3A_21 = arith.constant 0 : i32
      %dma_wait3A_22 = tpu.memref_slice %arg4[%add3A, %dma_wait3A_21] : memref<32x10112xi32, #tpu.memory_space<hbm>> -> memref<1x10112xi32, #tpu.memory_space<hbm>>
      %dma_wait3A_23 = tpu.memref_squeeze %dma_wait3A_22 : memref<1x10112xi32, #tpu.memory_space<hbm>> -> memref<10112xi32, #tpu.memory_space<hbm>>
      tpu.wait_dma2 semaphore(%run_scoped3A : memref<!tpu.dma_semaphore, #tpu.memory_space<semaphore_mem>>) src(%dma_wait3A_23 : memref<10112xi32, #tpu.memory_space<hbm>>) dst(%arg8 : memref<10112xi32, #tpu.memory_space<vmem>>)
      tpu.yield
    }) : () -> ()
    %scan3A = arith.constant 0 : i32
    %scan3A_1 = arith.constant 0 : i32
    %scan3A_2 = arith.constant 640 : i32
    %scan3A_3 = arith.addi %scan3A_1, %scan3A_2 : i32
    %scan3A_4 = arith.constant 1 : i32
    %scan3A_5 = scf.for %scan3A_14 = %scan3A_1 to %scan3A_3 step %scan3A_4 iter_args(%scan3A_15 = %scan3A) -> (i32)  : i32 {
      %broadcast_in_dim3A = arith.constant 0.000000e+00 : f32
      %broadcast_in_dim3A_16 = vector.broadcast %broadcast_in_dim3A : f32 to vector<16xf32>
      %mul3A_17 = arith.constant 16 : i32
      %mul3A_18 = arith.muli %scan3A_14, %mul3A_17 : i32
      %swap3A = arith.index_cast %mul3A_18 : i32 to index
      %swap3A_19 = tpu.vector_load %arg9[%swap3A] {strides = array<i32>} : memref<10240xf32, #tpu.memory_space<vmem>>, vector<16xf32>,
      tpu.vector_store %arg9[%swap3A], %broadcast_in_dim3A_16 {strides = array<i32>} : memref<10240xf32, #tpu.memory_space<vmem>>, vector<16xf32>,
      %scan3A_20 = arith.constant 0 : i32
      scf.yield %scan3A_20 : i32
    }
    %scan3A_6 = arith.constant 640 : i32
    %scan3A_7 = arith.constant 0 : i32
    %scan3A_8 = arith.constant 0 : i32
    %scan3A_9 = arith.constant 632 : i32
    %scan3A_10 = arith.addi %scan3A_8, %scan3A_9 : i32
    %scan3A_11 = arith.constant 1 : i32
    %scan3A_12 = scf.for %scan3A_14 = %scan3A_8 to %scan3A_10 step %scan3A_11 iter_args(%scan3A_15 = %scan3A_7) -> (i32)  : i32 {
      %mul3A_16 = arith.constant 16 : i32
      %mul3A_17 = arith.muli %scan3A_14, %mul3A_16 : i32
      %get3A = arith.index_cast %mul3A_17 : i32 to index
      %get3A_18 = tpu.vector_load %arg7[%get3A] {strides = array<i32>} : memref<10112xi32, #tpu.memory_space<vmem>>, vector<16xi32>,
      %mul3A_19 = arith.constant 16 : i32
      %mul3A_20 = arith.muli %scan3A_14, %mul3A_19 : i32
      %get3A_21 = arith.index_cast %mul3A_20 : i32 to index
      %get3A_22 = tpu.vector_load %arg8[%get3A_21] {strides = array<i32>} : memref<10112xi32, #tpu.memory_space<vmem>>, vector<16xi32>,
      %gather3A = tpu.vector_load_idx %arg6[%get3A_18] : memref<10240xf32, #tpu.memory_space<vmem>>[vector<16xi32>], vector<16xf32>,
      tpu.vector_store_idx %arg9[%get3A_22], %gather3A {add = true} : memref<10240xf32, #tpu.memory_space<vmem>>[vector<16xi32>], vector<16xf32>,
      %scan3A_23 = arith.constant 0 : i32
      scf.yield %scan3A_23 : i32
    }
    %scan3A_13 = arith.constant 632 : i32
    "tpu.region"() ({
      %run_scoped3A = tpu.sem_alloc : memref<!tpu.dma_semaphore, #tpu.memory_space<semaphore_mem>>
      %dma_start3A = arith.constant 0 : i32
      %dma_start3A_14 = tpu.memref_slice %arg5[%add3A, %dma_start3A] : memref<32x10240xf32, #tpu.memory_space<hbm>> -> memref<1x10240xf32, #tpu.memory_space<hbm>>
      %dma_start3A_15 = tpu.memref_squeeze %dma_start3A_14 : memref<1x10240xf32, #tpu.memory_space<hbm>> -> memref<10240xf32, #tpu.memory_space<hbm>>
      %dma_start3A_16 = arith.constant 0 : i32
      %dma_start3A_17 = tpu.memref_slice %arg5[%add3A, %dma_start3A_16] : memref<32x10240xf32, #tpu.memory_space<hbm>> -> memref<1x10240xf32, #tpu.memory_space<hbm>>
      %dma_start3A_18 = tpu.memref_squeeze %dma_start3A_17 : memref<1x10240xf32, #tpu.memory_space<hbm>> -> memref<10240xf32, #tpu.memory_space<hbm>>
      tpu.enqueue_dma source(%arg9 : memref<10240xf32, #tpu.memory_space<vmem>>) target(%dma_start3A_18 : memref<10240xf32, #tpu.memory_space<hbm>>) target_semaphore(%run_scoped3A : memref<!tpu.dma_semaphore, #tpu.memory_space<semaphore_mem>>)
      %dma_wait3A = arith.constant 0 : i32
      %dma_wait3A_19 = tpu.memref_slice %arg5[%add3A, %dma_wait3A] : memref<32x10240xf32, #tpu.memory_space<hbm>> -> memref<1x10240xf32, #tpu.memory_space<hbm>>
      %dma_wait3A_20 = tpu.memref_squeeze %dma_wait3A_19 : memref<1x10240xf32, #tpu.memory_space<hbm>> -> memref<10240xf32, #tpu.memory_space<hbm>>
      %dma_wait3A_21 = arith.constant 0 : i32
      %dma_wait3A_22 = tpu.memref_slice %arg5[%add3A, %dma_wait3A_21] : memref<32x10240xf32, #tpu.memory_space<hbm>> -> memref<1x10240xf32, #tpu.memory_space<hbm>>
      %dma_wait3A_23 = tpu.memref_squeeze %dma_wait3A_22 : memref<1x10240xf32, #tpu.memory_space<hbm>> -> memref<10240xf32, #tpu.memory_space<hbm>>
      tpu.wait_dma2 semaphore(%run_scoped3A : memref<!tpu.dma_semaphore, #tpu.memory_space<semaphore_mem>>) src(%arg9 : memref<10240xf32, #tpu.memory_space<vmem>>) dst(%dma_wait3A_23 : memref<10240xf32, #tpu.memory_space<hbm>>)
      tpu.yield
    }) : () -> ()
    return
  }
}

#map = affine_map<(d0, d1) -> (0, 0)>
#map1 = affine_map<(d0, d1) -> (0, 0, 0)>
module attributes {stable_mosaic.version = 14 : i64} {
  func.func @_edge_body(%arg0: i32, %arg1: i32, %arg2: memref<10240x128xf32, #tpu.memory_space<hbm>>, %arg3: memref<32x10112xi32, #tpu.memory_space<hbm>>, %arg4: memref<32x158x64xi32, #tpu.memory_space<hbm>>, %arg5: memref<2x10240x128xf32, #tpu.memory_space<hbm>>, %arg6: memref<10112xi32, #tpu.memory_space<vmem>>, %arg7: memref<158x64xi32, #tpu.memory_space<vmem>>, %arg8: memref<64x128xf32, #tpu.memory_space<vmem>>, %arg9: memref<64x128xf32, #tpu.memory_space<vmem>>, %arg10: memref<10240x128xf32, #tpu.memory_space<vmem_shared>>, %arg11: memref<!tpu.dma_semaphore, #tpu.memory_space<semaphore_mem>>, %arg12: memref<!tpu.dma_semaphore, #tpu.memory_space<semaphore_mem>>) attributes {dimension_semantics = [#tpu.dimension_semantics<core_parallel>, #tpu.dimension_semantics<subcore_parallel>], iteration_bounds = array<i64: 2, 16>, scalar_prefetch = 0 : i64, scratch_operands = 7 : i64, tpu.core_type = #tpu.core_type<sc_vector_subcore>, window_params = [{transform_indices = #map}, {transform_indices = #map}, {transform_indices = #map1}, {transform_indices = #map1}]} {
    %mul3A = arith.constant 16 : i32
    %mul3A_0 = arith.muli %arg0, %mul3A : i32
    %add3A = arith.addi %mul3A_0, %arg1 : i32
    "tpu.region"() ({
      %run_scoped3A = tpu.sem_alloc : memref<!tpu.dma_semaphore, #tpu.memory_space<semaphore_mem>>
      %dma_start3A_103 = arith.constant 0 : i32
      %dma_start3A_104 = tpu.memref_slice %arg3[%add3A, %dma_start3A_103] : memref<32x10112xi32, #tpu.memory_space<hbm>> -> memref<1x10112xi32, #tpu.memory_space<hbm>>
      %dma_start3A_105 = tpu.memref_squeeze %dma_start3A_104 : memref<1x10112xi32, #tpu.memory_space<hbm>> -> memref<10112xi32, #tpu.memory_space<hbm>>
      %dma_start3A_106 = arith.constant 0 : i32
      %dma_start3A_107 = tpu.memref_slice %arg3[%add3A, %dma_start3A_106] : memref<32x10112xi32, #tpu.memory_space<hbm>> -> memref<1x10112xi32, #tpu.memory_space<hbm>>
      %dma_start3A_108 = tpu.memref_squeeze %dma_start3A_107 : memref<1x10112xi32, #tpu.memory_space<hbm>> -> memref<10112xi32, #tpu.memory_space<hbm>>
      tpu.enqueue_dma source(%dma_start3A_108 : memref<10112xi32, #tpu.memory_space<hbm>>) target(%arg6 : memref<10112xi32, #tpu.memory_space<vmem>>) target_semaphore(%run_scoped3A : memref<!tpu.dma_semaphore, #tpu.memory_space<semaphore_mem>>)
      %dma_wait3A_109 = arith.constant 0 : i32
      %dma_wait3A_110 = tpu.memref_slice %arg3[%add3A, %dma_wait3A_109] : memref<32x10112xi32, #tpu.memory_space<hbm>> -> memref<1x10112xi32, #tpu.memory_space<hbm>>
      %dma_wait3A_111 = tpu.memref_squeeze %dma_wait3A_110 : memref<1x10112xi32, #tpu.memory_space<hbm>> -> memref<10112xi32, #tpu.memory_space<hbm>>
      %dma_wait3A_112 = arith.constant 0 : i32
      %dma_wait3A_113 = tpu.memref_slice %arg3[%add3A, %dma_wait3A_112] : memref<32x10112xi32, #tpu.memory_space<hbm>> -> memref<1x10112xi32, #tpu.memory_space<hbm>>
      %dma_wait3A_114 = tpu.memref_squeeze %dma_wait3A_113 : memref<1x10112xi32, #tpu.memory_space<hbm>> -> memref<10112xi32, #tpu.memory_space<hbm>>
      tpu.wait_dma2 semaphore(%run_scoped3A : memref<!tpu.dma_semaphore, #tpu.memory_space<semaphore_mem>>) src(%dma_wait3A_114 : memref<10112xi32, #tpu.memory_space<hbm>>) dst(%arg6 : memref<10112xi32, #tpu.memory_space<vmem>>)
      tpu.yield
    }) : () -> ()
    "tpu.region"() ({
      %run_scoped3A = tpu.sem_alloc : memref<!tpu.dma_semaphore, #tpu.memory_space<semaphore_mem>>
      %dma_start3A_103 = arith.constant 0 : i32
      %dma_start3A_104 = arith.constant 0 : i32
      %dma_start3A_105 = tpu.memref_slice %arg4[%add3A, %dma_start3A_103, %dma_start3A_104] : memref<32x158x64xi32, #tpu.memory_space<hbm>> -> memref<1x158x64xi32, #tpu.memory_space<hbm>>
      %dma_start3A_106 = tpu.memref_squeeze %dma_start3A_105 : memref<1x158x64xi32, #tpu.memory_space<hbm>> -> memref<158x64xi32, #tpu.memory_space<hbm>>
      %dma_start3A_107 = arith.constant 0 : i32
      %dma_start3A_108 = arith.constant 0 : i32
      %dma_start3A_109 = tpu.memref_slice %arg4[%add3A, %dma_start3A_107, %dma_start3A_108] : memref<32x158x64xi32, #tpu.memory_space<hbm>> -> memref<1x158x64xi32, #tpu.memory_space<hbm>>
      %dma_start3A_110 = tpu.memref_squeeze %dma_start3A_109 : memref<1x158x64xi32, #tpu.memory_space<hbm>> -> memref<158x64xi32, #tpu.memory_space<hbm>>
      tpu.enqueue_dma source(%dma_start3A_110 : memref<158x64xi32, #tpu.memory_space<hbm>>) target(%arg7 : memref<158x64xi32, #tpu.memory_space<vmem>>) target_semaphore(%run_scoped3A : memref<!tpu.dma_semaphore, #tpu.memory_space<semaphore_mem>>)
      %dma_wait3A_111 = arith.constant 0 : i32
      %dma_wait3A_112 = arith.constant 0 : i32
      %dma_wait3A_113 = tpu.memref_slice %arg4[%add3A, %dma_wait3A_111, %dma_wait3A_112] : memref<32x158x64xi32, #tpu.memory_space<hbm>> -> memref<1x158x64xi32, #tpu.memory_space<hbm>>
      %dma_wait3A_114 = tpu.memref_squeeze %dma_wait3A_113 : memref<1x158x64xi32, #tpu.memory_space<hbm>> -> memref<158x64xi32, #tpu.memory_space<hbm>>
      %dma_wait3A_115 = arith.constant 0 : i32
      %dma_wait3A_116 = arith.constant 0 : i32
      %dma_wait3A_117 = tpu.memref_slice %arg4[%add3A, %dma_wait3A_115, %dma_wait3A_116] : memref<32x158x64xi32, #tpu.memory_space<hbm>> -> memref<1x158x64xi32, #tpu.memory_space<hbm>>
      %dma_wait3A_118 = tpu.memref_squeeze %dma_wait3A_117 : memref<1x158x64xi32, #tpu.memory_space<hbm>> -> memref<158x64xi32, #tpu.memory_space<hbm>>
      tpu.wait_dma2 semaphore(%run_scoped3A : memref<!tpu.dma_semaphore, #tpu.memory_space<semaphore_mem>>) src(%dma_wait3A_118 : memref<158x64xi32, #tpu.memory_space<hbm>>) dst(%arg7 : memref<158x64xi32, #tpu.memory_space<vmem>>)
      tpu.yield
    }) : () -> ()
    %scan3A = arith.constant 0 : i32
    %scan3A_1 = arith.constant 0 : i32
    %scan3A_2 = arith.constant 512 : i32
    %scan3A_3 = arith.addi %scan3A_1, %scan3A_2 : i32
    %scan3A_4 = arith.constant 1 : i32
    %scan3A_5 = scf.for %scan3A_103 = %scan3A_1 to %scan3A_3 step %scan3A_4 iter_args(%scan3A_104 = %scan3A) -> (i32)  : i32 {
      %broadcast_in_dim3A = arith.constant 0.000000e+00 : f32
      %broadcast_in_dim3A_105 = vector.broadcast %broadcast_in_dim3A : f32 to vector<16xf32>
      %jit3A = arith.constant 8 : i32
      %div3A = arith.divsi %scan3A_103, %jit3A : i32
      %sign3A = arith.constant 0 : i32
      %sign3A_106 = arith.cmpi sgt, %scan3A_103, %sign3A : i32
      %sign3A_107 = arith.extui %sign3A_106 : i1 to i32
      %sign3A_108 = arith.constant 0 : i32
      %sign3A_109 = arith.cmpi slt, %scan3A_103, %sign3A_108 : i32
      %sign3A_110 = arith.extui %sign3A_109 : i1 to i32
      %sign3A_111 = arith.subi %sign3A_107, %sign3A_110 : i32
      %sign3A_112 = arith.constant 0 : i32
      %sign3A_113 = arith.cmpi sgt, %jit3A, %sign3A_112 : i32
      %sign3A_114 = arith.extui %sign3A_113 : i1 to i32
      %sign3A_115 = arith.constant 0 : i32
      %sign3A_116 = arith.cmpi slt, %jit3A, %sign3A_115 : i32
      %sign3A_117 = arith.extui %sign3A_116 : i1 to i32
      %sign3A_118 = arith.subi %sign3A_114, %sign3A_117 : i32
      %ne3A = arith.cmpi ne, %sign3A_111, %sign3A_118 : i32
      %rem3A = arith.remsi %scan3A_103, %jit3A : i32
      %ne3A_119 = arith.constant 0 : i32
      %ne3A_120 = arith.cmpi ne, %rem3A, %ne3A_119 : i32
      %and3A = arith.andi %ne3A, %ne3A_120 : i1
      %sub3A = arith.constant 1 : i32
      %sub3A_121 = arith.subi %div3A, %sub3A : i32
      %select_n3A = arith.select %and3A, %sub3A_121, %div3A : i32
      %jit3A_122 = arith.constant 8 : i32
      %eq3A = arith.constant 0 : i32
      %eq3A_123 = arith.cmpi eq, %jit3A_122, %eq3A : i32
      %jit3A_124 = arith.constant 1 : i32
      %select_n3A_125 = arith.select %eq3A_123, %jit3A_124, %jit3A_122 : i32
      %rem3A_126 = arith.remsi %scan3A_103, %select_n3A_125 : i32
      %ne3A_127 = arith.constant 0 : i32
      %ne3A_128 = arith.cmpi ne, %rem3A_126, %ne3A_127 : i32
      %lt3A = arith.constant 0 : i32
      %lt3A_129 = arith.cmpi slt, %rem3A_126, %lt3A : i32
      %lt3A_130 = arith.constant 0 : i32
      %lt3A_131 = arith.cmpi slt, %select_n3A_125, %lt3A_130 : i32
      %ne3A_132 = arith.xori %lt3A_129, %lt3A_131 : i1
      %and3A_133 = arith.andi %ne3A_132, %ne3A_128 : i1
      %add3A_134 = arith.addi %rem3A_126, %select_n3A_125 : i32
      %select_n3A_135 = arith.select %and3A_133, %add3A_134, %rem3A_126 : i32
      %mul3A_136 = arith.constant 16 : i32
      %mul3A_137 = arith.muli %select_n3A_135, %mul3A_136 : i32
      %swap3A = arith.index_cast %select_n3A : i32 to index
      %swap3A_138 = arith.index_cast %mul3A_137 : i32 to index
      %swap3A_139 = tpu.vector_load %arg8[%swap3A, %swap3A_138] {strides = array<i32>} : memref<64x128xf32, #tpu.memory_space<vmem>>, vector<16xf32>,
      tpu.vector_store %arg8[%swap3A, %swap3A_138], %broadcast_in_dim3A_105 {strides = array<i32>} : memref<64x128xf32, #tpu.memory_space<vmem>>, vector<16xf32>,
      %scan3A_140 = arith.constant 0 : i32
      scf.yield %scan3A_140 : i32
    }
    %scan3A_6 = arith.constant 512 : i32
    %mul3A_7 = arith.constant 640 : i32
    %mul3A_8 = arith.muli %arg1, %mul3A_7 : i32
    %add3A_9 = arith.constant 0 : i32
    %add3A_10 = arith.addi %mul3A_8, %add3A_9 : i32
    "tpu.region"() ({
      %run_scoped3A = tpu.sem_alloc : memref<!tpu.dma_semaphore, #tpu.memory_space<semaphore_mem>>
      %dma_start3A_103 = arith.constant 0 : i32
      %dma_start3A_104 = tpu.memref_slice %arg10[%add3A_10, %dma_start3A_103] : memref<10240x128xf32, #tpu.memory_space<vmem_shared>> -> memref<64x128xf32, #tpu.memory_space<vmem_shared>>
      %dma_start3A_105 = arith.constant 0 : i32
      %dma_start3A_106 = tpu.memref_slice %arg10[%add3A_10, %dma_start3A_105] : memref<10240x128xf32, #tpu.memory_space<vmem_shared>> -> memref<64x128xf32, #tpu.memory_space<vmem_shared>>
      tpu.enqueue_dma source(%arg8 : memref<64x128xf32, #tpu.memory_space<vmem>>) target(%dma_start3A_106 : memref<64x128xf32, #tpu.memory_space<vmem_shared>>) target_semaphore(%run_scoped3A : memref<!tpu.dma_semaphore, #tpu.memory_space<semaphore_mem>>)
      %dma_wait3A_107 = arith.constant 0 : i32
      %dma_wait3A_108 = tpu.memref_slice %arg10[%add3A_10, %dma_wait3A_107] : memref<10240x128xf32, #tpu.memory_space<vmem_shared>> -> memref<64x128xf32, #tpu.memory_space<vmem_shared>>
      %dma_wait3A_109 = arith.constant 0 : i32
      %dma_wait3A_110 = tpu.memref_slice %arg10[%add3A_10, %dma_wait3A_109] : memref<10240x128xf32, #tpu.memory_space<vmem_shared>> -> memref<64x128xf32, #tpu.memory_space<vmem_shared>>
      tpu.wait_dma2 semaphore(%run_scoped3A : memref<!tpu.dma_semaphore, #tpu.memory_space<semaphore_mem>>) src(%arg8 : memref<64x128xf32, #tpu.memory_space<vmem>>) dst(%dma_wait3A_110 : memref<64x128xf32, #tpu.memory_space<vmem_shared>>)
      tpu.yield
    }) : () -> ()
    %mul3A_11 = arith.constant 640 : i32
    %mul3A_12 = arith.muli %arg1, %mul3A_11 : i32
    %add3A_13 = arith.constant 64 : i32
    %add3A_14 = arith.addi %mul3A_12, %add3A_13 : i32
    "tpu.region"() ({
      %run_scoped3A = tpu.sem_alloc : memref<!tpu.dma_semaphore, #tpu.memory_space<semaphore_mem>>
      %dma_start3A_103 = arith.constant 0 : i32
      %dma_start3A_104 = tpu.memref_slice %arg10[%add3A_14, %dma_start3A_103] : memref<10240x128xf32, #tpu.memory_space<vmem_shared>> -> memref<64x128xf32, #tpu.memory_space<vmem_shared>>
      %dma_start3A_105 = arith.constant 0 : i32
      %dma_start3A_106 = tpu.memref_slice %arg10[%add3A_14, %dma_start3A_105] : memref<10240x128xf32, #tpu.memory_space<vmem_shared>> -> memref<64x128xf32, #tpu.memory_space<vmem_shared>>
      tpu.enqueue_dma source(%arg8 : memref<64x128xf32, #tpu.memory_space<vmem>>) target(%dma_start3A_106 : memref<64x128xf32, #tpu.memory_space<vmem_shared>>) target_semaphore(%run_scoped3A : memref<!tpu.dma_semaphore, #tpu.memory_space<semaphore_mem>>)
      %dma_wait3A_107 = arith.constant 0 : i32
      %dma_wait3A_108 = tpu.memref_slice %arg10[%add3A_14, %dma_wait3A_107] : memref<10240x128xf32, #tpu.memory_space<vmem_shared>> -> memref<64x128xf32, #tpu.memory_space<vmem_shared>>
      %dma_wait3A_109 = arith.constant 0 : i32
      %dma_wait3A_110 = tpu.memref_slice %arg10[%add3A_14, %dma_wait3A_109] : memref<10240x128xf32, #tpu.memory_space<vmem_shared>> -> memref<64x128xf32, #tpu.memory_space<vmem_shared>>
      tpu.wait_dma2 semaphore(%run_scoped3A : memref<!tpu.dma_semaphore, #tpu.memory_space<semaphore_mem>>) src(%arg8 : memref<64x128xf32, #tpu.memory_space<vmem>>) dst(%dma_wait3A_110 : memref<64x128xf32, #tpu.memory_space<vmem_shared>>)
      tpu.yield
    }) : () -> ()
    %mul3A_15 = arith.constant 640 : i32
    %mul3A_16 = arith.muli %arg1, %mul3A_15 : i32
    %add3A_17 = arith.constant 128 : i32
    %add3A_18 = arith.addi %mul3A_16, %add3A_17 : i32
    "tpu.region"() ({
      %run_scoped3A = tpu.sem_alloc : memref<!tpu.dma_semaphore, #tpu.memory_space<semaphore_mem>>
      %dma_start3A_103 = arith.constant 0 : i32
      %dma_start3A_104 = tpu.memref_slice %arg10[%add3A_18, %dma_start3A_103] : memref<10240x128xf32, #tpu.memory_space<vmem_shared>> -> memref<64x128xf32, #tpu.memory_space<vmem_shared>>
      %dma_start3A_105 = arith.constant 0 : i32
      %dma_start3A_106 = tpu.memref_slice %arg10[%add3A_18, %dma_start3A_105] : memref<10240x128xf32, #tpu.memory_space<vmem_shared>> -> memref<64x128xf32, #tpu.memory_space<vmem_shared>>
      tpu.enqueue_dma source(%arg8 : memref<64x128xf32, #tpu.memory_space<vmem>>) target(%dma_start3A_106 : memref<64x128xf32, #tpu.memory_space<vmem_shared>>) target_semaphore(%run_scoped3A : memref<!tpu.dma_semaphore, #tpu.memory_space<semaphore_mem>>)
      %dma_wait3A_107 = arith.constant 0 : i32
      %dma_wait3A_108 = tpu.memref_slice %arg10[%add3A_18, %dma_wait3A_107] : memref<10240x128xf32, #tpu.memory_space<vmem_shared>> -> memref<64x128xf32, #tpu.memory_space<vmem_shared>>
      %dma_wait3A_109 = arith.constant 0 : i32
      %dma_wait3A_110 = tpu.memref_slice %arg10[%add3A_18, %dma_wait3A_109] : memref<10240x128xf32, #tpu.memory_space<vmem_shared>> -> memref<64x128xf32, #tpu.memory_space<vmem_shared>>
      tpu.wait_dma2 semaphore(%run_scoped3A : memref<!tpu.dma_semaphore, #tpu.memory_space<semaphore_mem>>) src(%arg8 : memref<64x128xf32, #tpu.memory_space<vmem>>) dst(%dma_wait3A_110 : memref<64x128xf32, #tpu.memory_space<vmem_shared>>)
      tpu.yield
    }) : () -> ()
    %mul3A_19 = arith.constant 640 : i32
    %mul3A_20 = arith.muli %arg1, %mul3A_19 : i32
    %add3A_21 = arith.constant 192 : i32
    %add3A_22 = arith.addi %mul3A_20, %add3A_21 : i32
    "tpu.region"() ({
      %run_scoped3A = tpu.sem_alloc : memref<!tpu.dma_semaphore, #tpu.memory_space<semaphore_mem>>
      %dma_start3A_103 = arith.constant 0 : i32
      %dma_start3A_104 = tpu.memref_slice %arg10[%add3A_22, %dma_start3A_103] : memref<10240x128xf32, #tpu.memory_space<vmem_shared>> -> memref<64x128xf32, #tpu.memory_space<vmem_shared>>
      %dma_start3A_105 = arith.constant 0 : i32
      %dma_start3A_106 = tpu.memref_slice %arg10[%add3A_22, %dma_start3A_105] : memref<10240x128xf32, #tpu.memory_space<vmem_shared>> -> memref<64x128xf32, #tpu.memory_space<vmem_shared>>
      tpu.enqueue_dma source(%arg8 : memref<64x128xf32, #tpu.memory_space<vmem>>) target(%dma_start3A_106 : memref<64x128xf32, #tpu.memory_space<vmem_shared>>) target_semaphore(%run_scoped3A : memref<!tpu.dma_semaphore, #tpu.memory_space<semaphore_mem>>)
      %dma_wait3A_107 = arith.constant 0 : i32
      %dma_wait3A_108 = tpu.memref_slice %arg10[%add3A_22, %dma_wait3A_107] : memref<10240x128xf32, #tpu.memory_space<vmem_shared>> -> memref<64x128xf32, #tpu.memory_space<vmem_shared>>
      %dma_wait3A_109 = arith.constant 0 : i32
      %dma_wait3A_110 = tpu.memref_slice %arg10[%add3A_22, %dma_wait3A_109] : memref<10240x128xf32, #tpu.memory_space<vmem_shared>> -> memref<64x128xf32, #tpu.memory_space<vmem_shared>>
      tpu.wait_dma2 semaphore(%run_scoped3A : memref<!tpu.dma_semaphore, #tpu.memory_space<semaphore_mem>>) src(%arg8 : memref<64x128xf32, #tpu.memory_space<vmem>>) dst(%dma_wait3A_110 : memref<64x128xf32, #tpu.memory_space<vmem_shared>>)
      tpu.yield
    }) : () -> ()
    %mul3A_23 = arith.constant 640 : i32
    %mul3A_24 = arith.muli %arg1, %mul3A_23 : i32
    %add3A_25 = arith.constant 256 : i32
    %add3A_26 = arith.addi %mul3A_24, %add3A_25 : i32
    "tpu.region"() ({
      %run_scoped3A = tpu.sem_alloc : memref<!tpu.dma_semaphore, #tpu.memory_space<semaphore_mem>>
      %dma_start3A_103 = arith.constant 0 : i32
      %dma_start3A_104 = tpu.memref_slice %arg10[%add3A_26, %dma_start3A_103] : memref<10240x128xf32, #tpu.memory_space<vmem_shared>> -> memref<64x128xf32, #tpu.memory_space<vmem_shared>>
      %dma_start3A_105 = arith.constant 0 : i32
      %dma_start3A_106 = tpu.memref_slice %arg10[%add3A_26, %dma_start3A_105] : memref<10240x128xf32, #tpu.memory_space<vmem_shared>> -> memref<64x128xf32, #tpu.memory_space<vmem_shared>>
      tpu.enqueue_dma source(%arg8 : memref<64x128xf32, #tpu.memory_space<vmem>>) target(%dma_start3A_106 : memref<64x128xf32, #tpu.memory_space<vmem_shared>>) target_semaphore(%run_scoped3A : memref<!tpu.dma_semaphore, #tpu.memory_space<semaphore_mem>>)
      %dma_wait3A_107 = arith.constant 0 : i32
      %dma_wait3A_108 = tpu.memref_slice %arg10[%add3A_26, %dma_wait3A_107] : memref<10240x128xf32, #tpu.memory_space<vmem_shared>> -> memref<64x128xf32, #tpu.memory_space<vmem_shared>>
      %dma_wait3A_109 = arith.constant 0 : i32
      %dma_wait3A_110 = tpu.memref_slice %arg10[%add3A_26, %dma_wait3A_109] : memref<10240x128xf32, #tpu.memory_space<vmem_shared>> -> memref<64x128xf32, #tpu.memory_space<vmem_shared>>
      tpu.wait_dma2 semaphore(%run_scoped3A : memref<!tpu.dma_semaphore, #tpu.memory_space<semaphore_mem>>) src(%arg8 : memref<64x128xf32, #tpu.memory_space<vmem>>) dst(%dma_wait3A_110 : memref<64x128xf32, #tpu.memory_space<vmem_shared>>)
      tpu.yield
    }) : () -> ()
    %mul3A_27 = arith.constant 640 : i32
    %mul3A_28 = arith.muli %arg1, %mul3A_27 : i32
    %add3A_29 = arith.constant 320 : i32
    %add3A_30 = arith.addi %mul3A_28, %add3A_29 : i32
    "tpu.region"() ({
      %run_scoped3A = tpu.sem_alloc : memref<!tpu.dma_semaphore, #tpu.memory_space<semaphore_mem>>
      %dma_start3A_103 = arith.constant 0 : i32
      %dma_start3A_104 = tpu.memref_slice %arg10[%add3A_30, %dma_start3A_103] : memref<10240x128xf32, #tpu.memory_space<vmem_shared>> -> memref<64x128xf32, #tpu.memory_space<vmem_shared>>
      %dma_start3A_105 = arith.constant 0 : i32
      %dma_start3A_106 = tpu.memref_slice %arg10[%add3A_30, %dma_start3A_105] : memref<10240x128xf32, #tpu.memory_space<vmem_shared>> -> memref<64x128xf32, #tpu.memory_space<vmem_shared>>
      tpu.enqueue_dma source(%arg8 : memref<64x128xf32, #tpu.memory_space<vmem>>) target(%dma_start3A_106 : memref<64x128xf32, #tpu.memory_space<vmem_shared>>) target_semaphore(%run_scoped3A : memref<!tpu.dma_semaphore, #tpu.memory_space<semaphore_mem>>)
      %dma_wait3A_107 = arith.constant 0 : i32
      %dma_wait3A_108 = tpu.memref_slice %arg10[%add3A_30, %dma_wait3A_107] : memref<10240x128xf32, #tpu.memory_space<vmem_shared>> -> memref<64x128xf32, #tpu.memory_space<vmem_shared>>
      %dma_wait3A_109 = arith.constant 0 : i32
      %dma_wait3A_110 = tpu.memref_slice %arg10[%add3A_30, %dma_wait3A_109] : memref<10240x128xf32, #tpu.memory_space<vmem_shared>> -> memref<64x128xf32, #tpu.memory_space<vmem_shared>>
      tpu.wait_dma2 semaphore(%run_scoped3A : memref<!tpu.dma_semaphore, #tpu.memory_space<semaphore_mem>>) src(%arg8 : memref<64x128xf32, #tpu.memory_space<vmem>>) dst(%dma_wait3A_110 : memref<64x128xf32, #tpu.memory_space<vmem_shared>>)
      tpu.yield
    }) : () -> ()
    %mul3A_31 = arith.constant 640 : i32
    %mul3A_32 = arith.muli %arg1, %mul3A_31 : i32
    %add3A_33 = arith.constant 384 : i32
    %add3A_34 = arith.addi %mul3A_32, %add3A_33 : i32
    "tpu.region"() ({
      %run_scoped3A = tpu.sem_alloc : memref<!tpu.dma_semaphore, #tpu.memory_space<semaphore_mem>>
      %dma_start3A_103 = arith.constant 0 : i32
      %dma_start3A_104 = tpu.memref_slice %arg10[%add3A_34, %dma_start3A_103] : memref<10240x128xf32, #tpu.memory_space<vmem_shared>> -> memref<64x128xf32, #tpu.memory_space<vmem_shared>>
      %dma_start3A_105 = arith.constant 0 : i32
      %dma_start3A_106 = tpu.memref_slice %arg10[%add3A_34, %dma_start3A_105] : memref<10240x128xf32, #tpu.memory_space<vmem_shared>> -> memref<64x128xf32, #tpu.memory_space<vmem_shared>>
      tpu.enqueue_dma source(%arg8 : memref<64x128xf32, #tpu.memory_space<vmem>>) target(%dma_start3A_106 : memref<64x128xf32, #tpu.memory_space<vmem_shared>>) target_semaphore(%run_scoped3A : memref<!tpu.dma_semaphore, #tpu.memory_space<semaphore_mem>>)
      %dma_wait3A_107 = arith.constant 0 : i32
      %dma_wait3A_108 = tpu.memref_slice %arg10[%add3A_34, %dma_wait3A_107] : memref<10240x128xf32, #tpu.memory_space<vmem_shared>> -> memref<64x128xf32, #tpu.memory_space<vmem_shared>>
      %dma_wait3A_109 = arith.constant 0 : i32
      %dma_wait3A_110 = tpu.memref_slice %arg10[%add3A_34, %dma_wait3A_109] : memref<10240x128xf32, #tpu.memory_space<vmem_shared>> -> memref<64x128xf32, #tpu.memory_space<vmem_shared>>
      tpu.wait_dma2 semaphore(%run_scoped3A : memref<!tpu.dma_semaphore, #tpu.memory_space<semaphore_mem>>) src(%arg8 : memref<64x128xf32, #tpu.memory_space<vmem>>) dst(%dma_wait3A_110 : memref<64x128xf32, #tpu.memory_space<vmem_shared>>)
      tpu.yield
    }) : () -> ()
    %mul3A_35 = arith.constant 640 : i32
    %mul3A_36 = arith.muli %arg1, %mul3A_35 : i32
    %add3A_37 = arith.constant 448 : i32
    %add3A_38 = arith.addi %mul3A_36, %add3A_37 : i32
    "tpu.region"() ({
      %run_scoped3A = tpu.sem_alloc : memref<!tpu.dma_semaphore, #tpu.memory_space<semaphore_mem>>
      %dma_start3A_103 = arith.constant 0 : i32
      %dma_start3A_104 = tpu.memref_slice %arg10[%add3A_38, %dma_start3A_103] : memref<10240x128xf32, #tpu.memory_space<vmem_shared>> -> memref<64x128xf32, #tpu.memory_space<vmem_shared>>
      %dma_start3A_105 = arith.constant 0 : i32
      %dma_start3A_106 = tpu.memref_slice %arg10[%add3A_38, %dma_start3A_105] : memref<10240x128xf32, #tpu.memory_space<vmem_shared>> -> memref<64x128xf32, #tpu.memory_space<vmem_shared>>
      tpu.enqueue_dma source(%arg8 : memref<64x128xf32, #tpu.memory_space<vmem>>) target(%dma_start3A_106 : memref<64x128xf32, #tpu.memory_space<vmem_shared>>) target_semaphore(%run_scoped3A : memref<!tpu.dma_semaphore, #tpu.memory_space<semaphore_mem>>)
      %dma_wait3A_107 = arith.constant 0 : i32
      %dma_wait3A_108 = tpu.memref_slice %arg10[%add3A_38, %dma_wait3A_107] : memref<10240x128xf32, #tpu.memory_space<vmem_shared>> -> memref<64x128xf32, #tpu.memory_space<vmem_shared>>
      %dma_wait3A_109 = arith.constant 0 : i32
      %dma_wait3A_110 = tpu.memref_slice %arg10[%add3A_38, %dma_wait3A_109] : memref<10240x128xf32, #tpu.memory_space<vmem_shared>> -> memref<64x128xf32, #tpu.memory_space<vmem_shared>>
      tpu.wait_dma2 semaphore(%run_scoped3A : memref<!tpu.dma_semaphore, #tpu.memory_space<semaphore_mem>>) src(%arg8 : memref<64x128xf32, #tpu.memory_space<vmem>>) dst(%dma_wait3A_110 : memref<64x128xf32, #tpu.memory_space<vmem_shared>>)
      tpu.yield
    }) : () -> ()
    %mul3A_39 = arith.constant 640 : i32
    %mul3A_40 = arith.muli %arg1, %mul3A_39 : i32
    %add3A_41 = arith.constant 512 : i32
    %add3A_42 = arith.addi %mul3A_40, %add3A_41 : i32
    "tpu.region"() ({
      %run_scoped3A = tpu.sem_alloc : memref<!tpu.dma_semaphore, #tpu.memory_space<semaphore_mem>>
      %dma_start3A_103 = arith.constant 0 : i32
      %dma_start3A_104 = tpu.memref_slice %arg10[%add3A_42, %dma_start3A_103] : memref<10240x128xf32, #tpu.memory_space<vmem_shared>> -> memref<64x128xf32, #tpu.memory_space<vmem_shared>>
      %dma_start3A_105 = arith.constant 0 : i32
      %dma_start3A_106 = tpu.memref_slice %arg10[%add3A_42, %dma_start3A_105] : memref<10240x128xf32, #tpu.memory_space<vmem_shared>> -> memref<64x128xf32, #tpu.memory_space<vmem_shared>>
      tpu.enqueue_dma source(%arg8 : memref<64x128xf32, #tpu.memory_space<vmem>>) target(%dma_start3A_106 : memref<64x128xf32, #tpu.memory_space<vmem_shared>>) target_semaphore(%run_scoped3A : memref<!tpu.dma_semaphore, #tpu.memory_space<semaphore_mem>>)
      %dma_wait3A_107 = arith.constant 0 : i32
      %dma_wait3A_108 = tpu.memref_slice %arg10[%add3A_42, %dma_wait3A_107] : memref<10240x128xf32, #tpu.memory_space<vmem_shared>> -> memref<64x128xf32, #tpu.memory_space<vmem_shared>>
      %dma_wait3A_109 = arith.constant 0 : i32
      %dma_wait3A_110 = tpu.memref_slice %arg10[%add3A_42, %dma_wait3A_109] : memref<10240x128xf32, #tpu.memory_space<vmem_shared>> -> memref<64x128xf32, #tpu.memory_space<vmem_shared>>
      tpu.wait_dma2 semaphore(%run_scoped3A : memref<!tpu.dma_semaphore, #tpu.memory_space<semaphore_mem>>) src(%arg8 : memref<64x128xf32, #tpu.memory_space<vmem>>) dst(%dma_wait3A_110 : memref<64x128xf32, #tpu.memory_space<vmem_shared>>)
      tpu.yield
    }) : () -> ()
    %mul3A_43 = arith.constant 640 : i32
    %mul3A_44 = arith.muli %arg1, %mul3A_43 : i32
    %add3A_45 = arith.constant 576 : i32
    %add3A_46 = arith.addi %mul3A_44, %add3A_45 : i32
    "tpu.region"() ({
      %run_scoped3A = tpu.sem_alloc : memref<!tpu.dma_semaphore, #tpu.memory_space<semaphore_mem>>
      %dma_start3A_103 = arith.constant 0 : i32
      %dma_start3A_104 = tpu.memref_slice %arg10[%add3A_46, %dma_start3A_103] : memref<10240x128xf32, #tpu.memory_space<vmem_shared>> -> memref<64x128xf32, #tpu.memory_space<vmem_shared>>
      %dma_start3A_105 = arith.constant 0 : i32
      %dma_start3A_106 = tpu.memref_slice %arg10[%add3A_46, %dma_start3A_105] : memref<10240x128xf32, #tpu.memory_space<vmem_shared>> -> memref<64x128xf32, #tpu.memory_space<vmem_shared>>
      tpu.enqueue_dma source(%arg8 : memref<64x128xf32, #tpu.memory_space<vmem>>) target(%dma_start3A_106 : memref<64x128xf32, #tpu.memory_space<vmem_shared>>) target_semaphore(%run_scoped3A : memref<!tpu.dma_semaphore, #tpu.memory_space<semaphore_mem>>)
      %dma_wait3A_107 = arith.constant 0 : i32
      %dma_wait3A_108 = tpu.memref_slice %arg10[%add3A_46, %dma_wait3A_107] : memref<10240x128xf32, #tpu.memory_space<vmem_shared>> -> memref<64x128xf32, #tpu.memory_space<vmem_shared>>
      %dma_wait3A_109 = arith.constant 0 : i32
      %dma_wait3A_110 = tpu.memref_slice %arg10[%add3A_46, %dma_wait3A_109] : memref<10240x128xf32, #tpu.memory_space<vmem_shared>> -> memref<64x128xf32, #tpu.memory_space<vmem_shared>>
      tpu.wait_dma2 semaphore(%run_scoped3A : memref<!tpu.dma_semaphore, #tpu.memory_space<semaphore_mem>>) src(%arg8 : memref<64x128xf32, #tpu.memory_space<vmem>>) dst(%dma_wait3A_110 : memref<64x128xf32, #tpu.memory_space<vmem_shared>>)
      tpu.yield
    }) : () -> ()
    %barrier3A = arith.constant 0 : index
    tpu.barrier barrier_id(%barrier3A)
    %dma_start3A = arith.constant 0 : i32
    %dma_start3A_47 = tpu.memref_slice %arg6[%dma_start3A] : memref<10112xi32, #tpu.memory_space<vmem>> -> memref<64xi32, #tpu.memory_space<vmem>>
    %dma_start3A_48 = arith.constant 0 : i32
    %dma_start3A_49 = arith.constant 0 : i32
    %dma_start3A_50 = tpu.memref_slice %arg2[%dma_start3A_48, %dma_start3A_49] : memref<10240x128xf32, #tpu.memory_space<hbm>> -> memref<10240x128xf32, #tpu.memory_space<hbm>>
    tpu.enqueue_indirect_dma source(%dma_start3A_50 : memref<10240x128xf32, #tpu.memory_space<hbm>>) target(%arg8 : memref<64x128xf32, #tpu.memory_space<vmem>>) offsets(%dma_start3A_47 : memref<64xi32, #tpu.memory_space<vmem>>) semaphore(%arg11 : memref<!tpu.dma_semaphore, #tpu.memory_space<semaphore_mem>>)
    %scan3A_51 = arith.constant 0 : i32
    %scan3A_52 = arith.constant 0 : i32
    %scan3A_53 = arith.constant 79 : i32
    %scan3A_54 = arith.addi %scan3A_52, %scan3A_53 : i32
    %scan3A_55 = arith.constant 1 : i32
    %scan3A_56 = scf.for %scan3A_103 = %scan3A_52 to %scan3A_54 step %scan3A_55 iter_args(%scan3A_104 = %scan3A_51) -> (i32)  : i32 {
      %mul3A_105 = arith.constant 2 : i32
      %mul3A_106 = arith.muli %mul3A_105, %scan3A_103 : i32
      %mul3A_107 = arith.constant 64 : i32
      %mul3A_108 = arith.muli %mul3A_106, %mul3A_107 : i32
      %dma_wait3A_109 = tpu.memref_slice %arg6[%mul3A_108] : memref<10112xi32, #tpu.memory_space<vmem>> -> memref<64xi32, #tpu.memory_space<vmem>>
      %dma_wait3A_110 = arith.constant 0 : i32
      %dma_wait3A_111 = arith.constant 0 : i32
      %dma_wait3A_112 = tpu.memref_slice %arg2[%dma_wait3A_110, %dma_wait3A_111] : memref<10240x128xf32, #tpu.memory_space<hbm>> -> memref<10240x128xf32, #tpu.memory_space<hbm>>
      tpu.wait_indirect_dma semaphore(%arg11 : memref<!tpu.dma_semaphore, #tpu.memory_space<semaphore_mem>>) src(%dma_wait3A_112 : memref<10240x128xf32, #tpu.memory_space<hbm>>) dst(%arg8 : memref<64x128xf32, #tpu.memory_space<vmem>>)
      %add3A_113 = arith.constant 1 : i32
      %add3A_114 = arith.addi %mul3A_106, %add3A_113 : i32
      %mul3A_115 = arith.constant 64 : i32
      %mul3A_116 = arith.muli %add3A_114, %mul3A_115 : i32
      %dma_start3A_117 = tpu.memref_slice %arg6[%mul3A_116] : memref<10112xi32, #tpu.memory_space<vmem>> -> memref<64xi32, #tpu.memory_space<vmem>>
      %dma_start3A_118 = arith.constant 0 : i32
      %dma_start3A_119 = arith.constant 0 : i32
      %dma_start3A_120 = tpu.memref_slice %arg2[%dma_start3A_118, %dma_start3A_119] : memref<10240x128xf32, #tpu.memory_space<hbm>> -> memref<10240x128xf32, #tpu.memory_space<hbm>>
      tpu.enqueue_indirect_dma source(%dma_start3A_120 : memref<10240x128xf32, #tpu.memory_space<hbm>>) target(%arg9 : memref<64x128xf32, #tpu.memory_space<vmem>>) offsets(%dma_start3A_117 : memref<64xi32, #tpu.memory_space<vmem>>) semaphore(%arg12 : memref<!tpu.dma_semaphore, #tpu.memory_space<semaphore_mem>>)
      "tpu.region"() ({
        %run_scoped3A = tpu.sem_alloc : memref<!tpu.dma_semaphore, #tpu.memory_space<semaphore_mem>>
        %dma_start3A_141 = arith.constant 0 : i32
        %dma_start3A_142 = tpu.memref_slice %arg7[%mul3A_106, %dma_start3A_141] : memref<158x64xi32, #tpu.memory_space<vmem>> -> memref<1x64xi32, #tpu.memory_space<vmem>>
        %dma_start3A_143 = tpu.memref_squeeze %dma_start3A_142 : memref<1x64xi32, #tpu.memory_space<vmem>> -> memref<64xi32, #tpu.memory_space<vmem>>
        %dma_start3A_144 = arith.constant 0 : i32
        %dma_start3A_145 = arith.constant 0 : i32
        %dma_start3A_146 = tpu.memref_slice %arg10[%dma_start3A_144, %dma_start3A_145] : memref<10240x128xf32, #tpu.memory_space<vmem_shared>> -> memref<10240x128xf32, #tpu.memory_space<vmem_shared>>
        tpu.enqueue_indirect_dma source(%arg8 : memref<64x128xf32, #tpu.memory_space<vmem>>) target(%dma_start3A_146 : memref<10240x128xf32, #tpu.memory_space<vmem_shared>>) offsets(%dma_start3A_143 : memref<64xi32, #tpu.memory_space<vmem>>) semaphore(%run_scoped3A : memref<!tpu.dma_semaphore, #tpu.memory_space<semaphore_mem>>) {add = true}
        %dma_wait3A_147 = arith.constant 0 : i32
        %dma_wait3A_148 = tpu.memref_slice %arg7[%mul3A_106, %dma_wait3A_147] : memref<158x64xi32, #tpu.memory_space<vmem>> -> memref<1x64xi32, #tpu.memory_space<vmem>>
        %dma_wait3A_149 = tpu.memref_squeeze %dma_wait3A_148 : memref<1x64xi32, #tpu.memory_space<vmem>> -> memref<64xi32, #tpu.memory_space<vmem>>
        %dma_wait3A_150 = arith.constant 0 : i32
        %dma_wait3A_151 = arith.constant 0 : i32
        %dma_wait3A_152 = tpu.memref_slice %arg10[%dma_wait3A_150, %dma_wait3A_151] : memref<10240x128xf32, #tpu.memory_space<vmem_shared>> -> memref<10240x128xf32, #tpu.memory_space<vmem_shared>>
        tpu.wait_indirect_dma semaphore(%run_scoped3A : memref<!tpu.dma_semaphore, #tpu.memory_space<semaphore_mem>>) src(%arg8 : memref<64x128xf32, #tpu.memory_space<vmem>>) dst(%dma_wait3A_152 : memref<10240x128xf32, #tpu.memory_space<vmem_shared>>)
        tpu.yield
      }) : () -> ()
      %add3A_121 = arith.constant 2 : i32
      %add3A_122 = arith.addi %mul3A_106, %add3A_121 : i32
      %min3A = arith.constant 157 : i32
      %min3A_123 = arith.minsi %add3A_122, %min3A : i32
      %mul3A_124 = arith.constant 64 : i32
      %mul3A_125 = arith.muli %min3A_123, %mul3A_124 : i32
      %dma_start3A_126 = tpu.memref_slice %arg6[%mul3A_125] : memref<10112xi32, #tpu.memory_space<vmem>> -> memref<64xi32, #tpu.memory_space<vmem>>
      %dma_start3A_127 = arith.constant 0 : i32
      %dma_start3A_128 = arith.constant 0 : i32
      %dma_start3A_129 = tpu.memref_slice %arg2[%dma_start3A_127, %dma_start3A_128] : memref<10240x128xf32, #tpu.memory_space<hbm>> -> memref<10240x128xf32, #tpu.memory_space<hbm>>
      tpu.enqueue_indirect_dma source(%dma_start3A_129 : memref<10240x128xf32, #tpu.memory_space<hbm>>) target(%arg8 : memref<64x128xf32, #tpu.memory_space<vmem>>) offsets(%dma_start3A_126 : memref<64xi32, #tpu.memory_space<vmem>>) semaphore(%arg11 : memref<!tpu.dma_semaphore, #tpu.memory_space<semaphore_mem>>)
      %add3A_130 = arith.constant 1 : i32
      %add3A_131 = arith.addi %mul3A_106, %add3A_130 : i32
      %mul3A_132 = arith.constant 64 : i32
      %mul3A_133 = arith.muli %add3A_131, %mul3A_132 : i32
      %dma_wait3A_134 = tpu.memref_slice %arg6[%mul3A_133] : memref<10112xi32, #tpu.memory_space<vmem>> -> memref<64xi32, #tpu.memory_space<vmem>>
      %dma_wait3A_135 = arith.constant 0 : i32
      %dma_wait3A_136 = arith.constant 0 : i32
      %dma_wait3A_137 = tpu.memref_slice %arg2[%dma_wait3A_135, %dma_wait3A_136] : memref<10240x128xf32, #tpu.memory_space<hbm>> -> memref<10240x128xf32, #tpu.memory_space<hbm>>
      tpu.wait_indirect_dma semaphore(%arg12 : memref<!tpu.dma_semaphore, #tpu.memory_space<semaphore_mem>>) src(%dma_wait3A_137 : memref<10240x128xf32, #tpu.memory_space<hbm>>) dst(%arg9 : memref<64x128xf32, #tpu.memory_space<vmem>>)
      %add3A_138 = arith.constant 1 : i32
      %add3A_139 = arith.addi %mul3A_106, %add3A_138 : i32
      "tpu.region"() ({
        %run_scoped3A = tpu.sem_alloc : memref<!tpu.dma_semaphore, #tpu.memory_space<semaphore_mem>>
        %dma_start3A_141 = arith.constant 0 : i32
        %dma_start3A_142 = tpu.memref_slice %arg7[%add3A_139, %dma_start3A_141] : memref<158x64xi32, #tpu.memory_space<vmem>> -> memref<1x64xi32, #tpu.memory_space<vmem>>
        %dma_start3A_143 = tpu.memref_squeeze %dma_start3A_142 : memref<1x64xi32, #tpu.memory_space<vmem>> -> memref<64xi32, #tpu.memory_space<vmem>>
        %dma_start3A_144 = arith.constant 0 : i32
        %dma_start3A_145 = arith.constant 0 : i32
        %dma_start3A_146 = tpu.memref_slice %arg10[%dma_start3A_144, %dma_start3A_145] : memref<10240x128xf32, #tpu.memory_space<vmem_shared>> -> memref<10240x128xf32, #tpu.memory_space<vmem_shared>>
        tpu.enqueue_indirect_dma source(%arg9 : memref<64x128xf32, #tpu.memory_space<vmem>>) target(%dma_start3A_146 : memref<10240x128xf32, #tpu.memory_space<vmem_shared>>) offsets(%dma_start3A_143 : memref<64xi32, #tpu.memory_space<vmem>>) semaphore(%run_scoped3A : memref<!tpu.dma_semaphore, #tpu.memory_space<semaphore_mem>>) {add = true}
        %dma_wait3A_147 = arith.constant 0 : i32
        %dma_wait3A_148 = tpu.memref_slice %arg7[%add3A_139, %dma_wait3A_147] : memref<158x64xi32, #tpu.memory_space<vmem>> -> memref<1x64xi32, #tpu.memory_space<vmem>>
        %dma_wait3A_149 = tpu.memref_squeeze %dma_wait3A_148 : memref<1x64xi32, #tpu.memory_space<vmem>> -> memref<64xi32, #tpu.memory_space<vmem>>
        %dma_wait3A_150 = arith.constant 0 : i32
        %dma_wait3A_151 = arith.constant 0 : i32
        %dma_wait3A_152 = tpu.memref_slice %arg10[%dma_wait3A_150, %dma_wait3A_151] : memref<10240x128xf32, #tpu.memory_space<vmem_shared>> -> memref<10240x128xf32, #tpu.memory_space<vmem_shared>>
        tpu.wait_indirect_dma semaphore(%run_scoped3A : memref<!tpu.dma_semaphore, #tpu.memory_space<semaphore_mem>>) src(%arg9 : memref<64x128xf32, #tpu.memory_space<vmem>>) dst(%dma_wait3A_152 : memref<10240x128xf32, #tpu.memory_space<vmem_shared>>)
        tpu.yield
      }) : () -> ()
      %scan3A_140 = arith.constant 0 : i32
      scf.yield %scan3A_140 : i32
    }
    %scan3A_57 = arith.constant 79 : i32
    %dma_wait3A = arith.constant 0 : i32
    %dma_wait3A_58 = tpu.memref_slice %arg6[%dma_wait3A] : memref<10112xi32, #tpu.memory_space<vmem>> -> memref<64xi32, #tpu.memory_space<vmem>>
    %dma_wait3A_59 = arith.constant 0 : i32
    %dma_wait3A_60 = arith.constant 0 : i32
    %dma_wait3A_61 = tpu.memref_slice %arg2[%dma_wait3A_59, %dma_wait3A_60] : memref<10240x128xf32, #tpu.memory_space<hbm>> -> memref<10240x128xf32, #tpu.memory_space<hbm>>
    tpu.wait_indirect_dma semaphore(%arg11 : memref<!tpu.dma_semaphore, #tpu.memory_space<semaphore_mem>>) src(%dma_wait3A_61 : memref<10240x128xf32, #tpu.memory_space<hbm>>) dst(%arg8 : memref<64x128xf32, #tpu.memory_space<vmem>>)
    %barrier3A_62 = arith.constant 0 : index
    tpu.barrier barrier_id(%barrier3A_62)
    %mul3A_63 = arith.constant 640 : i32
    %mul3A_64 = arith.muli %arg1, %mul3A_63 : i32
    %add3A_65 = arith.constant 0 : i32
    %add3A_66 = arith.addi %mul3A_64, %add3A_65 : i32
    "tpu.region"() ({
      %run_scoped3A = tpu.sem_alloc : memref<!tpu.dma_semaphore, #tpu.memory_space<semaphore_mem>>
      %dma_start3A_103 = arith.constant 0 : i32
      %dma_start3A_104 = tpu.memref_slice %arg10[%add3A_66, %dma_start3A_103] : memref<10240x128xf32, #tpu.memory_space<vmem_shared>> -> memref<64x128xf32, #tpu.memory_space<vmem_shared>>
      %dma_start3A_105 = arith.constant 0 : i32
      %dma_start3A_106 = tpu.memref_slice %arg10[%add3A_66, %dma_start3A_105] : memref<10240x128xf32, #tpu.memory_space<vmem_shared>> -> memref<64x128xf32, #tpu.memory_space<vmem_shared>>
      tpu.enqueue_dma source(%dma_start3A_106 : memref<64x128xf32, #tpu.memory_space<vmem_shared>>) target(%arg8 : memref<64x128xf32, #tpu.memory_space<vmem>>) target_semaphore(%run_scoped3A : memref<!tpu.dma_semaphore, #tpu.memory_space<semaphore_mem>>)
      %dma_wait3A_107 = arith.constant 0 : i32
      %dma_wait3A_108 = tpu.memref_slice %arg10[%add3A_66, %dma_wait3A_107] : memref<10240x128xf32, #tpu.memory_space<vmem_shared>> -> memref<64x128xf32, #tpu.memory_space<vmem_shared>>
      %dma_wait3A_109 = arith.constant 0 : i32
      %dma_wait3A_110 = tpu.memref_slice %arg10[%add3A_66, %dma_wait3A_109] : memref<10240x128xf32, #tpu.memory_space<vmem_shared>> -> memref<64x128xf32, #tpu.memory_space<vmem_shared>>
      tpu.wait_dma2 semaphore(%run_scoped3A : memref<!tpu.dma_semaphore, #tpu.memory_space<semaphore_mem>>) src(%dma_wait3A_110 : memref<64x128xf32, #tpu.memory_space<vmem_shared>>) dst(%arg8 : memref<64x128xf32, #tpu.memory_space<vmem>>)
      tpu.yield
    }) : () -> ()
    "tpu.region"() ({
      %run_scoped3A = tpu.sem_alloc : memref<!tpu.dma_semaphore, #tpu.memory_space<semaphore_mem>>
      %dma_start3A_103 = arith.constant 0 : i32
      %dma_start3A_104 = tpu.memref_slice %arg5[%arg0, %add3A_66, %dma_start3A_103] : memref<2x10240x128xf32, #tpu.memory_space<hbm>> -> memref<1x64x128xf32, #tpu.memory_space<hbm>>
      %dma_start3A_105 = tpu.memref_squeeze %dma_start3A_104 : memref<1x64x128xf32, #tpu.memory_space<hbm>> -> memref<64x128xf32, #tpu.memory_space<hbm>>
      %dma_start3A_106 = arith.constant 0 : i32
      %dma_start3A_107 = tpu.memref_slice %arg5[%arg0, %add3A_66, %dma_start3A_106] : memref<2x10240x128xf32, #tpu.memory_space<hbm>> -> memref<1x64x128xf32, #tpu.memory_space<hbm>>
      %dma_start3A_108 = tpu.memref_squeeze %dma_start3A_107 : memref<1x64x128xf32, #tpu.memory_space<hbm>> -> memref<64x128xf32, #tpu.memory_space<hbm>>
      tpu.enqueue_dma source(%arg8 : memref<64x128xf32, #tpu.memory_space<vmem>>) target(%dma_start3A_108 : memref<64x128xf32, #tpu.memory_space<hbm>>) target_semaphore(%run_scoped3A : memref<!tpu.dma_semaphore, #tpu.memory_space<semaphore_mem>>)
      %dma_wait3A_109 = arith.constant 0 : i32
      %dma_wait3A_110 = tpu.memref_slice %arg5[%arg0, %add3A_66, %dma_wait3A_109] : memref<2x10240x128xf32, #tpu.memory_space<hbm>> -> memref<1x64x128xf32, #tpu.memory_space<hbm>>
      %dma_wait3A_111 = tpu.memref_squeeze %dma_wait3A_110 : memref<1x64x128xf32, #tpu.memory_space<hbm>> -> memref<64x128xf32, #tpu.memory_space<hbm>>
      %dma_wait3A_112 = arith.constant 0 : i32
      %dma_wait3A_113 = tpu.memref_slice %arg5[%arg0, %add3A_66, %dma_wait3A_112] : memref<2x10240x128xf32, #tpu.memory_space<hbm>> -> memref<1x64x128xf32, #tpu.memory_space<hbm>>
      %dma_wait3A_114 = tpu.memref_squeeze %dma_wait3A_113 : memref<1x64x128xf32, #tpu.memory_space<hbm>> -> memref<64x128xf32, #tpu.memory_space<hbm>>
      tpu.wait_dma2 semaphore(%run_scoped3A : memref<!tpu.dma_semaphore, #tpu.memory_space<semaphore_mem>>) src(%arg8 : memref<64x128xf32, #tpu.memory_space<vmem>>) dst(%dma_wait3A_114 : memref<64x128xf32, #tpu.memory_space<hbm>>)
      tpu.yield
    }) : () -> ()
    %mul3A_67 = arith.constant 640 : i32
    %mul3A_68 = arith.muli %arg1, %mul3A_67 : i32
    %add3A_69 = arith.constant 64 : i32
    %add3A_70 = arith.addi %mul3A_68, %add3A_69 : i32
    "tpu.region"() ({
      %run_scoped3A = tpu.sem_alloc : memref<!tpu.dma_semaphore, #tpu.memory_space<semaphore_mem>>
      %dma_start3A_103 = arith.constant 0 : i32
      %dma_start3A_104 = tpu.memref_slice %arg10[%add3A_70, %dma_start3A_103] : memref<10240x128xf32, #tpu.memory_space<vmem_shared>> -> memref<64x128xf32, #tpu.memory_space<vmem_shared>>
      %dma_start3A_105 = arith.constant 0 : i32
      %dma_start3A_106 = tpu.memref_slice %arg10[%add3A_70, %dma_start3A_105] : memref<10240x128xf32, #tpu.memory_space<vmem_shared>> -> memref<64x128xf32, #tpu.memory_space<vmem_shared>>
      tpu.enqueue_dma source(%dma_start3A_106 : memref<64x128xf32, #tpu.memory_space<vmem_shared>>) target(%arg8 : memref<64x128xf32, #tpu.memory_space<vmem>>) target_semaphore(%run_scoped3A : memref<!tpu.dma_semaphore, #tpu.memory_space<semaphore_mem>>)
      %dma_wait3A_107 = arith.constant 0 : i32
      %dma_wait3A_108 = tpu.memref_slice %arg10[%add3A_70, %dma_wait3A_107] : memref<10240x128xf32, #tpu.memory_space<vmem_shared>> -> memref<64x128xf32, #tpu.memory_space<vmem_shared>>
      %dma_wait3A_109 = arith.constant 0 : i32
      %dma_wait3A_110 = tpu.memref_slice %arg10[%add3A_70, %dma_wait3A_109] : memref<10240x128xf32, #tpu.memory_space<vmem_shared>> -> memref<64x128xf32, #tpu.memory_space<vmem_shared>>
      tpu.wait_dma2 semaphore(%run_scoped3A : memref<!tpu.dma_semaphore, #tpu.memory_space<semaphore_mem>>) src(%dma_wait3A_110 : memref<64x128xf32, #tpu.memory_space<vmem_shared>>) dst(%arg8 : memref<64x128xf32, #tpu.memory_space<vmem>>)
      tpu.yield
    }) : () -> ()
    "tpu.region"() ({
      %run_scoped3A = tpu.sem_alloc : memref<!tpu.dma_semaphore, #tpu.memory_space<semaphore_mem>>
      %dma_start3A_103 = arith.constant 0 : i32
      %dma_start3A_104 = tpu.memref_slice %arg5[%arg0, %add3A_70, %dma_start3A_103] : memref<2x10240x128xf32, #tpu.memory_space<hbm>> -> memref<1x64x128xf32, #tpu.memory_space<hbm>>
      %dma_start3A_105 = tpu.memref_squeeze %dma_start3A_104 : memref<1x64x128xf32, #tpu.memory_space<hbm>> -> memref<64x128xf32, #tpu.memory_space<hbm>>
      %dma_start3A_106 = arith.constant 0 : i32
      %dma_start3A_107 = tpu.memref_slice %arg5[%arg0, %add3A_70, %dma_start3A_106] : memref<2x10240x128xf32, #tpu.memory_space<hbm>> -> memref<1x64x128xf32, #tpu.memory_space<hbm>>
      %dma_start3A_108 = tpu.memref_squeeze %dma_start3A_107 : memref<1x64x128xf32, #tpu.memory_space<hbm>> -> memref<64x128xf32, #tpu.memory_space<hbm>>
      tpu.enqueue_dma source(%arg8 : memref<64x128xf32, #tpu.memory_space<vmem>>) target(%dma_start3A_108 : memref<64x128xf32, #tpu.memory_space<hbm>>) target_semaphore(%run_scoped3A : memref<!tpu.dma_semaphore, #tpu.memory_space<semaphore_mem>>)
      %dma_wait3A_109 = arith.constant 0 : i32
      %dma_wait3A_110 = tpu.memref_slice %arg5[%arg0, %add3A_70, %dma_wait3A_109] : memref<2x10240x128xf32, #tpu.memory_space<hbm>> -> memref<1x64x128xf32, #tpu.memory_space<hbm>>
      %dma_wait3A_111 = tpu.memref_squeeze %dma_wait3A_110 : memref<1x64x128xf32, #tpu.memory_space<hbm>> -> memref<64x128xf32, #tpu.memory_space<hbm>>
      %dma_wait3A_112 = arith.constant 0 : i32
      %dma_wait3A_113 = tpu.memref_slice %arg5[%arg0, %add3A_70, %dma_wait3A_112] : memref<2x10240x128xf32, #tpu.memory_space<hbm>> -> memref<1x64x128xf32, #tpu.memory_space<hbm>>
      %dma_wait3A_114 = tpu.memref_squeeze %dma_wait3A_113 : memref<1x64x128xf32, #tpu.memory_space<hbm>> -> memref<64x128xf32, #tpu.memory_space<hbm>>
      tpu.wait_dma2 semaphore(%run_scoped3A : memref<!tpu.dma_semaphore, #tpu.memory_space<semaphore_mem>>) src(%arg8 : memref<64x128xf32, #tpu.memory_space<vmem>>) dst(%dma_wait3A_114 : memref<64x128xf32, #tpu.memory_space<hbm>>)
      tpu.yield
    }) : () -> ()
    %mul3A_71 = arith.constant 640 : i32
    %mul3A_72 = arith.muli %arg1, %mul3A_71 : i32
    %add3A_73 = arith.constant 128 : i32
    %add3A_74 = arith.addi %mul3A_72, %add3A_73 : i32
    "tpu.region"() ({
      %run_scoped3A = tpu.sem_alloc : memref<!tpu.dma_semaphore, #tpu.memory_space<semaphore_mem>>
      %dma_start3A_103 = arith.constant 0 : i32
      %dma_start3A_104 = tpu.memref_slice %arg10[%add3A_74, %dma_start3A_103] : memref<10240x128xf32, #tpu.memory_space<vmem_shared>> -> memref<64x128xf32, #tpu.memory_space<vmem_shared>>
      %dma_start3A_105 = arith.constant 0 : i32
      %dma_start3A_106 = tpu.memref_slice %arg10[%add3A_74, %dma_start3A_105] : memref<10240x128xf32, #tpu.memory_space<vmem_shared>> -> memref<64x128xf32, #tpu.memory_space<vmem_shared>>
      tpu.enqueue_dma source(%dma_start3A_106 : memref<64x128xf32, #tpu.memory_space<vmem_shared>>) target(%arg8 : memref<64x128xf32, #tpu.memory_space<vmem>>) target_semaphore(%run_scoped3A : memref<!tpu.dma_semaphore, #tpu.memory_space<semaphore_mem>>)
      %dma_wait3A_107 = arith.constant 0 : i32
      %dma_wait3A_108 = tpu.memref_slice %arg10[%add3A_74, %dma_wait3A_107] : memref<10240x128xf32, #tpu.memory_space<vmem_shared>> -> memref<64x128xf32, #tpu.memory_space<vmem_shared>>
      %dma_wait3A_109 = arith.constant 0 : i32
      %dma_wait3A_110 = tpu.memref_slice %arg10[%add3A_74, %dma_wait3A_109] : memref<10240x128xf32, #tpu.memory_space<vmem_shared>> -> memref<64x128xf32, #tpu.memory_space<vmem_shared>>
      tpu.wait_dma2 semaphore(%run_scoped3A : memref<!tpu.dma_semaphore, #tpu.memory_space<semaphore_mem>>) src(%dma_wait3A_110 : memref<64x128xf32, #tpu.memory_space<vmem_shared>>) dst(%arg8 : memref<64x128xf32, #tpu.memory_space<vmem>>)
      tpu.yield
    }) : () -> ()
    "tpu.region"() ({
      %run_scoped3A = tpu.sem_alloc : memref<!tpu.dma_semaphore, #tpu.memory_space<semaphore_mem>>
      %dma_start3A_103 = arith.constant 0 : i32
      %dma_start3A_104 = tpu.memref_slice %arg5[%arg0, %add3A_74, %dma_start3A_103] : memref<2x10240x128xf32, #tpu.memory_space<hbm>> -> memref<1x64x128xf32, #tpu.memory_space<hbm>>
      %dma_start3A_105 = tpu.memref_squeeze %dma_start3A_104 : memref<1x64x128xf32, #tpu.memory_space<hbm>> -> memref<64x128xf32, #tpu.memory_space<hbm>>
      %dma_start3A_106 = arith.constant 0 : i32
      %dma_start3A_107 = tpu.memref_slice %arg5[%arg0, %add3A_74, %dma_start3A_106] : memref<2x10240x128xf32, #tpu.memory_space<hbm>> -> memref<1x64x128xf32, #tpu.memory_space<hbm>>
      %dma_start3A_108 = tpu.memref_squeeze %dma_start3A_107 : memref<1x64x128xf32, #tpu.memory_space<hbm>> -> memref<64x128xf32, #tpu.memory_space<hbm>>
      tpu.enqueue_dma source(%arg8 : memref<64x128xf32, #tpu.memory_space<vmem>>) target(%dma_start3A_108 : memref<64x128xf32, #tpu.memory_space<hbm>>) target_semaphore(%run_scoped3A : memref<!tpu.dma_semaphore, #tpu.memory_space<semaphore_mem>>)
      %dma_wait3A_109 = arith.constant 0 : i32
      %dma_wait3A_110 = tpu.memref_slice %arg5[%arg0, %add3A_74, %dma_wait3A_109] : memref<2x10240x128xf32, #tpu.memory_space<hbm>> -> memref<1x64x128xf32, #tpu.memory_space<hbm>>
      %dma_wait3A_111 = tpu.memref_squeeze %dma_wait3A_110 : memref<1x64x128xf32, #tpu.memory_space<hbm>> -> memref<64x128xf32, #tpu.memory_space<hbm>>
      %dma_wait3A_112 = arith.constant 0 : i32
      %dma_wait3A_113 = tpu.memref_slice %arg5[%arg0, %add3A_74, %dma_wait3A_112] : memref<2x10240x128xf32, #tpu.memory_space<hbm>> -> memref<1x64x128xf32, #tpu.memory_space<hbm>>
      %dma_wait3A_114 = tpu.memref_squeeze %dma_wait3A_113 : memref<1x64x128xf32, #tpu.memory_space<hbm>> -> memref<64x128xf32, #tpu.memory_space<hbm>>
      tpu.wait_dma2 semaphore(%run_scoped3A : memref<!tpu.dma_semaphore, #tpu.memory_space<semaphore_mem>>) src(%arg8 : memref<64x128xf32, #tpu.memory_space<vmem>>) dst(%dma_wait3A_114 : memref<64x128xf32, #tpu.memory_space<hbm>>)
      tpu.yield
    }) : () -> ()
    %mul3A_75 = arith.constant 640 : i32
    %mul3A_76 = arith.muli %arg1, %mul3A_75 : i32
    %add3A_77 = arith.constant 192 : i32
    %add3A_78 = arith.addi %mul3A_76, %add3A_77 : i32
    "tpu.region"() ({
      %run_scoped3A = tpu.sem_alloc : memref<!tpu.dma_semaphore, #tpu.memory_space<semaphore_mem>>
      %dma_start3A_103 = arith.constant 0 : i32
      %dma_start3A_104 = tpu.memref_slice %arg10[%add3A_78, %dma_start3A_103] : memref<10240x128xf32, #tpu.memory_space<vmem_shared>> -> memref<64x128xf32, #tpu.memory_space<vmem_shared>>
      %dma_start3A_105 = arith.constant 0 : i32
      %dma_start3A_106 = tpu.memref_slice %arg10[%add3A_78, %dma_start3A_105] : memref<10240x128xf32, #tpu.memory_space<vmem_shared>> -> memref<64x128xf32, #tpu.memory_space<vmem_shared>>
      tpu.enqueue_dma source(%dma_start3A_106 : memref<64x128xf32, #tpu.memory_space<vmem_shared>>) target(%arg8 : memref<64x128xf32, #tpu.memory_space<vmem>>) target_semaphore(%run_scoped3A : memref<!tpu.dma_semaphore, #tpu.memory_space<semaphore_mem>>)
      %dma_wait3A_107 = arith.constant 0 : i32
      %dma_wait3A_108 = tpu.memref_slice %arg10[%add3A_78, %dma_wait3A_107] : memref<10240x128xf32, #tpu.memory_space<vmem_shared>> -> memref<64x128xf32, #tpu.memory_space<vmem_shared>>
      %dma_wait3A_109 = arith.constant 0 : i32
      %dma_wait3A_110 = tpu.memref_slice %arg10[%add3A_78, %dma_wait3A_109] : memref<10240x128xf32, #tpu.memory_space<vmem_shared>> -> memref<64x128xf32, #tpu.memory_space<vmem_shared>>
      tpu.wait_dma2 semaphore(%run_scoped3A : memref<!tpu.dma_semaphore, #tpu.memory_space<semaphore_mem>>) src(%dma_wait3A_110 : memref<64x128xf32, #tpu.memory_space<vmem_shared>>) dst(%arg8 : memref<64x128xf32, #tpu.memory_space<vmem>>)
      tpu.yield
    }) : () -> ()
    "tpu.region"() ({
      %run_scoped3A = tpu.sem_alloc : memref<!tpu.dma_semaphore, #tpu.memory_space<semaphore_mem>>
      %dma_start3A_103 = arith.constant 0 : i32
      %dma_start3A_104 = tpu.memref_slice %arg5[%arg0, %add3A_78, %dma_start3A_103] : memref<2x10240x128xf32, #tpu.memory_space<hbm>> -> memref<1x64x128xf32, #tpu.memory_space<hbm>>
      %dma_start3A_105 = tpu.memref_squeeze %dma_start3A_104 : memref<1x64x128xf32, #tpu.memory_space<hbm>> -> memref<64x128xf32, #tpu.memory_space<hbm>>
      %dma_start3A_106 = arith.constant 0 : i32
      %dma_start3A_107 = tpu.memref_slice %arg5[%arg0, %add3A_78, %dma_start3A_106] : memref<2x10240x128xf32, #tpu.memory_space<hbm>> -> memref<1x64x128xf32, #tpu.memory_space<hbm>>
      %dma_start3A_108 = tpu.memref_squeeze %dma_start3A_107 : memref<1x64x128xf32, #tpu.memory_space<hbm>> -> memref<64x128xf32, #tpu.memory_space<hbm>>
      tpu.enqueue_dma source(%arg8 : memref<64x128xf32, #tpu.memory_space<vmem>>) target(%dma_start3A_108 : memref<64x128xf32, #tpu.memory_space<hbm>>) target_semaphore(%run_scoped3A : memref<!tpu.dma_semaphore, #tpu.memory_space<semaphore_mem>>)
      %dma_wait3A_109 = arith.constant 0 : i32
      %dma_wait3A_110 = tpu.memref_slice %arg5[%arg0, %add3A_78, %dma_wait3A_109] : memref<2x10240x128xf32, #tpu.memory_space<hbm>> -> memref<1x64x128xf32, #tpu.memory_space<hbm>>
      %dma_wait3A_111 = tpu.memref_squeeze %dma_wait3A_110 : memref<1x64x128xf32, #tpu.memory_space<hbm>> -> memref<64x128xf32, #tpu.memory_space<hbm>>
      %dma_wait3A_112 = arith.constant 0 : i32
      %dma_wait3A_113 = tpu.memref_slice %arg5[%arg0, %add3A_78, %dma_wait3A_112] : memref<2x10240x128xf32, #tpu.memory_space<hbm>> -> memref<1x64x128xf32, #tpu.memory_space<hbm>>
      %dma_wait3A_114 = tpu.memref_squeeze %dma_wait3A_113 : memref<1x64x128xf32, #tpu.memory_space<hbm>> -> memref<64x128xf32, #tpu.memory_space<hbm>>
      tpu.wait_dma2 semaphore(%run_scoped3A : memref<!tpu.dma_semaphore, #tpu.memory_space<semaphore_mem>>) src(%arg8 : memref<64x128xf32, #tpu.memory_space<vmem>>) dst(%dma_wait3A_114 : memref<64x128xf32, #tpu.memory_space<hbm>>)
      tpu.yield
    }) : () -> ()
    %mul3A_79 = arith.constant 640 : i32
    %mul3A_80 = arith.muli %arg1, %mul3A_79 : i32
    %add3A_81 = arith.constant 256 : i32
    %add3A_82 = arith.addi %mul3A_80, %add3A_81 : i32
    "tpu.region"() ({
      %run_scoped3A = tpu.sem_alloc : memref<!tpu.dma_semaphore, #tpu.memory_space<semaphore_mem>>
      %dma_start3A_103 = arith.constant 0 : i32
      %dma_start3A_104 = tpu.memref_slice %arg10[%add3A_82, %dma_start3A_103] : memref<10240x128xf32, #tpu.memory_space<vmem_shared>> -> memref<64x128xf32, #tpu.memory_space<vmem_shared>>
      %dma_start3A_105 = arith.constant 0 : i32
      %dma_start3A_106 = tpu.memref_slice %arg10[%add3A_82, %dma_start3A_105] : memref<10240x128xf32, #tpu.memory_space<vmem_shared>> -> memref<64x128xf32, #tpu.memory_space<vmem_shared>>
      tpu.enqueue_dma source(%dma_start3A_106 : memref<64x128xf32, #tpu.memory_space<vmem_shared>>) target(%arg8 : memref<64x128xf32, #tpu.memory_space<vmem>>) target_semaphore(%run_scoped3A : memref<!tpu.dma_semaphore, #tpu.memory_space<semaphore_mem>>)
      %dma_wait3A_107 = arith.constant 0 : i32
      %dma_wait3A_108 = tpu.memref_slice %arg10[%add3A_82, %dma_wait3A_107] : memref<10240x128xf32, #tpu.memory_space<vmem_shared>> -> memref<64x128xf32, #tpu.memory_space<vmem_shared>>
      %dma_wait3A_109 = arith.constant 0 : i32
      %dma_wait3A_110 = tpu.memref_slice %arg10[%add3A_82, %dma_wait3A_109] : memref<10240x128xf32, #tpu.memory_space<vmem_shared>> -> memref<64x128xf32, #tpu.memory_space<vmem_shared>>
      tpu.wait_dma2 semaphore(%run_scoped3A : memref<!tpu.dma_semaphore, #tpu.memory_space<semaphore_mem>>) src(%dma_wait3A_110 : memref<64x128xf32, #tpu.memory_space<vmem_shared>>) dst(%arg8 : memref<64x128xf32, #tpu.memory_space<vmem>>)
      tpu.yield
    }) : () -> ()
    "tpu.region"() ({
      %run_scoped3A = tpu.sem_alloc : memref<!tpu.dma_semaphore, #tpu.memory_space<semaphore_mem>>
      %dma_start3A_103 = arith.constant 0 : i32
      %dma_start3A_104 = tpu.memref_slice %arg5[%arg0, %add3A_82, %dma_start3A_103] : memref<2x10240x128xf32, #tpu.memory_space<hbm>> -> memref<1x64x128xf32, #tpu.memory_space<hbm>>
      %dma_start3A_105 = tpu.memref_squeeze %dma_start3A_104 : memref<1x64x128xf32, #tpu.memory_space<hbm>> -> memref<64x128xf32, #tpu.memory_space<hbm>>
      %dma_start3A_106 = arith.constant 0 : i32
      %dma_start3A_107 = tpu.memref_slice %arg5[%arg0, %add3A_82, %dma_start3A_106] : memref<2x10240x128xf32, #tpu.memory_space<hbm>> -> memref<1x64x128xf32, #tpu.memory_space<hbm>>
      %dma_start3A_108 = tpu.memref_squeeze %dma_start3A_107 : memref<1x64x128xf32, #tpu.memory_space<hbm>> -> memref<64x128xf32, #tpu.memory_space<hbm>>
      tpu.enqueue_dma source(%arg8 : memref<64x128xf32, #tpu.memory_space<vmem>>) target(%dma_start3A_108 : memref<64x128xf32, #tpu.memory_space<hbm>>) target_semaphore(%run_scoped3A : memref<!tpu.dma_semaphore, #tpu.memory_space<semaphore_mem>>)
      %dma_wait3A_109 = arith.constant 0 : i32
      %dma_wait3A_110 = tpu.memref_slice %arg5[%arg0, %add3A_82, %dma_wait3A_109] : memref<2x10240x128xf32, #tpu.memory_space<hbm>> -> memref<1x64x128xf32, #tpu.memory_space<hbm>>
      %dma_wait3A_111 = tpu.memref_squeeze %dma_wait3A_110 : memref<1x64x128xf32, #tpu.memory_space<hbm>> -> memref<64x128xf32, #tpu.memory_space<hbm>>
      %dma_wait3A_112 = arith.constant 0 : i32
      %dma_wait3A_113 = tpu.memref_slice %arg5[%arg0, %add3A_82, %dma_wait3A_112] : memref<2x10240x128xf32, #tpu.memory_space<hbm>> -> memref<1x64x128xf32, #tpu.memory_space<hbm>>
      %dma_wait3A_114 = tpu.memref_squeeze %dma_wait3A_113 : memref<1x64x128xf32, #tpu.memory_space<hbm>> -> memref<64x128xf32, #tpu.memory_space<hbm>>
      tpu.wait_dma2 semaphore(%run_scoped3A : memref<!tpu.dma_semaphore, #tpu.memory_space<semaphore_mem>>) src(%arg8 : memref<64x128xf32, #tpu.memory_space<vmem>>) dst(%dma_wait3A_114 : memref<64x128xf32, #tpu.memory_space<hbm>>)
      tpu.yield
    }) : () -> ()
    %mul3A_83 = arith.constant 640 : i32
    %mul3A_84 = arith.muli %arg1, %mul3A_83 : i32
    %add3A_85 = arith.constant 320 : i32
    %add3A_86 = arith.addi %mul3A_84, %add3A_85 : i32
    "tpu.region"() ({
      %run_scoped3A = tpu.sem_alloc : memref<!tpu.dma_semaphore, #tpu.memory_space<semaphore_mem>>
      %dma_start3A_103 = arith.constant 0 : i32
      %dma_start3A_104 = tpu.memref_slice %arg10[%add3A_86, %dma_start3A_103] : memref<10240x128xf32, #tpu.memory_space<vmem_shared>> -> memref<64x128xf32, #tpu.memory_space<vmem_shared>>
      %dma_start3A_105 = arith.constant 0 : i32
      %dma_start3A_106 = tpu.memref_slice %arg10[%add3A_86, %dma_start3A_105] : memref<10240x128xf32, #tpu.memory_space<vmem_shared>> -> memref<64x128xf32, #tpu.memory_space<vmem_shared>>
      tpu.enqueue_dma source(%dma_start3A_106 : memref<64x128xf32, #tpu.memory_space<vmem_shared>>) target(%arg8 : memref<64x128xf32, #tpu.memory_space<vmem>>) target_semaphore(%run_scoped3A : memref<!tpu.dma_semaphore, #tpu.memory_space<semaphore_mem>>)
      %dma_wait3A_107 = arith.constant 0 : i32
      %dma_wait3A_108 = tpu.memref_slice %arg10[%add3A_86, %dma_wait3A_107] : memref<10240x128xf32, #tpu.memory_space<vmem_shared>> -> memref<64x128xf32, #tpu.memory_space<vmem_shared>>
      %dma_wait3A_109 = arith.constant 0 : i32
      %dma_wait3A_110 = tpu.memref_slice %arg10[%add3A_86, %dma_wait3A_109] : memref<10240x128xf32, #tpu.memory_space<vmem_shared>> -> memref<64x128xf32, #tpu.memory_space<vmem_shared>>
      tpu.wait_dma2 semaphore(%run_scoped3A : memref<!tpu.dma_semaphore, #tpu.memory_space<semaphore_mem>>) src(%dma_wait3A_110 : memref<64x128xf32, #tpu.memory_space<vmem_shared>>) dst(%arg8 : memref<64x128xf32, #tpu.memory_space<vmem>>)
      tpu.yield
    }) : () -> ()
    "tpu.region"() ({
      %run_scoped3A = tpu.sem_alloc : memref<!tpu.dma_semaphore, #tpu.memory_space<semaphore_mem>>
      %dma_start3A_103 = arith.constant 0 : i32
      %dma_start3A_104 = tpu.memref_slice %arg5[%arg0, %add3A_86, %dma_start3A_103] : memref<2x10240x128xf32, #tpu.memory_space<hbm>> -> memref<1x64x128xf32, #tpu.memory_space<hbm>>
      %dma_start3A_105 = tpu.memref_squeeze %dma_start3A_104 : memref<1x64x128xf32, #tpu.memory_space<hbm>> -> memref<64x128xf32, #tpu.memory_space<hbm>>
      %dma_start3A_106 = arith.constant 0 : i32
      %dma_start3A_107 = tpu.memref_slice %arg5[%arg0, %add3A_86, %dma_start3A_106] : memref<2x10240x128xf32, #tpu.memory_space<hbm>> -> memref<1x64x128xf32, #tpu.memory_space<hbm>>
      %dma_start3A_108 = tpu.memref_squeeze %dma_start3A_107 : memref<1x64x128xf32, #tpu.memory_space<hbm>> -> memref<64x128xf32, #tpu.memory_space<hbm>>
      tpu.enqueue_dma source(%arg8 : memref<64x128xf32, #tpu.memory_space<vmem>>) target(%dma_start3A_108 : memref<64x128xf32, #tpu.memory_space<hbm>>) target_semaphore(%run_scoped3A : memref<!tpu.dma_semaphore, #tpu.memory_space<semaphore_mem>>)
      %dma_wait3A_109 = arith.constant 0 : i32
      %dma_wait3A_110 = tpu.memref_slice %arg5[%arg0, %add3A_86, %dma_wait3A_109] : memref<2x10240x128xf32, #tpu.memory_space<hbm>> -> memref<1x64x128xf32, #tpu.memory_space<hbm>>
      %dma_wait3A_111 = tpu.memref_squeeze %dma_wait3A_110 : memref<1x64x128xf32, #tpu.memory_space<hbm>> -> memref<64x128xf32, #tpu.memory_space<hbm>>
      %dma_wait3A_112 = arith.constant 0 : i32
      %dma_wait3A_113 = tpu.memref_slice %arg5[%arg0, %add3A_86, %dma_wait3A_112] : memref<2x10240x128xf32, #tpu.memory_space<hbm>> -> memref<1x64x128xf32, #tpu.memory_space<hbm>>
      %dma_wait3A_114 = tpu.memref_squeeze %dma_wait3A_113 : memref<1x64x128xf32, #tpu.memory_space<hbm>> -> memref<64x128xf32, #tpu.memory_space<hbm>>
      tpu.wait_dma2 semaphore(%run_scoped3A : memref<!tpu.dma_semaphore, #tpu.memory_space<semaphore_mem>>) src(%arg8 : memref<64x128xf32, #tpu.memory_space<vmem>>) dst(%dma_wait3A_114 : memref<64x128xf32, #tpu.memory_space<hbm>>)
      tpu.yield
    }) : () -> ()
    %mul3A_87 = arith.constant 640 : i32
    %mul3A_88 = arith.muli %arg1, %mul3A_87 : i32
    %add3A_89 = arith.constant 384 : i32
    %add3A_90 = arith.addi %mul3A_88, %add3A_89 : i32
    "tpu.region"() ({
      %run_scoped3A = tpu.sem_alloc : memref<!tpu.dma_semaphore, #tpu.memory_space<semaphore_mem>>
      %dma_start3A_103 = arith.constant 0 : i32
      %dma_start3A_104 = tpu.memref_slice %arg10[%add3A_90, %dma_start3A_103] : memref<10240x128xf32, #tpu.memory_space<vmem_shared>> -> memref<64x128xf32, #tpu.memory_space<vmem_shared>>
      %dma_start3A_105 = arith.constant 0 : i32
      %dma_start3A_106 = tpu.memref_slice %arg10[%add3A_90, %dma_start3A_105] : memref<10240x128xf32, #tpu.memory_space<vmem_shared>> -> memref<64x128xf32, #tpu.memory_space<vmem_shared>>
      tpu.enqueue_dma source(%dma_start3A_106 : memref<64x128xf32, #tpu.memory_space<vmem_shared>>) target(%arg8 : memref<64x128xf32, #tpu.memory_space<vmem>>) target_semaphore(%run_scoped3A : memref<!tpu.dma_semaphore, #tpu.memory_space<semaphore_mem>>)
      %dma_wait3A_107 = arith.constant 0 : i32
      %dma_wait3A_108 = tpu.memref_slice %arg10[%add3A_90, %dma_wait3A_107] : memref<10240x128xf32, #tpu.memory_space<vmem_shared>> -> memref<64x128xf32, #tpu.memory_space<vmem_shared>>
      %dma_wait3A_109 = arith.constant 0 : i32
      %dma_wait3A_110 = tpu.memref_slice %arg10[%add3A_90, %dma_wait3A_109] : memref<10240x128xf32, #tpu.memory_space<vmem_shared>> -> memref<64x128xf32, #tpu.memory_space<vmem_shared>>
      tpu.wait_dma2 semaphore(%run_scoped3A : memref<!tpu.dma_semaphore, #tpu.memory_space<semaphore_mem>>) src(%dma_wait3A_110 : memref<64x128xf32, #tpu.memory_space<vmem_shared>>) dst(%arg8 : memref<64x128xf32, #tpu.memory_space<vmem>>)
      tpu.yield
    }) : () -> ()
    "tpu.region"() ({
      %run_scoped3A = tpu.sem_alloc : memref<!tpu.dma_semaphore, #tpu.memory_space<semaphore_mem>>
      %dma_start3A_103 = arith.constant 0 : i32
      %dma_start3A_104 = tpu.memref_slice %arg5[%arg0, %add3A_90, %dma_start3A_103] : memref<2x10240x128xf32, #tpu.memory_space<hbm>> -> memref<1x64x128xf32, #tpu.memory_space<hbm>>
      %dma_start3A_105 = tpu.memref_squeeze %dma_start3A_104 : memref<1x64x128xf32, #tpu.memory_space<hbm>> -> memref<64x128xf32, #tpu.memory_space<hbm>>
      %dma_start3A_106 = arith.constant 0 : i32
      %dma_start3A_107 = tpu.memref_slice %arg5[%arg0, %add3A_90, %dma_start3A_106] : memref<2x10240x128xf32, #tpu.memory_space<hbm>> -> memref<1x64x128xf32, #tpu.memory_space<hbm>>
      %dma_start3A_108 = tpu.memref_squeeze %dma_start3A_107 : memref<1x64x128xf32, #tpu.memory_space<hbm>> -> memref<64x128xf32, #tpu.memory_space<hbm>>
      tpu.enqueue_dma source(%arg8 : memref<64x128xf32, #tpu.memory_space<vmem>>) target(%dma_start3A_108 : memref<64x128xf32, #tpu.memory_space<hbm>>) target_semaphore(%run_scoped3A : memref<!tpu.dma_semaphore, #tpu.memory_space<semaphore_mem>>)
      %dma_wait3A_109 = arith.constant 0 : i32
      %dma_wait3A_110 = tpu.memref_slice %arg5[%arg0, %add3A_90, %dma_wait3A_109] : memref<2x10240x128xf32, #tpu.memory_space<hbm>> -> memref<1x64x128xf32, #tpu.memory_space<hbm>>
      %dma_wait3A_111 = tpu.memref_squeeze %dma_wait3A_110 : memref<1x64x128xf32, #tpu.memory_space<hbm>> -> memref<64x128xf32, #tpu.memory_space<hbm>>
      %dma_wait3A_112 = arith.constant 0 : i32
      %dma_wait3A_113 = tpu.memref_slice %arg5[%arg0, %add3A_90, %dma_wait3A_112] : memref<2x10240x128xf32, #tpu.memory_space<hbm>> -> memref<1x64x128xf32, #tpu.memory_space<hbm>>
      %dma_wait3A_114 = tpu.memref_squeeze %dma_wait3A_113 : memref<1x64x128xf32, #tpu.memory_space<hbm>> -> memref<64x128xf32, #tpu.memory_space<hbm>>
      tpu.wait_dma2 semaphore(%run_scoped3A : memref<!tpu.dma_semaphore, #tpu.memory_space<semaphore_mem>>) src(%arg8 : memref<64x128xf32, #tpu.memory_space<vmem>>) dst(%dma_wait3A_114 : memref<64x128xf32, #tpu.memory_space<hbm>>)
      tpu.yield
    }) : () -> ()
    %mul3A_91 = arith.constant 640 : i32
    %mul3A_92 = arith.muli %arg1, %mul3A_91 : i32
    %add3A_93 = arith.constant 448 : i32
    %add3A_94 = arith.addi %mul3A_92, %add3A_93 : i32
    "tpu.region"() ({
      %run_scoped3A = tpu.sem_alloc : memref<!tpu.dma_semaphore, #tpu.memory_space<semaphore_mem>>
      %dma_start3A_103 = arith.constant 0 : i32
      %dma_start3A_104 = tpu.memref_slice %arg10[%add3A_94, %dma_start3A_103] : memref<10240x128xf32, #tpu.memory_space<vmem_shared>> -> memref<64x128xf32, #tpu.memory_space<vmem_shared>>
      %dma_start3A_105 = arith.constant 0 : i32
      %dma_start3A_106 = tpu.memref_slice %arg10[%add3A_94, %dma_start3A_105] : memref<10240x128xf32, #tpu.memory_space<vmem_shared>> -> memref<64x128xf32, #tpu.memory_space<vmem_shared>>
      tpu.enqueue_dma source(%dma_start3A_106 : memref<64x128xf32, #tpu.memory_space<vmem_shared>>) target(%arg8 : memref<64x128xf32, #tpu.memory_space<vmem>>) target_semaphore(%run_scoped3A : memref<!tpu.dma_semaphore, #tpu.memory_space<semaphore_mem>>)
      %dma_wait3A_107 = arith.constant 0 : i32
      %dma_wait3A_108 = tpu.memref_slice %arg10[%add3A_94, %dma_wait3A_107] : memref<10240x128xf32, #tpu.memory_space<vmem_shared>> -> memref<64x128xf32, #tpu.memory_space<vmem_shared>>
      %dma_wait3A_109 = arith.constant 0 : i32
      %dma_wait3A_110 = tpu.memref_slice %arg10[%add3A_94, %dma_wait3A_109] : memref<10240x128xf32, #tpu.memory_space<vmem_shared>> -> memref<64x128xf32, #tpu.memory_space<vmem_shared>>
      tpu.wait_dma2 semaphore(%run_scoped3A : memref<!tpu.dma_semaphore, #tpu.memory_space<semaphore_mem>>) src(%dma_wait3A_110 : memref<64x128xf32, #tpu.memory_space<vmem_shared>>) dst(%arg8 : memref<64x128xf32, #tpu.memory_space<vmem>>)
      tpu.yield
    }) : () -> ()
    "tpu.region"() ({
      %run_scoped3A = tpu.sem_alloc : memref<!tpu.dma_semaphore, #tpu.memory_space<semaphore_mem>>
      %dma_start3A_103 = arith.constant 0 : i32
      %dma_start3A_104 = tpu.memref_slice %arg5[%arg0, %add3A_94, %dma_start3A_103] : memref<2x10240x128xf32, #tpu.memory_space<hbm>> -> memref<1x64x128xf32, #tpu.memory_space<hbm>>
      %dma_start3A_105 = tpu.memref_squeeze %dma_start3A_104 : memref<1x64x128xf32, #tpu.memory_space<hbm>> -> memref<64x128xf32, #tpu.memory_space<hbm>>
      %dma_start3A_106 = arith.constant 0 : i32
      %dma_start3A_107 = tpu.memref_slice %arg5[%arg0, %add3A_94, %dma_start3A_106] : memref<2x10240x128xf32, #tpu.memory_space<hbm>> -> memref<1x64x128xf32, #tpu.memory_space<hbm>>
      %dma_start3A_108 = tpu.memref_squeeze %dma_start3A_107 : memref<1x64x128xf32, #tpu.memory_space<hbm>> -> memref<64x128xf32, #tpu.memory_space<hbm>>
      tpu.enqueue_dma source(%arg8 : memref<64x128xf32, #tpu.memory_space<vmem>>) target(%dma_start3A_108 : memref<64x128xf32, #tpu.memory_space<hbm>>) target_semaphore(%run_scoped3A : memref<!tpu.dma_semaphore, #tpu.memory_space<semaphore_mem>>)
      %dma_wait3A_109 = arith.constant 0 : i32
      %dma_wait3A_110 = tpu.memref_slice %arg5[%arg0, %add3A_94, %dma_wait3A_109] : memref<2x10240x128xf32, #tpu.memory_space<hbm>> -> memref<1x64x128xf32, #tpu.memory_space<hbm>>
      %dma_wait3A_111 = tpu.memref_squeeze %dma_wait3A_110 : memref<1x64x128xf32, #tpu.memory_space<hbm>> -> memref<64x128xf32, #tpu.memory_space<hbm>>
      %dma_wait3A_112 = arith.constant 0 : i32
      %dma_wait3A_113 = tpu.memref_slice %arg5[%arg0, %add3A_94, %dma_wait3A_112] : memref<2x10240x128xf32, #tpu.memory_space<hbm>> -> memref<1x64x128xf32, #tpu.memory_space<hbm>>
      %dma_wait3A_114 = tpu.memref_squeeze %dma_wait3A_113 : memref<1x64x128xf32, #tpu.memory_space<hbm>> -> memref<64x128xf32, #tpu.memory_space<hbm>>
      tpu.wait_dma2 semaphore(%run_scoped3A : memref<!tpu.dma_semaphore, #tpu.memory_space<semaphore_mem>>) src(%arg8 : memref<64x128xf32, #tpu.memory_space<vmem>>) dst(%dma_wait3A_114 : memref<64x128xf32, #tpu.memory_space<hbm>>)
      tpu.yield
    }) : () -> ()
    %mul3A_95 = arith.constant 640 : i32
    %mul3A_96 = arith.muli %arg1, %mul3A_95 : i32
    %add3A_97 = arith.constant 512 : i32
    %add3A_98 = arith.addi %mul3A_96, %add3A_97 : i32
    "tpu.region"() ({
      %run_scoped3A = tpu.sem_alloc : memref<!tpu.dma_semaphore, #tpu.memory_space<semaphore_mem>>
      %dma_start3A_103 = arith.constant 0 : i32
      %dma_start3A_104 = tpu.memref_slice %arg10[%add3A_98, %dma_start3A_103] : memref<10240x128xf32, #tpu.memory_space<vmem_shared>> -> memref<64x128xf32, #tpu.memory_space<vmem_shared>>
      %dma_start3A_105 = arith.constant 0 : i32
      %dma_start3A_106 = tpu.memref_slice %arg10[%add3A_98, %dma_start3A_105] : memref<10240x128xf32, #tpu.memory_space<vmem_shared>> -> memref<64x128xf32, #tpu.memory_space<vmem_shared>>
      tpu.enqueue_dma source(%dma_start3A_106 : memref<64x128xf32, #tpu.memory_space<vmem_shared>>) target(%arg8 : memref<64x128xf32, #tpu.memory_space<vmem>>) target_semaphore(%run_scoped3A : memref<!tpu.dma_semaphore, #tpu.memory_space<semaphore_mem>>)
      %dma_wait3A_107 = arith.constant 0 : i32
      %dma_wait3A_108 = tpu.memref_slice %arg10[%add3A_98, %dma_wait3A_107] : memref<10240x128xf32, #tpu.memory_space<vmem_shared>> -> memref<64x128xf32, #tpu.memory_space<vmem_shared>>
      %dma_wait3A_109 = arith.constant 0 : i32
      %dma_wait3A_110 = tpu.memref_slice %arg10[%add3A_98, %dma_wait3A_109] : memref<10240x128xf32, #tpu.memory_space<vmem_shared>> -> memref<64x128xf32, #tpu.memory_space<vmem_shared>>
      tpu.wait_dma2 semaphore(%run_scoped3A : memref<!tpu.dma_semaphore, #tpu.memory_space<semaphore_mem>>) src(%dma_wait3A_110 : memref<64x128xf32, #tpu.memory_space<vmem_shared>>) dst(%arg8 : memref<64x128xf32, #tpu.memory_space<vmem>>)
      tpu.yield
    }) : () -> ()
    "tpu.region"() ({
      %run_scoped3A = tpu.sem_alloc : memref<!tpu.dma_semaphore, #tpu.memory_space<semaphore_mem>>
      %dma_start3A_103 = arith.constant 0 : i32
      %dma_start3A_104 = tpu.memref_slice %arg5[%arg0, %add3A_98, %dma_start3A_103] : memref<2x10240x128xf32, #tpu.memory_space<hbm>> -> memref<1x64x128xf32, #tpu.memory_space<hbm>>
      %dma_start3A_105 = tpu.memref_squeeze %dma_start3A_104 : memref<1x64x128xf32, #tpu.memory_space<hbm>> -> memref<64x128xf32, #tpu.memory_space<hbm>>
      %dma_start3A_106 = arith.constant 0 : i32
      %dma_start3A_107 = tpu.memref_slice %arg5[%arg0, %add3A_98, %dma_start3A_106] : memref<2x10240x128xf32, #tpu.memory_space<hbm>> -> memref<1x64x128xf32, #tpu.memory_space<hbm>>
      %dma_start3A_108 = tpu.memref_squeeze %dma_start3A_107 : memref<1x64x128xf32, #tpu.memory_space<hbm>> -> memref<64x128xf32, #tpu.memory_space<hbm>>
      tpu.enqueue_dma source(%arg8 : memref<64x128xf32, #tpu.memory_space<vmem>>) target(%dma_start3A_108 : memref<64x128xf32, #tpu.memory_space<hbm>>) target_semaphore(%run_scoped3A : memref<!tpu.dma_semaphore, #tpu.memory_space<semaphore_mem>>)
      %dma_wait3A_109 = arith.constant 0 : i32
      %dma_wait3A_110 = tpu.memref_slice %arg5[%arg0, %add3A_98, %dma_wait3A_109] : memref<2x10240x128xf32, #tpu.memory_space<hbm>> -> memref<1x64x128xf32, #tpu.memory_space<hbm>>
      %dma_wait3A_111 = tpu.memref_squeeze %dma_wait3A_110 : memref<1x64x128xf32, #tpu.memory_space<hbm>> -> memref<64x128xf32, #tpu.memory_space<hbm>>
      %dma_wait3A_112 = arith.constant 0 : i32
      %dma_wait3A_113 = tpu.memref_slice %arg5[%arg0, %add3A_98, %dma_wait3A_112] : memref<2x10240x128xf32, #tpu.memory_space<hbm>> -> memref<1x64x128xf32, #tpu.memory_space<hbm>>
      %dma_wait3A_114 = tpu.memref_squeeze %dma_wait3A_113 : memref<1x64x128xf32, #tpu.memory_space<hbm>> -> memref<64x128xf32, #tpu.memory_space<hbm>>
      tpu.wait_dma2 semaphore(%run_scoped3A : memref<!tpu.dma_semaphore, #tpu.memory_space<semaphore_mem>>) src(%arg8 : memref<64x128xf32, #tpu.memory_space<vmem>>) dst(%dma_wait3A_114 : memref<64x128xf32, #tpu.memory_space<hbm>>)
      tpu.yield
    }) : () -> ()
    %mul3A_99 = arith.constant 640 : i32
    %mul3A_100 = arith.muli %arg1, %mul3A_99 : i32
    %add3A_101 = arith.constant 576 : i32
    %add3A_102 = arith.addi %mul3A_100, %add3A_101 : i32
    "tpu.region"() ({
      %run_scoped3A = tpu.sem_alloc : memref<!tpu.dma_semaphore, #tpu.memory_space<semaphore_mem>>
      %dma_start3A_103 = arith.constant 0 : i32
      %dma_start3A_104 = tpu.memref_slice %arg10[%add3A_102, %dma_start3A_103] : memref<10240x128xf32, #tpu.memory_space<vmem_shared>> -> memref<64x128xf32, #tpu.memory_space<vmem_shared>>
      %dma_start3A_105 = arith.constant 0 : i32
      %dma_start3A_106 = tpu.memref_slice %arg10[%add3A_102, %dma_start3A_105] : memref<10240x128xf32, #tpu.memory_space<vmem_shared>> -> memref<64x128xf32, #tpu.memory_space<vmem_shared>>
      tpu.enqueue_dma source(%dma_start3A_106 : memref<64x128xf32, #tpu.memory_space<vmem_shared>>) target(%arg8 : memref<64x128xf32, #tpu.memory_space<vmem>>) target_semaphore(%run_scoped3A : memref<!tpu.dma_semaphore, #tpu.memory_space<semaphore_mem>>)
      %dma_wait3A_107 = arith.constant 0 : i32
      %dma_wait3A_108 = tpu.memref_slice %arg10[%add3A_102, %dma_wait3A_107] : memref<10240x128xf32, #tpu.memory_space<vmem_shared>> -> memref<64x128xf32, #tpu.memory_space<vmem_shared>>
      %dma_wait3A_109 = arith.constant 0 : i32
      %dma_wait3A_110 = tpu.memref_slice %arg10[%add3A_102, %dma_wait3A_109] : memref<10240x128xf32, #tpu.memory_space<vmem_shared>> -> memref<64x128xf32, #tpu.memory_space<vmem_shared>>
      tpu.wait_dma2 semaphore(%run_scoped3A : memref<!tpu.dma_semaphore, #tpu.memory_space<semaphore_mem>>) src(%dma_wait3A_110 : memref<64x128xf32, #tpu.memory_space<vmem_shared>>) dst(%arg8 : memref<64x128xf32, #tpu.memory_space<vmem>>)
      tpu.yield
    }) : () -> ()
    "tpu.region"() ({
      %run_scoped3A = tpu.sem_alloc : memref<!tpu.dma_semaphore, #tpu.memory_space<semaphore_mem>>
      %dma_start3A_103 = arith.constant 0 : i32
      %dma_start3A_104 = tpu.memref_slice %arg5[%arg0, %add3A_102, %dma_start3A_103] : memref<2x10240x128xf32, #tpu.memory_space<hbm>> -> memref<1x64x128xf32, #tpu.memory_space<hbm>>
      %dma_start3A_105 = tpu.memref_squeeze %dma_start3A_104 : memref<1x64x128xf32, #tpu.memory_space<hbm>> -> memref<64x128xf32, #tpu.memory_space<hbm>>
      %dma_start3A_106 = arith.constant 0 : i32
      %dma_start3A_107 = tpu.memref_slice %arg5[%arg0, %add3A_102, %dma_start3A_106] : memref<2x10240x128xf32, #tpu.memory_space<hbm>> -> memref<1x64x128xf32, #tpu.memory_space<hbm>>
      %dma_start3A_108 = tpu.memref_squeeze %dma_start3A_107 : memref<1x64x128xf32, #tpu.memory_space<hbm>> -> memref<64x128xf32, #tpu.memory_space<hbm>>
      tpu.enqueue_dma source(%arg8 : memref<64x128xf32, #tpu.memory_space<vmem>>) target(%dma_start3A_108 : memref<64x128xf32, #tpu.memory_space<hbm>>) target_semaphore(%run_scoped3A : memref<!tpu.dma_semaphore, #tpu.memory_space<semaphore_mem>>)
      %dma_wait3A_109 = arith.constant 0 : i32
      %dma_wait3A_110 = tpu.memref_slice %arg5[%arg0, %add3A_102, %dma_wait3A_109] : memref<2x10240x128xf32, #tpu.memory_space<hbm>> -> memref<1x64x128xf32, #tpu.memory_space<hbm>>
      %dma_wait3A_111 = tpu.memref_squeeze %dma_wait3A_110 : memref<1x64x128xf32, #tpu.memory_space<hbm>> -> memref<64x128xf32, #tpu.memory_space<hbm>>
      %dma_wait3A_112 = arith.constant 0 : i32
      %dma_wait3A_113 = tpu.memref_slice %arg5[%arg0, %add3A_102, %dma_wait3A_112] : memref<2x10240x128xf32, #tpu.memory_space<hbm>> -> memref<1x64x128xf32, #tpu.memory_space<hbm>>
      %dma_wait3A_114 = tpu.memref_squeeze %dma_wait3A_113 : memref<1x64x128xf32, #tpu.memory_space<hbm>> -> memref<64x128xf32, #tpu.memory_space<hbm>>
      tpu.wait_dma2 semaphore(%run_scoped3A : memref<!tpu.dma_semaphore, #tpu.memory_space<semaphore_mem>>) src(%arg8 : memref<64x128xf32, #tpu.memory_space<vmem>>) dst(%dma_wait3A_114 : memref<64x128xf32, #tpu.memory_space<hbm>>)
      tpu.yield
    }) : () -> ()
    return
  }
}

module attributes {stable_mosaic.version = 14 : i64} {
  func.func @_mm2_body(%arg0: i32, %arg1: memref<1024x136xf32, #tpu.memory_space<vmem>>, %arg2: memref<136x256xf32, #tpu.memory_space<vmem>>, %arg3: memref<1x256xf32, #tpu.memory_space<vmem>>, %arg4: memref<256x128xf32, #tpu.memory_space<vmem>>, %arg5: memref<1024x128xf32, #tpu.memory_space<vmem>>) attributes {dimension_semantics = [#tpu.dimension_semantics<arbitrary>], iteration_bounds = array<i64: 10>, scalar_prefetch = 0 : i64, scratch_operands = 0 : i64, tpu.core_type = #tpu.core_type<tc>, window_params = [{transform_indices = @transform_0, window_bounds = array<i64: 1024, 136>}, {pipeline_mode = #tpu.pipeline_mode<synchronous>, transform_indices = @transform_1, window_bounds = array<i64: 136, 256>}, {pipeline_mode = #tpu.pipeline_mode<synchronous>, transform_indices = @transform_2, window_bounds = array<i64: 1, 256>}, {pipeline_mode = #tpu.pipeline_mode<synchronous>, transform_indices = @transform_3, window_bounds = array<i64: 256, 128>}, {transform_indices = @transform_4, window_bounds = array<i64: 1024, 128>}]} {
    %get3A = arith.constant 0 : index
    %get3A_0 = arith.constant 0 : index
    %get3A_1 = vector.load %arg1[%get3A, %get3A_0] : memref<1024x136xf32, #tpu.memory_space<vmem>>, vector<1024x136xf32>
    %get3A_2 = arith.constant 0 : index
    %get3A_3 = arith.constant 0 : index
    %get3A_4 = vector.load %arg2[%get3A_2, %get3A_3] : memref<136x256xf32, #tpu.memory_space<vmem>>, vector<136x256xf32>
    %dot_general3A = arith.constant dense<0.000000e+00> : vector<1024x256xf32>
    %dot_general3A_5 = tpu.matmul %get3A_1, %get3A_4, %dot_general3A {dimension_numbers = #tpu.dot_dimension_numbers<[1], [0], [0], [1], [0, 0, 1, 1], [], []>, transpose_lhs_hint = false} : vector<1024x136xf32>, vector<136x256xf32>, vector<1024x256xf32> -> vector<1024x256xf32>
    %get3A_6 = arith.constant 0 : index
    %get3A_7 = arith.constant 0 : index
    %get3A_8 = vector.load %arg3[%get3A_6, %get3A_7] : memref<1x256xf32, #tpu.memory_space<vmem>>, vector<1x256xf32>
    %add3A = vector.broadcast %get3A_8 : vector<1x256xf32> to vector<1024x256xf32>
    %add3A_9 = arith.addf %dot_general3A_5, %add3A : vector<1024x256xf32>
    %max3A = arith.constant 0.000000e+00 : f32
    %max3A_10 = vector.broadcast %max3A : f32 to vector<1024x256xf32>
    %max3A_11 = arith.maximumf %add3A_9, %max3A_10 : vector<1024x256xf32>
    %get3A_12 = arith.constant 0 : index
    %get3A_13 = arith.constant 0 : index
    %get3A_14 = vector.load %arg4[%get3A_12, %get3A_13] : memref<256x128xf32, #tpu.memory_space<vmem>>, vector<256x128xf32>
    %dot_general3A_15 = arith.constant dense<0.000000e+00> : vector<1024x128xf32>
    %dot_general3A_16 = tpu.matmul %max3A_11, %get3A_14, %dot_general3A_15 {dimension_numbers = #tpu.dot_dimension_numbers<[1], [0], [0], [1], [0, 0, 1, 1], [], []>, transpose_lhs_hint = false} : vector<1024x256xf32>, vector<256x128xf32>, vector<1024x128xf32> -> vector<1024x128xf32>
    %swap3A = arith.constant 0 : index
    %swap3A_17 = arith.constant 0 : index
    %swap3A_18 = vector.load %arg5[%swap3A, %swap3A_17] : memref<1024x128xf32, #tpu.memory_space<vmem>>, vector<1024x128xf32>
    tpu.vector_store %arg5[%swap3A, %swap3A_17], %dot_general3A_16 {strides = array<i32>} : memref<1024x128xf32, #tpu.memory_space<vmem>>, vector<1024x128xf32>,
    return
  }
  func.func @transform_0(%arg0: i32) -> (i32, i32) {
    %c0_i32 = arith.constant 0 : i32
    %c0_i32_0 = arith.constant 0 : i32
    return %arg0, %c0_i32 : i32, i32
  }
  func.func @transform_1(%arg0: i32) -> (i32, i32) {
    %c0_i32 = arith.constant 0 : i32
    %c0_i32_0 = arith.constant 0 : i32
    %c0_i32_1 = arith.constant 0 : i32
    return %c0_i32, %c0_i32_0 : i32, i32
  }
  func.func @transform_2(%arg0: i32) -> (i32, i32) {
    %c0_i32 = arith.constant 0 : i32
    %c0_i32_0 = arith.constant 0 : i32
    %c0_i32_1 = arith.constant 0 : i32
    return %c0_i32, %c0_i32_0 : i32, i32
  }
  func.func @transform_3(%arg0: i32) -> (i32, i32) {
    %c0_i32 = arith.constant 0 : i32
    %c0_i32_0 = arith.constant 0 : i32
    %c0_i32_1 = arith.constant 0 : i32
    return %c0_i32, %c0_i32_0 : i32, i32
  }
  func.func @transform_4(%arg0: i32) -> (i32, i32) {
    %c0_i32 = arith.constant 0 : i32
    %c0_i32_0 = arith.constant 0 : i32
    return %arg0, %c0_i32 : i32, i32
  }
}

module attributes {stable_mosaic.version = 14 : i64} {
  func.func @_scale_a_body(%arg0: i32, %arg1: memref<32x16x128xf32, #tpu.memory_space<vmem>>, %arg2: memref<16x128xf32, #tpu.memory_space<vmem>>, %arg3: memref<16x128xf32, #tpu.memory_space<vmem>>, %arg4: memref<16x128xf32, #tpu.memory_space<vmem>>) attributes {dimension_semantics = [#tpu.dimension_semantics<arbitrary>], iteration_bounds = array<i64: 5>, scalar_prefetch = 0 : i64, scratch_operands = 0 : i64, tpu.core_type = #tpu.core_type<tc>, window_params = [{transform_indices = @transform_0, window_bounds = array<i64: 32, 16, 128>}, {transform_indices = @transform_1, window_bounds = array<i64: 16, 128>}, {transform_indices = @transform_2, window_bounds = array<i64: 16, 128>}, {transform_indices = @transform_3, window_bounds = array<i64: 16, 128>}]} {
    %get3A = arith.constant 0 : index
    %get3A_0 = arith.constant 0 : index
    %get3A_1 = arith.constant 0 : index
    %get3A_2 = vector.load %arg1[%get3A, %get3A_0, %get3A_1] : memref<32x16x128xf32, #tpu.memory_space<vmem>>, vector<32x16x128xf32>
    %reduce_sum3A = arith.constant dense<0.000000e+00> : vector<16x128xf32>
    %reduce_sum3A_3 = vector.multi_reduction <add>, %get3A_2, %reduce_sum3A [0] : vector<32x16x128xf32> to vector<16x128xf32>
    %get3A_4 = arith.constant 0 : index
    %get3A_5 = arith.constant 0 : index
    %get3A_6 = vector.load %arg2[%get3A_4, %get3A_5] : memref<16x128xf32, #tpu.memory_space<vmem>>, vector<16x128xf32>
    %mul3A = arith.mulf %get3A_6, %reduce_sum3A_3 : vector<16x128xf32>
    %add3A = arith.addf %mul3A, %get3A_6 : vector<16x128xf32>
    %gt3A = arith.constant 0.000000e+00 : f32
    %gt3A_7 = vector.broadcast %gt3A : f32 to vector<16x128xf32>
    %gt3A_8 = arith.cmpf ogt, %add3A, %gt3A_7 : vector<16x128xf32>
    %max3A = arith.constant 9.99999996E-13 : f32
    %max3A_9 = vector.broadcast %max3A : f32 to vector<16x128xf32>
    %max3A_10 = arith.maximumf %add3A, %max3A_9 : vector<16x128xf32>
    %rsqrt3A = math.rsqrt %max3A_10 : vector<16x128xf32>
    %jit3A = arith.constant 0.000000e+00 : f32
    %broadcast_in_dim3A = vector.broadcast %jit3A : f32 to vector<16x128xf32>
    %select_n3A = arith.select %gt3A_8, %rsqrt3A, %broadcast_in_dim3A : vector<16x128xi1>, vector<16x128xf32>
    %mul3A_11 = arith.mulf %select_n3A, %get3A_6 : vector<16x128xf32>
    %swap3A = arith.constant 0 : index
    %swap3A_12 = arith.constant 0 : index
    %swap3A_13 = vector.load %arg3[%swap3A, %swap3A_12] : memref<16x128xf32, #tpu.memory_space<vmem>>, vector<16x128xf32>
    tpu.vector_store %arg3[%swap3A, %swap3A_12], %mul3A_11 {strides = array<i32>} : memref<16x128xf32, #tpu.memory_space<vmem>>, vector<16x128xf32>,
    %max3A_14 = arith.constant 9.99999996E-13 : f32
    %max3A_15 = vector.broadcast %max3A_14 : f32 to vector<16x128xf32>
    %max3A_16 = arith.maximumf %add3A, %max3A_15 : vector<16x128xf32>
    %div3A = arith.constant 1.000000e+00 : f32
    %div3A_17 = vector.broadcast %div3A : f32 to vector<16x128xf32>
    %div3A_18 = arith.divf %div3A_17, %max3A_16 : vector<16x128xf32>
    %jit3A_19 = arith.constant 0.000000e+00 : f32
    %broadcast_in_dim3A_20 = vector.broadcast %jit3A_19 : f32 to vector<16x128xf32>
    %select_n3A_21 = arith.select %gt3A_8, %div3A_18, %broadcast_in_dim3A_20 : vector<16x128xi1>, vector<16x128xf32>
    %mul3A_22 = arith.mulf %select_n3A_21, %get3A_6 : vector<16x128xf32>
    %swap3A_23 = arith.constant 0 : index
    %swap3A_24 = arith.constant 0 : index
    %swap3A_25 = vector.load %arg4[%swap3A_23, %swap3A_24] : memref<16x128xf32, #tpu.memory_space<vmem>>, vector<16x128xf32>
    tpu.vector_store %arg4[%swap3A_23, %swap3A_24], %mul3A_22 {strides = array<i32>} : memref<16x128xf32, #tpu.memory_space<vmem>>, vector<16x128xf32>,
    return
  }
  func.func @transform_0(%arg0: i32) -> (i32, i32, i32) {
    %c0_i32 = arith.constant 0 : i32
    %c0_i32_0 = arith.constant 0 : i32
    %c0_i32_1 = arith.constant 0 : i32
    return %c0_i32, %arg0, %c0_i32_0 : i32, i32, i32
  }
  func.func @transform_1(%arg0: i32) -> (i32, i32) {
    %c0_i32 = arith.constant 0 : i32
    %c0_i32_0 = arith.constant 0 : i32
    return %arg0, %c0_i32 : i32, i32
  }
  func.func @transform_2(%arg0: i32) -> (i32, i32) {
    %c0_i32 = arith.constant 0 : i32
    %c0_i32_0 = arith.constant 0 : i32
    return %arg0, %c0_i32 : i32, i32
  }
  func.func @transform_3(%arg0: i32) -> (i32, i32) {
    %c0_i32 = arith.constant 0 : i32
    %c0_i32_0 = arith.constant 0 : i32
    return %arg0, %c0_i32 : i32, i32
  }
}

module attributes {stable_mosaic.version = 14 : i64} {
  func.func @_scale_y_body(%arg0: i32, %arg1: memref<1024x1xf32, #tpu.memory_space<vmem>>, %arg2: memref<1024x128xf32, #tpu.memory_space<vmem>>, %arg3: memref<1024x128xf32, #tpu.memory_space<vmem>>) attributes {dimension_semantics = [#tpu.dimension_semantics<arbitrary>], iteration_bounds = array<i64: 10>, scalar_prefetch = 0 : i64, scratch_operands = 0 : i64, tpu.core_type = #tpu.core_type<tc>, window_params = [{transform_indices = @transform_0, window_bounds = array<i64: 1024, 1>}, {transform_indices = @transform_1, window_bounds = array<i64: 1024, 128>}, {transform_indices = @transform_2, window_bounds = array<i64: 1024, 128>}]} {
    %get3A = arith.constant 0 : index
    %get3A_0 = arith.constant 0 : index
    %get3A_1 = vector.load %arg1[%get3A, %get3A_0] : memref<1024x1xf32, #tpu.memory_space<vmem>>, vector<1024x1xf32>
    %get3A_2 = arith.constant 0 : index
    %get3A_3 = arith.constant 0 : index
    %get3A_4 = vector.load %arg2[%get3A_2, %get3A_3] : memref<1024x128xf32, #tpu.memory_space<vmem>>, vector<1024x128xf32>
    %mul3A = vector.broadcast %get3A_1 : vector<1024x1xf32> to vector<1024x128xf32>
    %mul3A_5 = arith.mulf %mul3A, %get3A_4 : vector<1024x128xf32>
    %swap3A = arith.constant 0 : index
    %swap3A_6 = arith.constant 0 : index
    %swap3A_7 = vector.load %arg3[%swap3A, %swap3A_6] : memref<1024x128xf32, #tpu.memory_space<vmem>>, vector<1024x128xf32>
    tpu.vector_store %arg3[%swap3A, %swap3A_6], %mul3A_5 {strides = array<i32>} : memref<1024x128xf32, #tpu.memory_space<vmem>>, vector<1024x128xf32>,
    return
  }
  func.func @transform_0(%arg0: i32) -> (i32, i32) {
    %c0_i32 = arith.constant 0 : i32
    %c0_i32_0 = arith.constant 0 : i32
    return %arg0, %c0_i32 : i32, i32
  }
  func.func @transform_1(%arg0: i32) -> (i32, i32) {
    %c0_i32 = arith.constant 0 : i32
    %c0_i32_0 = arith.constant 0 : i32
    return %arg0, %c0_i32 : i32, i32
  }
  func.func @transform_2(%arg0: i32) -> (i32, i32) {
    %c0_i32 = arith.constant 0 : i32
    %c0_i32_0 = arith.constant 0 : i32
    return %arg0, %c0_i32 : i32, i32
  }
}

module attributes {stable_mosaic.version = 14 : i64} {
  func.func @_conv_body(%arg0: i32, %arg1: memref<2x1024x128xf32, #tpu.memory_space<vmem>>, %arg2: memref<1024x1xf32, #tpu.memory_space<vmem>>, %arg3: memref<1024x1xf32, #tpu.memory_space<vmem>>, %arg4: memref<1024x128xf32, #tpu.memory_space<vmem>>, %arg5: memref<1x128xf32, #tpu.memory_space<vmem>>, %arg6: memref<1024x1xf32, #tpu.memory_space<vmem>>, %arg7: memref<128x1xf32, #tpu.memory_space<vmem>>, %arg8: memref<1x1xf32, #tpu.memory_space<vmem>>, %arg9: memref<1024x1xi32, #tpu.memory_space<vmem>>, %arg10: memref<1024x128xf32, #tpu.memory_space<vmem>>, %arg11: memref<1024x1xf32, #tpu.memory_space<vmem>>, %arg12: memref<1024x1xf32, #tpu.memory_space<vmem>>, %arg13: memref<1x16xf32, #tpu.memory_space<vmem>>, %arg14: memref<1x16xf32, #tpu.memory_space<vmem>>) attributes {dimension_semantics = [#tpu.dimension_semantics<arbitrary>], iteration_bounds = array<i64: 10>, scalar_prefetch = 0 : i64, scratch_operands = 1 : i64, tpu.core_type = #tpu.core_type<tc>, window_params = [{transform_indices = @transform_0, window_bounds = array<i64: 2, 1024, 128>}, {transform_indices = @transform_1, window_bounds = array<i64: 1024, 1>}, {transform_indices = @transform_2, window_bounds = array<i64: 1024, 1>}, {transform_indices = @transform_3, window_bounds = array<i64: 1024, 128>}, {pipeline_mode = #tpu.pipeline_mode<synchronous>, transform_indices = @transform_4, window_bounds = array<i64: 1, 128>}, {transform_indices = @transform_5, window_bounds = array<i64: 1024, 1>}, {pipeline_mode = #tpu.pipeline_mode<synchronous>, transform_indices = @transform_6, window_bounds = array<i64: 128, 1>}, {pipeline_mode = #tpu.pipeline_mode<synchronous>, transform_indices = @transform_7, window_bounds = array<i64: 1, 1>}, {transform_indices = @transform_8, window_bounds = array<i64: 1024, 1>}, {transform_indices = @transform_9, window_bounds = array<i64: 1024, 128>}, {transform_indices = @transform_10, window_bounds = array<i64: 1024, 1>}, {transform_indices = @transform_11, window_bounds = array<i64: 1024, 1>}, {pipeline_mode = #tpu.pipeline_mode<synchronous>, transform_indices = @transform_12, window_bounds = array<i64: 1, 16>}]} {
    %eq3A = arith.constant 0 : i32
    %eq3A_0 = arith.cmpi eq, %arg0, %eq3A : i32
    %convert_element_type3A = arith.extui %eq3A_0 : i1 to i32
    %cond3A = arith.constant 0 : i32
    %cond3A_1 = arith.cmpi ne, %convert_element_type3A, %cond3A : i32
    scf.if %cond3A_1 {
      %broadcast_in_dim3A_80 = arith.constant 0.000000e+00 : f32
      %broadcast_in_dim3A_81 = vector.broadcast %broadcast_in_dim3A_80 : f32 to vector<1x16xf32>
      %swap3A_82 = arith.constant 0 : index
      %swap3A_83 = arith.constant 0 : index
      %swap3A_84 = vector.load %arg14[%swap3A_82, %swap3A_83] : memref<1x16xf32, #tpu.memory_space<vmem>>, vector<1x16xf32>
      tpu.vector_store %arg14[%swap3A_82, %swap3A_83], %broadcast_in_dim3A_81 {strides = array<i32>} : memref<1x16xf32, #tpu.memory_space<vmem>>, vector<1x16xf32>,
    } else {
    }
    %get3A = arith.constant 0 : index
    %get3A_2 = arith.constant 0 : index
    %get3A_3 = vector.load %arg6[%get3A, %get3A_2] : memref<1024x1xf32, #tpu.memory_space<vmem>>, vector<1024x1xf32>
    %get3A_4 = arith.constant 0 : index
    %get3A_5 = arith.constant 0 : index
    %get3A_6 = arith.constant 0 : index
    %get3A_7 = vector.load %arg1[%get3A_4, %get3A_5, %get3A_6] : memref<2x1024x128xf32, #tpu.memory_space<vmem>>, vector<1x1024x128xf32>
    %get3A_8 = vector.shape_cast %get3A_7 : vector<1x1024x128xf32> to vector<1024x128xf32>
    %get3A_9 = arith.constant 1 : index
    %get3A_10 = arith.constant 0 : index
    %get3A_11 = arith.constant 0 : index
    %get3A_12 = vector.load %arg1[%get3A_9, %get3A_10, %get3A_11] : memref<2x1024x128xf32, #tpu.memory_space<vmem>>, vector<1x1024x128xf32>
    %get3A_13 = vector.shape_cast %get3A_12 : vector<1x1024x128xf32> to vector<1024x128xf32>
    %add3A = arith.addf %get3A_8, %get3A_13 : vector<1024x128xf32>
    %get3A_14 = arith.constant 0 : index
    %get3A_15 = arith.constant 0 : index
    %get3A_16 = vector.load %arg2[%get3A_14, %get3A_15] : memref<1024x1xf32, #tpu.memory_space<vmem>>, vector<1024x1xf32>
    %mul3A = vector.broadcast %get3A_16 : vector<1024x1xf32> to vector<1024x128xf32>
    %mul3A_17 = arith.mulf %add3A, %mul3A : vector<1024x128xf32>
    %get3A_18 = arith.constant 0 : index
    %get3A_19 = arith.constant 0 : index
    %get3A_20 = vector.load %arg3[%get3A_18, %get3A_19] : memref<1024x1xf32, #tpu.memory_space<vmem>>, vector<1024x1xf32>
    %get3A_21 = arith.constant 0 : index
    %get3A_22 = arith.constant 0 : index
    %get3A_23 = vector.load %arg4[%get3A_21, %get3A_22] : memref<1024x128xf32, #tpu.memory_space<vmem>>, vector<1024x128xf32>
    %mul3A_24 = vector.broadcast %get3A_20 : vector<1024x1xf32> to vector<1024x128xf32>
    %mul3A_25 = arith.mulf %mul3A_24, %get3A_23 : vector<1024x128xf32>
    %add3A_26 = arith.addf %mul3A_17, %mul3A_25 : vector<1024x128xf32>
    %get3A_27 = arith.constant 0 : index
    %get3A_28 = arith.constant 0 : index
    %get3A_29 = vector.load %arg5[%get3A_27, %get3A_28] : memref<1x128xf32, #tpu.memory_space<vmem>>, vector<1x128xf32>
    %add3A_30 = vector.broadcast %get3A_29 : vector<1x128xf32> to vector<1024x128xf32>
    %add3A_31 = arith.addf %add3A_26, %add3A_30 : vector<1024x128xf32>
    %mul3A_32 = vector.broadcast %get3A_3 : vector<1024x1xf32> to vector<1024x128xf32>
    %mul3A_33 = arith.mulf %add3A_31, %mul3A_32 : vector<1024x128xf32>
    %max3A = arith.constant 0.000000e+00 : f32
    %max3A_34 = vector.broadcast %max3A : f32 to vector<1024x128xf32>
    %max3A_35 = arith.maximumf %mul3A_33, %max3A_34 : vector<1024x128xf32>
    %mul3A_36 = vector.broadcast %get3A_3 : vector<1024x1xf32> to vector<1024x128xf32>
    %mul3A_37 = arith.mulf %max3A_35, %mul3A_36 : vector<1024x128xf32>
    %swap3A = arith.constant 0 : index
    %swap3A_38 = arith.constant 0 : index
    %swap3A_39 = vector.load %arg10[%swap3A, %swap3A_38] : memref<1024x128xf32, #tpu.memory_space<vmem>>, vector<1024x128xf32>
    tpu.vector_store %arg10[%swap3A, %swap3A_38], %mul3A_37 {strides = array<i32>} : memref<1024x128xf32, #tpu.memory_space<vmem>>, vector<1024x128xf32>,
    %get3A_40 = arith.constant 0 : index
    %get3A_41 = arith.constant 0 : index
    %get3A_42 = vector.load %arg7[%get3A_40, %get3A_41] : memref<128x1xf32, #tpu.memory_space<vmem>>, vector<128x1xf32>
    %dot_general3A = arith.constant dense<0.000000e+00> : vector<1024x1xf32>
    %dot_general3A_43 = tpu.matmul %mul3A_37, %get3A_42, %dot_general3A {dimension_numbers = #tpu.dot_dimension_numbers<[1], [0], [0], [1], [0, 0, 1, 1], [], []>, transpose_lhs_hint = false} : vector<1024x128xf32>, vector<128x1xf32>, vector<1024x1xf32> -> vector<1024x1xf32>
    %get3A_44 = arith.constant 0 : index
    %get3A_45 = arith.constant 0 : index
    %get3A_46 = vector.load %arg8[%get3A_44, %get3A_45] : memref<1x1xf32, #tpu.memory_space<vmem>>, vector<1x1xf32>
    %div3A = vector.broadcast %get3A_46 : vector<1x1xf32> to vector<1024x1xf32>
    %div3A_47 = arith.divf %dot_general3A_43, %div3A : vector<1024x1xf32>
    %gt3A = arith.constant 0.000000e+00 : f32
    %gt3A_48 = vector.broadcast %gt3A : f32 to vector<1024x1xf32>
    %gt3A_49 = arith.cmpf ogt, %get3A_3, %gt3A_48 : vector<1024x1xf32>
    %jit3A = arith.constant -1.000000e+30 : f32
    %broadcast_in_dim3A = vector.broadcast %jit3A : f32 to vector<1024x1xf32>
    %select_n3A = arith.select %gt3A_49, %div3A_47, %broadcast_in_dim3A : vector<1024x1xi1>, vector<1024x1xf32>
    %swap3A_50 = arith.constant 0 : index
    %swap3A_51 = arith.constant 0 : index
    %swap3A_52 = vector.load %arg11[%swap3A_50, %swap3A_51] : memref<1024x1xf32, #tpu.memory_space<vmem>>, vector<1024x1xf32>
    tpu.vector_store %arg11[%swap3A_50, %swap3A_51], %select_n3A {strides = array<i32>} : memref<1024x1xf32, #tpu.memory_space<vmem>>, vector<1024x1xf32>,
    %tanh3A = math.tanh %select_n3A : vector<1024x1xf32>
    %swap3A_53 = arith.constant 0 : index
    %swap3A_54 = arith.constant 0 : index
    %swap3A_55 = vector.load %arg12[%swap3A_53, %swap3A_54] : memref<1024x1xf32, #tpu.memory_space<vmem>>, vector<1024x1xf32>
    tpu.vector_store %arg12[%swap3A_53, %swap3A_54], %tanh3A {strides = array<i32>} : memref<1024x1xf32, #tpu.memory_space<vmem>>, vector<1024x1xf32>,
    %get3A_56 = arith.constant 0 : index
    %get3A_57 = arith.constant 0 : index
    %get3A_58 = vector.load %arg9[%get3A_56, %get3A_57] : memref<1024x1xi32, #tpu.memory_space<vmem>>, vector<1024x1xi32>
    %iota3A = tpu.iota {dimensions = array<i32: 1>} : vector<1x16xi32>
    %eq3A_59 = vector.broadcast %get3A_58 : vector<1024x1xi32> to vector<1024x16xi32>
    %eq3A_60 = vector.broadcast %iota3A : vector<1x16xi32> to vector<1024x16xi32>
    %eq3A_61 = arith.cmpi eq, %eq3A_59, %eq3A_60 : vector<1024x16xi32>
    %convert_element_type3A_62 = arith.extui %eq3A_61 : vector<1024x16xi1> to vector<1024x16xi32>
    %convert_element_type3A_63 = arith.sitofp %convert_element_type3A_62 : vector<1024x16xi32> to vector<1024x16xf32>
    %mul3A_64 = vector.broadcast %get3A_3 : vector<1024x1xf32> to vector<1024x16xf32>
    %mul3A_65 = arith.mulf %convert_element_type3A_63, %mul3A_64 : vector<1024x16xf32>
    %get3A_66 = arith.constant 0 : index
    %get3A_67 = arith.constant 0 : index
    %get3A_68 = vector.load %arg14[%get3A_66, %get3A_67] : memref<1x16xf32, #tpu.memory_space<vmem>>, vector<1x16xf32>
    %reduce_sum3A = arith.constant dense<0.000000e+00> : vector<16xf32>
    %reduce_sum3A_69 = vector.multi_reduction <add>, %mul3A_65, %reduce_sum3A [0] : vector<1024x16xf32> to vector<16xf32>
    %broadcast_in_dim3A_70 = vector.shape_cast %reduce_sum3A_69 : vector<16xf32> to vector<1x16xf32>
    %add3A_71 = arith.addf %get3A_68, %broadcast_in_dim3A_70 : vector<1x16xf32>
    %swap3A_72 = arith.constant 0 : index
    %swap3A_73 = arith.constant 0 : index
    %swap3A_74 = vector.load %arg14[%swap3A_72, %swap3A_73] : memref<1x16xf32, #tpu.memory_space<vmem>>, vector<1x16xf32>
    tpu.vector_store %arg14[%swap3A_72, %swap3A_73], %add3A_71 {strides = array<i32>} : memref<1x16xf32, #tpu.memory_space<vmem>>, vector<1x16xf32>,
    %eq3A_75 = arith.constant 9 : i32
    %eq3A_76 = arith.cmpi eq, %arg0, %eq3A_75 : i32
    %convert_element_type3A_77 = arith.extui %eq3A_76 : i1 to i32
    %cond3A_78 = arith.constant 0 : i32
    %cond3A_79 = arith.cmpi ne, %convert_element_type3A_77, %cond3A_78 : i32
    scf.if %cond3A_79 {
      %get3A_80 = arith.constant 0 : index
      %get3A_81 = arith.constant 0 : index
      %get3A_82 = vector.load %arg14[%get3A_80, %get3A_81] : memref<1x16xf32, #tpu.memory_space<vmem>>, vector<1x16xf32>
      %mul3A_83 = arith.constant 5.000000e-01 : f32
      %mul3A_84 = vector.broadcast %mul3A_83 : f32 to vector<1x16xf32>
      %mul3A_85 = arith.mulf %mul3A_84, %get3A_82 : vector<1x16xf32>
      %ceil3A = math.ceil %mul3A_85 : vector<1x16xf32>
      %swap3A_86 = arith.constant 0 : index
      %swap3A_87 = arith.constant 0 : index
      %swap3A_88 = vector.load %arg13[%swap3A_86, %swap3A_87] : memref<1x16xf32, #tpu.memory_space<vmem>>, vector<1x16xf32>
      tpu.vector_store %arg13[%swap3A_86, %swap3A_87], %ceil3A {strides = array<i32>} : memref<1x16xf32, #tpu.memory_space<vmem>>, vector<1x16xf32>,
    } else {
    }
    return
  }
  func.func @transform_0(%arg0: i32) -> (i32, i32, i32) {
    %c0_i32 = arith.constant 0 : i32
    %c0_i32_0 = arith.constant 0 : i32
    %c0_i32_1 = arith.constant 0 : i32
    return %c0_i32, %arg0, %c0_i32_0 : i32, i32, i32
  }
  func.func @transform_1(%arg0: i32) -> (i32, i32) {
    %c0_i32 = arith.constant 0 : i32
    %c0_i32_0 = arith.constant 0 : i32
    return %arg0, %c0_i32 : i32, i32
  }
  func.func @transform_2(%arg0: i32) -> (i32, i32) {
    %c0_i32 = arith.constant 0 : i32
    %c0_i32_0 = arith.constant 0 : i32
    return %arg0, %c0_i32 : i32, i32
  }
  func.func @transform_3(%arg0: i32) -> (i32, i32) {
    %c0_i32 = arith.constant 0 : i32
    %c0_i32_0 = arith.constant 0 : i32
    return %arg0, %c0_i32 : i32, i32
  }
  func.func @transform_4(%arg0: i32) -> (i32, i32) {
    %c0_i32 = arith.constant 0 : i32
    %c0_i32_0 = arith.constant 0 : i32
    %c0_i32_1 = arith.constant 0 : i32
    return %c0_i32, %c0_i32_0 : i32, i32
  }
  func.func @transform_5(%arg0: i32) -> (i32, i32) {
    %c0_i32 = arith.constant 0 : i32
    %c0_i32_0 = arith.constant 0 : i32
    return %arg0, %c0_i32 : i32, i32
  }
  func.func @transform_6(%arg0: i32) -> (i32, i32) {
    %c0_i32 = arith.constant 0 : i32
    %c0_i32_0 = arith.constant 0 : i32
    %c0_i32_1 = arith.constant 0 : i32
    return %c0_i32, %c0_i32_0 : i32, i32
  }
  func.func @transform_7(%arg0: i32) -> (i32, i32) {
    %c0_i32 = arith.constant 0 : i32
    %c0_i32_0 = arith.constant 0 : i32
    %c0_i32_1 = arith.constant 0 : i32
    return %c0_i32, %c0_i32_0 : i32, i32
  }
  func.func @transform_8(%arg0: i32) -> (i32, i32) {
    %c0_i32 = arith.constant 0 : i32
    %c0_i32_0 = arith.constant 0 : i32
    return %arg0, %c0_i32 : i32, i32
  }
  func.func @transform_9(%arg0: i32) -> (i32, i32) {
    %c0_i32 = arith.constant 0 : i32
    %c0_i32_0 = arith.constant 0 : i32
    return %arg0, %c0_i32 : i32, i32
  }
  func.func @transform_10(%arg0: i32) -> (i32, i32) {
    %c0_i32 = arith.constant 0 : i32
    %c0_i32_0 = arith.constant 0 : i32
    return %arg0, %c0_i32 : i32, i32
  }
  func.func @transform_11(%arg0: i32) -> (i32, i32) {
    %c0_i32 = arith.constant 0 : i32
    %c0_i32_0 = arith.constant 0 : i32
    return %arg0, %c0_i32 : i32, i32
  }
  func.func @transform_12(%arg0: i32) -> (i32, i32) {
    %c0_i32 = arith.constant 0 : i32
    %c0_i32_0 = arith.constant 0 : i32
    %c0_i32_1 = arith.constant 0 : i32
    return %c0_i32, %c0_i32_0 : i32, i32
  }
}

module attributes {stable_mosaic.version = 14 : i64} {
  func.func @_rank_body(%arg0: i32, %arg1: memref<256x1xf32, #tpu.memory_space<vmem>>, %arg2: memref<256x1xi32, #tpu.memory_space<vmem>>, %arg3: memref<256x1xf32, #tpu.memory_space<vmem>>, %arg4: memref<1x10240xf32, #tpu.memory_space<vmem>>, %arg5: memref<1x10240xi32, #tpu.memory_space<vmem>>, %arg6: memref<1x10240xf32, #tpu.memory_space<vmem>>, %arg7: memref<1x16xf32, #tpu.memory_space<vmem>>, %arg8: memref<40xi32, #tpu.memory_space<smem>>, %arg9: memref<40xi32, #tpu.memory_space<smem>>, %arg10: memref<256x1xf32, #tpu.memory_space<vmem>>, %arg11: memref<256x1xf32, #tpu.memory_space<vmem>>) attributes {dimension_semantics = [#tpu.dimension_semantics<arbitrary>], iteration_bounds = array<i64: 40>, scalar_prefetch = 0 : i64, scratch_operands = 1 : i64, tpu.core_type = #tpu.core_type<tc>, window_params = [{transform_indices = @transform_0, window_bounds = array<i64: 256, 1>}, {transform_indices = @transform_1, window_bounds = array<i64: 256, 1>}, {transform_indices = @transform_2, window_bounds = array<i64: 256, 1>}, {pipeline_mode = #tpu.pipeline_mode<synchronous>, transform_indices = @transform_3, window_bounds = array<i64: 1, 10240>}, {pipeline_mode = #tpu.pipeline_mode<synchronous>, transform_indices = @transform_4, window_bounds = array<i64: 1, 10240>}, {pipeline_mode = #tpu.pipeline_mode<synchronous>, transform_indices = @transform_5, window_bounds = array<i64: 1, 10240>}, {pipeline_mode = #tpu.pipeline_mode<synchronous>, transform_indices = @transform_6, window_bounds = array<i64: 1, 16>}, {transform_indices = @transform_7, window_bounds = array<i64: 40>}, {transform_indices = @transform_8, window_bounds = array<i64: 40>}, {transform_indices = @transform_9, window_bounds = array<i64: 256, 1>}]} {
    %get3A = arith.constant 0 : index
    %get3A_0 = arith.constant 0 : index
    %get3A_1 = vector.load %arg1[%get3A, %get3A_0] : memref<256x1xf32, #tpu.memory_space<vmem>>, vector<256x1xf32>
    %get3A_2 = arith.constant 0 : index
    %get3A_3 = arith.constant 0 : index
    %get3A_4 = vector.load %arg2[%get3A_2, %get3A_3] : memref<256x1xi32, #tpu.memory_space<vmem>>, vector<256x1xi32>
    %get3A_5 = arith.constant 0 : index
    %get3A_6 = arith.constant 0 : index
    %get3A_7 = vector.load %arg3[%get3A_5, %get3A_6] : memref<256x1xf32, #tpu.memory_space<vmem>>, vector<256x1xf32>
    %mul3A = arith.constant 256 : i32
    %mul3A_8 = arith.muli %arg0, %mul3A : i32
    %iota3A = tpu.iota {dimensions = array<i32: 0>} : vector<256x1xi32>
    %add3A = vector.broadcast %mul3A_8 : i32 to vector<256x1xi32>
    %add3A_9 = arith.addi %add3A, %iota3A : vector<256x1xi32>
    %broadcast_in_dim3A = arith.constant 0.000000e+00 : f32
    %broadcast_in_dim3A_10 = vector.broadcast %broadcast_in_dim3A : f32 to vector<256x1xf32>
    %swap3A = arith.constant 0 : index
    %swap3A_11 = arith.constant 0 : index
    %swap3A_12 = vector.load %arg11[%swap3A, %swap3A_11] : memref<256x1xf32, #tpu.memory_space<vmem>>, vector<256x1xf32>
    tpu.vector_store %arg11[%swap3A, %swap3A_11], %broadcast_in_dim3A_10 {strides = array<i32>} : memref<256x1xf32, #tpu.memory_space<vmem>>, vector<256x1xf32>,
    %get3A_13 = arith.index_cast %arg0 : i32 to index
    %get3A_14 = memref.load %arg8[%get3A_13] : memref<40xi32, #tpu.memory_space<smem>>
    %get3A_15 = arith.index_cast %arg0 : i32 to index
    %get3A_16 = memref.load %arg9[%get3A_15] : memref<40xi32, #tpu.memory_space<smem>>
    %le3A = arith.constant 0 : i32
    %le3A_17 = arith.cmpi sle, %get3A_14, %le3A : i32
    %ge3A = arith.constant 0 : i32
    %ge3A_18 = arith.cmpi sge, %get3A_16, %ge3A : i32
    %and3A = arith.andi %le3A_17, %ge3A_18 : i1
    %convert_element_type3A = arith.extui %and3A : i1 to i32
    %cond3A = arith.constant 0 : i32
    %cond3A_19 = arith.cmpi ne, %convert_element_type3A, %cond3A : i32
    scf.if %cond3A_19 {
      %get3A_195 = arith.constant 0 : index
      %get3A_196 = arith.constant 0 : index
      %get3A_197 = vector.load %arg4[%get3A_195, %get3A_196] : memref<1x10240xf32, #tpu.memory_space<vmem>>, vector<1x512xf32>
      %get3A_198 = arith.constant 0 : index
      %get3A_199 = arith.constant 0 : index
      %get3A_200 = vector.load %arg5[%get3A_198, %get3A_199] : memref<1x10240xi32, #tpu.memory_space<vmem>>, vector<1x512xi32>
      %get3A_201 = arith.constant 0 : index
      %get3A_202 = arith.constant 0 : index
      %get3A_203 = vector.load %arg6[%get3A_201, %get3A_202] : memref<1x10240xf32, #tpu.memory_space<vmem>>, vector<1x512xf32>
      %iota3A_204 = tpu.iota {dimensions = array<i32: 1>} : vector<1x512xi32>
      %add3A_205 = arith.constant 0 : i32
      %add3A_206 = vector.broadcast %add3A_205 : i32 to vector<1x512xi32>
      %add3A_207 = arith.addi %add3A_206, %iota3A_204 : vector<1x512xi32>
      %gt3A_208 = vector.broadcast %get3A_197 : vector<1x512xf32> to vector<256x512xf32>
      %gt3A_209 = vector.broadcast %get3A_1 : vector<256x1xf32> to vector<256x512xf32>
      %gt3A_210 = arith.cmpf ogt, %gt3A_208, %gt3A_209 : vector<256x512xf32>
      %eq3A_211 = vector.broadcast %get3A_197 : vector<1x512xf32> to vector<256x512xf32>
      %eq3A_212 = vector.broadcast %get3A_1 : vector<256x1xf32> to vector<256x512xf32>
      %eq3A_213 = arith.cmpf oeq, %eq3A_211, %eq3A_212 : vector<256x512xf32>
      %lt3A_214 = vector.broadcast %add3A_207 : vector<1x512xi32> to vector<256x512xi32>
      %lt3A_215 = vector.broadcast %add3A_9 : vector<256x1xi32> to vector<256x512xi32>
      %lt3A_216 = arith.cmpi slt, %lt3A_214, %lt3A_215 : vector<256x512xi32>
      %and3A_217 = arith.andi %eq3A_213, %lt3A_216 : vector<256x512xi1>
      %or3A = arith.ori %gt3A_210, %and3A_217 : vector<256x512xi1>
      %eq3A_218 = vector.broadcast %get3A_200 : vector<1x512xi32> to vector<256x512xi32>
      %eq3A_219 = vector.broadcast %get3A_4 : vector<256x1xi32> to vector<256x512xi32>
      %eq3A_220 = arith.cmpi eq, %eq3A_218, %eq3A_219 : vector<256x512xi32>
      %and3A_221 = arith.andi %or3A, %eq3A_220 : vector<256x512xi1>
      %gt3A_222 = arith.constant 0.000000e+00 : f32
      %gt3A_223 = vector.broadcast %gt3A_222 : f32 to vector<1x512xf32>
      %gt3A_224 = arith.cmpf ogt, %get3A_203, %gt3A_223 : vector<1x512xf32>
      %and3A_225 = vector.broadcast %gt3A_224 : vector<1x512xi1> to vector<256x512xi1>
      %and3A_226 = arith.andi %and3A_221, %and3A_225 : vector<256x512xi1>
      %get3A_227 = arith.constant 0 : index
      %get3A_228 = arith.constant 0 : index
      %get3A_229 = vector.load %arg11[%get3A_227, %get3A_228] : memref<256x1xf32, #tpu.memory_space<vmem>>, vector<256x1xf32>
      %convert_element_type3A_230 = arith.extui %and3A_226 : vector<256x512xi1> to vector<256x512xi32>
      %convert_element_type3A_231 = arith.sitofp %convert_element_type3A_230 : vector<256x512xi32> to vector<256x512xf32>
      %reduce_sum3A_232 = arith.constant dense<0.000000e+00> : vector<256xf32>
      %reduce_sum3A_233 = vector.multi_reduction <add>, %convert_element_type3A_231, %reduce_sum3A_232 [1] : vector<256x512xf32> to vector<256xf32>
      %broadcast_in_dim3A_234 = vector.shape_cast %reduce_sum3A_233 : vector<256xf32> to vector<256x1xf32>
      %add3A_235 = arith.addf %get3A_229, %broadcast_in_dim3A_234 : vector<256x1xf32>
      %swap3A_236 = arith.constant 0 : index
      %swap3A_237 = arith.constant 0 : index
      %swap3A_238 = vector.load %arg11[%swap3A_236, %swap3A_237] : memref<256x1xf32, #tpu.memory_space<vmem>>, vector<256x1xf32>
      tpu.vector_store %arg11[%swap3A_236, %swap3A_237], %add3A_235 {strides = array<i32>} : memref<256x1xf32, #tpu.memory_space<vmem>>, vector<256x1xf32>,
    } else {
    }
    %le3A_20 = arith.constant 1 : i32
    %le3A_21 = arith.cmpi sle, %get3A_14, %le3A_20 : i32
    %ge3A_22 = arith.constant 1 : i32
    %ge3A_23 = arith.cmpi sge, %get3A_16, %ge3A_22 : i32
    %and3A_24 = arith.andi %le3A_21, %ge3A_23 : i1
    %convert_element_type3A_25 = arith.extui %and3A_24 : i1 to i32
    %cond3A_26 = arith.constant 0 : i32
    %cond3A_27 = arith.cmpi ne, %convert_element_type3A_25, %cond3A_26 : i32
    scf.if %cond3A_27 {
      %get3A_195 = arith.constant 0 : index
      %get3A_196 = arith.constant 512 : index
      %get3A_197 = vector.load %arg4[%get3A_195, %get3A_196] : memref<1x10240xf32, #tpu.memory_space<vmem>>, vector<1x512xf32>
      %get3A_198 = arith.constant 0 : index
      %get3A_199 = arith.constant 512 : index
      %get3A_200 = vector.load %arg5[%get3A_198, %get3A_199] : memref<1x10240xi32, #tpu.memory_space<vmem>>, vector<1x512xi32>
      %get3A_201 = arith.constant 0 : index
      %get3A_202 = arith.constant 512 : index
      %get3A_203 = vector.load %arg6[%get3A_201, %get3A_202] : memref<1x10240xf32, #tpu.memory_space<vmem>>, vector<1x512xf32>
      %iota3A_204 = tpu.iota {dimensions = array<i32: 1>} : vector<1x512xi32>
      %add3A_205 = arith.constant 512 : i32
      %add3A_206 = vector.broadcast %add3A_205 : i32 to vector<1x512xi32>
      %add3A_207 = arith.addi %add3A_206, %iota3A_204 : vector<1x512xi32>
      %gt3A_208 = vector.broadcast %get3A_197 : vector<1x512xf32> to vector<256x512xf32>
      %gt3A_209 = vector.broadcast %get3A_1 : vector<256x1xf32> to vector<256x512xf32>
      %gt3A_210 = arith.cmpf ogt, %gt3A_208, %gt3A_209 : vector<256x512xf32>
      %eq3A_211 = vector.broadcast %get3A_197 : vector<1x512xf32> to vector<256x512xf32>
      %eq3A_212 = vector.broadcast %get3A_1 : vector<256x1xf32> to vector<256x512xf32>
      %eq3A_213 = arith.cmpf oeq, %eq3A_211, %eq3A_212 : vector<256x512xf32>
      %lt3A_214 = vector.broadcast %add3A_207 : vector<1x512xi32> to vector<256x512xi32>
      %lt3A_215 = vector.broadcast %add3A_9 : vector<256x1xi32> to vector<256x512xi32>
      %lt3A_216 = arith.cmpi slt, %lt3A_214, %lt3A_215 : vector<256x512xi32>
      %and3A_217 = arith.andi %eq3A_213, %lt3A_216 : vector<256x512xi1>
      %or3A = arith.ori %gt3A_210, %and3A_217 : vector<256x512xi1>
      %eq3A_218 = vector.broadcast %get3A_200 : vector<1x512xi32> to vector<256x512xi32>
      %eq3A_219 = vector.broadcast %get3A_4 : vector<256x1xi32> to vector<256x512xi32>
      %eq3A_220 = arith.cmpi eq, %eq3A_218, %eq3A_219 : vector<256x512xi32>
      %and3A_221 = arith.andi %or3A, %eq3A_220 : vector<256x512xi1>
      %gt3A_222 = arith.constant 0.000000e+00 : f32
      %gt3A_223 = vector.broadcast %gt3A_222 : f32 to vector<1x512xf32>
      %gt3A_224 = arith.cmpf ogt, %get3A_203, %gt3A_223 : vector<1x512xf32>
      %and3A_225 = vector.broadcast %gt3A_224 : vector<1x512xi1> to vector<256x512xi1>
      %and3A_226 = arith.andi %and3A_221, %and3A_225 : vector<256x512xi1>
      %get3A_227 = arith.constant 0 : index
      %get3A_228 = arith.constant 0 : index
      %get3A_229 = vector.load %arg11[%get3A_227, %get3A_228] : memref<256x1xf32, #tpu.memory_space<vmem>>, vector<256x1xf32>
      %convert_element_type3A_230 = arith.extui %and3A_226 : vector<256x512xi1> to vector<256x512xi32>
      %convert_element_type3A_231 = arith.sitofp %convert_element_type3A_230 : vector<256x512xi32> to vector<256x512xf32>
      %reduce_sum3A_232 = arith.constant dense<0.000000e+00> : vector<256xf32>
      %reduce_sum3A_233 = vector.multi_reduction <add>, %convert_element_type3A_231, %reduce_sum3A_232 [1] : vector<256x512xf32> to vector<256xf32>
      %broadcast_in_dim3A_234 = vector.shape_cast %reduce_sum3A_233 : vector<256xf32> to vector<256x1xf32>
      %add3A_235 = arith.addf %get3A_229, %broadcast_in_dim3A_234 : vector<256x1xf32>
      %swap3A_236 = arith.constant 0 : index
      %swap3A_237 = arith.constant 0 : index
      %swap3A_238 = vector.load %arg11[%swap3A_236, %swap3A_237] : memref<256x1xf32, #tpu.memory_space<vmem>>, vector<256x1xf32>
      tpu.vector_store %arg11[%swap3A_236, %swap3A_237], %add3A_235 {strides = array<i32>} : memref<256x1xf32, #tpu.memory_space<vmem>>, vector<256x1xf32>,
    } else {
    }
    %le3A_28 = arith.constant 2 : i32
    %le3A_29 = arith.cmpi sle, %get3A_14, %le3A_28 : i32
    %ge3A_30 = arith.constant 2 : i32
    %ge3A_31 = arith.cmpi sge, %get3A_16, %ge3A_30 : i32
    %and3A_32 = arith.andi %le3A_29, %ge3A_31 : i1
    %convert_element_type3A_33 = arith.extui %and3A_32 : i1 to i32
    %cond3A_34 = arith.constant 0 : i32
    %cond3A_35 = arith.cmpi ne, %convert_element_type3A_33, %cond3A_34 : i32
    scf.if %cond3A_35 {
      %get3A_195 = arith.constant 0 : index
      %get3A_196 = arith.constant 1024 : index
      %get3A_197 = vector.load %arg4[%get3A_195, %get3A_196] : memref<1x10240xf32, #tpu.memory_space<vmem>>, vector<1x512xf32>
      %get3A_198 = arith.constant 0 : index
      %get3A_199 = arith.constant 1024 : index
      %get3A_200 = vector.load %arg5[%get3A_198, %get3A_199] : memref<1x10240xi32, #tpu.memory_space<vmem>>, vector<1x512xi32>
      %get3A_201 = arith.constant 0 : index
      %get3A_202 = arith.constant 1024 : index
      %get3A_203 = vector.load %arg6[%get3A_201, %get3A_202] : memref<1x10240xf32, #tpu.memory_space<vmem>>, vector<1x512xf32>
      %iota3A_204 = tpu.iota {dimensions = array<i32: 1>} : vector<1x512xi32>
      %add3A_205 = arith.constant 1024 : i32
      %add3A_206 = vector.broadcast %add3A_205 : i32 to vector<1x512xi32>
      %add3A_207 = arith.addi %add3A_206, %iota3A_204 : vector<1x512xi32>
      %gt3A_208 = vector.broadcast %get3A_197 : vector<1x512xf32> to vector<256x512xf32>
      %gt3A_209 = vector.broadcast %get3A_1 : vector<256x1xf32> to vector<256x512xf32>
      %gt3A_210 = arith.cmpf ogt, %gt3A_208, %gt3A_209 : vector<256x512xf32>
      %eq3A_211 = vector.broadcast %get3A_197 : vector<1x512xf32> to vector<256x512xf32>
      %eq3A_212 = vector.broadcast %get3A_1 : vector<256x1xf32> to vector<256x512xf32>
      %eq3A_213 = arith.cmpf oeq, %eq3A_211, %eq3A_212 : vector<256x512xf32>
      %lt3A_214 = vector.broadcast %add3A_207 : vector<1x512xi32> to vector<256x512xi32>
      %lt3A_215 = vector.broadcast %add3A_9 : vector<256x1xi32> to vector<256x512xi32>
      %lt3A_216 = arith.cmpi slt, %lt3A_214, %lt3A_215 : vector<256x512xi32>
      %and3A_217 = arith.andi %eq3A_213, %lt3A_216 : vector<256x512xi1>
      %or3A = arith.ori %gt3A_210, %and3A_217 : vector<256x512xi1>
      %eq3A_218 = vector.broadcast %get3A_200 : vector<1x512xi32> to vector<256x512xi32>
      %eq3A_219 = vector.broadcast %get3A_4 : vector<256x1xi32> to vector<256x512xi32>
      %eq3A_220 = arith.cmpi eq, %eq3A_218, %eq3A_219 : vector<256x512xi32>
      %and3A_221 = arith.andi %or3A, %eq3A_220 : vector<256x512xi1>
      %gt3A_222 = arith.constant 0.000000e+00 : f32
      %gt3A_223 = vector.broadcast %gt3A_222 : f32 to vector<1x512xf32>
      %gt3A_224 = arith.cmpf ogt, %get3A_203, %gt3A_223 : vector<1x512xf32>
      %and3A_225 = vector.broadcast %gt3A_224 : vector<1x512xi1> to vector<256x512xi1>
      %and3A_226 = arith.andi %and3A_221, %and3A_225 : vector<256x512xi1>
      %get3A_227 = arith.constant 0 : index
      %get3A_228 = arith.constant 0 : index
      %get3A_229 = vector.load %arg11[%get3A_227, %get3A_228] : memref<256x1xf32, #tpu.memory_space<vmem>>, vector<256x1xf32>
      %convert_element_type3A_230 = arith.extui %and3A_226 : vector<256x512xi1> to vector<256x512xi32>
      %convert_element_type3A_231 = arith.sitofp %convert_element_type3A_230 : vector<256x512xi32> to vector<256x512xf32>
      %reduce_sum3A_232 = arith.constant dense<0.000000e+00> : vector<256xf32>
      %reduce_sum3A_233 = vector.multi_reduction <add>, %convert_element_type3A_231, %reduce_sum3A_232 [1] : vector<256x512xf32> to vector<256xf32>
      %broadcast_in_dim3A_234 = vector.shape_cast %reduce_sum3A_233 : vector<256xf32> to vector<256x1xf32>
      %add3A_235 = arith.addf %get3A_229, %broadcast_in_dim3A_234 : vector<256x1xf32>
      %swap3A_236 = arith.constant 0 : index
      %swap3A_237 = arith.constant 0 : index
      %swap3A_238 = vector.load %arg11[%swap3A_236, %swap3A_237] : memref<256x1xf32, #tpu.memory_space<vmem>>, vector<256x1xf32>
      tpu.vector_store %arg11[%swap3A_236, %swap3A_237], %add3A_235 {strides = array<i32>} : memref<256x1xf32, #tpu.memory_space<vmem>>, vector<256x1xf32>,
    } else {
    }
    %le3A_36 = arith.constant 3 : i32
    %le3A_37 = arith.cmpi sle, %get3A_14, %le3A_36 : i32
    %ge3A_38 = arith.constant 3 : i32
    %ge3A_39 = arith.cmpi sge, %get3A_16, %ge3A_38 : i32
    %and3A_40 = arith.andi %le3A_37, %ge3A_39 : i1
    %convert_element_type3A_41 = arith.extui %and3A_40 : i1 to i32
    %cond3A_42 = arith.constant 0 : i32
    %cond3A_43 = arith.cmpi ne, %convert_element_type3A_41, %cond3A_42 : i32
    scf.if %cond3A_43 {
      %get3A_195 = arith.constant 0 : index
      %get3A_196 = arith.constant 1536 : index
      %get3A_197 = vector.load %arg4[%get3A_195, %get3A_196] : memref<1x10240xf32, #tpu.memory_space<vmem>>, vector<1x512xf32>
      %get3A_198 = arith.constant 0 : index
      %get3A_199 = arith.constant 1536 : index
      %get3A_200 = vector.load %arg5[%get3A_198, %get3A_199] : memref<1x10240xi32, #tpu.memory_space<vmem>>, vector<1x512xi32>
      %get3A_201 = arith.constant 0 : index
      %get3A_202 = arith.constant 1536 : index
      %get3A_203 = vector.load %arg6[%get3A_201, %get3A_202] : memref<1x10240xf32, #tpu.memory_space<vmem>>, vector<1x512xf32>
      %iota3A_204 = tpu.iota {dimensions = array<i32: 1>} : vector<1x512xi32>
      %add3A_205 = arith.constant 1536 : i32
      %add3A_206 = vector.broadcast %add3A_205 : i32 to vector<1x512xi32>
      %add3A_207 = arith.addi %add3A_206, %iota3A_204 : vector<1x512xi32>
      %gt3A_208 = vector.broadcast %get3A_197 : vector<1x512xf32> to vector<256x512xf32>
      %gt3A_209 = vector.broadcast %get3A_1 : vector<256x1xf32> to vector<256x512xf32>
      %gt3A_210 = arith.cmpf ogt, %gt3A_208, %gt3A_209 : vector<256x512xf32>
      %eq3A_211 = vector.broadcast %get3A_197 : vector<1x512xf32> to vector<256x512xf32>
      %eq3A_212 = vector.broadcast %get3A_1 : vector<256x1xf32> to vector<256x512xf32>
      %eq3A_213 = arith.cmpf oeq, %eq3A_211, %eq3A_212 : vector<256x512xf32>
      %lt3A_214 = vector.broadcast %add3A_207 : vector<1x512xi32> to vector<256x512xi32>
      %lt3A_215 = vector.broadcast %add3A_9 : vector<256x1xi32> to vector<256x512xi32>
      %lt3A_216 = arith.cmpi slt, %lt3A_214, %lt3A_215 : vector<256x512xi32>
      %and3A_217 = arith.andi %eq3A_213, %lt3A_216 : vector<256x512xi1>
      %or3A = arith.ori %gt3A_210, %and3A_217 : vector<256x512xi1>
      %eq3A_218 = vector.broadcast %get3A_200 : vector<1x512xi32> to vector<256x512xi32>
      %eq3A_219 = vector.broadcast %get3A_4 : vector<256x1xi32> to vector<256x512xi32>
      %eq3A_220 = arith.cmpi eq, %eq3A_218, %eq3A_219 : vector<256x512xi32>
      %and3A_221 = arith.andi %or3A, %eq3A_220 : vector<256x512xi1>
      %gt3A_222 = arith.constant 0.000000e+00 : f32
      %gt3A_223 = vector.broadcast %gt3A_222 : f32 to vector<1x512xf32>
      %gt3A_224 = arith.cmpf ogt, %get3A_203, %gt3A_223 : vector<1x512xf32>
      %and3A_225 = vector.broadcast %gt3A_224 : vector<1x512xi1> to vector<256x512xi1>
      %and3A_226 = arith.andi %and3A_221, %and3A_225 : vector<256x512xi1>
      %get3A_227 = arith.constant 0 : index
      %get3A_228 = arith.constant 0 : index
      %get3A_229 = vector.load %arg11[%get3A_227, %get3A_228] : memref<256x1xf32, #tpu.memory_space<vmem>>, vector<256x1xf32>
      %convert_element_type3A_230 = arith.extui %and3A_226 : vector<256x512xi1> to vector<256x512xi32>
      %convert_element_type3A_231 = arith.sitofp %convert_element_type3A_230 : vector<256x512xi32> to vector<256x512xf32>
      %reduce_sum3A_232 = arith.constant dense<0.000000e+00> : vector<256xf32>
      %reduce_sum3A_233 = vector.multi_reduction <add>, %convert_element_type3A_231, %reduce_sum3A_232 [1] : vector<256x512xf32> to vector<256xf32>
      %broadcast_in_dim3A_234 = vector.shape_cast %reduce_sum3A_233 : vector<256xf32> to vector<256x1xf32>
      %add3A_235 = arith.addf %get3A_229, %broadcast_in_dim3A_234 : vector<256x1xf32>
      %swap3A_236 = arith.constant 0 : index
      %swap3A_237 = arith.constant 0 : index
      %swap3A_238 = vector.load %arg11[%swap3A_236, %swap3A_237] : memref<256x1xf32, #tpu.memory_space<vmem>>, vector<256x1xf32>
      tpu.vector_store %arg11[%swap3A_236, %swap3A_237], %add3A_235 {strides = array<i32>} : memref<256x1xf32, #tpu.memory_space<vmem>>, vector<256x1xf32>,
    } else {
    }
    %le3A_44 = arith.constant 4 : i32
    %le3A_45 = arith.cmpi sle, %get3A_14, %le3A_44 : i32
    %ge3A_46 = arith.constant 4 : i32
    %ge3A_47 = arith.cmpi sge, %get3A_16, %ge3A_46 : i32
    %and3A_48 = arith.andi %le3A_45, %ge3A_47 : i1
    %convert_element_type3A_49 = arith.extui %and3A_48 : i1 to i32
    %cond3A_50 = arith.constant 0 : i32
    %cond3A_51 = arith.cmpi ne, %convert_element_type3A_49, %cond3A_50 : i32
    scf.if %cond3A_51 {
      %get3A_195 = arith.constant 0 : index
      %get3A_196 = arith.constant 2048 : index
      %get3A_197 = vector.load %arg4[%get3A_195, %get3A_196] : memref<1x10240xf32, #tpu.memory_space<vmem>>, vector<1x512xf32>
      %get3A_198 = arith.constant 0 : index
      %get3A_199 = arith.constant 2048 : index
      %get3A_200 = vector.load %arg5[%get3A_198, %get3A_199] : memref<1x10240xi32, #tpu.memory_space<vmem>>, vector<1x512xi32>
      %get3A_201 = arith.constant 0 : index
      %get3A_202 = arith.constant 2048 : index
      %get3A_203 = vector.load %arg6[%get3A_201, %get3A_202] : memref<1x10240xf32, #tpu.memory_space<vmem>>, vector<1x512xf32>
      %iota3A_204 = tpu.iota {dimensions = array<i32: 1>} : vector<1x512xi32>
      %add3A_205 = arith.constant 2048 : i32
      %add3A_206 = vector.broadcast %add3A_205 : i32 to vector<1x512xi32>
      %add3A_207 = arith.addi %add3A_206, %iota3A_204 : vector<1x512xi32>
      %gt3A_208 = vector.broadcast %get3A_197 : vector<1x512xf32> to vector<256x512xf32>
      %gt3A_209 = vector.broadcast %get3A_1 : vector<256x1xf32> to vector<256x512xf32>
      %gt3A_210 = arith.cmpf ogt, %gt3A_208, %gt3A_209 : vector<256x512xf32>
      %eq3A_211 = vector.broadcast %get3A_197 : vector<1x512xf32> to vector<256x512xf32>
      %eq3A_212 = vector.broadcast %get3A_1 : vector<256x1xf32> to vector<256x512xf32>
      %eq3A_213 = arith.cmpf oeq, %eq3A_211, %eq3A_212 : vector<256x512xf32>
      %lt3A_214 = vector.broadcast %add3A_207 : vector<1x512xi32> to vector<256x512xi32>
      %lt3A_215 = vector.broadcast %add3A_9 : vector<256x1xi32> to vector<256x512xi32>
      %lt3A_216 = arith.cmpi slt, %lt3A_214, %lt3A_215 : vector<256x512xi32>
      %and3A_217 = arith.andi %eq3A_213, %lt3A_216 : vector<256x512xi1>
      %or3A = arith.ori %gt3A_210, %and3A_217 : vector<256x512xi1>
      %eq3A_218 = vector.broadcast %get3A_200 : vector<1x512xi32> to vector<256x512xi32>
      %eq3A_219 = vector.broadcast %get3A_4 : vector<256x1xi32> to vector<256x512xi32>
      %eq3A_220 = arith.cmpi eq, %eq3A_218, %eq3A_219 : vector<256x512xi32>
      %and3A_221 = arith.andi %or3A, %eq3A_220 : vector<256x512xi1>
      %gt3A_222 = arith.constant 0.000000e+00 : f32
      %gt3A_223 = vector.broadcast %gt3A_222 : f32 to vector<1x512xf32>
      %gt3A_224 = arith.cmpf ogt, %get3A_203, %gt3A_223 : vector<1x512xf32>
      %and3A_225 = vector.broadcast %gt3A_224 : vector<1x512xi1> to vector<256x512xi1>
      %and3A_226 = arith.andi %and3A_221, %and3A_225 : vector<256x512xi1>
      %get3A_227 = arith.constant 0 : index
      %get3A_228 = arith.constant 0 : index
      %get3A_229 = vector.load %arg11[%get3A_227, %get3A_228] : memref<256x1xf32, #tpu.memory_space<vmem>>, vector<256x1xf32>
      %convert_element_type3A_230 = arith.extui %and3A_226 : vector<256x512xi1> to vector<256x512xi32>
      %convert_element_type3A_231 = arith.sitofp %convert_element_type3A_230 : vector<256x512xi32> to vector<256x512xf32>
      %reduce_sum3A_232 = arith.constant dense<0.000000e+00> : vector<256xf32>
      %reduce_sum3A_233 = vector.multi_reduction <add>, %convert_element_type3A_231, %reduce_sum3A_232 [1] : vector<256x512xf32> to vector<256xf32>
      %broadcast_in_dim3A_234 = vector.shape_cast %reduce_sum3A_233 : vector<256xf32> to vector<256x1xf32>
      %add3A_235 = arith.addf %get3A_229, %broadcast_in_dim3A_234 : vector<256x1xf32>
      %swap3A_236 = arith.constant 0 : index
      %swap3A_237 = arith.constant 0 : index
      %swap3A_238 = vector.load %arg11[%swap3A_236, %swap3A_237] : memref<256x1xf32, #tpu.memory_space<vmem>>, vector<256x1xf32>
      tpu.vector_store %arg11[%swap3A_236, %swap3A_237], %add3A_235 {strides = array<i32>} : memref<256x1xf32, #tpu.memory_space<vmem>>, vector<256x1xf32>,
    } else {
    }
    %le3A_52 = arith.constant 5 : i32
    %le3A_53 = arith.cmpi sle, %get3A_14, %le3A_52 : i32
    %ge3A_54 = arith.constant 5 : i32
    %ge3A_55 = arith.cmpi sge, %get3A_16, %ge3A_54 : i32
    %and3A_56 = arith.andi %le3A_53, %ge3A_55 : i1
    %convert_element_type3A_57 = arith.extui %and3A_56 : i1 to i32
    %cond3A_58 = arith.constant 0 : i32
    %cond3A_59 = arith.cmpi ne, %convert_element_type3A_57, %cond3A_58 : i32
    scf.if %cond3A_59 {
      %get3A_195 = arith.constant 0 : index
      %get3A_196 = arith.constant 2560 : index
      %get3A_197 = vector.load %arg4[%get3A_195, %get3A_196] : memref<1x10240xf32, #tpu.memory_space<vmem>>, vector<1x512xf32>
      %get3A_198 = arith.constant 0 : index
      %get3A_199 = arith.constant 2560 : index
      %get3A_200 = vector.load %arg5[%get3A_198, %get3A_199] : memref<1x10240xi32, #tpu.memory_space<vmem>>, vector<1x512xi32>
      %get3A_201 = arith.constant 0 : index
      %get3A_202 = arith.constant 2560 : index
      %get3A_203 = vector.load %arg6[%get3A_201, %get3A_202] : memref<1x10240xf32, #tpu.memory_space<vmem>>, vector<1x512xf32>
      %iota3A_204 = tpu.iota {dimensions = array<i32: 1>} : vector<1x512xi32>
      %add3A_205 = arith.constant 2560 : i32
      %add3A_206 = vector.broadcast %add3A_205 : i32 to vector<1x512xi32>
      %add3A_207 = arith.addi %add3A_206, %iota3A_204 : vector<1x512xi32>
      %gt3A_208 = vector.broadcast %get3A_197 : vector<1x512xf32> to vector<256x512xf32>
      %gt3A_209 = vector.broadcast %get3A_1 : vector<256x1xf32> to vector<256x512xf32>
      %gt3A_210 = arith.cmpf ogt, %gt3A_208, %gt3A_209 : vector<256x512xf32>
      %eq3A_211 = vector.broadcast %get3A_197 : vector<1x512xf32> to vector<256x512xf32>
      %eq3A_212 = vector.broadcast %get3A_1 : vector<256x1xf32> to vector<256x512xf32>
      %eq3A_213 = arith.cmpf oeq, %eq3A_211, %eq3A_212 : vector<256x512xf32>
      %lt3A_214 = vector.broadcast %add3A_207 : vector<1x512xi32> to vector<256x512xi32>
      %lt3A_215 = vector.broadcast %add3A_9 : vector<256x1xi32> to vector<256x512xi32>
      %lt3A_216 = arith.cmpi slt, %lt3A_214, %lt3A_215 : vector<256x512xi32>
      %and3A_217 = arith.andi %eq3A_213, %lt3A_216 : vector<256x512xi1>
      %or3A = arith.ori %gt3A_210, %and3A_217 : vector<256x512xi1>
      %eq3A_218 = vector.broadcast %get3A_200 : vector<1x512xi32> to vector<256x512xi32>
      %eq3A_219 = vector.broadcast %get3A_4 : vector<256x1xi32> to vector<256x512xi32>
      %eq3A_220 = arith.cmpi eq, %eq3A_218, %eq3A_219 : vector<256x512xi32>
      %and3A_221 = arith.andi %or3A, %eq3A_220 : vector<256x512xi1>
      %gt3A_222 = arith.constant 0.000000e+00 : f32
      %gt3A_223 = vector.broadcast %gt3A_222 : f32 to vector<1x512xf32>
      %gt3A_224 = arith.cmpf ogt, %get3A_203, %gt3A_223 : vector<1x512xf32>
      %and3A_225 = vector.broadcast %gt3A_224 : vector<1x512xi1> to vector<256x512xi1>
      %and3A_226 = arith.andi %and3A_221, %and3A_225 : vector<256x512xi1>
      %get3A_227 = arith.constant 0 : index
      %get3A_228 = arith.constant 0 : index
      %get3A_229 = vector.load %arg11[%get3A_227, %get3A_228] : memref<256x1xf32, #tpu.memory_space<vmem>>, vector<256x1xf32>
      %convert_element_type3A_230 = arith.extui %and3A_226 : vector<256x512xi1> to vector<256x512xi32>
      %convert_element_type3A_231 = arith.sitofp %convert_element_type3A_230 : vector<256x512xi32> to vector<256x512xf32>
      %reduce_sum3A_232 = arith.constant dense<0.000000e+00> : vector<256xf32>
      %reduce_sum3A_233 = vector.multi_reduction <add>, %convert_element_type3A_231, %reduce_sum3A_232 [1] : vector<256x512xf32> to vector<256xf32>
      %broadcast_in_dim3A_234 = vector.shape_cast %reduce_sum3A_233 : vector<256xf32> to vector<256x1xf32>
      %add3A_235 = arith.addf %get3A_229, %broadcast_in_dim3A_234 : vector<256x1xf32>
      %swap3A_236 = arith.constant 0 : index
      %swap3A_237 = arith.constant 0 : index
      %swap3A_238 = vector.load %arg11[%swap3A_236, %swap3A_237] : memref<256x1xf32, #tpu.memory_space<vmem>>, vector<256x1xf32>
      tpu.vector_store %arg11[%swap3A_236, %swap3A_237], %add3A_235 {strides = array<i32>} : memref<256x1xf32, #tpu.memory_space<vmem>>, vector<256x1xf32>,
    } else {
    }
    %le3A_60 = arith.constant 6 : i32
    %le3A_61 = arith.cmpi sle, %get3A_14, %le3A_60 : i32
    %ge3A_62 = arith.constant 6 : i32
    %ge3A_63 = arith.cmpi sge, %get3A_16, %ge3A_62 : i32
    %and3A_64 = arith.andi %le3A_61, %ge3A_63 : i1
    %convert_element_type3A_65 = arith.extui %and3A_64 : i1 to i32
    %cond3A_66 = arith.constant 0 : i32
    %cond3A_67 = arith.cmpi ne, %convert_element_type3A_65, %cond3A_66 : i32
    scf.if %cond3A_67 {
      %get3A_195 = arith.constant 0 : index
      %get3A_196 = arith.constant 3072 : index
      %get3A_197 = vector.load %arg4[%get3A_195, %get3A_196] : memref<1x10240xf32, #tpu.memory_space<vmem>>, vector<1x512xf32>
      %get3A_198 = arith.constant 0 : index
      %get3A_199 = arith.constant 3072 : index
      %get3A_200 = vector.load %arg5[%get3A_198, %get3A_199] : memref<1x10240xi32, #tpu.memory_space<vmem>>, vector<1x512xi32>
      %get3A_201 = arith.constant 0 : index
      %get3A_202 = arith.constant 3072 : index
      %get3A_203 = vector.load %arg6[%get3A_201, %get3A_202] : memref<1x10240xf32, #tpu.memory_space<vmem>>, vector<1x512xf32>
      %iota3A_204 = tpu.iota {dimensions = array<i32: 1>} : vector<1x512xi32>
      %add3A_205 = arith.constant 3072 : i32
      %add3A_206 = vector.broadcast %add3A_205 : i32 to vector<1x512xi32>
      %add3A_207 = arith.addi %add3A_206, %iota3A_204 : vector<1x512xi32>
      %gt3A_208 = vector.broadcast %get3A_197 : vector<1x512xf32> to vector<256x512xf32>
      %gt3A_209 = vector.broadcast %get3A_1 : vector<256x1xf32> to vector<256x512xf32>
      %gt3A_210 = arith.cmpf ogt, %gt3A_208, %gt3A_209 : vector<256x512xf32>
      %eq3A_211 = vector.broadcast %get3A_197 : vector<1x512xf32> to vector<256x512xf32>
      %eq3A_212 = vector.broadcast %get3A_1 : vector<256x1xf32> to vector<256x512xf32>
      %eq3A_213 = arith.cmpf oeq, %eq3A_211, %eq3A_212 : vector<256x512xf32>
      %lt3A_214 = vector.broadcast %add3A_207 : vector<1x512xi32> to vector<256x512xi32>
      %lt3A_215 = vector.broadcast %add3A_9 : vector<256x1xi32> to vector<256x512xi32>
      %lt3A_216 = arith.cmpi slt, %lt3A_214, %lt3A_215 : vector<256x512xi32>
      %and3A_217 = arith.andi %eq3A_213, %lt3A_216 : vector<256x512xi1>
      %or3A = arith.ori %gt3A_210, %and3A_217 : vector<256x512xi1>
      %eq3A_218 = vector.broadcast %get3A_200 : vector<1x512xi32> to vector<256x512xi32>
      %eq3A_219 = vector.broadcast %get3A_4 : vector<256x1xi32> to vector<256x512xi32>
      %eq3A_220 = arith.cmpi eq, %eq3A_218, %eq3A_219 : vector<256x512xi32>
      %and3A_221 = arith.andi %or3A, %eq3A_220 : vector<256x512xi1>
      %gt3A_222 = arith.constant 0.000000e+00 : f32
      %gt3A_223 = vector.broadcast %gt3A_222 : f32 to vector<1x512xf32>
      %gt3A_224 = arith.cmpf ogt, %get3A_203, %gt3A_223 : vector<1x512xf32>
      %and3A_225 = vector.broadcast %gt3A_224 : vector<1x512xi1> to vector<256x512xi1>
      %and3A_226 = arith.andi %and3A_221, %and3A_225 : vector<256x512xi1>
      %get3A_227 = arith.constant 0 : index
      %get3A_228 = arith.constant 0 : index
      %get3A_229 = vector.load %arg11[%get3A_227, %get3A_228] : memref<256x1xf32, #tpu.memory_space<vmem>>, vector<256x1xf32>
      %convert_element_type3A_230 = arith.extui %and3A_226 : vector<256x512xi1> to vector<256x512xi32>
      %convert_element_type3A_231 = arith.sitofp %convert_element_type3A_230 : vector<256x512xi32> to vector<256x512xf32>
      %reduce_sum3A_232 = arith.constant dense<0.000000e+00> : vector<256xf32>
      %reduce_sum3A_233 = vector.multi_reduction <add>, %convert_element_type3A_231, %reduce_sum3A_232 [1] : vector<256x512xf32> to vector<256xf32>
      %broadcast_in_dim3A_234 = vector.shape_cast %reduce_sum3A_233 : vector<256xf32> to vector<256x1xf32>
      %add3A_235 = arith.addf %get3A_229, %broadcast_in_dim3A_234 : vector<256x1xf32>
      %swap3A_236 = arith.constant 0 : index
      %swap3A_237 = arith.constant 0 : index
      %swap3A_238 = vector.load %arg11[%swap3A_236, %swap3A_237] : memref<256x1xf32, #tpu.memory_space<vmem>>, vector<256x1xf32>
      tpu.vector_store %arg11[%swap3A_236, %swap3A_237], %add3A_235 {strides = array<i32>} : memref<256x1xf32, #tpu.memory_space<vmem>>, vector<256x1xf32>,
    } else {
    }
    %le3A_68 = arith.constant 7 : i32
    %le3A_69 = arith.cmpi sle, %get3A_14, %le3A_68 : i32
    %ge3A_70 = arith.constant 7 : i32
    %ge3A_71 = arith.cmpi sge, %get3A_16, %ge3A_70 : i32
    %and3A_72 = arith.andi %le3A_69, %ge3A_71 : i1
    %convert_element_type3A_73 = arith.extui %and3A_72 : i1 to i32
    %cond3A_74 = arith.constant 0 : i32
    %cond3A_75 = arith.cmpi ne, %convert_element_type3A_73, %cond3A_74 : i32
    scf.if %cond3A_75 {
      %get3A_195 = arith.constant 0 : index
      %get3A_196 = arith.constant 3584 : index
      %get3A_197 = vector.load %arg4[%get3A_195, %get3A_196] : memref<1x10240xf32, #tpu.memory_space<vmem>>, vector<1x512xf32>
      %get3A_198 = arith.constant 0 : index
      %get3A_199 = arith.constant 3584 : index
      %get3A_200 = vector.load %arg5[%get3A_198, %get3A_199] : memref<1x10240xi32, #tpu.memory_space<vmem>>, vector<1x512xi32>
      %get3A_201 = arith.constant 0 : index
      %get3A_202 = arith.constant 3584 : index
      %get3A_203 = vector.load %arg6[%get3A_201, %get3A_202] : memref<1x10240xf32, #tpu.memory_space<vmem>>, vector<1x512xf32>
      %iota3A_204 = tpu.iota {dimensions = array<i32: 1>} : vector<1x512xi32>
      %add3A_205 = arith.constant 3584 : i32
      %add3A_206 = vector.broadcast %add3A_205 : i32 to vector<1x512xi32>
      %add3A_207 = arith.addi %add3A_206, %iota3A_204 : vector<1x512xi32>
      %gt3A_208 = vector.broadcast %get3A_197 : vector<1x512xf32> to vector<256x512xf32>
      %gt3A_209 = vector.broadcast %get3A_1 : vector<256x1xf32> to vector<256x512xf32>
      %gt3A_210 = arith.cmpf ogt, %gt3A_208, %gt3A_209 : vector<256x512xf32>
      %eq3A_211 = vector.broadcast %get3A_197 : vector<1x512xf32> to vector<256x512xf32>
      %eq3A_212 = vector.broadcast %get3A_1 : vector<256x1xf32> to vector<256x512xf32>
      %eq3A_213 = arith.cmpf oeq, %eq3A_211, %eq3A_212 : vector<256x512xf32>
      %lt3A_214 = vector.broadcast %add3A_207 : vector<1x512xi32> to vector<256x512xi32>
      %lt3A_215 = vector.broadcast %add3A_9 : vector<256x1xi32> to vector<256x512xi32>
      %lt3A_216 = arith.cmpi slt, %lt3A_214, %lt3A_215 : vector<256x512xi32>
      %and3A_217 = arith.andi %eq3A_213, %lt3A_216 : vector<256x512xi1>
      %or3A = arith.ori %gt3A_210, %and3A_217 : vector<256x512xi1>
      %eq3A_218 = vector.broadcast %get3A_200 : vector<1x512xi32> to vector<256x512xi32>
      %eq3A_219 = vector.broadcast %get3A_4 : vector<256x1xi32> to vector<256x512xi32>
      %eq3A_220 = arith.cmpi eq, %eq3A_218, %eq3A_219 : vector<256x512xi32>
      %and3A_221 = arith.andi %or3A, %eq3A_220 : vector<256x512xi1>
      %gt3A_222 = arith.constant 0.000000e+00 : f32
      %gt3A_223 = vector.broadcast %gt3A_222 : f32 to vector<1x512xf32>
      %gt3A_224 = arith.cmpf ogt, %get3A_203, %gt3A_223 : vector<1x512xf32>
      %and3A_225 = vector.broadcast %gt3A_224 : vector<1x512xi1> to vector<256x512xi1>
      %and3A_226 = arith.andi %and3A_221, %and3A_225 : vector<256x512xi1>
      %get3A_227 = arith.constant 0 : index
      %get3A_228 = arith.constant 0 : index
      %get3A_229 = vector.load %arg11[%get3A_227, %get3A_228] : memref<256x1xf32, #tpu.memory_space<vmem>>, vector<256x1xf32>
      %convert_element_type3A_230 = arith.extui %and3A_226 : vector<256x512xi1> to vector<256x512xi32>
      %convert_element_type3A_231 = arith.sitofp %convert_element_type3A_230 : vector<256x512xi32> to vector<256x512xf32>
      %reduce_sum3A_232 = arith.constant dense<0.000000e+00> : vector<256xf32>
      %reduce_sum3A_233 = vector.multi_reduction <add>, %convert_element_type3A_231, %reduce_sum3A_232 [1] : vector<256x512xf32> to vector<256xf32>
      %broadcast_in_dim3A_234 = vector.shape_cast %reduce_sum3A_233 : vector<256xf32> to vector<256x1xf32>
      %add3A_235 = arith.addf %get3A_229, %broadcast_in_dim3A_234 : vector<256x1xf32>
      %swap3A_236 = arith.constant 0 : index
      %swap3A_237 = arith.constant 0 : index
      %swap3A_238 = vector.load %arg11[%swap3A_236, %swap3A_237] : memref<256x1xf32, #tpu.memory_space<vmem>>, vector<256x1xf32>
      tpu.vector_store %arg11[%swap3A_236, %swap3A_237], %add3A_235 {strides = array<i32>} : memref<256x1xf32, #tpu.memory_space<vmem>>, vector<256x1xf32>,
    } else {
    }
    %le3A_76 = arith.constant 8 : i32
    %le3A_77 = arith.cmpi sle, %get3A_14, %le3A_76 : i32
    %ge3A_78 = arith.constant 8 : i32
    %ge3A_79 = arith.cmpi sge, %get3A_16, %ge3A_78 : i32
    %and3A_80 = arith.andi %le3A_77, %ge3A_79 : i1
    %convert_element_type3A_81 = arith.extui %and3A_80 : i1 to i32
    %cond3A_82 = arith.constant 0 : i32
    %cond3A_83 = arith.cmpi ne, %convert_element_type3A_81, %cond3A_82 : i32
    scf.if %cond3A_83 {
      %get3A_195 = arith.constant 0 : index
      %get3A_196 = arith.constant 4096 : index
      %get3A_197 = vector.load %arg4[%get3A_195, %get3A_196] : memref<1x10240xf32, #tpu.memory_space<vmem>>, vector<1x512xf32>
      %get3A_198 = arith.constant 0 : index
      %get3A_199 = arith.constant 4096 : index
      %get3A_200 = vector.load %arg5[%get3A_198, %get3A_199] : memref<1x10240xi32, #tpu.memory_space<vmem>>, vector<1x512xi32>
      %get3A_201 = arith.constant 0 : index
      %get3A_202 = arith.constant 4096 : index
      %get3A_203 = vector.load %arg6[%get3A_201, %get3A_202] : memref<1x10240xf32, #tpu.memory_space<vmem>>, vector<1x512xf32>
      %iota3A_204 = tpu.iota {dimensions = array<i32: 1>} : vector<1x512xi32>
      %add3A_205 = arith.constant 4096 : i32
      %add3A_206 = vector.broadcast %add3A_205 : i32 to vector<1x512xi32>
      %add3A_207 = arith.addi %add3A_206, %iota3A_204 : vector<1x512xi32>
      %gt3A_208 = vector.broadcast %get3A_197 : vector<1x512xf32> to vector<256x512xf32>
      %gt3A_209 = vector.broadcast %get3A_1 : vector<256x1xf32> to vector<256x512xf32>
      %gt3A_210 = arith.cmpf ogt, %gt3A_208, %gt3A_209 : vector<256x512xf32>
      %eq3A_211 = vector.broadcast %get3A_197 : vector<1x512xf32> to vector<256x512xf32>
      %eq3A_212 = vector.broadcast %get3A_1 : vector<256x1xf32> to vector<256x512xf32>
      %eq3A_213 = arith.cmpf oeq, %eq3A_211, %eq3A_212 : vector<256x512xf32>
      %lt3A_214 = vector.broadcast %add3A_207 : vector<1x512xi32> to vector<256x512xi32>
      %lt3A_215 = vector.broadcast %add3A_9 : vector<256x1xi32> to vector<256x512xi32>
      %lt3A_216 = arith.cmpi slt, %lt3A_214, %lt3A_215 : vector<256x512xi32>
      %and3A_217 = arith.andi %eq3A_213, %lt3A_216 : vector<256x512xi1>
      %or3A = arith.ori %gt3A_210, %and3A_217 : vector<256x512xi1>
      %eq3A_218 = vector.broadcast %get3A_200 : vector<1x512xi32> to vector<256x512xi32>
      %eq3A_219 = vector.broadcast %get3A_4 : vector<256x1xi32> to vector<256x512xi32>
      %eq3A_220 = arith.cmpi eq, %eq3A_218, %eq3A_219 : vector<256x512xi32>
      %and3A_221 = arith.andi %or3A, %eq3A_220 : vector<256x512xi1>
      %gt3A_222 = arith.constant 0.000000e+00 : f32
      %gt3A_223 = vector.broadcast %gt3A_222 : f32 to vector<1x512xf32>
      %gt3A_224 = arith.cmpf ogt, %get3A_203, %gt3A_223 : vector<1x512xf32>
      %and3A_225 = vector.broadcast %gt3A_224 : vector<1x512xi1> to vector<256x512xi1>
      %and3A_226 = arith.andi %and3A_221, %and3A_225 : vector<256x512xi1>
      %get3A_227 = arith.constant 0 : index
      %get3A_228 = arith.constant 0 : index
      %get3A_229 = vector.load %arg11[%get3A_227, %get3A_228] : memref<256x1xf32, #tpu.memory_space<vmem>>, vector<256x1xf32>
      %convert_element_type3A_230 = arith.extui %and3A_226 : vector<256x512xi1> to vector<256x512xi32>
      %convert_element_type3A_231 = arith.sitofp %convert_element_type3A_230 : vector<256x512xi32> to vector<256x512xf32>
      %reduce_sum3A_232 = arith.constant dense<0.000000e+00> : vector<256xf32>
      %reduce_sum3A_233 = vector.multi_reduction <add>, %convert_element_type3A_231, %reduce_sum3A_232 [1] : vector<256x512xf32> to vector<256xf32>
      %broadcast_in_dim3A_234 = vector.shape_cast %reduce_sum3A_233 : vector<256xf32> to vector<256x1xf32>
      %add3A_235 = arith.addf %get3A_229, %broadcast_in_dim3A_234 : vector<256x1xf32>
      %swap3A_236 = arith.constant 0 : index
      %swap3A_237 = arith.constant 0 : index
      %swap3A_238 = vector.load %arg11[%swap3A_236, %swap3A_237] : memref<256x1xf32, #tpu.memory_space<vmem>>, vector<256x1xf32>
      tpu.vector_store %arg11[%swap3A_236, %swap3A_237], %add3A_235 {strides = array<i32>} : memref<256x1xf32, #tpu.memory_space<vmem>>, vector<256x1xf32>,
    } else {
    }
    %le3A_84 = arith.constant 9 : i32
    %le3A_85 = arith.cmpi sle, %get3A_14, %le3A_84 : i32
    %ge3A_86 = arith.constant 9 : i32
    %ge3A_87 = arith.cmpi sge, %get3A_16, %ge3A_86 : i32
    %and3A_88 = arith.andi %le3A_85, %ge3A_87 : i1
    %convert_element_type3A_89 = arith.extui %and3A_88 : i1 to i32
    %cond3A_90 = arith.constant 0 : i32
    %cond3A_91 = arith.cmpi ne, %convert_element_type3A_89, %cond3A_90 : i32
    scf.if %cond3A_91 {
      %get3A_195 = arith.constant 0 : index
      %get3A_196 = arith.constant 4608 : index
      %get3A_197 = vector.load %arg4[%get3A_195, %get3A_196] : memref<1x10240xf32, #tpu.memory_space<vmem>>, vector<1x512xf32>
      %get3A_198 = arith.constant 0 : index
      %get3A_199 = arith.constant 4608 : index
      %get3A_200 = vector.load %arg5[%get3A_198, %get3A_199] : memref<1x10240xi32, #tpu.memory_space<vmem>>, vector<1x512xi32>
      %get3A_201 = arith.constant 0 : index
      %get3A_202 = arith.constant 4608 : index
      %get3A_203 = vector.load %arg6[%get3A_201, %get3A_202] : memref<1x10240xf32, #tpu.memory_space<vmem>>, vector<1x512xf32>
      %iota3A_204 = tpu.iota {dimensions = array<i32: 1>} : vector<1x512xi32>
      %add3A_205 = arith.constant 4608 : i32
      %add3A_206 = vector.broadcast %add3A_205 : i32 to vector<1x512xi32>
      %add3A_207 = arith.addi %add3A_206, %iota3A_204 : vector<1x512xi32>
      %gt3A_208 = vector.broadcast %get3A_197 : vector<1x512xf32> to vector<256x512xf32>
      %gt3A_209 = vector.broadcast %get3A_1 : vector<256x1xf32> to vector<256x512xf32>
      %gt3A_210 = arith.cmpf ogt, %gt3A_208, %gt3A_209 : vector<256x512xf32>
      %eq3A_211 = vector.broadcast %get3A_197 : vector<1x512xf32> to vector<256x512xf32>
      %eq3A_212 = vector.broadcast %get3A_1 : vector<256x1xf32> to vector<256x512xf32>
      %eq3A_213 = arith.cmpf oeq, %eq3A_211, %eq3A_212 : vector<256x512xf32>
      %lt3A_214 = vector.broadcast %add3A_207 : vector<1x512xi32> to vector<256x512xi32>
      %lt3A_215 = vector.broadcast %add3A_9 : vector<256x1xi32> to vector<256x512xi32>
      %lt3A_216 = arith.cmpi slt, %lt3A_214, %lt3A_215 : vector<256x512xi32>
      %and3A_217 = arith.andi %eq3A_213, %lt3A_216 : vector<256x512xi1>
      %or3A = arith.ori %gt3A_210, %and3A_217 : vector<256x512xi1>
      %eq3A_218 = vector.broadcast %get3A_200 : vector<1x512xi32> to vector<256x512xi32>
      %eq3A_219 = vector.broadcast %get3A_4 : vector<256x1xi32> to vector<256x512xi32>
      %eq3A_220 = arith.cmpi eq, %eq3A_218, %eq3A_219 : vector<256x512xi32>
      %and3A_221 = arith.andi %or3A, %eq3A_220 : vector<256x512xi1>
      %gt3A_222 = arith.constant 0.000000e+00 : f32
      %gt3A_223 = vector.broadcast %gt3A_222 : f32 to vector<1x512xf32>
      %gt3A_224 = arith.cmpf ogt, %get3A_203, %gt3A_223 : vector<1x512xf32>
      %and3A_225 = vector.broadcast %gt3A_224 : vector<1x512xi1> to vector<256x512xi1>
      %and3A_226 = arith.andi %and3A_221, %and3A_225 : vector<256x512xi1>
      %get3A_227 = arith.constant 0 : index
      %get3A_228 = arith.constant 0 : index
      %get3A_229 = vector.load %arg11[%get3A_227, %get3A_228] : memref<256x1xf32, #tpu.memory_space<vmem>>, vector<256x1xf32>
      %convert_element_type3A_230 = arith.extui %and3A_226 : vector<256x512xi1> to vector<256x512xi32>
      %convert_element_type3A_231 = arith.sitofp %convert_element_type3A_230 : vector<256x512xi32> to vector<256x512xf32>
      %reduce_sum3A_232 = arith.constant dense<0.000000e+00> : vector<256xf32>
      %reduce_sum3A_233 = vector.multi_reduction <add>, %convert_element_type3A_231, %reduce_sum3A_232 [1] : vector<256x512xf32> to vector<256xf32>
      %broadcast_in_dim3A_234 = vector.shape_cast %reduce_sum3A_233 : vector<256xf32> to vector<256x1xf32>
      %add3A_235 = arith.addf %get3A_229, %broadcast_in_dim3A_234 : vector<256x1xf32>
      %swap3A_236 = arith.constant 0 : index
      %swap3A_237 = arith.constant 0 : index
      %swap3A_238 = vector.load %arg11[%swap3A_236, %swap3A_237] : memref<256x1xf32, #tpu.memory_space<vmem>>, vector<256x1xf32>
      tpu.vector_store %arg11[%swap3A_236, %swap3A_237], %add3A_235 {strides = array<i32>} : memref<256x1xf32, #tpu.memory_space<vmem>>, vector<256x1xf32>,
    } else {
    }
    %le3A_92 = arith.constant 10 : i32
    %le3A_93 = arith.cmpi sle, %get3A_14, %le3A_92 : i32
    %ge3A_94 = arith.constant 10 : i32
    %ge3A_95 = arith.cmpi sge, %get3A_16, %ge3A_94 : i32
    %and3A_96 = arith.andi %le3A_93, %ge3A_95 : i1
    %convert_element_type3A_97 = arith.extui %and3A_96 : i1 to i32
    %cond3A_98 = arith.constant 0 : i32
    %cond3A_99 = arith.cmpi ne, %convert_element_type3A_97, %cond3A_98 : i32
    scf.if %cond3A_99 {
      %get3A_195 = arith.constant 0 : index
      %get3A_196 = arith.constant 5120 : index
      %get3A_197 = vector.load %arg4[%get3A_195, %get3A_196] : memref<1x10240xf32, #tpu.memory_space<vmem>>, vector<1x512xf32>
      %get3A_198 = arith.constant 0 : index
      %get3A_199 = arith.constant 5120 : index
      %get3A_200 = vector.load %arg5[%get3A_198, %get3A_199] : memref<1x10240xi32, #tpu.memory_space<vmem>>, vector<1x512xi32>
      %get3A_201 = arith.constant 0 : index
      %get3A_202 = arith.constant 5120 : index
      %get3A_203 = vector.load %arg6[%get3A_201, %get3A_202] : memref<1x10240xf32, #tpu.memory_space<vmem>>, vector<1x512xf32>
      %iota3A_204 = tpu.iota {dimensions = array<i32: 1>} : vector<1x512xi32>
      %add3A_205 = arith.constant 5120 : i32
      %add3A_206 = vector.broadcast %add3A_205 : i32 to vector<1x512xi32>
      %add3A_207 = arith.addi %add3A_206, %iota3A_204 : vector<1x512xi32>
      %gt3A_208 = vector.broadcast %get3A_197 : vector<1x512xf32> to vector<256x512xf32>
      %gt3A_209 = vector.broadcast %get3A_1 : vector<256x1xf32> to vector<256x512xf32>
      %gt3A_210 = arith.cmpf ogt, %gt3A_208, %gt3A_209 : vector<256x512xf32>
      %eq3A_211 = vector.broadcast %get3A_197 : vector<1x512xf32> to vector<256x512xf32>
      %eq3A_212 = vector.broadcast %get3A_1 : vector<256x1xf32> to vector<256x512xf32>
      %eq3A_213 = arith.cmpf oeq, %eq3A_211, %eq3A_212 : vector<256x512xf32>
      %lt3A_214 = vector.broadcast %add3A_207 : vector<1x512xi32> to vector<256x512xi32>
      %lt3A_215 = vector.broadcast %add3A_9 : vector<256x1xi32> to vector<256x512xi32>
      %lt3A_216 = arith.cmpi slt, %lt3A_214, %lt3A_215 : vector<256x512xi32>
      %and3A_217 = arith.andi %eq3A_213, %lt3A_216 : vector<256x512xi1>
      %or3A = arith.ori %gt3A_210, %and3A_217 : vector<256x512xi1>
      %eq3A_218 = vector.broadcast %get3A_200 : vector<1x512xi32> to vector<256x512xi32>
      %eq3A_219 = vector.broadcast %get3A_4 : vector<256x1xi32> to vector<256x512xi32>
      %eq3A_220 = arith.cmpi eq, %eq3A_218, %eq3A_219 : vector<256x512xi32>
      %and3A_221 = arith.andi %or3A, %eq3A_220 : vector<256x512xi1>
      %gt3A_222 = arith.constant 0.000000e+00 : f32
      %gt3A_223 = vector.broadcast %gt3A_222 : f32 to vector<1x512xf32>
      %gt3A_224 = arith.cmpf ogt, %get3A_203, %gt3A_223 : vector<1x512xf32>
      %and3A_225 = vector.broadcast %gt3A_224 : vector<1x512xi1> to vector<256x512xi1>
      %and3A_226 = arith.andi %and3A_221, %and3A_225 : vector<256x512xi1>
      %get3A_227 = arith.constant 0 : index
      %get3A_228 = arith.constant 0 : index
      %get3A_229 = vector.load %arg11[%get3A_227, %get3A_228] : memref<256x1xf32, #tpu.memory_space<vmem>>, vector<256x1xf32>
      %convert_element_type3A_230 = arith.extui %and3A_226 : vector<256x512xi1> to vector<256x512xi32>
      %convert_element_type3A_231 = arith.sitofp %convert_element_type3A_230 : vector<256x512xi32> to vector<256x512xf32>
      %reduce_sum3A_232 = arith.constant dense<0.000000e+00> : vector<256xf32>
      %reduce_sum3A_233 = vector.multi_reduction <add>, %convert_element_type3A_231, %reduce_sum3A_232 [1] : vector<256x512xf32> to vector<256xf32>
      %broadcast_in_dim3A_234 = vector.shape_cast %reduce_sum3A_233 : vector<256xf32> to vector<256x1xf32>
      %add3A_235 = arith.addf %get3A_229, %broadcast_in_dim3A_234 : vector<256x1xf32>
      %swap3A_236 = arith.constant 0 : index
      %swap3A_237 = arith.constant 0 : index
      %swap3A_238 = vector.load %arg11[%swap3A_236, %swap3A_237] : memref<256x1xf32, #tpu.memory_space<vmem>>, vector<256x1xf32>
      tpu.vector_store %arg11[%swap3A_236, %swap3A_237], %add3A_235 {strides = array<i32>} : memref<256x1xf32, #tpu.memory_space<vmem>>, vector<256x1xf32>,
    } else {
    }
    %le3A_100 = arith.constant 11 : i32
    %le3A_101 = arith.cmpi sle, %get3A_14, %le3A_100 : i32
    %ge3A_102 = arith.constant 11 : i32
    %ge3A_103 = arith.cmpi sge, %get3A_16, %ge3A_102 : i32
    %and3A_104 = arith.andi %le3A_101, %ge3A_103 : i1
    %convert_element_type3A_105 = arith.extui %and3A_104 : i1 to i32
    %cond3A_106 = arith.constant 0 : i32
    %cond3A_107 = arith.cmpi ne, %convert_element_type3A_105, %cond3A_106 : i32
    scf.if %cond3A_107 {
      %get3A_195 = arith.constant 0 : index
      %get3A_196 = arith.constant 5632 : index
      %get3A_197 = vector.load %arg4[%get3A_195, %get3A_196] : memref<1x10240xf32, #tpu.memory_space<vmem>>, vector<1x512xf32>
      %get3A_198 = arith.constant 0 : index
      %get3A_199 = arith.constant 5632 : index
      %get3A_200 = vector.load %arg5[%get3A_198, %get3A_199] : memref<1x10240xi32, #tpu.memory_space<vmem>>, vector<1x512xi32>
      %get3A_201 = arith.constant 0 : index
      %get3A_202 = arith.constant 5632 : index
      %get3A_203 = vector.load %arg6[%get3A_201, %get3A_202] : memref<1x10240xf32, #tpu.memory_space<vmem>>, vector<1x512xf32>
      %iota3A_204 = tpu.iota {dimensions = array<i32: 1>} : vector<1x512xi32>
      %add3A_205 = arith.constant 5632 : i32
      %add3A_206 = vector.broadcast %add3A_205 : i32 to vector<1x512xi32>
      %add3A_207 = arith.addi %add3A_206, %iota3A_204 : vector<1x512xi32>
      %gt3A_208 = vector.broadcast %get3A_197 : vector<1x512xf32> to vector<256x512xf32>
      %gt3A_209 = vector.broadcast %get3A_1 : vector<256x1xf32> to vector<256x512xf32>
      %gt3A_210 = arith.cmpf ogt, %gt3A_208, %gt3A_209 : vector<256x512xf32>
      %eq3A_211 = vector.broadcast %get3A_197 : vector<1x512xf32> to vector<256x512xf32>
      %eq3A_212 = vector.broadcast %get3A_1 : vector<256x1xf32> to vector<256x512xf32>
      %eq3A_213 = arith.cmpf oeq, %eq3A_211, %eq3A_212 : vector<256x512xf32>
      %lt3A_214 = vector.broadcast %add3A_207 : vector<1x512xi32> to vector<256x512xi32>
      %lt3A_215 = vector.broadcast %add3A_9 : vector<256x1xi32> to vector<256x512xi32>
      %lt3A_216 = arith.cmpi slt, %lt3A_214, %lt3A_215 : vector<256x512xi32>
      %and3A_217 = arith.andi %eq3A_213, %lt3A_216 : vector<256x512xi1>
      %or3A = arith.ori %gt3A_210, %and3A_217 : vector<256x512xi1>
      %eq3A_218 = vector.broadcast %get3A_200 : vector<1x512xi32> to vector<256x512xi32>
      %eq3A_219 = vector.broadcast %get3A_4 : vector<256x1xi32> to vector<256x512xi32>
      %eq3A_220 = arith.cmpi eq, %eq3A_218, %eq3A_219 : vector<256x512xi32>
      %and3A_221 = arith.andi %or3A, %eq3A_220 : vector<256x512xi1>
      %gt3A_222 = arith.constant 0.000000e+00 : f32
      %gt3A_223 = vector.broadcast %gt3A_222 : f32 to vector<1x512xf32>
      %gt3A_224 = arith.cmpf ogt, %get3A_203, %gt3A_223 : vector<1x512xf32>
      %and3A_225 = vector.broadcast %gt3A_224 : vector<1x512xi1> to vector<256x512xi1>
      %and3A_226 = arith.andi %and3A_221, %and3A_225 : vector<256x512xi1>
      %get3A_227 = arith.constant 0 : index
      %get3A_228 = arith.constant 0 : index
      %get3A_229 = vector.load %arg11[%get3A_227, %get3A_228] : memref<256x1xf32, #tpu.memory_space<vmem>>, vector<256x1xf32>
      %convert_element_type3A_230 = arith.extui %and3A_226 : vector<256x512xi1> to vector<256x512xi32>
      %convert_element_type3A_231 = arith.sitofp %convert_element_type3A_230 : vector<256x512xi32> to vector<256x512xf32>
      %reduce_sum3A_232 = arith.constant dense<0.000000e+00> : vector<256xf32>
      %reduce_sum3A_233 = vector.multi_reduction <add>, %convert_element_type3A_231, %reduce_sum3A_232 [1] : vector<256x512xf32> to vector<256xf32>
      %broadcast_in_dim3A_234 = vector.shape_cast %reduce_sum3A_233 : vector<256xf32> to vector<256x1xf32>
      %add3A_235 = arith.addf %get3A_229, %broadcast_in_dim3A_234 : vector<256x1xf32>
      %swap3A_236 = arith.constant 0 : index
      %swap3A_237 = arith.constant 0 : index
      %swap3A_238 = vector.load %arg11[%swap3A_236, %swap3A_237] : memref<256x1xf32, #tpu.memory_space<vmem>>, vector<256x1xf32>
      tpu.vector_store %arg11[%swap3A_236, %swap3A_237], %add3A_235 {strides = array<i32>} : memref<256x1xf32, #tpu.memory_space<vmem>>, vector<256x1xf32>,
    } else {
    }
    %le3A_108 = arith.constant 12 : i32
    %le3A_109 = arith.cmpi sle, %get3A_14, %le3A_108 : i32
    %ge3A_110 = arith.constant 12 : i32
    %ge3A_111 = arith.cmpi sge, %get3A_16, %ge3A_110 : i32
    %and3A_112 = arith.andi %le3A_109, %ge3A_111 : i1
    %convert_element_type3A_113 = arith.extui %and3A_112 : i1 to i32
    %cond3A_114 = arith.constant 0 : i32
    %cond3A_115 = arith.cmpi ne, %convert_element_type3A_113, %cond3A_114 : i32
    scf.if %cond3A_115 {
      %get3A_195 = arith.constant 0 : index
      %get3A_196 = arith.constant 6144 : index
      %get3A_197 = vector.load %arg4[%get3A_195, %get3A_196] : memref<1x10240xf32, #tpu.memory_space<vmem>>, vector<1x512xf32>
      %get3A_198 = arith.constant 0 : index
      %get3A_199 = arith.constant 6144 : index
      %get3A_200 = vector.load %arg5[%get3A_198, %get3A_199] : memref<1x10240xi32, #tpu.memory_space<vmem>>, vector<1x512xi32>
      %get3A_201 = arith.constant 0 : index
      %get3A_202 = arith.constant 6144 : index
      %get3A_203 = vector.load %arg6[%get3A_201, %get3A_202] : memref<1x10240xf32, #tpu.memory_space<vmem>>, vector<1x512xf32>
      %iota3A_204 = tpu.iota {dimensions = array<i32: 1>} : vector<1x512xi32>
      %add3A_205 = arith.constant 6144 : i32
      %add3A_206 = vector.broadcast %add3A_205 : i32 to vector<1x512xi32>
      %add3A_207 = arith.addi %add3A_206, %iota3A_204 : vector<1x512xi32>
      %gt3A_208 = vector.broadcast %get3A_197 : vector<1x512xf32> to vector<256x512xf32>
      %gt3A_209 = vector.broadcast %get3A_1 : vector<256x1xf32> to vector<256x512xf32>
      %gt3A_210 = arith.cmpf ogt, %gt3A_208, %gt3A_209 : vector<256x512xf32>
      %eq3A_211 = vector.broadcast %get3A_197 : vector<1x512xf32> to vector<256x512xf32>
      %eq3A_212 = vector.broadcast %get3A_1 : vector<256x1xf32> to vector<256x512xf32>
      %eq3A_213 = arith.cmpf oeq, %eq3A_211, %eq3A_212 : vector<256x512xf32>
      %lt3A_214 = vector.broadcast %add3A_207 : vector<1x512xi32> to vector<256x512xi32>
      %lt3A_215 = vector.broadcast %add3A_9 : vector<256x1xi32> to vector<256x512xi32>
      %lt3A_216 = arith.cmpi slt, %lt3A_214, %lt3A_215 : vector<256x512xi32>
      %and3A_217 = arith.andi %eq3A_213, %lt3A_216 : vector<256x512xi1>
      %or3A = arith.ori %gt3A_210, %and3A_217 : vector<256x512xi1>
      %eq3A_218 = vector.broadcast %get3A_200 : vector<1x512xi32> to vector<256x512xi32>
      %eq3A_219 = vector.broadcast %get3A_4 : vector<256x1xi32> to vector<256x512xi32>
      %eq3A_220 = arith.cmpi eq, %eq3A_218, %eq3A_219 : vector<256x512xi32>
      %and3A_221 = arith.andi %or3A, %eq3A_220 : vector<256x512xi1>
      %gt3A_222 = arith.constant 0.000000e+00 : f32
      %gt3A_223 = vector.broadcast %gt3A_222 : f32 to vector<1x512xf32>
      %gt3A_224 = arith.cmpf ogt, %get3A_203, %gt3A_223 : vector<1x512xf32>
      %and3A_225 = vector.broadcast %gt3A_224 : vector<1x512xi1> to vector<256x512xi1>
      %and3A_226 = arith.andi %and3A_221, %and3A_225 : vector<256x512xi1>
      %get3A_227 = arith.constant 0 : index
      %get3A_228 = arith.constant 0 : index
      %get3A_229 = vector.load %arg11[%get3A_227, %get3A_228] : memref<256x1xf32, #tpu.memory_space<vmem>>, vector<256x1xf32>
      %convert_element_type3A_230 = arith.extui %and3A_226 : vector<256x512xi1> to vector<256x512xi32>
      %convert_element_type3A_231 = arith.sitofp %convert_element_type3A_230 : vector<256x512xi32> to vector<256x512xf32>
      %reduce_sum3A_232 = arith.constant dense<0.000000e+00> : vector<256xf32>
      %reduce_sum3A_233 = vector.multi_reduction <add>, %convert_element_type3A_231, %reduce_sum3A_232 [1] : vector<256x512xf32> to vector<256xf32>
      %broadcast_in_dim3A_234 = vector.shape_cast %reduce_sum3A_233 : vector<256xf32> to vector<256x1xf32>
      %add3A_235 = arith.addf %get3A_229, %broadcast_in_dim3A_234 : vector<256x1xf32>
      %swap3A_236 = arith.constant 0 : index
      %swap3A_237 = arith.constant 0 : index
      %swap3A_238 = vector.load %arg11[%swap3A_236, %swap3A_237] : memref<256x1xf32, #tpu.memory_space<vmem>>, vector<256x1xf32>
      tpu.vector_store %arg11[%swap3A_236, %swap3A_237], %add3A_235 {strides = array<i32>} : memref<256x1xf32, #tpu.memory_space<vmem>>, vector<256x1xf32>,
    } else {
    }
    %le3A_116 = arith.constant 13 : i32
    %le3A_117 = arith.cmpi sle, %get3A_14, %le3A_116 : i32
    %ge3A_118 = arith.constant 13 : i32
    %ge3A_119 = arith.cmpi sge, %get3A_16, %ge3A_118 : i32
    %and3A_120 = arith.andi %le3A_117, %ge3A_119 : i1
    %convert_element_type3A_121 = arith.extui %and3A_120 : i1 to i32
    %cond3A_122 = arith.constant 0 : i32
    %cond3A_123 = arith.cmpi ne, %convert_element_type3A_121, %cond3A_122 : i32
    scf.if %cond3A_123 {
      %get3A_195 = arith.constant 0 : index
      %get3A_196 = arith.constant 6656 : index
      %get3A_197 = vector.load %arg4[%get3A_195, %get3A_196] : memref<1x10240xf32, #tpu.memory_space<vmem>>, vector<1x512xf32>
      %get3A_198 = arith.constant 0 : index
      %get3A_199 = arith.constant 6656 : index
      %get3A_200 = vector.load %arg5[%get3A_198, %get3A_199] : memref<1x10240xi32, #tpu.memory_space<vmem>>, vector<1x512xi32>
      %get3A_201 = arith.constant 0 : index
      %get3A_202 = arith.constant 6656 : index
      %get3A_203 = vector.load %arg6[%get3A_201, %get3A_202] : memref<1x10240xf32, #tpu.memory_space<vmem>>, vector<1x512xf32>
      %iota3A_204 = tpu.iota {dimensions = array<i32: 1>} : vector<1x512xi32>
      %add3A_205 = arith.constant 6656 : i32
      %add3A_206 = vector.broadcast %add3A_205 : i32 to vector<1x512xi32>
      %add3A_207 = arith.addi %add3A_206, %iota3A_204 : vector<1x512xi32>
      %gt3A_208 = vector.broadcast %get3A_197 : vector<1x512xf32> to vector<256x512xf32>
      %gt3A_209 = vector.broadcast %get3A_1 : vector<256x1xf32> to vector<256x512xf32>
      %gt3A_210 = arith.cmpf ogt, %gt3A_208, %gt3A_209 : vector<256x512xf32>
      %eq3A_211 = vector.broadcast %get3A_197 : vector<1x512xf32> to vector<256x512xf32>
      %eq3A_212 = vector.broadcast %get3A_1 : vector<256x1xf32> to vector<256x512xf32>
      %eq3A_213 = arith.cmpf oeq, %eq3A_211, %eq3A_212 : vector<256x512xf32>
      %lt3A_214 = vector.broadcast %add3A_207 : vector<1x512xi32> to vector<256x512xi32>
      %lt3A_215 = vector.broadcast %add3A_9 : vector<256x1xi32> to vector<256x512xi32>
      %lt3A_216 = arith.cmpi slt, %lt3A_214, %lt3A_215 : vector<256x512xi32>
      %and3A_217 = arith.andi %eq3A_213, %lt3A_216 : vector<256x512xi1>
      %or3A = arith.ori %gt3A_210, %and3A_217 : vector<256x512xi1>
      %eq3A_218 = vector.broadcast %get3A_200 : vector<1x512xi32> to vector<256x512xi32>
      %eq3A_219 = vector.broadcast %get3A_4 : vector<256x1xi32> to vector<256x512xi32>
      %eq3A_220 = arith.cmpi eq, %eq3A_218, %eq3A_219 : vector<256x512xi32>
      %and3A_221 = arith.andi %or3A, %eq3A_220 : vector<256x512xi1>
      %gt3A_222 = arith.constant 0.000000e+00 : f32
      %gt3A_223 = vector.broadcast %gt3A_222 : f32 to vector<1x512xf32>
      %gt3A_224 = arith.cmpf ogt, %get3A_203, %gt3A_223 : vector<1x512xf32>
      %and3A_225 = vector.broadcast %gt3A_224 : vector<1x512xi1> to vector<256x512xi1>
      %and3A_226 = arith.andi %and3A_221, %and3A_225 : vector<256x512xi1>
      %get3A_227 = arith.constant 0 : index
      %get3A_228 = arith.constant 0 : index
      %get3A_229 = vector.load %arg11[%get3A_227, %get3A_228] : memref<256x1xf32, #tpu.memory_space<vmem>>, vector<256x1xf32>
      %convert_element_type3A_230 = arith.extui %and3A_226 : vector<256x512xi1> to vector<256x512xi32>
      %convert_element_type3A_231 = arith.sitofp %convert_element_type3A_230 : vector<256x512xi32> to vector<256x512xf32>
      %reduce_sum3A_232 = arith.constant dense<0.000000e+00> : vector<256xf32>
      %reduce_sum3A_233 = vector.multi_reduction <add>, %convert_element_type3A_231, %reduce_sum3A_232 [1] : vector<256x512xf32> to vector<256xf32>
      %broadcast_in_dim3A_234 = vector.shape_cast %reduce_sum3A_233 : vector<256xf32> to vector<256x1xf32>
      %add3A_235 = arith.addf %get3A_229, %broadcast_in_dim3A_234 : vector<256x1xf32>
      %swap3A_236 = arith.constant 0 : index
      %swap3A_237 = arith.constant 0 : index
      %swap3A_238 = vector.load %arg11[%swap3A_236, %swap3A_237] : memref<256x1xf32, #tpu.memory_space<vmem>>, vector<256x1xf32>
      tpu.vector_store %arg11[%swap3A_236, %swap3A_237], %add3A_235 {strides = array<i32>} : memref<256x1xf32, #tpu.memory_space<vmem>>, vector<256x1xf32>,
    } else {
    }
    %le3A_124 = arith.constant 14 : i32
    %le3A_125 = arith.cmpi sle, %get3A_14, %le3A_124 : i32
    %ge3A_126 = arith.constant 14 : i32
    %ge3A_127 = arith.cmpi sge, %get3A_16, %ge3A_126 : i32
    %and3A_128 = arith.andi %le3A_125, %ge3A_127 : i1
    %convert_element_type3A_129 = arith.extui %and3A_128 : i1 to i32
    %cond3A_130 = arith.constant 0 : i32
    %cond3A_131 = arith.cmpi ne, %convert_element_type3A_129, %cond3A_130 : i32
    scf.if %cond3A_131 {
      %get3A_195 = arith.constant 0 : index
      %get3A_196 = arith.constant 7168 : index
      %get3A_197 = vector.load %arg4[%get3A_195, %get3A_196] : memref<1x10240xf32, #tpu.memory_space<vmem>>, vector<1x512xf32>
      %get3A_198 = arith.constant 0 : index
      %get3A_199 = arith.constant 7168 : index
      %get3A_200 = vector.load %arg5[%get3A_198, %get3A_199] : memref<1x10240xi32, #tpu.memory_space<vmem>>, vector<1x512xi32>
      %get3A_201 = arith.constant 0 : index
      %get3A_202 = arith.constant 7168 : index
      %get3A_203 = vector.load %arg6[%get3A_201, %get3A_202] : memref<1x10240xf32, #tpu.memory_space<vmem>>, vector<1x512xf32>
      %iota3A_204 = tpu.iota {dimensions = array<i32: 1>} : vector<1x512xi32>
      %add3A_205 = arith.constant 7168 : i32
      %add3A_206 = vector.broadcast %add3A_205 : i32 to vector<1x512xi32>
      %add3A_207 = arith.addi %add3A_206, %iota3A_204 : vector<1x512xi32>
      %gt3A_208 = vector.broadcast %get3A_197 : vector<1x512xf32> to vector<256x512xf32>
      %gt3A_209 = vector.broadcast %get3A_1 : vector<256x1xf32> to vector<256x512xf32>
      %gt3A_210 = arith.cmpf ogt, %gt3A_208, %gt3A_209 : vector<256x512xf32>
      %eq3A_211 = vector.broadcast %get3A_197 : vector<1x512xf32> to vector<256x512xf32>
      %eq3A_212 = vector.broadcast %get3A_1 : vector<256x1xf32> to vector<256x512xf32>
      %eq3A_213 = arith.cmpf oeq, %eq3A_211, %eq3A_212 : vector<256x512xf32>
      %lt3A_214 = vector.broadcast %add3A_207 : vector<1x512xi32> to vector<256x512xi32>
      %lt3A_215 = vector.broadcast %add3A_9 : vector<256x1xi32> to vector<256x512xi32>
      %lt3A_216 = arith.cmpi slt, %lt3A_214, %lt3A_215 : vector<256x512xi32>
      %and3A_217 = arith.andi %eq3A_213, %lt3A_216 : vector<256x512xi1>
      %or3A = arith.ori %gt3A_210, %and3A_217 : vector<256x512xi1>
      %eq3A_218 = vector.broadcast %get3A_200 : vector<1x512xi32> to vector<256x512xi32>
      %eq3A_219 = vector.broadcast %get3A_4 : vector<256x1xi32> to vector<256x512xi32>
      %eq3A_220 = arith.cmpi eq, %eq3A_218, %eq3A_219 : vector<256x512xi32>
      %and3A_221 = arith.andi %or3A, %eq3A_220 : vector<256x512xi1>
      %gt3A_222 = arith.constant 0.000000e+00 : f32
      %gt3A_223 = vector.broadcast %gt3A_222 : f32 to vector<1x512xf32>
      %gt3A_224 = arith.cmpf ogt, %get3A_203, %gt3A_223 : vector<1x512xf32>
      %and3A_225 = vector.broadcast %gt3A_224 : vector<1x512xi1> to vector<256x512xi1>
      %and3A_226 = arith.andi %and3A_221, %and3A_225 : vector<256x512xi1>
      %get3A_227 = arith.constant 0 : index
      %get3A_228 = arith.constant 0 : index
      %get3A_229 = vector.load %arg11[%get3A_227, %get3A_228] : memref<256x1xf32, #tpu.memory_space<vmem>>, vector<256x1xf32>
      %convert_element_type3A_230 = arith.extui %and3A_226 : vector<256x512xi1> to vector<256x512xi32>
      %convert_element_type3A_231 = arith.sitofp %convert_element_type3A_230 : vector<256x512xi32> to vector<256x512xf32>
      %reduce_sum3A_232 = arith.constant dense<0.000000e+00> : vector<256xf32>
      %reduce_sum3A_233 = vector.multi_reduction <add>, %convert_element_type3A_231, %reduce_sum3A_232 [1] : vector<256x512xf32> to vector<256xf32>
      %broadcast_in_dim3A_234 = vector.shape_cast %reduce_sum3A_233 : vector<256xf32> to vector<256x1xf32>
      %add3A_235 = arith.addf %get3A_229, %broadcast_in_dim3A_234 : vector<256x1xf32>
      %swap3A_236 = arith.constant 0 : index
      %swap3A_237 = arith.constant 0 : index
      %swap3A_238 = vector.load %arg11[%swap3A_236, %swap3A_237] : memref<256x1xf32, #tpu.memory_space<vmem>>, vector<256x1xf32>
      tpu.vector_store %arg11[%swap3A_236, %swap3A_237], %add3A_235 {strides = array<i32>} : memref<256x1xf32, #tpu.memory_space<vmem>>, vector<256x1xf32>,
    } else {
    }
    %le3A_132 = arith.constant 15 : i32
    %le3A_133 = arith.cmpi sle, %get3A_14, %le3A_132 : i32
    %ge3A_134 = arith.constant 15 : i32
    %ge3A_135 = arith.cmpi sge, %get3A_16, %ge3A_134 : i32
    %and3A_136 = arith.andi %le3A_133, %ge3A_135 : i1
    %convert_element_type3A_137 = arith.extui %and3A_136 : i1 to i32
    %cond3A_138 = arith.constant 0 : i32
    %cond3A_139 = arith.cmpi ne, %convert_element_type3A_137, %cond3A_138 : i32
    scf.if %cond3A_139 {
      %get3A_195 = arith.constant 0 : index
      %get3A_196 = arith.constant 7680 : index
      %get3A_197 = vector.load %arg4[%get3A_195, %get3A_196] : memref<1x10240xf32, #tpu.memory_space<vmem>>, vector<1x512xf32>
      %get3A_198 = arith.constant 0 : index
      %get3A_199 = arith.constant 7680 : index
      %get3A_200 = vector.load %arg5[%get3A_198, %get3A_199] : memref<1x10240xi32, #tpu.memory_space<vmem>>, vector<1x512xi32>
      %get3A_201 = arith.constant 0 : index
      %get3A_202 = arith.constant 7680 : index
      %get3A_203 = vector.load %arg6[%get3A_201, %get3A_202] : memref<1x10240xf32, #tpu.memory_space<vmem>>, vector<1x512xf32>
      %iota3A_204 = tpu.iota {dimensions = array<i32: 1>} : vector<1x512xi32>
      %add3A_205 = arith.constant 7680 : i32
      %add3A_206 = vector.broadcast %add3A_205 : i32 to vector<1x512xi32>
      %add3A_207 = arith.addi %add3A_206, %iota3A_204 : vector<1x512xi32>
      %gt3A_208 = vector.broadcast %get3A_197 : vector<1x512xf32> to vector<256x512xf32>
      %gt3A_209 = vector.broadcast %get3A_1 : vector<256x1xf32> to vector<256x512xf32>
      %gt3A_210 = arith.cmpf ogt, %gt3A_208, %gt3A_209 : vector<256x512xf32>
      %eq3A_211 = vector.broadcast %get3A_197 : vector<1x512xf32> to vector<256x512xf32>
      %eq3A_212 = vector.broadcast %get3A_1 : vector<256x1xf32> to vector<256x512xf32>
      %eq3A_213 = arith.cmpf oeq, %eq3A_211, %eq3A_212 : vector<256x512xf32>
      %lt3A_214 = vector.broadcast %add3A_207 : vector<1x512xi32> to vector<256x512xi32>
      %lt3A_215 = vector.broadcast %add3A_9 : vector<256x1xi32> to vector<256x512xi32>
      %lt3A_216 = arith.cmpi slt, %lt3A_214, %lt3A_215 : vector<256x512xi32>
      %and3A_217 = arith.andi %eq3A_213, %lt3A_216 : vector<256x512xi1>
      %or3A = arith.ori %gt3A_210, %and3A_217 : vector<256x512xi1>
      %eq3A_218 = vector.broadcast %get3A_200 : vector<1x512xi32> to vector<256x512xi32>
      %eq3A_219 = vector.broadcast %get3A_4 : vector<256x1xi32> to vector<256x512xi32>
      %eq3A_220 = arith.cmpi eq, %eq3A_218, %eq3A_219 : vector<256x512xi32>
      %and3A_221 = arith.andi %or3A, %eq3A_220 : vector<256x512xi1>
      %gt3A_222 = arith.constant 0.000000e+00 : f32
      %gt3A_223 = vector.broadcast %gt3A_222 : f32 to vector<1x512xf32>
      %gt3A_224 = arith.cmpf ogt, %get3A_203, %gt3A_223 : vector<1x512xf32>
      %and3A_225 = vector.broadcast %gt3A_224 : vector<1x512xi1> to vector<256x512xi1>
      %and3A_226 = arith.andi %and3A_221, %and3A_225 : vector<256x512xi1>
      %get3A_227 = arith.constant 0 : index
      %get3A_228 = arith.constant 0 : index
      %get3A_229 = vector.load %arg11[%get3A_227, %get3A_228] : memref<256x1xf32, #tpu.memory_space<vmem>>, vector<256x1xf32>
      %convert_element_type3A_230 = arith.extui %and3A_226 : vector<256x512xi1> to vector<256x512xi32>
      %convert_element_type3A_231 = arith.sitofp %convert_element_type3A_230 : vector<256x512xi32> to vector<256x512xf32>
      %reduce_sum3A_232 = arith.constant dense<0.000000e+00> : vector<256xf32>
      %reduce_sum3A_233 = vector.multi_reduction <add>, %convert_element_type3A_231, %reduce_sum3A_232 [1] : vector<256x512xf32> to vector<256xf32>
      %broadcast_in_dim3A_234 = vector.shape_cast %reduce_sum3A_233 : vector<256xf32> to vector<256x1xf32>
      %add3A_235 = arith.addf %get3A_229, %broadcast_in_dim3A_234 : vector<256x1xf32>
      %swap3A_236 = arith.constant 0 : index
      %swap3A_237 = arith.constant 0 : index
      %swap3A_238 = vector.load %arg11[%swap3A_236, %swap3A_237] : memref<256x1xf32, #tpu.memory_space<vmem>>, vector<256x1xf32>
      tpu.vector_store %arg11[%swap3A_236, %swap3A_237], %add3A_235 {strides = array<i32>} : memref<256x1xf32, #tpu.memory_space<vmem>>, vector<256x1xf32>,
    } else {
    }
    %le3A_140 = arith.constant 16 : i32
    %le3A_141 = arith.cmpi sle, %get3A_14, %le3A_140 : i32
    %ge3A_142 = arith.constant 16 : i32
    %ge3A_143 = arith.cmpi sge, %get3A_16, %ge3A_142 : i32
    %and3A_144 = arith.andi %le3A_141, %ge3A_143 : i1
    %convert_element_type3A_145 = arith.extui %and3A_144 : i1 to i32
    %cond3A_146 = arith.constant 0 : i32
    %cond3A_147 = arith.cmpi ne, %convert_element_type3A_145, %cond3A_146 : i32
    scf.if %cond3A_147 {
      %get3A_195 = arith.constant 0 : index
      %get3A_196 = arith.constant 8192 : index
      %get3A_197 = vector.load %arg4[%get3A_195, %get3A_196] : memref<1x10240xf32, #tpu.memory_space<vmem>>, vector<1x512xf32>
      %get3A_198 = arith.constant 0 : index
      %get3A_199 = arith.constant 8192 : index
      %get3A_200 = vector.load %arg5[%get3A_198, %get3A_199] : memref<1x10240xi32, #tpu.memory_space<vmem>>, vector<1x512xi32>
      %get3A_201 = arith.constant 0 : index
      %get3A_202 = arith.constant 8192 : index
      %get3A_203 = vector.load %arg6[%get3A_201, %get3A_202] : memref<1x10240xf32, #tpu.memory_space<vmem>>, vector<1x512xf32>
      %iota3A_204 = tpu.iota {dimensions = array<i32: 1>} : vector<1x512xi32>
      %add3A_205 = arith.constant 8192 : i32
      %add3A_206 = vector.broadcast %add3A_205 : i32 to vector<1x512xi32>
      %add3A_207 = arith.addi %add3A_206, %iota3A_204 : vector<1x512xi32>
      %gt3A_208 = vector.broadcast %get3A_197 : vector<1x512xf32> to vector<256x512xf32>
      %gt3A_209 = vector.broadcast %get3A_1 : vector<256x1xf32> to vector<256x512xf32>
      %gt3A_210 = arith.cmpf ogt, %gt3A_208, %gt3A_209 : vector<256x512xf32>
      %eq3A_211 = vector.broadcast %get3A_197 : vector<1x512xf32> to vector<256x512xf32>
      %eq3A_212 = vector.broadcast %get3A_1 : vector<256x1xf32> to vector<256x512xf32>
      %eq3A_213 = arith.cmpf oeq, %eq3A_211, %eq3A_212 : vector<256x512xf32>
      %lt3A_214 = vector.broadcast %add3A_207 : vector<1x512xi32> to vector<256x512xi32>
      %lt3A_215 = vector.broadcast %add3A_9 : vector<256x1xi32> to vector<256x512xi32>
      %lt3A_216 = arith.cmpi slt, %lt3A_214, %lt3A_215 : vector<256x512xi32>
      %and3A_217 = arith.andi %eq3A_213, %lt3A_216 : vector<256x512xi1>
      %or3A = arith.ori %gt3A_210, %and3A_217 : vector<256x512xi1>
      %eq3A_218 = vector.broadcast %get3A_200 : vector<1x512xi32> to vector<256x512xi32>
      %eq3A_219 = vector.broadcast %get3A_4 : vector<256x1xi32> to vector<256x512xi32>
      %eq3A_220 = arith.cmpi eq, %eq3A_218, %eq3A_219 : vector<256x512xi32>
      %and3A_221 = arith.andi %or3A, %eq3A_220 : vector<256x512xi1>
      %gt3A_222 = arith.constant 0.000000e+00 : f32
      %gt3A_223 = vector.broadcast %gt3A_222 : f32 to vector<1x512xf32>
      %gt3A_224 = arith.cmpf ogt, %get3A_203, %gt3A_223 : vector<1x512xf32>
      %and3A_225 = vector.broadcast %gt3A_224 : vector<1x512xi1> to vector<256x512xi1>
      %and3A_226 = arith.andi %and3A_221, %and3A_225 : vector<256x512xi1>
      %get3A_227 = arith.constant 0 : index
      %get3A_228 = arith.constant 0 : index
      %get3A_229 = vector.load %arg11[%get3A_227, %get3A_228] : memref<256x1xf32, #tpu.memory_space<vmem>>, vector<256x1xf32>
      %convert_element_type3A_230 = arith.extui %and3A_226 : vector<256x512xi1> to vector<256x512xi32>
      %convert_element_type3A_231 = arith.sitofp %convert_element_type3A_230 : vector<256x512xi32> to vector<256x512xf32>
      %reduce_sum3A_232 = arith.constant dense<0.000000e+00> : vector<256xf32>
      %reduce_sum3A_233 = vector.multi_reduction <add>, %convert_element_type3A_231, %reduce_sum3A_232 [1] : vector<256x512xf32> to vector<256xf32>
      %broadcast_in_dim3A_234 = vector.shape_cast %reduce_sum3A_233 : vector<256xf32> to vector<256x1xf32>
      %add3A_235 = arith.addf %get3A_229, %broadcast_in_dim3A_234 : vector<256x1xf32>
      %swap3A_236 = arith.constant 0 : index
      %swap3A_237 = arith.constant 0 : index
      %swap3A_238 = vector.load %arg11[%swap3A_236, %swap3A_237] : memref<256x1xf32, #tpu.memory_space<vmem>>, vector<256x1xf32>
      tpu.vector_store %arg11[%swap3A_236, %swap3A_237], %add3A_235 {strides = array<i32>} : memref<256x1xf32, #tpu.memory_space<vmem>>, vector<256x1xf32>,
    } else {
    }
    %le3A_148 = arith.constant 17 : i32
    %le3A_149 = arith.cmpi sle, %get3A_14, %le3A_148 : i32
    %ge3A_150 = arith.constant 17 : i32
    %ge3A_151 = arith.cmpi sge, %get3A_16, %ge3A_150 : i32
    %and3A_152 = arith.andi %le3A_149, %ge3A_151 : i1
    %convert_element_type3A_153 = arith.extui %and3A_152 : i1 to i32
    %cond3A_154 = arith.constant 0 : i32
    %cond3A_155 = arith.cmpi ne, %convert_element_type3A_153, %cond3A_154 : i32
    scf.if %cond3A_155 {
      %get3A_195 = arith.constant 0 : index
      %get3A_196 = arith.constant 8704 : index
      %get3A_197 = vector.load %arg4[%get3A_195, %get3A_196] : memref<1x10240xf32, #tpu.memory_space<vmem>>, vector<1x512xf32>
      %get3A_198 = arith.constant 0 : index
      %get3A_199 = arith.constant 8704 : index
      %get3A_200 = vector.load %arg5[%get3A_198, %get3A_199] : memref<1x10240xi32, #tpu.memory_space<vmem>>, vector<1x512xi32>
      %get3A_201 = arith.constant 0 : index
      %get3A_202 = arith.constant 8704 : index
      %get3A_203 = vector.load %arg6[%get3A_201, %get3A_202] : memref<1x10240xf32, #tpu.memory_space<vmem>>, vector<1x512xf32>
      %iota3A_204 = tpu.iota {dimensions = array<i32: 1>} : vector<1x512xi32>
      %add3A_205 = arith.constant 8704 : i32
      %add3A_206 = vector.broadcast %add3A_205 : i32 to vector<1x512xi32>
      %add3A_207 = arith.addi %add3A_206, %iota3A_204 : vector<1x512xi32>
      %gt3A_208 = vector.broadcast %get3A_197 : vector<1x512xf32> to vector<256x512xf32>
      %gt3A_209 = vector.broadcast %get3A_1 : vector<256x1xf32> to vector<256x512xf32>
      %gt3A_210 = arith.cmpf ogt, %gt3A_208, %gt3A_209 : vector<256x512xf32>
      %eq3A_211 = vector.broadcast %get3A_197 : vector<1x512xf32> to vector<256x512xf32>
      %eq3A_212 = vector.broadcast %get3A_1 : vector<256x1xf32> to vector<256x512xf32>
      %eq3A_213 = arith.cmpf oeq, %eq3A_211, %eq3A_212 : vector<256x512xf32>
      %lt3A_214 = vector.broadcast %add3A_207 : vector<1x512xi32> to vector<256x512xi32>
      %lt3A_215 = vector.broadcast %add3A_9 : vector<256x1xi32> to vector<256x512xi32>
      %lt3A_216 = arith.cmpi slt, %lt3A_214, %lt3A_215 : vector<256x512xi32>
      %and3A_217 = arith.andi %eq3A_213, %lt3A_216 : vector<256x512xi1>
      %or3A = arith.ori %gt3A_210, %and3A_217 : vector<256x512xi1>
      %eq3A_218 = vector.broadcast %get3A_200 : vector<1x512xi32> to vector<256x512xi32>
      %eq3A_219 = vector.broadcast %get3A_4 : vector<256x1xi32> to vector<256x512xi32>
      %eq3A_220 = arith.cmpi eq, %eq3A_218, %eq3A_219 : vector<256x512xi32>
      %and3A_221 = arith.andi %or3A, %eq3A_220 : vector<256x512xi1>
      %gt3A_222 = arith.constant 0.000000e+00 : f32
      %gt3A_223 = vector.broadcast %gt3A_222 : f32 to vector<1x512xf32>
      %gt3A_224 = arith.cmpf ogt, %get3A_203, %gt3A_223 : vector<1x512xf32>
      %and3A_225 = vector.broadcast %gt3A_224 : vector<1x512xi1> to vector<256x512xi1>
      %and3A_226 = arith.andi %and3A_221, %and3A_225 : vector<256x512xi1>
      %get3A_227 = arith.constant 0 : index
      %get3A_228 = arith.constant 0 : index
      %get3A_229 = vector.load %arg11[%get3A_227, %get3A_228] : memref<256x1xf32, #tpu.memory_space<vmem>>, vector<256x1xf32>
      %convert_element_type3A_230 = arith.extui %and3A_226 : vector<256x512xi1> to vector<256x512xi32>
      %convert_element_type3A_231 = arith.sitofp %convert_element_type3A_230 : vector<256x512xi32> to vector<256x512xf32>
      %reduce_sum3A_232 = arith.constant dense<0.000000e+00> : vector<256xf32>
      %reduce_sum3A_233 = vector.multi_reduction <add>, %convert_element_type3A_231, %reduce_sum3A_232 [1] : vector<256x512xf32> to vector<256xf32>
      %broadcast_in_dim3A_234 = vector.shape_cast %reduce_sum3A_233 : vector<256xf32> to vector<256x1xf32>
      %add3A_235 = arith.addf %get3A_229, %broadcast_in_dim3A_234 : vector<256x1xf32>
      %swap3A_236 = arith.constant 0 : index
      %swap3A_237 = arith.constant 0 : index
      %swap3A_238 = vector.load %arg11[%swap3A_236, %swap3A_237] : memref<256x1xf32, #tpu.memory_space<vmem>>, vector<256x1xf32>
      tpu.vector_store %arg11[%swap3A_236, %swap3A_237], %add3A_235 {strides = array<i32>} : memref<256x1xf32, #tpu.memory_space<vmem>>, vector<256x1xf32>,
    } else {
    }
    %le3A_156 = arith.constant 18 : i32
    %le3A_157 = arith.cmpi sle, %get3A_14, %le3A_156 : i32
    %ge3A_158 = arith.constant 18 : i32
    %ge3A_159 = arith.cmpi sge, %get3A_16, %ge3A_158 : i32
    %and3A_160 = arith.andi %le3A_157, %ge3A_159 : i1
    %convert_element_type3A_161 = arith.extui %and3A_160 : i1 to i32
    %cond3A_162 = arith.constant 0 : i32
    %cond3A_163 = arith.cmpi ne, %convert_element_type3A_161, %cond3A_162 : i32
    scf.if %cond3A_163 {
      %get3A_195 = arith.constant 0 : index
      %get3A_196 = arith.constant 9216 : index
      %get3A_197 = vector.load %arg4[%get3A_195, %get3A_196] : memref<1x10240xf32, #tpu.memory_space<vmem>>, vector<1x512xf32>
      %get3A_198 = arith.constant 0 : index
      %get3A_199 = arith.constant 9216 : index
      %get3A_200 = vector.load %arg5[%get3A_198, %get3A_199] : memref<1x10240xi32, #tpu.memory_space<vmem>>, vector<1x512xi32>
      %get3A_201 = arith.constant 0 : index
      %get3A_202 = arith.constant 9216 : index
      %get3A_203 = vector.load %arg6[%get3A_201, %get3A_202] : memref<1x10240xf32, #tpu.memory_space<vmem>>, vector<1x512xf32>
      %iota3A_204 = tpu.iota {dimensions = array<i32: 1>} : vector<1x512xi32>
      %add3A_205 = arith.constant 9216 : i32
      %add3A_206 = vector.broadcast %add3A_205 : i32 to vector<1x512xi32>
      %add3A_207 = arith.addi %add3A_206, %iota3A_204 : vector<1x512xi32>
      %gt3A_208 = vector.broadcast %get3A_197 : vector<1x512xf32> to vector<256x512xf32>
      %gt3A_209 = vector.broadcast %get3A_1 : vector<256x1xf32> to vector<256x512xf32>
      %gt3A_210 = arith.cmpf ogt, %gt3A_208, %gt3A_209 : vector<256x512xf32>
      %eq3A_211 = vector.broadcast %get3A_197 : vector<1x512xf32> to vector<256x512xf32>
      %eq3A_212 = vector.broadcast %get3A_1 : vector<256x1xf32> to vector<256x512xf32>
      %eq3A_213 = arith.cmpf oeq, %eq3A_211, %eq3A_212 : vector<256x512xf32>
      %lt3A_214 = vector.broadcast %add3A_207 : vector<1x512xi32> to vector<256x512xi32>
      %lt3A_215 = vector.broadcast %add3A_9 : vector<256x1xi32> to vector<256x512xi32>
      %lt3A_216 = arith.cmpi slt, %lt3A_214, %lt3A_215 : vector<256x512xi32>
      %and3A_217 = arith.andi %eq3A_213, %lt3A_216 : vector<256x512xi1>
      %or3A = arith.ori %gt3A_210, %and3A_217 : vector<256x512xi1>
      %eq3A_218 = vector.broadcast %get3A_200 : vector<1x512xi32> to vector<256x512xi32>
      %eq3A_219 = vector.broadcast %get3A_4 : vector<256x1xi32> to vector<256x512xi32>
      %eq3A_220 = arith.cmpi eq, %eq3A_218, %eq3A_219 : vector<256x512xi32>
      %and3A_221 = arith.andi %or3A, %eq3A_220 : vector<256x512xi1>
      %gt3A_222 = arith.constant 0.000000e+00 : f32
      %gt3A_223 = vector.broadcast %gt3A_222 : f32 to vector<1x512xf32>
      %gt3A_224 = arith.cmpf ogt, %get3A_203, %gt3A_223 : vector<1x512xf32>
      %and3A_225 = vector.broadcast %gt3A_224 : vector<1x512xi1> to vector<256x512xi1>
      %and3A_226 = arith.andi %and3A_221, %and3A_225 : vector<256x512xi1>
      %get3A_227 = arith.constant 0 : index
      %get3A_228 = arith.constant 0 : index
      %get3A_229 = vector.load %arg11[%get3A_227, %get3A_228] : memref<256x1xf32, #tpu.memory_space<vmem>>, vector<256x1xf32>
      %convert_element_type3A_230 = arith.extui %and3A_226 : vector<256x512xi1> to vector<256x512xi32>
      %convert_element_type3A_231 = arith.sitofp %convert_element_type3A_230 : vector<256x512xi32> to vector<256x512xf32>
      %reduce_sum3A_232 = arith.constant dense<0.000000e+00> : vector<256xf32>
      %reduce_sum3A_233 = vector.multi_reduction <add>, %convert_element_type3A_231, %reduce_sum3A_232 [1] : vector<256x512xf32> to vector<256xf32>
      %broadcast_in_dim3A_234 = vector.shape_cast %reduce_sum3A_233 : vector<256xf32> to vector<256x1xf32>
      %add3A_235 = arith.addf %get3A_229, %broadcast_in_dim3A_234 : vector<256x1xf32>
      %swap3A_236 = arith.constant 0 : index
      %swap3A_237 = arith.constant 0 : index
      %swap3A_238 = vector.load %arg11[%swap3A_236, %swap3A_237] : memref<256x1xf32, #tpu.memory_space<vmem>>, vector<256x1xf32>
      tpu.vector_store %arg11[%swap3A_236, %swap3A_237], %add3A_235 {strides = array<i32>} : memref<256x1xf32, #tpu.memory_space<vmem>>, vector<256x1xf32>,
    } else {
    }
    %le3A_164 = arith.constant 19 : i32
    %le3A_165 = arith.cmpi sle, %get3A_14, %le3A_164 : i32
    %ge3A_166 = arith.constant 19 : i32
    %ge3A_167 = arith.cmpi sge, %get3A_16, %ge3A_166 : i32
    %and3A_168 = arith.andi %le3A_165, %ge3A_167 : i1
    %convert_element_type3A_169 = arith.extui %and3A_168 : i1 to i32
    %cond3A_170 = arith.constant 0 : i32
    %cond3A_171 = arith.cmpi ne, %convert_element_type3A_169, %cond3A_170 : i32
    scf.if %cond3A_171 {
      %get3A_195 = arith.constant 0 : index
      %get3A_196 = arith.constant 9728 : index
      %get3A_197 = vector.load %arg4[%get3A_195, %get3A_196] : memref<1x10240xf32, #tpu.memory_space<vmem>>, vector<1x512xf32>
      %get3A_198 = arith.constant 0 : index
      %get3A_199 = arith.constant 9728 : index
      %get3A_200 = vector.load %arg5[%get3A_198, %get3A_199] : memref<1x10240xi32, #tpu.memory_space<vmem>>, vector<1x512xi32>
      %get3A_201 = arith.constant 0 : index
      %get3A_202 = arith.constant 9728 : index
      %get3A_203 = vector.load %arg6[%get3A_201, %get3A_202] : memref<1x10240xf32, #tpu.memory_space<vmem>>, vector<1x512xf32>
      %iota3A_204 = tpu.iota {dimensions = array<i32: 1>} : vector<1x512xi32>
      %add3A_205 = arith.constant 9728 : i32
      %add3A_206 = vector.broadcast %add3A_205 : i32 to vector<1x512xi32>
      %add3A_207 = arith.addi %add3A_206, %iota3A_204 : vector<1x512xi32>
      %gt3A_208 = vector.broadcast %get3A_197 : vector<1x512xf32> to vector<256x512xf32>
      %gt3A_209 = vector.broadcast %get3A_1 : vector<256x1xf32> to vector<256x512xf32>
      %gt3A_210 = arith.cmpf ogt, %gt3A_208, %gt3A_209 : vector<256x512xf32>
      %eq3A_211 = vector.broadcast %get3A_197 : vector<1x512xf32> to vector<256x512xf32>
      %eq3A_212 = vector.broadcast %get3A_1 : vector<256x1xf32> to vector<256x512xf32>
      %eq3A_213 = arith.cmpf oeq, %eq3A_211, %eq3A_212 : vector<256x512xf32>
      %lt3A_214 = vector.broadcast %add3A_207 : vector<1x512xi32> to vector<256x512xi32>
      %lt3A_215 = vector.broadcast %add3A_9 : vector<256x1xi32> to vector<256x512xi32>
      %lt3A_216 = arith.cmpi slt, %lt3A_214, %lt3A_215 : vector<256x512xi32>
      %and3A_217 = arith.andi %eq3A_213, %lt3A_216 : vector<256x512xi1>
      %or3A = arith.ori %gt3A_210, %and3A_217 : vector<256x512xi1>
      %eq3A_218 = vector.broadcast %get3A_200 : vector<1x512xi32> to vector<256x512xi32>
      %eq3A_219 = vector.broadcast %get3A_4 : vector<256x1xi32> to vector<256x512xi32>
      %eq3A_220 = arith.cmpi eq, %eq3A_218, %eq3A_219 : vector<256x512xi32>
      %and3A_221 = arith.andi %or3A, %eq3A_220 : vector<256x512xi1>
      %gt3A_222 = arith.constant 0.000000e+00 : f32
      %gt3A_223 = vector.broadcast %gt3A_222 : f32 to vector<1x512xf32>
      %gt3A_224 = arith.cmpf ogt, %get3A_203, %gt3A_223 : vector<1x512xf32>
      %and3A_225 = vector.broadcast %gt3A_224 : vector<1x512xi1> to vector<256x512xi1>
      %and3A_226 = arith.andi %and3A_221, %and3A_225 : vector<256x512xi1>
      %get3A_227 = arith.constant 0 : index
      %get3A_228 = arith.constant 0 : index
      %get3A_229 = vector.load %arg11[%get3A_227, %get3A_228] : memref<256x1xf32, #tpu.memory_space<vmem>>, vector<256x1xf32>
      %convert_element_type3A_230 = arith.extui %and3A_226 : vector<256x512xi1> to vector<256x512xi32>
      %convert_element_type3A_231 = arith.sitofp %convert_element_type3A_230 : vector<256x512xi32> to vector<256x512xf32>
      %reduce_sum3A_232 = arith.constant dense<0.000000e+00> : vector<256xf32>
      %reduce_sum3A_233 = vector.multi_reduction <add>, %convert_element_type3A_231, %reduce_sum3A_232 [1] : vector<256x512xf32> to vector<256xf32>
      %broadcast_in_dim3A_234 = vector.shape_cast %reduce_sum3A_233 : vector<256xf32> to vector<256x1xf32>
      %add3A_235 = arith.addf %get3A_229, %broadcast_in_dim3A_234 : vector<256x1xf32>
      %swap3A_236 = arith.constant 0 : index
      %swap3A_237 = arith.constant 0 : index
      %swap3A_238 = vector.load %arg11[%swap3A_236, %swap3A_237] : memref<256x1xf32, #tpu.memory_space<vmem>>, vector<256x1xf32>
      tpu.vector_store %arg11[%swap3A_236, %swap3A_237], %add3A_235 {strides = array<i32>} : memref<256x1xf32, #tpu.memory_space<vmem>>, vector<256x1xf32>,
    } else {
    }
    %iota3A_172 = tpu.iota {dimensions = array<i32: 1>} : vector<256x16xi32>
    %eq3A = vector.broadcast %get3A_4 : vector<256x1xi32> to vector<256x16xi32>
    %eq3A_173 = arith.cmpi eq, %eq3A, %iota3A_172 : vector<256x16xi32>
    %convert_element_type3A_174 = arith.extui %eq3A_173 : vector<256x16xi1> to vector<256x16xi32>
    %convert_element_type3A_175 = arith.sitofp %convert_element_type3A_174 : vector<256x16xi32> to vector<256x16xf32>
    %get3A_176 = arith.constant 0 : index
    %get3A_177 = arith.constant 0 : index
    %get3A_178 = vector.load %arg7[%get3A_176, %get3A_177] : memref<1x16xf32, #tpu.memory_space<vmem>>, vector<1x16xf32>
    %mul3A_179 = vector.broadcast %get3A_178 : vector<1x16xf32> to vector<256x16xf32>
    %mul3A_180 = arith.mulf %convert_element_type3A_175, %mul3A_179 : vector<256x16xf32>
    %reduce_sum3A = arith.constant dense<0.000000e+00> : vector<256xf32>
    %reduce_sum3A_181 = vector.multi_reduction <add>, %mul3A_180, %reduce_sum3A [1] : vector<256x16xf32> to vector<256xf32>
    %broadcast_in_dim3A_182 = vector.shape_cast %reduce_sum3A_181 : vector<256xf32> to vector<256x1xf32>
    %gt3A = arith.constant 0.000000e+00 : f32
    %gt3A_183 = vector.broadcast %gt3A : f32 to vector<256x1xf32>
    %gt3A_184 = arith.cmpf ogt, %get3A_7, %gt3A_183 : vector<256x1xf32>
    %get3A_185 = arith.constant 0 : index
    %get3A_186 = arith.constant 0 : index
    %get3A_187 = vector.load %arg11[%get3A_185, %get3A_186] : memref<256x1xf32, #tpu.memory_space<vmem>>, vector<256x1xf32>
    %lt3A = arith.cmpf olt, %get3A_187, %broadcast_in_dim3A_182 : vector<256x1xf32>
    %and3A_188 = arith.andi %gt3A_184, %lt3A : vector<256x1xi1>
    %jit3A = arith.constant 1.000000e+00 : f32
    %jit3A_189 = arith.constant 0.000000e+00 : f32
    %broadcast_in_dim3A_190 = vector.broadcast %jit3A : f32 to vector<256x1xf32>
    %broadcast_in_dim3A_191 = vector.broadcast %jit3A_189 : f32 to vector<256x1xf32>
    %select_n3A = arith.select %and3A_188, %broadcast_in_dim3A_190, %broadcast_in_dim3A_191 : vector<256x1xi1>, vector<256x1xf32>
    %swap3A_192 = arith.constant 0 : index
    %swap3A_193 = arith.constant 0 : index
    %swap3A_194 = vector.load %arg10[%swap3A_192, %swap3A_193] : memref<256x1xf32, #tpu.memory_space<vmem>>, vector<256x1xf32>
    tpu.vector_store %arg10[%swap3A_192, %swap3A_193], %select_n3A {strides = array<i32>} : memref<256x1xf32, #tpu.memory_space<vmem>>, vector<256x1xf32>,
    return
  }
  func.func @transform_0(%arg0: i32) -> (i32, i32) {
    %c0_i32 = arith.constant 0 : i32
    %c0_i32_0 = arith.constant 0 : i32
    return %arg0, %c0_i32 : i32, i32
  }
  func.func @transform_1(%arg0: i32) -> (i32, i32) {
    %c0_i32 = arith.constant 0 : i32
    %c0_i32_0 = arith.constant 0 : i32
    return %arg0, %c0_i32 : i32, i32
  }
  func.func @transform_2(%arg0: i32) -> (i32, i32) {
    %c0_i32 = arith.constant 0 : i32
    %c0_i32_0 = arith.constant 0 : i32
    return %arg0, %c0_i32 : i32, i32
  }
  func.func @transform_3(%arg0: i32) -> (i32, i32) {
    %c0_i32 = arith.constant 0 : i32
    %c0_i32_0 = arith.constant 0 : i32
    %c0_i32_1 = arith.constant 0 : i32
    return %c0_i32, %c0_i32_0 : i32, i32
  }
  func.func @transform_4(%arg0: i32) -> (i32, i32) {
    %c0_i32 = arith.constant 0 : i32
    %c0_i32_0 = arith.constant 0 : i32
    %c0_i32_1 = arith.constant 0 : i32
    return %c0_i32, %c0_i32_0 : i32, i32
  }
  func.func @transform_5(%arg0: i32) -> (i32, i32) {
    %c0_i32 = arith.constant 0 : i32
    %c0_i32_0 = arith.constant 0 : i32
    %c0_i32_1 = arith.constant 0 : i32
    return %c0_i32, %c0_i32_0 : i32, i32
  }
  func.func @transform_6(%arg0: i32) -> (i32, i32) {
    %c0_i32 = arith.constant 0 : i32
    %c0_i32_0 = arith.constant 0 : i32
    %c0_i32_1 = arith.constant 0 : i32
    return %c0_i32, %c0_i32_0 : i32, i32
  }
  func.func @transform_7(%arg0: i32) -> i32 {
    %c0_i32 = arith.constant 0 : i32
    %c0_i32_0 = arith.constant 0 : i32
    return %c0_i32 : i32
  }
  func.func @transform_8(%arg0: i32) -> i32 {
    %c0_i32 = arith.constant 0 : i32
    %c0_i32_0 = arith.constant 0 : i32
    return %c0_i32 : i32
  }
  func.func @transform_9(%arg0: i32) -> (i32, i32) {
    %c0_i32 = arith.constant 0 : i32
    %c0_i32_0 = arith.constant 0 : i32
    return %arg0, %c0_i32 : i32, i32
  }
}

module attributes {stable_mosaic.version = 14 : i64} {
  func.func @_att_body(%arg0: i32, %arg1: memref<1024x128xf32, #tpu.memory_space<vmem>>, %arg2: memref<1024x1xf32, #tpu.memory_space<vmem>>, %arg3: memref<1024x1xf32, #tpu.memory_space<vmem>>, %arg4: memref<1024x1xi32, #tpu.memory_space<vmem>>, %arg5: memref<128x1xf32, #tpu.memory_space<vmem>>, %arg6: memref<1x1xf32, #tpu.memory_space<vmem>>, %arg7: memref<128x128xf32, #tpu.memory_space<vmem>>, %arg8: memref<16x128xf32, #tpu.memory_space<vmem>>, %arg9: memref<16x128xf32, #tpu.memory_space<vmem>>, %arg10: memref<1024x128xf32, #tpu.memory_space<vmem>>, %arg11: memref<1x16xf32, #tpu.memory_space<vmem>>, %arg12: memref<1x16xf32, #tpu.memory_space<vmem>>, %arg13: memref<16x128xf32, #tpu.memory_space<vmem>>) attributes {dimension_semantics = [#tpu.dimension_semantics<arbitrary>], iteration_bounds = array<i64: 10>, scalar_prefetch = 0 : i64, scratch_operands = 3 : i64, tpu.core_type = #tpu.core_type<tc>, window_params = [{transform_indices = @transform_0, window_bounds = array<i64: 1024, 128>}, {transform_indices = @transform_1, window_bounds = array<i64: 1024, 1>}, {transform_indices = @transform_2, window_bounds = array<i64: 1024, 1>}, {transform_indices = @transform_3, window_bounds = array<i64: 1024, 1>}, {pipeline_mode = #tpu.pipeline_mode<synchronous>, transform_indices = @transform_4, window_bounds = array<i64: 128, 1>}, {pipeline_mode = #tpu.pipeline_mode<synchronous>, transform_indices = @transform_5, window_bounds = array<i64: 1, 1>}, {pipeline_mode = #tpu.pipeline_mode<synchronous>, transform_indices = @transform_6, window_bounds = array<i64: 128, 128>}, {pipeline_mode = #tpu.pipeline_mode<synchronous>, transform_indices = @transform_7, window_bounds = array<i64: 16, 128>}, {pipeline_mode = #tpu.pipeline_mode<synchronous>, transform_indices = @transform_8, window_bounds = array<i64: 16, 128>}, {transform_indices = @transform_9, window_bounds = array<i64: 1024, 128>}]} {
    %eq3A = arith.constant 0 : i32
    %eq3A_0 = arith.cmpi eq, %arg0, %eq3A : i32
    %convert_element_type3A = arith.extui %eq3A_0 : i1 to i32
    %cond3A = arith.constant 0 : i32
    %cond3A_1 = arith.cmpi ne, %convert_element_type3A, %cond3A : i32
    scf.if %cond3A_1 {
      %broadcast_in_dim3A_99 = arith.constant -1.000000e+30 : f32
      %broadcast_in_dim3A_100 = vector.broadcast %broadcast_in_dim3A_99 : f32 to vector<1x16xf32>
      %swap3A_101 = arith.constant 0 : index
      %swap3A_102 = arith.constant 0 : index
      %swap3A_103 = vector.load %arg11[%swap3A_101, %swap3A_102] : memref<1x16xf32, #tpu.memory_space<vmem>>, vector<1x16xf32>
      tpu.vector_store %arg11[%swap3A_101, %swap3A_102], %broadcast_in_dim3A_100 {strides = array<i32>} : memref<1x16xf32, #tpu.memory_space<vmem>>, vector<1x16xf32>,
      %broadcast_in_dim3A_104 = arith.constant 0.000000e+00 : f32
      %broadcast_in_dim3A_105 = vector.broadcast %broadcast_in_dim3A_104 : f32 to vector<1x16xf32>
      %swap3A_106 = arith.constant 0 : index
      %swap3A_107 = arith.constant 0 : index
      %swap3A_108 = vector.load %arg12[%swap3A_106, %swap3A_107] : memref<1x16xf32, #tpu.memory_space<vmem>>, vector<1x16xf32>
      tpu.vector_store %arg12[%swap3A_106, %swap3A_107], %broadcast_in_dim3A_105 {strides = array<i32>} : memref<1x16xf32, #tpu.memory_space<vmem>>, vector<1x16xf32>,
      %broadcast_in_dim3A_109 = arith.constant 0.000000e+00 : f32
      %broadcast_in_dim3A_110 = vector.broadcast %broadcast_in_dim3A_109 : f32 to vector<16x128xf32>
      %swap3A_111 = arith.constant 0 : index
      %swap3A_112 = arith.constant 0 : index
      %swap3A_113 = vector.load %arg13[%swap3A_111, %swap3A_112] : memref<16x128xf32, #tpu.memory_space<vmem>>, vector<16x128xf32>
      tpu.vector_store %arg13[%swap3A_111, %swap3A_112], %broadcast_in_dim3A_110 {strides = array<i32>} : memref<16x128xf32, #tpu.memory_space<vmem>>, vector<16x128xf32>,
    } else {
    }
    %get3A = arith.constant 0 : index
    %get3A_2 = arith.constant 0 : index
    %get3A_3 = vector.load %arg3[%get3A, %get3A_2] : memref<1024x1xf32, #tpu.memory_space<vmem>>, vector<1024x1xf32>
    %get3A_4 = arith.constant 0 : index
    %get3A_5 = arith.constant 0 : index
    %get3A_6 = vector.load %arg1[%get3A_4, %get3A_5] : memref<1024x128xf32, #tpu.memory_space<vmem>>, vector<1024x128xf32>
    %get3A_7 = arith.constant 0 : index
    %get3A_8 = arith.constant 0 : index
    %get3A_9 = vector.load %arg2[%get3A_7, %get3A_8] : memref<1024x1xf32, #tpu.memory_space<vmem>>, vector<1024x1xf32>
    %mul3A = vector.broadcast %get3A_9 : vector<1024x1xf32> to vector<1024x128xf32>
    %mul3A_10 = arith.mulf %get3A_6, %mul3A : vector<1024x128xf32>
    %mul3A_11 = vector.broadcast %get3A_3 : vector<1024x1xf32> to vector<1024x128xf32>
    %mul3A_12 = arith.mulf %mul3A_10, %mul3A_11 : vector<1024x128xf32>
    %get3A_13 = arith.constant 0 : index
    %get3A_14 = arith.constant 0 : index
    %get3A_15 = vector.load %arg7[%get3A_13, %get3A_14] : memref<128x128xf32, #tpu.memory_space<vmem>>, vector<128x128xf32>
    %dot_general3A = arith.constant dense<0.000000e+00> : vector<1024x128xf32>
    %dot_general3A_16 = tpu.matmul %mul3A_12, %get3A_15, %dot_general3A {dimension_numbers = #tpu.dot_dimension_numbers<[1], [0], [0], [1], [0, 0, 1, 1], [], []>, transpose_lhs_hint = false} : vector<1024x128xf32>, vector<128x128xf32>, vector<1024x128xf32> -> vector<1024x128xf32>
    %swap3A = arith.constant 0 : index
    %swap3A_17 = arith.constant 0 : index
    %swap3A_18 = vector.load %arg10[%swap3A, %swap3A_17] : memref<1024x128xf32, #tpu.memory_space<vmem>>, vector<1024x128xf32>
    tpu.vector_store %arg10[%swap3A, %swap3A_17], %dot_general3A_16 {strides = array<i32>} : memref<1024x128xf32, #tpu.memory_space<vmem>>, vector<1024x128xf32>,
    %get3A_19 = arith.constant 0 : index
    %get3A_20 = arith.constant 0 : index
    %get3A_21 = vector.load %arg5[%get3A_19, %get3A_20] : memref<128x1xf32, #tpu.memory_space<vmem>>, vector<128x1xf32>
    %dot_general3A_22 = arith.constant dense<0.000000e+00> : vector<1024x1xf32>
    %dot_general3A_23 = tpu.matmul %mul3A_12, %get3A_21, %dot_general3A_22 {dimension_numbers = #tpu.dot_dimension_numbers<[1], [0], [0], [1], [0, 0, 1, 1], [], []>, transpose_lhs_hint = false} : vector<1024x128xf32>, vector<128x1xf32>, vector<1024x1xf32> -> vector<1024x1xf32>
    %get3A_24 = arith.constant 0 : index
    %get3A_25 = arith.constant 0 : index
    %get3A_26 = vector.load %arg6[%get3A_24, %get3A_25] : memref<1x1xf32, #tpu.memory_space<vmem>>, vector<1x1xf32>
    %add3A = vector.broadcast %get3A_26 : vector<1x1xf32> to vector<1024x1xf32>
    %add3A_27 = arith.addf %dot_general3A_23, %add3A : vector<1024x1xf32>
    %gt3A = arith.constant 0.000000e+00 : f32
    %gt3A_28 = vector.broadcast %gt3A : f32 to vector<1024x1xf32>
    %gt3A_29 = arith.cmpf ogt, %get3A_3, %gt3A_28 : vector<1024x1xf32>
    %jit3A = arith.constant -1.000000e+30 : f32
    %broadcast_in_dim3A = vector.broadcast %jit3A : f32 to vector<1024x1xf32>
    %select_n3A = arith.select %gt3A_29, %add3A_27, %broadcast_in_dim3A : vector<1024x1xi1>, vector<1024x1xf32>
    %get3A_30 = arith.constant 0 : index
    %get3A_31 = arith.constant 0 : index
    %get3A_32 = vector.load %arg4[%get3A_30, %get3A_31] : memref<1024x1xi32, #tpu.memory_space<vmem>>, vector<1024x1xi32>
    %iota3A = tpu.iota {dimensions = array<i32: 1>} : vector<1x16xi32>
    %eq3A_33 = vector.broadcast %get3A_32 : vector<1024x1xi32> to vector<1024x16xi32>
    %eq3A_34 = vector.broadcast %iota3A : vector<1x16xi32> to vector<1024x16xi32>
    %eq3A_35 = arith.cmpi eq, %eq3A_33, %eq3A_34 : vector<1024x16xi32>
    %convert_element_type3A_36 = arith.extui %eq3A_35 : vector<1024x16xi1> to vector<1024x16xi32>
    %convert_element_type3A_37 = arith.sitofp %convert_element_type3A_36 : vector<1024x16xi32> to vector<1024x16xf32>
    %jit3A_38 = arith.constant -1.000000e+30 : f32
    %broadcast_in_dim3A_39 = vector.shape_cast %select_n3A : vector<1024x1xf32> to vector<1024x1xf32>
    %broadcast_in_dim3A_40 = vector.broadcast %broadcast_in_dim3A_39 : vector<1024x1xf32> to vector<1024x16xf32>
    %broadcast_in_dim3A_41 = vector.broadcast %jit3A_38 : f32 to vector<1024x16xf32>
    %select_n3A_42 = arith.select %eq3A_35, %broadcast_in_dim3A_40, %broadcast_in_dim3A_41 : vector<1024x16xi1>, vector<1024x16xf32>
    %reduce_max3A = arith.constant dense<0xFF800000> : vector<16xf32>
    %reduce_max3A_43 = vector.multi_reduction <maximumf>, %select_n3A_42, %reduce_max3A [0] : vector<1024x16xf32> to vector<16xf32>
    %broadcast_in_dim3A_44 = vector.shape_cast %reduce_max3A_43 : vector<16xf32> to vector<1x16xf32>
    %get3A_45 = arith.constant 0 : index
    %get3A_46 = arith.constant 0 : index
    %get3A_47 = vector.load %arg11[%get3A_45, %get3A_46] : memref<1x16xf32, #tpu.memory_space<vmem>>, vector<1x16xf32>
    %max3A = arith.maximumf %get3A_47, %broadcast_in_dim3A_44 : vector<1x16xf32>
    %sub3A = arith.subf %get3A_47, %max3A : vector<1x16xf32>
    %exp3A = math.exp %sub3A : vector<1x16xf32>
    %swap3A_48 = arith.constant 0 : index
    %swap3A_49 = arith.constant 0 : index
    %swap3A_50 = vector.load %arg11[%swap3A_48, %swap3A_49] : memref<1x16xf32, #tpu.memory_space<vmem>>, vector<1x16xf32>
    tpu.vector_store %arg11[%swap3A_48, %swap3A_49], %max3A {strides = array<i32>} : memref<1x16xf32, #tpu.memory_space<vmem>>, vector<1x16xf32>,
    %mul3A_51 = vector.broadcast %max3A : vector<1x16xf32> to vector<1024x16xf32>
    %mul3A_52 = arith.mulf %convert_element_type3A_37, %mul3A_51 : vector<1024x16xf32>
    %reduce_sum3A = arith.constant dense<0.000000e+00> : vector<1024xf32>
    %reduce_sum3A_53 = vector.multi_reduction <add>, %mul3A_52, %reduce_sum3A [1] : vector<1024x16xf32> to vector<1024xf32>
    %broadcast_in_dim3A_54 = vector.shape_cast %reduce_sum3A_53 : vector<1024xf32> to vector<1024x1xf32>
    %sub3A_55 = arith.subf %select_n3A, %broadcast_in_dim3A_54 : vector<1024x1xf32>
    %exp3A_56 = math.exp %sub3A_55 : vector<1024x1xf32>
    %mul3A_57 = arith.mulf %exp3A_56, %get3A_3 : vector<1024x1xf32>
    %get3A_58 = arith.constant 0 : index
    %get3A_59 = arith.constant 0 : index
    %get3A_60 = vector.load %arg12[%get3A_58, %get3A_59] : memref<1x16xf32, #tpu.memory_space<vmem>>, vector<1x16xf32>
    %mul3A_61 = arith.mulf %get3A_60, %exp3A : vector<1x16xf32>
    %mul3A_62 = vector.broadcast %mul3A_57 : vector<1024x1xf32> to vector<1024x16xf32>
    %mul3A_63 = arith.mulf %convert_element_type3A_37, %mul3A_62 : vector<1024x16xf32>
    %reduce_sum3A_64 = arith.constant dense<0.000000e+00> : vector<16xf32>
    %reduce_sum3A_65 = vector.multi_reduction <add>, %mul3A_63, %reduce_sum3A_64 [0] : vector<1024x16xf32> to vector<16xf32>
    %broadcast_in_dim3A_66 = vector.shape_cast %reduce_sum3A_65 : vector<16xf32> to vector<1x16xf32>
    %add3A_67 = arith.addf %mul3A_61, %broadcast_in_dim3A_66 : vector<1x16xf32>
    %swap3A_68 = arith.constant 0 : index
    %swap3A_69 = arith.constant 0 : index
    %swap3A_70 = vector.load %arg12[%swap3A_68, %swap3A_69] : memref<1x16xf32, #tpu.memory_space<vmem>>, vector<1x16xf32>
    tpu.vector_store %arg12[%swap3A_68, %swap3A_69], %add3A_67 {strides = array<i32>} : memref<1x16xf32, #tpu.memory_space<vmem>>, vector<1x16xf32>,
    %iota3A_71 = tpu.iota {dimensions = array<i32: 0>} : vector<16x16xi32>
    %iota3A_72 = tpu.iota {dimensions = array<i32: 1>} : vector<16x16xi32>
    %eq3A_73 = arith.cmpi eq, %iota3A_71, %iota3A_72 : vector<16x16xi32>
    %convert_element_type3A_74 = arith.extui %eq3A_73 : vector<16x16xi1> to vector<16x16xi32>
    %convert_element_type3A_75 = arith.sitofp %convert_element_type3A_74 : vector<16x16xi32> to vector<16x16xf32>
    %mul3A_76 = vector.broadcast %exp3A : vector<1x16xf32> to vector<16x16xf32>
    %mul3A_77 = arith.mulf %convert_element_type3A_75, %mul3A_76 : vector<16x16xf32>
    %reduce_sum3A_78 = arith.constant dense<0.000000e+00> : vector<16xf32>
    %reduce_sum3A_79 = vector.multi_reduction <add>, %mul3A_77, %reduce_sum3A_78 [1] : vector<16x16xf32> to vector<16xf32>
    %broadcast_in_dim3A_80 = vector.shape_cast %reduce_sum3A_79 : vector<16xf32> to vector<16x1xf32>
    %mul3A_81 = vector.broadcast %mul3A_57 : vector<1024x1xf32> to vector<1024x16xf32>
    %mul3A_82 = arith.mulf %convert_element_type3A_37, %mul3A_81 : vector<1024x16xf32>
    %dot_general3A_83 = arith.constant dense<0.000000e+00> : vector<16x128xf32>
    %dot_general3A_84 = tpu.matmul %mul3A_82, %mul3A_12, %dot_general3A_83 {dimension_numbers = #tpu.dot_dimension_numbers<[0], [0], [1], [1], [0, 1, 1, 1], [], []>, precision = #tpu.contract_precision<fp32>, transpose_lhs_hint = false} : vector<1024x16xf32>, vector<1024x128xf32>, vector<16x128xf32> -> vector<16x128xf32>
    %get3A_85 = arith.constant 0 : index
    %get3A_86 = arith.constant 0 : index
    %get3A_87 = vector.load %arg13[%get3A_85, %get3A_86] : memref<16x128xf32, #tpu.memory_space<vmem>>, vector<16x128xf32>
    %mul3A_88 = vector.broadcast %broadcast_in_dim3A_80 : vector<16x1xf32> to vector<16x128xf32>
    %mul3A_89 = arith.mulf %get3A_87, %mul3A_88 : vector<16x128xf32>
    %add3A_90 = arith.addf %mul3A_89, %dot_general3A_84 : vector<16x128xf32>
    %swap3A_91 = arith.constant 0 : index
    %swap3A_92 = arith.constant 0 : index
    %swap3A_93 = vector.load %arg13[%swap3A_91, %swap3A_92] : memref<16x128xf32, #tpu.memory_space<vmem>>, vector<16x128xf32>
    tpu.vector_store %arg13[%swap3A_91, %swap3A_92], %add3A_90 {strides = array<i32>} : memref<16x128xf32, #tpu.memory_space<vmem>>, vector<16x128xf32>,
    %eq3A_94 = arith.constant 9 : i32
    %eq3A_95 = arith.cmpi eq, %arg0, %eq3A_94 : i32
    %convert_element_type3A_96 = arith.extui %eq3A_95 : i1 to i32
    %cond3A_97 = arith.constant 0 : i32
    %cond3A_98 = arith.cmpi ne, %convert_element_type3A_96, %cond3A_97 : i32
    scf.if %cond3A_98 {
      %get3A_99 = arith.constant 0 : index
      %get3A_100 = arith.constant 0 : index
      %get3A_101 = vector.load %arg12[%get3A_99, %get3A_100] : memref<1x16xf32, #tpu.memory_space<vmem>>, vector<1x16xf32>
      %mul3A_102 = vector.broadcast %get3A_101 : vector<1x16xf32> to vector<16x16xf32>
      %mul3A_103 = arith.mulf %convert_element_type3A_75, %mul3A_102 : vector<16x16xf32>
      %reduce_sum3A_104 = arith.constant dense<0.000000e+00> : vector<16xf32>
      %reduce_sum3A_105 = vector.multi_reduction <add>, %mul3A_103, %reduce_sum3A_104 [1] : vector<16x16xf32> to vector<16xf32>
      %broadcast_in_dim3A_106 = vector.shape_cast %reduce_sum3A_105 : vector<16xf32> to vector<16x1xf32>
      %get3A_107 = arith.constant 0 : index
      %get3A_108 = arith.constant 0 : index
      %get3A_109 = vector.load %arg8[%get3A_107, %get3A_108] : memref<16x128xf32, #tpu.memory_space<vmem>>, vector<16x128xf32>
      %get3A_110 = arith.constant 0 : index
      %get3A_111 = arith.constant 0 : index
      %get3A_112 = vector.load %arg13[%get3A_110, %get3A_111] : memref<16x128xf32, #tpu.memory_space<vmem>>, vector<16x128xf32>
      %max3A_113 = arith.constant 1.000000e-16 : f32
      %max3A_114 = vector.broadcast %max3A_113 : f32 to vector<16x1xf32>
      %max3A_115 = arith.maximumf %broadcast_in_dim3A_106, %max3A_114 : vector<16x1xf32>
      %div3A = vector.broadcast %max3A_115 : vector<16x1xf32> to vector<16x128xf32>
      %div3A_116 = arith.divf %get3A_112, %div3A : vector<16x128xf32>
      %add3A_117 = arith.addf %get3A_109, %div3A_116 : vector<16x128xf32>
      %swap3A_118 = arith.constant 0 : index
      %swap3A_119 = arith.constant 0 : index
      %swap3A_120 = vector.load %arg9[%swap3A_118, %swap3A_119] : memref<16x128xf32, #tpu.memory_space<vmem>>, vector<16x128xf32>
      tpu.vector_store %arg9[%swap3A_118, %swap3A_119], %add3A_117 {strides = array<i32>} : memref<16x128xf32, #tpu.memory_space<vmem>>, vector<16x128xf32>,
    } else {
    }
    return
  }
  func.func @transform_0(%arg0: i32) -> (i32, i32) {
    %c0_i32 = arith.constant 0 : i32
    %c0_i32_0 = arith.constant 0 : i32
    return %arg0, %c0_i32 : i32, i32
  }
  func.func @transform_1(%arg0: i32) -> (i32, i32) {
    %c0_i32 = arith.constant 0 : i32
    %c0_i32_0 = arith.constant 0 : i32
    return %arg0, %c0_i32 : i32, i32
  }
  func.func @transform_2(%arg0: i32) -> (i32, i32) {
    %c0_i32 = arith.constant 0 : i32
    %c0_i32_0 = arith.constant 0 : i32
    return %arg0, %c0_i32 : i32, i32
  }
  func.func @transform_3(%arg0: i32) -> (i32, i32) {
    %c0_i32 = arith.constant 0 : i32
    %c0_i32_0 = arith.constant 0 : i32
    return %arg0, %c0_i32 : i32, i32
  }
  func.func @transform_4(%arg0: i32) -> (i32, i32) {
    %c0_i32 = arith.constant 0 : i32
    %c0_i32_0 = arith.constant 0 : i32
    %c0_i32_1 = arith.constant 0 : i32
    return %c0_i32, %c0_i32_0 : i32, i32
  }
  func.func @transform_5(%arg0: i32) -> (i32, i32) {
    %c0_i32 = arith.constant 0 : i32
    %c0_i32_0 = arith.constant 0 : i32
    %c0_i32_1 = arith.constant 0 : i32
    return %c0_i32, %c0_i32_0 : i32, i32
  }
  func.func @transform_6(%arg0: i32) -> (i32, i32) {
    %c0_i32 = arith.constant 0 : i32
    %c0_i32_0 = arith.constant 0 : i32
    %c0_i32_1 = arith.constant 0 : i32
    return %c0_i32, %c0_i32_0 : i32, i32
  }
  func.func @transform_7(%arg0: i32) -> (i32, i32) {
    %c0_i32 = arith.constant 0 : i32
    %c0_i32_0 = arith.constant 0 : i32
    %c0_i32_1 = arith.constant 0 : i32
    return %c0_i32, %c0_i32_0 : i32, i32
  }
  func.func @transform_8(%arg0: i32) -> (i32, i32) {
    %c0_i32 = arith.constant 0 : i32
    %c0_i32_0 = arith.constant 0 : i32
    %c0_i32_1 = arith.constant 0 : i32
    return %c0_i32, %c0_i32_0 : i32, i32
  }
  func.func @transform_9(%arg0: i32) -> (i32, i32) {
    %c0_i32 = arith.constant 0 : i32
    %c0_i32_0 = arith.constant 0 : i32
    return %arg0, %c0_i32 : i32, i32
  }
}

module attributes {stable_mosaic.version = 14 : i64} {
  func.func @_att_body(%arg0: i32, %arg1: memref<1024x128xf32, #tpu.memory_space<vmem>>, %arg2: memref<1024x1xf32, #tpu.memory_space<vmem>>, %arg3: memref<1024x1xf32, #tpu.memory_space<vmem>>, %arg4: memref<1024x1xi32, #tpu.memory_space<vmem>>, %arg5: memref<128x1xf32, #tpu.memory_space<vmem>>, %arg6: memref<1x1xf32, #tpu.memory_space<vmem>>, %arg7: memref<128x128xf32, #tpu.memory_space<vmem>>, %arg8: memref<16x128xf32, #tpu.memory_space<vmem>>, %arg9: memref<16x128xf32, #tpu.memory_space<vmem>>, %arg10: memref<1024x128xf32, #tpu.memory_space<vmem>>, %arg11: memref<1x16xf32, #tpu.memory_space<vmem>>, %arg12: memref<1x16xf32, #tpu.memory_space<vmem>>, %arg13: memref<16x128xf32, #tpu.memory_space<vmem>>) attributes {dimension_semantics = [#tpu.dimension_semantics<arbitrary>], iteration_bounds = array<i64: 10>, scalar_prefetch = 0 : i64, scratch_operands = 3 : i64, tpu.core_type = #tpu.core_type<tc>, window_params = [{transform_indices = @transform_0, window_bounds = array<i64: 1024, 128>}, {transform_indices = @transform_1, window_bounds = array<i64: 1024, 1>}, {transform_indices = @transform_2, window_bounds = array<i64: 1024, 1>}, {transform_indices = @transform_3, window_bounds = array<i64: 1024, 1>}, {pipeline_mode = #tpu.pipeline_mode<synchronous>, transform_indices = @transform_4, window_bounds = array<i64: 128, 1>}, {pipeline_mode = #tpu.pipeline_mode<synchronous>, transform_indices = @transform_5, window_bounds = array<i64: 1, 1>}, {pipeline_mode = #tpu.pipeline_mode<synchronous>, transform_indices = @transform_6, window_bounds = array<i64: 128, 128>}, {pipeline_mode = #tpu.pipeline_mode<synchronous>, transform_indices = @transform_7, window_bounds = array<i64: 16, 128>}, {pipeline_mode = #tpu.pipeline_mode<synchronous>, transform_indices = @transform_8, window_bounds = array<i64: 16, 128>}, {transform_indices = @transform_9, window_bounds = array<i64: 1024, 128>}]} {
    %eq3A = arith.constant 0 : i32
    %eq3A_0 = arith.cmpi eq, %arg0, %eq3A : i32
    %convert_element_type3A = arith.extui %eq3A_0 : i1 to i32
    %cond3A = arith.constant 0 : i32
    %cond3A_1 = arith.cmpi ne, %convert_element_type3A, %cond3A : i32
    scf.if %cond3A_1 {
      %broadcast_in_dim3A_91 = arith.constant -1.000000e+30 : f32
      %broadcast_in_dim3A_92 = vector.broadcast %broadcast_in_dim3A_91 : f32 to vector<1x16xf32>
      %swap3A_93 = arith.constant 0 : index
      %swap3A_94 = arith.constant 0 : index
      %swap3A_95 = vector.load %arg11[%swap3A_93, %swap3A_94] : memref<1x16xf32, #tpu.memory_space<vmem>>, vector<1x16xf32>
      tpu.vector_store %arg11[%swap3A_93, %swap3A_94], %broadcast_in_dim3A_92 {strides = array<i32>} : memref<1x16xf32, #tpu.memory_space<vmem>>, vector<1x16xf32>,
      %broadcast_in_dim3A_96 = arith.constant 0.000000e+00 : f32
      %broadcast_in_dim3A_97 = vector.broadcast %broadcast_in_dim3A_96 : f32 to vector<1x16xf32>
      %swap3A_98 = arith.constant 0 : index
      %swap3A_99 = arith.constant 0 : index
      %swap3A_100 = vector.load %arg12[%swap3A_98, %swap3A_99] : memref<1x16xf32, #tpu.memory_space<vmem>>, vector<1x16xf32>
      tpu.vector_store %arg12[%swap3A_98, %swap3A_99], %broadcast_in_dim3A_97 {strides = array<i32>} : memref<1x16xf32, #tpu.memory_space<vmem>>, vector<1x16xf32>,
      %broadcast_in_dim3A_101 = arith.constant 0.000000e+00 : f32
      %broadcast_in_dim3A_102 = vector.broadcast %broadcast_in_dim3A_101 : f32 to vector<16x128xf32>
      %swap3A_103 = arith.constant 0 : index
      %swap3A_104 = arith.constant 0 : index
      %swap3A_105 = vector.load %arg13[%swap3A_103, %swap3A_104] : memref<16x128xf32, #tpu.memory_space<vmem>>, vector<16x128xf32>
      tpu.vector_store %arg13[%swap3A_103, %swap3A_104], %broadcast_in_dim3A_102 {strides = array<i32>} : memref<16x128xf32, #tpu.memory_space<vmem>>, vector<16x128xf32>,
    } else {
    }
    %get3A = arith.constant 0 : index
    %get3A_2 = arith.constant 0 : index
    %get3A_3 = vector.load %arg3[%get3A, %get3A_2] : memref<1024x1xf32, #tpu.memory_space<vmem>>, vector<1024x1xf32>
    %get3A_4 = arith.constant 0 : index
    %get3A_5 = arith.constant 0 : index
    %get3A_6 = vector.load %arg1[%get3A_4, %get3A_5] : memref<1024x128xf32, #tpu.memory_space<vmem>>, vector<1024x128xf32>
    %get3A_7 = arith.constant 0 : index
    %get3A_8 = arith.constant 0 : index
    %get3A_9 = vector.load %arg2[%get3A_7, %get3A_8] : memref<1024x1xf32, #tpu.memory_space<vmem>>, vector<1024x1xf32>
    %mul3A = vector.broadcast %get3A_9 : vector<1024x1xf32> to vector<1024x128xf32>
    %mul3A_10 = arith.mulf %get3A_6, %mul3A : vector<1024x128xf32>
    %mul3A_11 = vector.broadcast %get3A_3 : vector<1024x1xf32> to vector<1024x128xf32>
    %mul3A_12 = arith.mulf %mul3A_10, %mul3A_11 : vector<1024x128xf32>
    %get3A_13 = arith.constant 0 : index
    %get3A_14 = arith.constant 0 : index
    %get3A_15 = vector.load %arg5[%get3A_13, %get3A_14] : memref<128x1xf32, #tpu.memory_space<vmem>>, vector<128x1xf32>
    %dot_general3A = arith.constant dense<0.000000e+00> : vector<1024x1xf32>
    %dot_general3A_16 = tpu.matmul %mul3A_12, %get3A_15, %dot_general3A {dimension_numbers = #tpu.dot_dimension_numbers<[1], [0], [0], [1], [0, 0, 1, 1], [], []>, transpose_lhs_hint = false} : vector<1024x128xf32>, vector<128x1xf32>, vector<1024x1xf32> -> vector<1024x1xf32>
    %get3A_17 = arith.constant 0 : index
    %get3A_18 = arith.constant 0 : index
    %get3A_19 = vector.load %arg6[%get3A_17, %get3A_18] : memref<1x1xf32, #tpu.memory_space<vmem>>, vector<1x1xf32>
    %add3A = vector.broadcast %get3A_19 : vector<1x1xf32> to vector<1024x1xf32>
    %add3A_20 = arith.addf %dot_general3A_16, %add3A : vector<1024x1xf32>
    %gt3A = arith.constant 0.000000e+00 : f32
    %gt3A_21 = vector.broadcast %gt3A : f32 to vector<1024x1xf32>
    %gt3A_22 = arith.cmpf ogt, %get3A_3, %gt3A_21 : vector<1024x1xf32>
    %jit3A = arith.constant -1.000000e+30 : f32
    %broadcast_in_dim3A = vector.broadcast %jit3A : f32 to vector<1024x1xf32>
    %select_n3A = arith.select %gt3A_22, %add3A_20, %broadcast_in_dim3A : vector<1024x1xi1>, vector<1024x1xf32>
    %get3A_23 = arith.constant 0 : index
    %get3A_24 = arith.constant 0 : index
    %get3A_25 = vector.load %arg4[%get3A_23, %get3A_24] : memref<1024x1xi32, #tpu.memory_space<vmem>>, vector<1024x1xi32>
    %iota3A = tpu.iota {dimensions = array<i32: 1>} : vector<1x16xi32>
    %eq3A_26 = vector.broadcast %get3A_25 : vector<1024x1xi32> to vector<1024x16xi32>
    %eq3A_27 = vector.broadcast %iota3A : vector<1x16xi32> to vector<1024x16xi32>
    %eq3A_28 = arith.cmpi eq, %eq3A_26, %eq3A_27 : vector<1024x16xi32>
    %convert_element_type3A_29 = arith.extui %eq3A_28 : vector<1024x16xi1> to vector<1024x16xi32>
    %convert_element_type3A_30 = arith.sitofp %convert_element_type3A_29 : vector<1024x16xi32> to vector<1024x16xf32>
    %jit3A_31 = arith.constant -1.000000e+30 : f32
    %broadcast_in_dim3A_32 = vector.shape_cast %select_n3A : vector<1024x1xf32> to vector<1024x1xf32>
    %broadcast_in_dim3A_33 = vector.broadcast %broadcast_in_dim3A_32 : vector<1024x1xf32> to vector<1024x16xf32>
    %broadcast_in_dim3A_34 = vector.broadcast %jit3A_31 : f32 to vector<1024x16xf32>
    %select_n3A_35 = arith.select %eq3A_28, %broadcast_in_dim3A_33, %broadcast_in_dim3A_34 : vector<1024x16xi1>, vector<1024x16xf32>
    %reduce_max3A = arith.constant dense<0xFF800000> : vector<16xf32>
    %reduce_max3A_36 = vector.multi_reduction <maximumf>, %select_n3A_35, %reduce_max3A [0] : vector<1024x16xf32> to vector<16xf32>
    %broadcast_in_dim3A_37 = vector.shape_cast %reduce_max3A_36 : vector<16xf32> to vector<1x16xf32>
    %get3A_38 = arith.constant 0 : index
    %get3A_39 = arith.constant 0 : index
    %get3A_40 = vector.load %arg11[%get3A_38, %get3A_39] : memref<1x16xf32, #tpu.memory_space<vmem>>, vector<1x16xf32>
    %max3A = arith.maximumf %get3A_40, %broadcast_in_dim3A_37 : vector<1x16xf32>
    %sub3A = arith.subf %get3A_40, %max3A : vector<1x16xf32>
    %exp3A = math.exp %sub3A : vector<1x16xf32>
    %swap3A = arith.constant 0 : index
    %swap3A_41 = arith.constant 0 : index
    %swap3A_42 = vector.load %arg11[%swap3A, %swap3A_41] : memref<1x16xf32, #tpu.memory_space<vmem>>, vector<1x16xf32>
    tpu.vector_store %arg11[%swap3A, %swap3A_41], %max3A {strides = array<i32>} : memref<1x16xf32, #tpu.memory_space<vmem>>, vector<1x16xf32>,
    %mul3A_43 = vector.broadcast %max3A : vector<1x16xf32> to vector<1024x16xf32>
    %mul3A_44 = arith.mulf %convert_element_type3A_30, %mul3A_43 : vector<1024x16xf32>
    %reduce_sum3A = arith.constant dense<0.000000e+00> : vector<1024xf32>
    %reduce_sum3A_45 = vector.multi_reduction <add>, %mul3A_44, %reduce_sum3A [1] : vector<1024x16xf32> to vector<1024xf32>
    %broadcast_in_dim3A_46 = vector.shape_cast %reduce_sum3A_45 : vector<1024xf32> to vector<1024x1xf32>
    %sub3A_47 = arith.subf %select_n3A, %broadcast_in_dim3A_46 : vector<1024x1xf32>
    %exp3A_48 = math.exp %sub3A_47 : vector<1024x1xf32>
    %mul3A_49 = arith.mulf %exp3A_48, %get3A_3 : vector<1024x1xf32>
    %get3A_50 = arith.constant 0 : index
    %get3A_51 = arith.constant 0 : index
    %get3A_52 = vector.load %arg12[%get3A_50, %get3A_51] : memref<1x16xf32, #tpu.memory_space<vmem>>, vector<1x16xf32>
    %mul3A_53 = arith.mulf %get3A_52, %exp3A : vector<1x16xf32>
    %mul3A_54 = vector.broadcast %mul3A_49 : vector<1024x1xf32> to vector<1024x16xf32>
    %mul3A_55 = arith.mulf %convert_element_type3A_30, %mul3A_54 : vector<1024x16xf32>
    %reduce_sum3A_56 = arith.constant dense<0.000000e+00> : vector<16xf32>
    %reduce_sum3A_57 = vector.multi_reduction <add>, %mul3A_55, %reduce_sum3A_56 [0] : vector<1024x16xf32> to vector<16xf32>
    %broadcast_in_dim3A_58 = vector.shape_cast %reduce_sum3A_57 : vector<16xf32> to vector<1x16xf32>
    %add3A_59 = arith.addf %mul3A_53, %broadcast_in_dim3A_58 : vector<1x16xf32>
    %swap3A_60 = arith.constant 0 : index
    %swap3A_61 = arith.constant 0 : index
    %swap3A_62 = vector.load %arg12[%swap3A_60, %swap3A_61] : memref<1x16xf32, #tpu.memory_space<vmem>>, vector<1x16xf32>
    tpu.vector_store %arg12[%swap3A_60, %swap3A_61], %add3A_59 {strides = array<i32>} : memref<1x16xf32, #tpu.memory_space<vmem>>, vector<1x16xf32>,
    %iota3A_63 = tpu.iota {dimensions = array<i32: 0>} : vector<16x16xi32>
    %iota3A_64 = tpu.iota {dimensions = array<i32: 1>} : vector<16x16xi32>
    %eq3A_65 = arith.cmpi eq, %iota3A_63, %iota3A_64 : vector<16x16xi32>
    %convert_element_type3A_66 = arith.extui %eq3A_65 : vector<16x16xi1> to vector<16x16xi32>
    %convert_element_type3A_67 = arith.sitofp %convert_element_type3A_66 : vector<16x16xi32> to vector<16x16xf32>
    %mul3A_68 = vector.broadcast %exp3A : vector<1x16xf32> to vector<16x16xf32>
    %mul3A_69 = arith.mulf %convert_element_type3A_67, %mul3A_68 : vector<16x16xf32>
    %reduce_sum3A_70 = arith.constant dense<0.000000e+00> : vector<16xf32>
    %reduce_sum3A_71 = vector.multi_reduction <add>, %mul3A_69, %reduce_sum3A_70 [1] : vector<16x16xf32> to vector<16xf32>
    %broadcast_in_dim3A_72 = vector.shape_cast %reduce_sum3A_71 : vector<16xf32> to vector<16x1xf32>
    %mul3A_73 = vector.broadcast %mul3A_49 : vector<1024x1xf32> to vector<1024x16xf32>
    %mul3A_74 = arith.mulf %convert_element_type3A_30, %mul3A_73 : vector<1024x16xf32>
    %dot_general3A_75 = arith.constant dense<0.000000e+00> : vector<16x128xf32>
    %dot_general3A_76 = tpu.matmul %mul3A_74, %mul3A_12, %dot_general3A_75 {dimension_numbers = #tpu.dot_dimension_numbers<[0], [0], [1], [1], [0, 1, 1, 1], [], []>, precision = #tpu.contract_precision<fp32>, transpose_lhs_hint = false} : vector<1024x16xf32>, vector<1024x128xf32>, vector<16x128xf32> -> vector<16x128xf32>
    %get3A_77 = arith.constant 0 : index
    %get3A_78 = arith.constant 0 : index
    %get3A_79 = vector.load %arg13[%get3A_77, %get3A_78] : memref<16x128xf32, #tpu.memory_space<vmem>>, vector<16x128xf32>
    %mul3A_80 = vector.broadcast %broadcast_in_dim3A_72 : vector<16x1xf32> to vector<16x128xf32>
    %mul3A_81 = arith.mulf %get3A_79, %mul3A_80 : vector<16x128xf32>
    %add3A_82 = arith.addf %mul3A_81, %dot_general3A_76 : vector<16x128xf32>
    %swap3A_83 = arith.constant 0 : index
    %swap3A_84 = arith.constant 0 : index
    %swap3A_85 = vector.load %arg13[%swap3A_83, %swap3A_84] : memref<16x128xf32, #tpu.memory_space<vmem>>, vector<16x128xf32>
    tpu.vector_store %arg13[%swap3A_83, %swap3A_84], %add3A_82 {strides = array<i32>} : memref<16x128xf32, #tpu.memory_space<vmem>>, vector<16x128xf32>,
    %eq3A_86 = arith.constant 9 : i32
    %eq3A_87 = arith.cmpi eq, %arg0, %eq3A_86 : i32
    %convert_element_type3A_88 = arith.extui %eq3A_87 : i1 to i32
    %cond3A_89 = arith.constant 0 : i32
    %cond3A_90 = arith.cmpi ne, %convert_element_type3A_88, %cond3A_89 : i32
    scf.if %cond3A_90 {
      %get3A_91 = arith.constant 0 : index
      %get3A_92 = arith.constant 0 : index
      %get3A_93 = vector.load %arg12[%get3A_91, %get3A_92] : memref<1x16xf32, #tpu.memory_space<vmem>>, vector<1x16xf32>
      %mul3A_94 = vector.broadcast %get3A_93 : vector<1x16xf32> to vector<16x16xf32>
      %mul3A_95 = arith.mulf %convert_element_type3A_67, %mul3A_94 : vector<16x16xf32>
      %reduce_sum3A_96 = arith.constant dense<0.000000e+00> : vector<16xf32>
      %reduce_sum3A_97 = vector.multi_reduction <add>, %mul3A_95, %reduce_sum3A_96 [1] : vector<16x16xf32> to vector<16xf32>
      %broadcast_in_dim3A_98 = vector.shape_cast %reduce_sum3A_97 : vector<16xf32> to vector<16x1xf32>
      %get3A_99 = arith.constant 0 : index
      %get3A_100 = arith.constant 0 : index
      %get3A_101 = vector.load %arg8[%get3A_99, %get3A_100] : memref<16x128xf32, #tpu.memory_space<vmem>>, vector<16x128xf32>
      %get3A_102 = arith.constant 0 : index
      %get3A_103 = arith.constant 0 : index
      %get3A_104 = vector.load %arg13[%get3A_102, %get3A_103] : memref<16x128xf32, #tpu.memory_space<vmem>>, vector<16x128xf32>
      %max3A_105 = arith.constant 1.000000e-16 : f32
      %max3A_106 = vector.broadcast %max3A_105 : f32 to vector<16x1xf32>
      %max3A_107 = arith.maximumf %broadcast_in_dim3A_98, %max3A_106 : vector<16x1xf32>
      %div3A = vector.broadcast %max3A_107 : vector<16x1xf32> to vector<16x128xf32>
      %div3A_108 = arith.divf %get3A_104, %div3A : vector<16x128xf32>
      %add3A_109 = arith.addf %get3A_101, %div3A_108 : vector<16x128xf32>
      %swap3A_110 = arith.constant 0 : index
      %swap3A_111 = arith.constant 0 : index
      %swap3A_112 = vector.load %arg9[%swap3A_110, %swap3A_111] : memref<16x128xf32, #tpu.memory_space<vmem>>, vector<16x128xf32>
      tpu.vector_store %arg9[%swap3A_110, %swap3A_111], %add3A_109 {strides = array<i32>} : memref<16x128xf32, #tpu.memory_space<vmem>>, vector<16x128xf32>,
    } else {
    }
    return
  }
  func.func @transform_0(%arg0: i32) -> (i32, i32) {
    %c0_i32 = arith.constant 0 : i32
    %c0_i32_0 = arith.constant 0 : i32
    return %arg0, %c0_i32 : i32, i32
  }
  func.func @transform_1(%arg0: i32) -> (i32, i32) {
    %c0_i32 = arith.constant 0 : i32
    %c0_i32_0 = arith.constant 0 : i32
    return %arg0, %c0_i32 : i32, i32
  }
  func.func @transform_2(%arg0: i32) -> (i32, i32) {
    %c0_i32 = arith.constant 0 : i32
    %c0_i32_0 = arith.constant 0 : i32
    return %arg0, %c0_i32 : i32, i32
  }
  func.func @transform_3(%arg0: i32) -> (i32, i32) {
    %c0_i32 = arith.constant 0 : i32
    %c0_i32_0 = arith.constant 0 : i32
    return %arg0, %c0_i32 : i32, i32
  }
  func.func @transform_4(%arg0: i32) -> (i32, i32) {
    %c0_i32 = arith.constant 0 : i32
    %c0_i32_0 = arith.constant 0 : i32
    %c0_i32_1 = arith.constant 0 : i32
    return %c0_i32, %c0_i32_0 : i32, i32
  }
  func.func @transform_5(%arg0: i32) -> (i32, i32) {
    %c0_i32 = arith.constant 0 : i32
    %c0_i32_0 = arith.constant 0 : i32
    %c0_i32_1 = arith.constant 0 : i32
    return %c0_i32, %c0_i32_0 : i32, i32
  }
  func.func @transform_6(%arg0: i32) -> (i32, i32) {
    %c0_i32 = arith.constant 0 : i32
    %c0_i32_0 = arith.constant 0 : i32
    %c0_i32_1 = arith.constant 0 : i32
    return %c0_i32, %c0_i32_0 : i32, i32
  }
  func.func @transform_7(%arg0: i32) -> (i32, i32) {
    %c0_i32 = arith.constant 0 : i32
    %c0_i32_0 = arith.constant 0 : i32
    %c0_i32_1 = arith.constant 0 : i32
    return %c0_i32, %c0_i32_0 : i32, i32
  }
  func.func @transform_8(%arg0: i32) -> (i32, i32) {
    %c0_i32 = arith.constant 0 : i32
    %c0_i32_0 = arith.constant 0 : i32
    %c0_i32_1 = arith.constant 0 : i32
    return %c0_i32, %c0_i32_0 : i32, i32
  }
  func.func @transform_9(%arg0: i32) -> (i32, i32) {
    %c0_i32 = arith.constant 0 : i32
    %c0_i32_0 = arith.constant 0 : i32
    return %arg0, %c0_i32 : i32, i32
  }
}

</mosaic_0001>

<sc_bundles>
// kernel: kernel.17.cloned.1.call-start
scs
__scs_entry_jumppad:
0x0: {  	(pc) =	sbr.rel $0x88, $3  }
0x1: {  	(tag) =	ssettag $0x0;
	lr =	simm.s32 $0x1  }
0x2: {  	[smem:$0x3F94] =	sst lr;
	_ =	strace $0xD0000000  }
0x3: {  	_ = 	snop  }
0x4: {  	_ = 	snop  }
0x5: {  	_ = 	snop  }
0x6: {  	_ = 	snop  }
0x7: {  	_ = 	snop  }
__scs_overlays_trampoline_lowered:
0x8: {  	[smem:$0x3FA3] =	sst s0  }
0x9: {  	[smem:$0x3FA4] =	sst s1  }
0xa: {  	[smem:$0x3FA5] =	sst s2  }
0xb: {  	[smem:$0x3FA6] =	sst s3  }
0xc: {  	[smem:$0x3FA7] =	sst s4  }
0xd: {  	[smem:$0x3FA8] =	sst s5  }
0xe: {  	[smem:$0x3FA9] =	sst s6  }
0xf: {  	[smem:$0x3FAA] =	sst s7  }
0x10: {  	[smem:$0x3FAB] =	sst s8  }
0x11: {  	[smem:$0x3FAC] =	sst s9;
	s0 =	simm.s32 @!p0 $0x0  }
0x12: {  	s1 =	sld [smem:$0x3F92];
	s0 =	simm.s32 @p0 $0x1  }
0x13: {  	[smem:$0x3FAD] =	sst s0;
	s0 =	simm.s32 @!p1 $0x0  }
0x14: {  	s2 =	sld [smem:$0x3F91];
	s0 =	simm.s32 @p1 $0x1  }
0x15: {  	[smem:$0x3FAE] =	sst s0;
	s0 =	simm.s32 @!p2 $0x0  }
0x16: {  	s3 =	sld [smem:$0x3FDB];
	s0 =	simm.s32 @p2 $0x1  }
0x17: {  	s4 =	simm.s32 $0x1BF5;
	[smem:$0x3FB0] =	sst s0  }
0x18: {  	s0 =	sld [smem:$0x3F93];
	_ =	swait.ge [sflag:s4], $0x0  }
0x19: {  	s7 =	sld [smem:$0x3F94]  }
0x1a: {  	s8 =	sadd.s32 $0xFFFFE003, lr  }
0x1b: {  	s9 =	sadd.s32 $0xFFFFFEF7, lr;
	s5 =	simm.s32 $0xFFFFFFFF;
	p2 =	slt.u32 s8, $0xFFFFF086  }
0x1c: {  	p1 =	slt.u32 s9, $0xF7A;
	s5 =	simm.s32 @!p2 $0x0  }
0x1d: {  	s5 =	simm.s32 @p1 $0x1;
	p0 =	seq.s32 s7, s2  }
0x1e: {  	s7 =	smul.u32 @!p0 $0xF7A, s2;
	p2 =	seq.s32 @!p0 s5, $0x0  }
0x1f: {  	s9 =	smul.u32 $0xF7A, s1;
	s8 =	simm.s32 @!p0 $0x1BF5;
	p2 =	por !p2, p0  }
0x20: {  	[sflag:s8] =	ssyncset.s32 @!p0 $0xFFFFF086;
	s6 =	sadd.s32 @!p0 s3, s7;
	s7 =	simm.s32 @!p0 $0x108  }
0x21: {  	s3 =	sadd.s32 s3, s9;
	s6 =	sadd.s32 @!p0 $0x88, s6;
	s7 =	simm.s32 @p2 $0x1082  }
0x22: {  	[simem:s7], [sflag:s8] =	dma.local @!p0 [hbm:s6], $0xF7A  }
0x23: {  	s9 =	sor.u32 $0xD0000000, s2;
	s6 =	simm.s32 $0x108;
	_ =	swait.ge @!p0 [sflag:s8], $0x0  }
0x24: {  	s3 =	sadd.s32 $0x88, s3;
	s6 =	simm.s32 @!p1 $0x1082;
	[sflag:s4] =	ssyncset.s32 $0xFFFFF086  }
0x25: {  	[simem:s6], [sflag:s4] =	dma.local [hbm:s3], $0xF7A  }
0x26: {  	[smem:$0x3F94] =	sst s1;
	(tag) =	ssettag s2;
	_ =	strace s9  }
0x27: {  	s1 =	sld [smem:$0x3FA4]  }
0x28: {  	s2 =	sld [smem:$0x3FA5]  }
0x29: {  	s4 =	sld [smem:$0x3FA7]  }
0x2a: {  	p0 =	seq.s32 s5, $0x0;
	s5 =	sld [smem:$0x3FA8]  }
0x2b: {  	s6 =	sld [smem:$0x3FA9]  }
0x2c: {  	s7 =	sld [smem:$0x3FAA]  }
0x2d: {  	s3 =	simm.s32 $0x108;
	s8 =	sld [smem:$0x3FAB]  }
0x2e: {  	s3 =	simm.s32 @!p0 $0x1082;
	s9 =	sld [smem:$0x3FAC]  }
0x2f: {  	lr =	sadd.s32 s0, s3;
	s0 =	sld [smem:$0x3FA3]  }
0x30: {  	s3 =	sld [smem:$0x3FA6]  }
0x31: {  	[smem:$0x3FAF] =	sst s10  }
0x32: {  	s10 =	sld [smem:$0x3FAD];
	_ =	sdelay $0x3  }
0x33: {  	p0 =	seq.s32 s10, $0x1;
	s10 =	sld [smem:$0x3FAF];
	_ =	sdelay $0x3  }
0x34: {  	[smem:$0x3FAF] =	sst s10  }
0x35: {  	s10 =	sld [smem:$0x3FAE];
	_ =	sdelay $0x3  }
0x36: {  	p1 =	seq.s32 s10, $0x1;
	s10 =	sld [smem:$0x3FAF];
	_ =	sdelay $0x3  }
0x37: {  	[smem:$0x3FAF] =	sst s10  }
0x38: {  	s10 =	sld [smem:$0x3FB0]  }
0x39: {  	_ = 	snop;
	(pc) =	sbr.ind lr, $3  }
0x3a: {  	_ = 	snop  }
0x3b: {  	_ = 	snop  }
0x3c: {  	p2 =	seq.s32 s10, $0x1;
	s10 =	sld [smem:$0x3FAF]  }
0x3d: {  	_ =	shalt  }
0x3e: {  	_ =	shalt  }
0x3f: {  	_ =	shalt  }
0x40: {  	_ =	shalt  }
0x41: {  	_ =	shalt  }
0x42: {  	_ =	shalt  }
0x43: {  	_ =	shalt  }
0x44: {  	_ =	shalt  }
0x45: {  	_ =	shalt  }
0x46: {  	_ =	shalt  }
0x47: {  	_ =	shalt  }
0x48: {  	_ =	shalt  }
0x49: {  	_ =	shalt  }
0x4a: {  	_ =	shalt  }
0x4b: {  	_ =	shalt  }
0x4c: {  	_ =	shalt  }
0x4d: {  	_ =	shalt  }
0x4e: {  	_ =	shalt  }
0x4f: {  	_ =	shalt  }
0x50: {  	_ =	shalt  }
0x51: {  	_ =	shalt  }
0x52: {  	_ =	shalt  }
0x53: {  	_ =	shalt  }
0x54: {  	_ =	shalt  }
0x55: {  	_ =	shalt  }
0x56: {  	_ =	shalt  }
0x57: {  	_ =	shalt  }
0x58: {  	_ =	shalt  }
0x59: {  	_ =	shalt  }
0x5a: {  	_ =	shalt  }
0x5b: {  	_ =	shalt  }
0x5c: {  	_ =	shalt  }
0x5d: {  	_ =	shalt  }
0x5e: {  	_ =	shalt  }
0x5f: {  	_ =	shalt  }
0x60: {  	_ =	shalt  }
0x61: {  	_ =	shalt  }
0x62: {  	_ =	shalt  }
0x63: {  	_ =	shalt  }
0x64: {  	_ =	shalt  }
0x65: {  	_ =	shalt  }
0x66: {  	_ =	shalt  }
0x67: {  	_ =	shalt  }
0x68: {  	_ =	shalt  }
0x69: {  	_ =	shalt  }
0x6a: {  	_ =	shalt  }
0x6b: {  	_ =	shalt  }
0x6c: {  	_ =	shalt  }
0x6d: {  	_ =	shalt  }
0x6e: {  	_ =	shalt  }
0x6f: {  	_ =	shalt  }
0x70: {  	_ =	shalt  }
0x71: {  	_ =	shalt  }
0x72: {  	_ =	shalt  }
0x73: {  	_ =	shalt  }
0x74: {  	_ =	shalt  }
0x75: {  	_ =	shalt  }
0x76: {  	_ =	shalt  }
0x77: {  	_ =	shalt  }
0x78: {  	_ =	shalt  }
0x79: {  	_ =	shalt  }
0x7a: {  	_ =	shalt  }
0x7b: {  	_ =	shalt  }
0x7c: {  	_ =	shalt  }
0x7d: {  	_ =	shalt  }
0x7e: {  	_ =	shalt  }
0x7f: {  	_ =	shalt  }
0x80: {  	_ =	shalt  }
0x81: {  	_ =	shalt  }
0x82: {  	_ =	shalt  }
0x83: {  	_ =	shalt  }
0x84: {  	_ =	shalt  }
0x85: {  	_ =	shalt  }
0x86: {  	_ =	shalt  }
0x87: {  	_ =	shalt  }
.Lfunc_end0:
.L_simem_size_0:
called_computation_lowered:
.L_overlay_start_0:
0x88: {  	s2 =	sld [smem:$0x3FD9]  }
0x89: {  	s3 =	sld [smem:$0x3FFE];
	_ =	sdelay $0x1  }
0x8a: {  	s1 =	srdreg.scid  }
0x8b: {  	s0 =	sand.u32 $0x1, s1  }
0x8c: {  	s16 =	sshll.u32 s0, $0xA;
	s2 =	sadd.s32 s3, s2  }
0x8d: {  	s2 =	sadd.s32 s2, s16  }
0x8e: {  	[smem:$0x3FBB] =	sst s2  }
0x8f: {  	_ = 	snop  }
0x90: {  	(tm) =	ssettm $0x1  }
0x91: {  	s17 =	sld [smem:$0x3FFB];
	_ =	sdelay $0x3  }
0x92: {  	_ =	strace s17  }
0x93: {  	s2 =	sld [smem:$0x3FFC];
	_ =	sdelay $0x3  }
0x94: {  	_ =	strace s2  }
0x95: {  	s2 =	sld [smem:$0x3FFD];
	_ =	sdelay $0x3  }
0x96: {  	_ =	strace s2  }
0x97: {  	_ =	strace $0x8FFFFFFF  }
0x98: {  	s18 =	sld [smem:$0x3FDB];
	_ =	sdelay $0x1  }
0x99: {  	s19 =	simm.s32 $_scs_section_size  }
0x9a: {  	s4 =	simm.s32 $_size__tile_overlayer_lowered;
	s5 =	simm.s32 $_tile_overlayer_lowered  }
0x9b: {  	s22 =	simm.s32 $0x1BFF;
	s21 =	sshll.u32 s5, $0x1;
	s2 =	sadd.s32 s19, s18  }
0x9c: {  	s6 =	simm.s32 $0x0;
	s20 =	sshll.u32 s4, $0x1;
	s4 =	sadd.s32 s21, s2  }
0x9d: {  	[timem:s6], [sflag:s22] =	dma.local [hbm:s4], s20  }
0x9e: {  	_ =	swait.ge [sflag:s22], s20  }
0x9f: {  	s3 =	ssub.s32 $0x0, s20;
	[sflag:s22] =	ssyncset.done $0x0  }
0xa0: {  	[sflag:s22] =	ssyncadd.s32 s3;
	_ =	sdelay $0x1  }
0xa1: {  	s23 =	simm.s32 $0x1B8B  }
0xa2: {  	_ =	swait.ge [sflag:s23], $0x1  }
0xa3: {  	[sflag:s23] =	ssyncset.done $0x0  }
0xa4: {  	s25 =	simm.s32 $0x1B8E;
	s24 =	sld [smem:$0x3FFE];
	[sflag:s23] =	ssyncadd.s32 $0xFFFFFFFF  }
0xa5: {  	s26 =	simm.s32 $execute0_lowered;
	[smem:$0x3FD2] =	sst s25  }
0xa6: {  	s4 =	sshll.u32 s26, $0x1;
	_ =	strace $0x80000046;
	[dreg:$0x1] =	wrdreg $0xFFFFFFFF  }
0xa7: {  	s28 =	simm.s32 $_size_execute0_lowered;
	s2 =	sadd.s32 s2, s4;
	[dreg:$0x0] =	wrdreg $0x0  }
0xa8: {  	s4 =	sshll.u32 s28, $0x1;
	[dreg:$0x2] =	wrdreg s2  }
0xa9: {  	[dreg:$0x3] =	wrdreg s4  }
0xaa: {  	[dreg:$0x4] =	wrdreg $0xC0  }
0xab: {  	_ =	task [dreg:s6], $0x5FFFF  }
0xac: {  	[dreg:$0x1] =	wrdreg $0xFFFFFFFF  }
0xad: {  	[dreg:$0x0] =	wrdreg $0x60  }
0xae: {  	[dreg:$0x2] =	wrdreg s24  }
0xaf: {  	[dreg:$0x3] =	wrdreg $0x9  }
0xb0: {  	_ =	task.clear_ibuf [dreg:s6], $0x4FFFF;
	_ =	strace $0x90000046  }
0xb1: {  	s29 =	simm.s32 $0x9;
	_ =	strace $0x80000048  }
0xb2: {  	_ =	swait.ge [sflag:s29], $0x1  }
0xb3: {  	[sflag:s29] =	ssyncadd.s32 $0xFFFFFFFF  }
0xb4: {  	_ =	strace $0x90000048  }
0xb5: {  	_ =	sfence  }
0xb6: {  	s30 =	sld [smem:$0x0];
	_ =	sdelay $0x2  }
0xb7: {  	s31 =	sshll.u32 s1, $0xD;
	s1 =	sshrl.u32 s1, $0x2  }
0xb8: {  	s3 =	sand.u32 $0x4000, s31;
	s1 =	sadd.s32 s1, s30  }
0xb9: {  	s0 =	sor.u32 s3, s0;
	s1 =	sshll.u32 s1, $0x11  }
0xba: {  	s0 =	sor.u32 s1, s0  }
0xbb: {  	s0 =	sadd.s32 $0x8F2B, s0  }
0xbc: {  	[sflag:s0] =	ssyncadd.remote.s32 $0x1  }
0xbd: {  	_ =	sfence.sel $0xFFFF  }
0xbe: {  	[dreg:$0x0] =	wrdreg $0xFFFFFFFF;
	(pc) =	sbr.abs _section_cstart, $3  }
0xbf: {  	[dreg:$0x1] =	wrdreg $0xFFFFFFFF  }
0xc0: {  	_ =	task.clear_ibuf [dreg:s6], $0x2FFFF;
	_ =	strace $0x9FFFFFFF  }
0xc1: {  	(tm) =	ssettm $0x7FFFFFFF  }
tec
execute0_lowered:
.L_overlay_start_1:
0x0: {  	(tag) =	ssettag $0x1  }
0x1: {  	s4 =	rddreg [dreg:$0x0]  }
0x2: {  	s0 =	rddreg [dreg:$0x1];
	s2 =	simm.s32 $0x0  }
0x3: {  	s1 =	stileid.u32;
	s3 =	srdreg.scid;
	s10 =	simm.s32 $0x400  }
0x4: {  	s11 =	simm.s32 $0x2800;
	s12 =	simm.s32 $0x4F80;
	s13 =	simm.s32 $0x7700  }
0x5: {  	s14 =	simm.s32 $0x0;
	[smem:$0x7FF] =	sst s2;
	s5 =	sshrl.u32 s1, $0x2  }
0x6: {  	s6 =	sand.u32 $0x1, s3;
	s29 =	sshll.u32 s1, $0x8;
	s7 =	smul.u32 $0x13C00, s5  }
0x7: {  	s8 =	sshll.u32 s6, $0x7;
	s3 =	sand.u32 $0x300, s29;
	s5 =	smul.u32 $0x14000, s5  }
0x8: {  	_ =	strace $0x80000047;
	s6 =	ssub.s32 $0x2, s6;
	s8 =	sor.u32 s8, s3  }
0x9: {  	s3 =	sadd.s32 $0x7200, s4;
	s31 =	sshrl.u32 s6, $0x1;
	s7 =	sor.u32 s7, s8  }
0xa: {  	s5 =	sor.u32 s5, s8;
	s9 =	ssub.s32 s6, s31;
	s7 =	sshrl.u32 s7, $0x3  }
0xb: {  	s8 =	simm.s32 $0x1;
	s5 =	sshrl.u32 s5, $0x3;
	s7 =	sadd.s32 s7, s4  }
0xc: {  	s30 =	sadd.s32 s5, s4;
	s4 =	sadd.s32 $0x7800, s7;
	s5 =	sadd.s32 $0x11600, s7  }
0xd: {  	v0 =	vimm.f32 $0.0e+00;
	s6 =	sadd.s32 $0x1B400, s30;
	s7 =	smax.u32 s9, $0x1;
	s9 =	simm.s32 $0x80  }
.LBB2_1:
0xe: {  	[tilespmem:s2], [sflag:$0x1] =	stream.linear.gather [hbm4b:s3+s2], $0x2800, $0x38;
	[tilespmem:$0x9F00] =	vst v63  }
0xf: {  	_ =	swait.ge [sflag:s8], $0x2800  }
0x10: {  	[sflag:s8] =	ssyncset.done $0x0  }
0x11: {  	[sflag:s8] =	ssyncadd.s32 $0xFFFFD800  }
0x12: {  	[tilespmem:s11], [sflag:$0x1] =	stream.strided.gather [hbm4b:s4+s9], $0x2780, s10, s9, $0x38;
	[tilespmem:$0x9F00] =	vst v63  }
0x13: {  	_ =	swait.ge [sflag:s8], $0x2780  }
0x14: {  	[sflag:s8] =	ssyncset.done $0x0  }
0x15: {  	[sflag:s8] =	ssyncadd.s32 $0xFFFFD880  }
0x16: {  	[tilespmem:s12], [sflag:$0x1] =	stream.strided.gather [hbm4b:s5+s9], $0x2780, s10, s9, $0x38;
	[tilespmem:$0x9F00] =	vst v63  }
0x17: {  	_ =	swait.ge [sflag:s8], $0x2780  }
0x18: {  	[sflag:s8] =	ssyncset.done $0x0  }
0x19: {  	s15 =	simm.s32 $0x0;
	[sflag:s8] =	ssyncadd.s32 $0xFFFFD880  }
.LBB2_2:
0x1a: {  	p0 =	sne.s32 s15, $0x9FC0  }
.Ltmp0:
0x1b: {  	_ = 	snop;
	(pc) =	sbr.rel @p0 .LBB2_2-.Ltmp0, $3  }
0x1c: {  	_ =	sdelay $0x1  }
0x1d: {  	s16 =	sshra.s32 s15, $0x2  }
0x1e: {  	s15 =	sadd.s32 $0x40, s15;
	[tilespmem:s16+$0x7700] =	vst v0  }
0x1f: {  	s16 =	simm.s32 $0x0;
	s15 =	simm.s32 $0x40  }
.LBB2_4:
0x20: {  	p0 =	sne.s32 s15, $0x9DC0;
	v1 =	vld [tilespmem:s16+$0x2800];
	_ =	sdelay $0x5  }
0x21: {  	v2 =	vld [tilespmem:s16+$0x4F80];
	_ =	sdelay $0x1  }
0x22: {  	v1 =	vld.idx.msk [tilespmem:v1+s2+$0x0], $0xffff;
	_ =	sdelay $0x1  }
.Ltmp1:
0x23: {  	(pc) =	sbr.rel @p0 .LBB2_4-.Ltmp1, $2  }
0x24: {  	_ =	sdelay $0x2  }
0x25: {  	s16 =	sshra.s32 s15, $0x2;
	s15 =	sadd.s32 $0x40, s15;
	[tilespmem:v2+s13+$0x0] =	vst.idx.add.f32.msk $0xffff, v1  }
0x26: {  	v1 =	vld [tilespmem:s16+$0x2800];
	_ =	sdelay $0x4  }
0x27: {  	v2 =	vld [tilespmem:s16+$0x4F80];
	_ =	sdelay $0x2  }
0x28: {  	v1 =	vld.idx.msk [tilespmem:v1+s2+$0x0], $0xffff;
	_ =	sdelay $0x2  }
0x29: {  	s14 =	sadd.s32 $0x1, s14  }
0x2a: {  	p0 =	sne.s32 s14, s7  }
.Ltmp2:
0x2b: {  	[tilespmem:v2+s13+$0x0] =	vst.idx.add.f32.msk $0xffff, v1;
	(pc) =	sbr.rel @p0 .LBB2_1-.Ltmp2, $4  }
0x2c: {  	[hbm4b:s6+s9] =	stream.strided.scatter [tilespmem:s13], [sflag:$0x1], $0x2800, s10, s9, $0x38;
	[tilespmem:$0x9F00] =	vst v63  }
0x2d: {  	_ =	swait.ge [sflag:s8], $0x2800  }
0x2e: {  	[sflag:s8] =	ssyncset.done $0x0  }
0x2f: {  	[sflag:s8] =	ssyncadd.s32 $0xFFFFD800  }
0x30: {  	_ =	sfence.sel $0x180000  }
0x31: {  	[bflag:$0x0] =	sbarrier.arrive $0xFFFF  }
0x32: {  	p0 =	sne.s32 s1, $0x0;
	_ =	strace $0x90000047  }
0x33: {  	s0 =	sadd.s32 @!p0 $0x100000, s0;
	[bflag:$0x2] =	sbarrier.arrive $0xFFFF  }
0x34: {  	[sflag:s0] =	ssyncadd.tile.s32 @!p0 $0x1;
	_ =	shalt  }
.Lfunc_end2:
_tile_overlayer_lowered:
.L_overlay_start_2:
0x35: {  	(tag) =	ssettag $0x2  }
0x36: {  	s0 =	rddreg [dreg:$0x0];
	s2 =	stileid.u32  }
0x37: {  	s1 =	rddreg [dreg:$0x1];
	p0 =	sne.s32 s2, $0x0  }
0x38: {  	s3 =	rddreg [dreg:$0x2];
	[bflag:$0x3] =	sbarrier.arrive $0xFFFF;
	s2 =	simm.s32 @!p0 $0x1C01  }
0x39: {  	[timem:s3], [sflag:s2] =	dma.local @!p0 [hbm:s0], s1  }
0x3a: {  	s0 =	simm.s32 @!p0 $0x1  }
0x3b: {  	_ =	swait.ge @!p0 [sflag:s0], s1  }
0x3c: {  	s1 =	ssub.s32 @!p0 $0x0, s1;
	[sflag:s0] =	ssyncset.done @!p0 $0x0  }
0x3d: {  	[sflag:s0] =	ssyncadd.s32 @!p0 s1  }
0x3e: {  	[bflag:$0x3] =	sbarrier.arrive $0xFFFF  }
0x3f: {  	_ =	shalt  }

// kernel: kernel.20.cloned.1.call-start
scs
__scs_entry_jumppad:
0x0: {  	(pc) =	sbr.rel $0x88, $3  }
0x1: {  	(tag) =	ssettag $0x0;
	lr =	simm.s32 $0x1  }
0x2: {  	[smem:$0x3F94] =	sst lr;
	_ =	strace $0xD0000000  }
0x3: {  	_ = 	snop  }
0x4: {  	_ = 	snop  }
0x5: {  	_ = 	snop  }
0x6: {  	_ = 	snop  }
0x7: {  	_ = 	snop  }
__scs_overlays_trampoline_lowered:
0x8: {  	[smem:$0x3FA3] =	sst s0  }
0x9: {  	[smem:$0x3FA4] =	sst s1  }
0xa: {  	[smem:$0x3FA5] =	sst s2  }
0xb: {  	[smem:$0x3FA6] =	sst s3  }
0xc: {  	[smem:$0x3FA7] =	sst s4  }
0xd: {  	[smem:$0x3FA8] =	sst s5  }
0xe: {  	[smem:$0x3FA9] =	sst s6  }
0xf: {  	[smem:$0x3FAA] =	sst s7  }
0x10: {  	[smem:$0x3FAB] =	sst s8  }
0x11: {  	[smem:$0x3FAC] =	sst s9;
	s0 =	simm.s32 @!p0 $0x0  }
0x12: {  	s1 =	sld [smem:$0x3F92];
	s0 =	simm.s32 @p0 $0x1  }
0x13: {  	[smem:$0x3FAD] =	sst s0;
	s0 =	simm.s32 @!p1 $0x0  }
0x14: {  	s2 =	sld [smem:$0x3F91];
	s0 =	simm.s32 @p1 $0x1  }
0x15: {  	[smem:$0x3FAE] =	sst s0;
	s0 =	simm.s32 @!p2 $0x0  }
0x16: {  	s3 =	sld [smem:$0x3FDB];
	s0 =	simm.s32 @p2 $0x1  }
0x17: {  	s4 =	simm.s32 $0x1BF5;
	[smem:$0x3FB0] =	sst s0  }
0x18: {  	s0 =	sld [smem:$0x3F93];
	_ =	swait.ge [sflag:s4], $0x0  }
0x19: {  	s7 =	sld [smem:$0x3F94]  }
0x1a: {  	s8 =	sadd.s32 $0xFFFFE003, lr  }
0x1b: {  	s9 =	sadd.s32 $0xFFFFFEF7, lr;
	s5 =	simm.s32 $0xFFFFFFFF;
	p2 =	slt.u32 s8, $0xFFFFF086  }
0x1c: {  	p1 =	slt.u32 s9, $0xF7A;
	s5 =	simm.s32 @!p2 $0x0  }
0x1d: {  	s5 =	simm.s32 @p1 $0x1;
	p0 =	seq.s32 s7, s2  }
0x1e: {  	s7 =	smul.u32 @!p0 $0xF7A, s2;
	p2 =	seq.s32 @!p0 s5, $0x0  }
0x1f: {  	s9 =	smul.u32 $0xF7A, s1;
	s8 =	simm.s32 @!p0 $0x1BF5;
	p2 =	por !p2, p0  }
0x20: {  	[sflag:s8] =	ssyncset.s32 @!p0 $0xFFFFF086;
	s6 =	sadd.s32 @!p0 s3, s7;
	s7 =	simm.s32 @!p0 $0x108  }
0x21: {  	s3 =	sadd.s32 s3, s9;
	s6 =	sadd.s32 @!p0 $0x88, s6;
	s7 =	simm.s32 @p2 $0x1082  }
0x22: {  	[simem:s7], [sflag:s8] =	dma.local @!p0 [hbm:s6], $0xF7A  }
0x23: {  	s9 =	sor.u32 $0xD0000000, s2;
	s6 =	simm.s32 $0x108;
	_ =	swait.ge @!p0 [sflag:s8], $0x0  }
0x24: {  	s3 =	sadd.s32 $0x88, s3;
	s6 =	simm.s32 @!p1 $0x1082;
	[sflag:s4] =	ssyncset.s32 $0xFFFFF086  }
0x25: {  	[simem:s6], [sflag:s4] =	dma.local [hbm:s3], $0xF7A  }
0x26: {  	[smem:$0x3F94] =	sst s1;
	(tag) =	ssettag s2;
	_ =	strace s9  }
0x27: {  	s1 =	sld [smem:$0x3FA4]  }
0x28: {  	s2 =	sld [smem:$0x3FA5]  }
0x29: {  	s4 =	sld [smem:$0x3FA7]  }
0x2a: {  	p0 =	seq.s32 s5, $0x0;
	s5 =	sld [smem:$0x3FA8]  }
0x2b: {  	s6 =	sld [smem:$0x3FA9]  }
0x2c: {  	s7 =	sld [smem:$0x3FAA]  }
0x2d: {  	s3 =	simm.s32 $0x108;
	s8 =	sld [smem:$0x3FAB]  }
0x2e: {  	s3 =	simm.s32 @!p0 $0x1082;
	s9 =	sld [smem:$0x3FAC]  }
0x2f: {  	lr =	sadd.s32 s0, s3;
	s0 =	sld [smem:$0x3FA3]  }
0x30: {  	s3 =	sld [smem:$0x3FA6]  }
0x31: {  	[smem:$0x3FAF] =	sst s10  }
0x32: {  	s10 =	sld [smem:$0x3FAD];
	_ =	sdelay $0x3  }
0x33: {  	p0 =	seq.s32 s10, $0x1;
	s10 =	sld [smem:$0x3FAF];
	_ =	sdelay $0x3  }
0x34: {  	[smem:$0x3FAF] =	sst s10  }
0x35: {  	s10 =	sld [smem:$0x3FAE];
	_ =	sdelay $0x3  }
0x36: {  	p1 =	seq.s32 s10, $0x1;
	s10 =	sld [smem:$0x3FAF];
	_ =	sdelay $0x3  }
0x37: {  	[smem:$0x3FAF] =	sst s10  }
0x38: {  	s10 =	sld [smem:$0x3FB0]  }
0x39: {  	_ = 	snop;
	(pc) =	sbr.ind lr, $3  }
0x3a: {  	_ = 	snop  }
0x3b: {  	_ = 	snop  }
0x3c: {  	p2 =	seq.s32 s10, $0x1;
	s10 =	sld [smem:$0x3FAF]  }
0x3d: {  	_ =	shalt  }
0x3e: {  	_ =	shalt  }
0x3f: {  	_ =	shalt  }
0x40: {  	_ =	shalt  }
0x41: {  	_ =	shalt  }
0x42: {  	_ =	shalt  }
0x43: {  	_ =	shalt  }
0x44: {  	_ =	shalt  }
0x45: {  	_ =	shalt  }
0x46: {  	_ =	shalt  }
0x47: {  	_ =	shalt  }
0x48: {  	_ =	shalt  }
0x49: {  	_ =	shalt  }
0x4a: {  	_ =	shalt  }
0x4b: {  	_ =	shalt  }
0x4c: {  	_ =	shalt  }
0x4d: {  	_ =	shalt  }
0x4e: {  	_ =	shalt  }
0x4f: {  	_ =	shalt  }
0x50: {  	_ =	shalt  }
0x51: {  	_ =	shalt  }
0x52: {  	_ =	shalt  }
0x53: {  	_ =	shalt  }
0x54: {  	_ =	shalt  }
0x55: {  	_ =	shalt  }
0x56: {  	_ =	shalt  }
0x57: {  	_ =	shalt  }
0x58: {  	_ =	shalt  }
0x59: {  	_ =	shalt  }
0x5a: {  	_ =	shalt  }
0x5b: {  	_ =	shalt  }
0x5c: {  	_ =	shalt  }
0x5d: {  	_ =	shalt  }
0x5e: {  	_ =	shalt  }
0x5f: {  	_ =	shalt  }
0x60: {  	_ =	shalt  }
0x61: {  	_ =	shalt  }
0x62: {  	_ =	shalt  }
0x63: {  	_ =	shalt  }
0x64: {  	_ =	shalt  }
0x65: {  	_ =	shalt  }
0x66: {  	_ =	shalt  }
0x67: {  	_ =	shalt  }
0x68: {  	_ =	shalt  }
0x69: {  	_ =	shalt  }
0x6a: {  	_ =	shalt  }
0x6b: {  	_ =	shalt  }
0x6c: {  	_ =	shalt  }
0x6d: {  	_ =	shalt  }
0x6e: {  	_ =	shalt  }
0x6f: {  	_ =	shalt  }
0x70: {  	_ =	shalt  }
0x71: {  	_ =	shalt  }
0x72: {  	_ =	shalt  }
0x73: {  	_ =	shalt  }
0x74: {  	_ =	shalt  }
0x75: {  	_ =	shalt  }
0x76: {  	_ =	shalt  }
0x77: {  	_ =	shalt  }
0x78: {  	_ =	shalt  }
0x79: {  	_ =	shalt  }
0x7a: {  	_ =	shalt  }
0x7b: {  	_ =	shalt  }
0x7c: {  	_ =	shalt  }
0x7d: {  	_ =	shalt  }
0x7e: {  	_ =	shalt  }
0x7f: {  	_ =	shalt  }
0x80: {  	_ =	shalt  }
0x81: {  	_ =	shalt  }
0x82: {  	_ =	shalt  }
0x83: {  	_ =	shalt  }
0x84: {  	_ =	shalt  }
0x85: {  	_ =	shalt  }
0x86: {  	_ =	shalt  }
0x87: {  	_ =	shalt  }
.Lfunc_end0:
.L_simem_size_0:
called_computation.1_lowered:
.L_overlay_start_0:
0x88: {  	s2 =	sld [smem:$0x3FD9]  }
0x89: {  	s3 =	sld [smem:$0x3FFE];
	_ =	sdelay $0x1  }
0x8a: {  	s1 =	srdreg.scid  }
0x8b: {  	s0 =	sand.u32 $0x1, s1  }
0x8c: {  	s16 =	sshll.u32 s0, $0xA;
	s2 =	sadd.s32 s3, s2  }
0x8d: {  	s2 =	sadd.s32 s2, s16  }
0x8e: {  	[smem:$0x3FBB] =	sst s2  }
0x8f: {  	_ = 	snop  }
0x90: {  	(tm) =	ssettm $0x1  }
0x91: {  	s17 =	sld [smem:$0x3FFB];
	_ =	sdelay $0x3  }
0x92: {  	_ =	strace s17  }
0x93: {  	s2 =	sld [smem:$0x3FFC];
	_ =	sdelay $0x3  }
0x94: {  	_ =	strace s2  }
0x95: {  	s2 =	sld [smem:$0x3FFD];
	_ =	sdelay $0x3  }
0x96: {  	_ =	strace s2  }
0x97: {  	_ =	strace $0x8FFFFFFF  }
0x98: {  	s18 =	sld [smem:$0x3FDB];
	_ =	sdelay $0x1  }
0x99: {  	s19 =	simm.s32 $_scs_section_size  }
0x9a: {  	s4 =	simm.s32 $_size__tile_overlayer_lowered;
	s5 =	simm.s32 $_tile_overlayer_lowered  }
0x9b: {  	s22 =	simm.s32 $0x1BFF;
	s21 =	sshll.u32 s5, $0x1;
	s2 =	sadd.s32 s19, s18  }
0x9c: {  	s6 =	simm.s32 $0x0;
	s20 =	sshll.u32 s4, $0x1;
	s4 =	sadd.s32 s21, s2  }
0x9d: {  	[timem:s6], [sflag:s22] =	dma.local [hbm:s4], s20  }
0x9e: {  	_ =	swait.ge [sflag:s22], s20  }
0x9f: {  	s3 =	ssub.s32 $0x0, s20;
	[sflag:s22] =	ssyncset.done $0x0  }
0xa0: {  	[sflag:s22] =	ssyncadd.s32 s3;
	_ =	sdelay $0x1  }
0xa1: {  	s23 =	simm.s32 $0x1B8B  }
0xa2: {  	_ =	swait.ge [sflag:s23], $0x1  }
0xa3: {  	[sflag:s23] =	ssyncset.done $0x0  }
0xa4: {  	s25 =	simm.s32 $0x1B8E;
	s24 =	sld [smem:$0x3FFE];
	[sflag:s23] =	ssyncadd.s32 $0xFFFFFFFF  }
0xa5: {  	s26 =	simm.s32 $execute0_lowered;
	[smem:$0x3FD2] =	sst s25  }
0xa6: {  	s4 =	sshll.u32 s26, $0x1;
	_ =	strace $0x80000049;
	[dreg:$0x1] =	wrdreg $0xFFFFFFFF  }
0xa7: {  	s28 =	simm.s32 $_size_execute0_lowered;
	s2 =	sadd.s32 s2, s4;
	[dreg:$0x0] =	wrdreg $0x0  }
0xa8: {  	s4 =	sshll.u32 s28, $0x1;
	[dreg:$0x2] =	wrdreg s2  }
0xa9: {  	[dreg:$0x3] =	wrdreg s4  }
0xaa: {  	[dreg:$0x4] =	wrdreg $0xC0  }
0xab: {  	_ =	task [dreg:s6], $0x5FFFF  }
0xac: {  	[dreg:$0x1] =	wrdreg $0xFFFFFFFF  }
0xad: {  	[dreg:$0x0] =	wrdreg $0x60  }
0xae: {  	[dreg:$0x2] =	wrdreg s24  }
0xaf: {  	[dreg:$0x3] =	wrdreg $0xB7800  }
0xb0: {  	[dreg:$0x4] =	wrdreg $0x9  }
0xb1: {  	_ =	task.clear_ibuf [dreg:s6], $0x5FFFF;
	_ =	strace $0x90000049  }
0xb2: {  	s29 =	simm.s32 $0x9;
	_ =	strace $0x8000004B  }
0xb3: {  	_ =	swait.ge [sflag:s29], $0x1  }
0xb4: {  	[sflag:s29] =	ssyncadd.s32 $0xFFFFFFFF  }
0xb5: {  	_ =	strace $0x9000004B  }
0xb6: {  	_ =	sfence  }
0xb7: {  	s30 =	sld [smem:$0x0];
	_ =	sdelay $0x2  }
0xb8: {  	s31 =	sshll.u32 s1, $0xD;
	s1 =	sshrl.u32 s1, $0x2  }
0xb9: {  	s3 =	sand.u32 $0x4000, s31;
	s1 =	sadd.s32 s1, s30  }
0xba: {  	s0 =	sor.u32 s3, s0;
	s1 =	sshll.u32 s1, $0x11  }
0xbb: {  	s0 =	sor.u32 s1, s0  }
0xbc: {  	s0 =	sadd.s32 $0x8F2B, s0  }
0xbd: {  	[sflag:s0] =	ssyncadd.remote.s32 $0x1  }
0xbe: {  	_ =	sfence.sel $0xFFFF  }
0xbf: {  	[dreg:$0x0] =	wrdreg $0xFFFFFFFF;
	(pc) =	sbr.abs _section_cstart, $3  }
0xc0: {  	[dreg:$0x1] =	wrdreg $0xFFFFFFFF  }
0xc1: {  	_ =	task.clear_ibuf [dreg:s6], $0x2FFFF;
	_ =	strace $0x9FFFFFFF  }
0xc2: {  	(tm) =	ssettm $0x7FFFFFFF  }
0xc3: {  	_ =	shalt  }
tec
execute0_lowered:
.L_overlay_start_1:
0x0: {  	(tag) =	ssettag $0x1  }
0x1: {  	s0 =	srdreg.scid;
	s14 =	stileid.u32  }
0x2: {  	s4 =	rddreg [dreg:$0x0];
	s1 =	simm.s32 $0x0;
	s31 =	simm.s32 $0x3  }
0x3: {  	s29 =	simm.s32 $0x40;
	s30 =	simm.s32 $0x1;
	s2 =	sand.u32 $0x1, s0  }
0x4: {  	s5 =	sshll.u32 s14, $0x7;
	s7 =	smul.u32 $0x14000, s14;
	[smem:$0x7FF] =	sst s1  }
0x5: {  	s10 =	sadd.s32 $0xB1400, s4;
	s0 =	sshll.u32 s2, $0x4;
	s5 =	sand.u32 $0x380, s5  }
0x6: {  	s6 =	ssub.s32 $0x2, s2;
	s2 =	smul.u32 $0x140000, s2;
	s3 =	sor.u32 s14, s0  }
0x7: {  	s9 =	sshrl.u32 s6, $0x1;
	s19 =	sadd.s32 $0x4000, s7;
	s20 =	sadd.s32 $0x6000, s7  }
0x8: {  	s21 =	sadd.s32 $0x8000, s7;
	s22 =	sadd.s32 $0xA000, s7;
	s23 =	sadd.s32 $0xC000, s7  }
0x9: {  	s24 =	sadd.s32 $0xE000, s7;
	s25 =	sadd.s32 $0x10000, s7;
	s0 =	sshrl.u32 s3, $0x3  }
0xa: {  	s8 =	sadd.s32 s7, s2;
	s12 =	sadd.s32 s2, s19;
	s15 =	sadd.s32 s2, s20  }
0xb: {  	s17 =	sadd.s32 s2, s21;
	s26 =	sadd.s32 s2, s22;
	s0 =	smul.u32 $0x13C00, s0  }
0xc: {  	s8 =	sshrl.u32 s8, $0x3;
	s13 =	sshrl.u32 s12, $0x3;
	s16 =	sshrl.u32 s15, $0x3  }
0xd: {  	s18 =	sshrl.u32 s17, $0x3;
	s12 =	sadd.s32 s2, s23;
	s15 =	sadd.s32 s2, s24  }
0xe: {  	s5 =	sor.u32 s5, s0;
	s0 =	ssub.s32 s6, s9;
	s6 =	sor.u32 $0x2000, s7  }
0xf: {  	s8 =	sadd.s32 s10, s8;
	s7 =	sadd.s32 $0x12000, s7;
	s9 =	sadd.s32 s2, s6  }
0x10: {  	[dreg:$0x3] =	wrdreg s8;
	s17 =	sshrl.u32 s5, $0x3;
	s11 =	sshrl.u32 s9, $0x3  }
0x11: {  	s28 =	smax.u32 s0, $0x1;
	s0 =	simm.s32 $0x7780;
	s8 =	sadd.s32 s10, s11  }
0x12: {  	s9 =	sshrl.u32 s15, $0x3;
	s11 =	sshrl.u32 s26, $0x3;
	[dreg:$0x4] =	wrdreg s8  }
0x13: {  	s8 =	sadd.s32 s10, s13;
	s13 =	sshrl.u32 s12, $0x3;
	s12 =	rddreg [dreg:$0x1]  }
0x14: {  	s9 =	sadd.s32 s10, s9;
	[dreg:$0x5] =	wrdreg s8;
	s8 =	sadd.s32 s10, s16  }
0x15: {  	s16 =	smul.u32 $0xA00, s3;
	s3 =	sadd.s32 s17, s4;
	s19 =	sadd.s32 s19, s12  }
0x16: {  	s20 =	sadd.s32 s20, s12;
	s21 =	sadd.s32 s21, s12;
	s22 =	sadd.s32 s22, s12  }
0x17: {  	s23 =	sadd.s32 s23, s12;
	s24 =	sadd.s32 s24, s12;
	[dreg:$0x6] =	wrdreg s8  }
0x18: {  	s8 =	sadd.s32 s10, s18;
	s18 =	smul.u32 $0x50000, s14;
	s14 =	sadd.s32 $0x89400, s4  }
0x19: {  	s15 =	sadd.s32 $0x7800, s3;
	s3 =	simm.s32 $0x2740;
	[dreg:$0x7] =	wrdreg s8  }
0x1a: {  	s8 =	sadd.s32 s10, s11;
	s11 =	sadd.s32 s2, s25;
	s2 =	sadd.s32 s2, s7  }
0x1b: {  	s25 =	sadd.s32 s25, s12;
	[dreg:$0x8] =	wrdreg s8;
	s8 =	sadd.s32 s10, s13  }
0x1c: {  	s11 =	sshrl.u32 s11, $0x3;
	s2 =	sshrl.u32 s2, $0x3;
	s26 =	sshrl.u32 s18, $0x2  }
0x1d: {  	s18 =	sadd.s32 s6, s12;
	[dreg:$0x9] =	wrdreg s8;
	s11 =	sadd.s32 s10, s11  }
0x1e: {  	s13 =	sadd.s32 s10, s2;
	s2 =	sadd.s32 s16, s4;
	s17 =	sadd.s32 s26, s12  }
0x1f: {  	s26 =	sadd.s32 s7, s12;
	s10 =	simm.s32 $0x9780;
	s4 =	simm.s32 $0x0  }
0x20: {  	v0 =	vimm.f32 $0.0e+00;
	_ =	strace $0x8000004A;
	s16 =	sadd.s32 $0x25400, s2;
	s2 =	simm.s32 $0x2  }
.LBB2_1:
0x21: {  	s5 =	simm.s32 $0x80;
	s6 =	simm.s32 $0x400  }
0x22: {  	[tilespmem:s1], [sflag:$0x3] =	stream.strided.gather [hbm4b:s15+s5], $0x2780, s6, s5, $0x38;
	[tilespmem:$0x1F780] =	vst v63  }
0x23: {  	_ =	swait.ge [sflag:s31], $0x2780  }
0x24: {  	[sflag:s31] =	ssyncset.done $0x0  }
0x25: {  	s6 =	simm.s32 $0x2780;
	[sflag:s31] =	ssyncadd.s32 $0xFFFFD880  }
0x26: {  	[tilespmem:s6], [sflag:$0x3] =	stream.linear.gather [hbm4b:s16+s1], $0x4F00, $0x38;
	[tilespmem:$0x1F780] =	vst v63  }
0x27: {  	s7 =	sand.u32 $0x7E00, s1;
	s8 =	sand.u32 $0x70, s1;
	_ =	swait.ge [sflag:s31], $0x4F00  }
0x28: {  	s7 =	sshrl.u32 s7, $0x2;
	s5 =	simm.s32 $0x40;
	[sflag:s31] =	ssyncset.done $0x0  }
0x29: {  	s7 =	sor.u32 s8, s7;
	s6 =	simm.s32 $0x0;
	[sflag:s31] =	ssyncadd.s32 $0xFFFFB100  }
.LBB2_2:
0x2a: {  	p0 =	sne.s32 s5, $0x7FC0  }
0x2b: {  	[tilespmem:s7+$0x7780] =	vst v0;
	s6 =	sadd.s32 $0x10, s6;
	s7 =	smov.u32 s5;
	s5 =	sadd.s32 $0x40, s5  }
.Ltmp0:
0x2c: {  	(pc) =	sbr.rel @p0 .LBB2_2-.Ltmp0, $4  }
0x2d: {  	_ = 	snop  }
0x2e: {  	s7 =	sand.u32 $0x7E00, s7  }
0x2f: {  	s8 =	sand.u32 $0x70, s6;
	s7 =	sshrl.u32 s7, $0x2  }
0x30: {  	s7 =	sor.u32 s8, s7  }
0x31: {  	[tilespmem:s7+$0x7780] =	vst v0  }
0x32: {  	[spmem:s17] =	stream.linear.scatter [tilespmem:s0], [sflag:$0x3], $0x2000, $0x38;
	[tilespmem:$0x1F780] =	vst v63  }
0x33: {  	_ =	swait.ge [sflag:s31], $0x2000  }
0x34: {  	[sflag:s31] =	ssyncset.done $0x0  }
0x35: {  	[sflag:s31] =	ssyncadd.s32 $0xFFFFE000  }
0x36: {  	[spmem:s18] =	stream.linear.scatter [tilespmem:s0], [sflag:$0x3], $0x2000, $0x38;
	[tilespmem:$0x1F780] =	vst v63  }
0x37: {  	_ =	swait.ge [sflag:s31], $0x2000  }
0x38: {  	[sflag:s31] =	ssyncset.done $0x0  }
0x39: {  	[sflag:s31] =	ssyncadd.s32 $0xFFFFE000  }
0x3a: {  	[spmem:s19] =	stream.linear.scatter [tilespmem:s0], [sflag:$0x3], $0x2000, $0x38;
	[tilespmem:$0x1F780] =	vst v63  }
0x3b: {  	_ =	swait.ge [sflag:s31], $0x2000  }
0x3c: {  	[sflag:s31] =	ssyncset.done $0x0  }
0x3d: {  	[sflag:s31] =	ssyncadd.s32 $0xFFFFE000  }
0x3e: {  	[spmem:s20] =	stream.linear.scatter [tilespmem:s0], [sflag:$0x3], $0x2000, $0x38;
	[tilespmem:$0x1F780] =	vst v63  }
0x3f: {  	_ =	swait.ge [sflag:s31], $0x2000  }
0x40: {  	[sflag:s31] =	ssyncset.done $0x0  }
0x41: {  	[sflag:s31] =	ssyncadd.s32 $0xFFFFE000  }
0x42: {  	[spmem:s21] =	stream.linear.scatter [tilespmem:s0], [sflag:$0x3], $0x2000, $0x38;
	[tilespmem:$0x1F780] =	vst v63  }
0x43: {  	_ =	swait.ge [sflag:s31], $0x2000  }
0x44: {  	[sflag:s31] =	ssyncset.done $0x0  }
0x45: {  	[sflag:s31] =	ssyncadd.s32 $0xFFFFE000  }
0x46: {  	[spmem:s22] =	stream.linear.scatter [tilespmem:s0], [sflag:$0x3], $0x2000, $0x38;
	[tilespmem:$0x1F780] =	vst v63  }
0x47: {  	_ =	swait.ge [sflag:s31], $0x2000  }
0x48: {  	[sflag:s31] =	ssyncset.done $0x0  }
0x49: {  	[sflag:s31] =	ssyncadd.s32 $0xFFFFE000  }
0x4a: {  	[spmem:s23] =	stream.linear.scatter [tilespmem:s0], [sflag:$0x3], $0x2000, $0x38;
	[tilespmem:$0x1F780] =	vst v63  }
0x4b: {  	_ =	swait.ge [sflag:s31], $0x2000  }
0x4c: {  	[sflag:s31] =	ssyncset.done $0x0  }
0x4d: {  	[sflag:s31] =	ssyncadd.s32 $0xFFFFE000  }
0x4e: {  	[spmem:s24] =	stream.linear.scatter [tilespmem:s0], [sflag:$0x3], $0x2000, $0x38;
	[tilespmem:$0x1F780] =	vst v63  }
0x4f: {  	_ =	swait.ge [sflag:s31], $0x2000  }
0x50: {  	[sflag:s31] =	ssyncset.done $0x0  }
0x51: {  	[sflag:s31] =	ssyncadd.s32 $0xFFFFE000  }
0x52: {  	[spmem:s25] =	stream.linear.scatter [tilespmem:s0], [sflag:$0x3], $0x2000, $0x38;
	[tilespmem:$0x1F780] =	vst v63  }
0x53: {  	_ =	swait.ge [sflag:s31], $0x2000  }
0x54: {  	[sflag:s31] =	ssyncset.done $0x0  }
0x55: {  	[sflag:s31] =	ssyncadd.s32 $0xFFFFE000  }
0x56: {  	[spmem:s26] =	stream.linear.scatter [tilespmem:s0], [sflag:$0x3], $0x2000, $0x38;
	[tilespmem:$0x1F780] =	vst v63  }
0x57: {  	_ =	swait.ge [sflag:s31], $0x2000  }
0x58: {  	[sflag:s31] =	ssyncset.done $0x0  }
0x59: {  	[sflag:s31] =	ssyncadd.s32 $0xFFFFE000  }
0x5a: {  	s5 =	simm.s32 $0x0;
	[bflag:$0x0] =	sbarrier.arrive $0xFFFF  }
0x5b: {  	[tilespmem:s0], [sflag:$0x1] =	stream.indirect.gather [hbm4b:s14+s29], $0x80, s5, s29, $0xb8;
	[tilespmem:$0x1F780] =	vst v63  }
0x5c: {  	_ =	swait.ge [sflag:s30], $0x2000  }
0x5d: {  	[sflag:s30] =	ssyncset.done $0x0  }
0x5e: {  	s7 =	simm.s32 $0x40;
	[sflag:s30] =	ssyncadd.s32 $0xFFFFE000  }
0x5f: {  	[tilespmem:s10], [sflag:$0x2] =	stream.indirect.gather [hbm4b:s14+s29], $0x80, s7, s29, $0xb8;
	[tilespmem:$0x1F780] =	vst v63  }
0x60: {  	s8 =	simm.s32 $0x2780  }
0x61: {  	[spmem:s12] =	stream.indirect.scatter.add.f32 [tilespmem:s0], [sflag:$0x3], $0x80, s8, s29, $0xb8;
	[tilespmem:$0x1F780] =	vst v63  }
0x62: {  	_ =	swait.ge [sflag:s31], $0x2000  }
0x63: {  	[sflag:s31] =	ssyncset.done $0x0  }
0x64: {  	s5 =	simm.s32 $0x80;
	[sflag:s31] =	ssyncadd.s32 $0xFFFFE000  }
0x65: {  	[tilespmem:s0], [sflag:$0x1] =	stream.indirect.gather [hbm4b:s14+s29], $0x80, s5, s29, $0xb8;
	[tilespmem:$0x1F780] =	vst v63  }
0x66: {  	_ =	swait.ge [sflag:s2], $0x2000  }
0x67: {  	[sflag:s2] =	ssyncset.done $0x0  }
0x68: {  	s6 =	simm.s32 $0x2800;
	[sflag:s2] =	ssyncadd.s32 $0xFFFFE000  }
0x69: {  	[spmem:s12] =	stream.indirect.scatter.add.f32 [tilespmem:s10], [sflag:$0x3], $0x80, s6, s29, $0xb8;
	[tilespmem:$0x1F780] =	vst v63  }
0x6a: {  	_ =	swait.ge [sflag:s31], $0x2000  }
0x6b: {  	s6 =	simm.s32 $0x400;
	[sflag:s31] =	ssyncset.done $0x0  }
.LBB2_4:
0x6c: {  	p0 =	sne.s32 s6, $0x13400;
	[sflag:s31] =	ssyncadd.s32 $0xFFFFE000;
	s5 =	sadd.s32 $0x80, s5  }
0x6d: {  	s7 =	smov.u32 s6;
	s6 =	sadd.s32 $0x400, s6;
	_ =	swait.ge [sflag:s30], $0x2000  }
0x6e: {  	[sflag:s30] =	ssyncset.done $0x0  }
0x6f: {  	s8 =	sadd.s32 $0xFFFFFFC0, s5;
	s7 =	sshra.s32 s7, $0x2;
	[sflag:s30] =	ssyncadd.s32 $0xFFFFE000  }
0x70: {  	[tilespmem:s10], [sflag:$0x2] =	stream.indirect.gather [hbm4b:s14+s29], $0x80, s8, s29, $0xb8;
	[tilespmem:$0x1F780] =	vst v63  }
0x71: {  	s8 =	sadd.s32 $0x2780, s7  }
0x72: {  	[spmem:s12] =	stream.indirect.scatter.add.f32 [tilespmem:s0], [sflag:$0x3], $0x80, s8, s29, $0xb8;
	[tilespmem:$0x1F780] =	vst v63  }
0x73: {  	_ =	swait.ge [sflag:s31], $0x2000  }
0x74: {  	[sflag:s31] =	ssyncset.done $0x0  }
0x75: {  	[sflag:s31] =	ssyncadd.s32 $0xFFFFE000  }
0x76: {  	[tilespmem:s0], [sflag:$0x1] =	stream.indirect.gather [hbm4b:s14+s29], $0x80, s5, s29, $0xb8;
	[tilespmem:$0x1F780] =	vst v63  }
0x77: {  	_ =	swait.ge [sflag:s2], $0x2000  }
.Ltmp1:
0x78: {  	[sflag:s2] =	ssyncset.done $0x0;
	(pc) =	sbr.rel @p0 .LBB2_4-.Ltmp1, $4  }
0x79: {  	s7 =	sadd.s32 $0x2800, s7;
	[sflag:s2] =	ssyncadd.s32 $0xFFFFE000  }
0x7a: {  	[spmem:s12] =	stream.indirect.scatter.add.f32 [tilespmem:s10], [sflag:$0x3], $0x80, s7, s29, $0xb8;
	[tilespmem:$0x1F780] =	vst v63  }
0x7b: {  	_ =	swait.ge [sflag:s31], $0x2000  }
0x7c: {  	[sflag:s31] =	ssyncset.done $0x0  }
0x7d: {  	[sflag:s31] =	ssyncadd.s32 $0xFFFFE000  }
0x7e: {  	_ =	swait.ge [sflag:s30], $0x2000  }
0x7f: {  	[sflag:s30] =	ssyncset.done $0x0  }
0x80: {  	[sflag:s30] =	ssyncadd.s32 $0xFFFFE000  }
0x81: {  	[tilespmem:s10], [sflag:$0x2] =	stream.indirect.gather [hbm4b:s14+s29], $0x80, s3, s29, $0xb8;
	[tilespmem:$0x1F780] =	vst v63  }
0x82: {  	s5 =	simm.s32 $0x7580  }
0x83: {  	[spmem:s12] =	stream.indirect.scatter.add.f32 [tilespmem:s0], [sflag:$0x3], $0x80, s5, s29, $0xb8;
	[tilespmem:$0x1F780] =	vst v63  }
0x84: {  	_ =	swait.ge [sflag:s31], $0x2000  }
0x85: {  	[sflag:s31] =	ssyncset.done $0x0  }
0x86: {  	[sflag:s31] =	ssyncadd.s32 $0xFFFFE000  }
0x87: {  	[tilespmem:s0], [sflag:$0x1] =	stream.indirect.gather [hbm4b:s14+s29], $0x80, s3, s29, $0xb8;
	[tilespmem:$0x1F780] =	vst v63  }
0x88: {  	_ =	swait.ge [sflag:s2], $0x2000  }
0x89: {  	[sflag:s2] =	ssyncset.done $0x0  }
0x8a: {  	s7 =	simm.s32 $0x7600;
	[sflag:s2] =	ssyncadd.s32 $0xFFFFE000  }
0x8b: {  	[spmem:s12] =	stream.indirect.scatter.add.f32 [tilespmem:s10], [sflag:$0x3], $0x80, s7, s29, $0xb8;
	[tilespmem:$0x1F780] =	vst v63  }
0x8c: {  	_ =	swait.ge [sflag:s31], $0x2000  }
0x8d: {  	[sflag:s31] =	ssyncset.done $0x0  }
0x8e: {  	[sflag:s31] =	ssyncadd.s32 $0xFFFFE000  }
0x8f: {  	_ =	swait.ge [sflag:s30], $0x2000  }
0x90: {  	[sflag:s30] =	ssyncset.done $0x0  }
0x91: {  	[sflag:s30] =	ssyncadd.s32 $0xFFFFE000  }
0x92: {  	[bflag:$0x0] =	sbarrier.arrive $0xFFFF  }
0x93: {  	[tilespmem:s0], [sflag:$0x3] =	stream.linear.gather [spmem:s17], $0x2000, $0x38;
	[tilespmem:$0x1F780] =	vst v63  }
0x94: {  	_ =	swait.ge [sflag:s31], $0x2000  }
0x95: {  	[sflag:s31] =	ssyncset.done $0x0  }
0x96: {  	s8 =	rddreg [dreg:$0x3];
	[sflag:s31] =	ssyncadd.s32 $0xFFFFE000  }
0x97: {  	[hbm4b:s8+s1] =	stream.linear.scatter [tilespmem:s0], [sflag:$0x3], $0x2000, $0x38;
	[tilespmem:$0x1F780] =	vst v63  }
0x98: {  	_ =	swait.ge [sflag:s31], $0x2000  }
0x99: {  	[sflag:s31] =	ssyncset.done $0x0  }
0x9a: {  	[sflag:s31] =	ssyncadd.s32 $0xFFFFE000  }
0x9b: {  	[tilespmem:s0], [sflag:$0x3] =	stream.linear.gather [spmem:s18], $0x2000, $0x38;
	[tilespmem:$0x1F780] =	vst v63  }
0x9c: {  	_ =	swait.ge [sflag:s31], $0x2000  }
0x9d: {  	[sflag:s31] =	ssyncset.done $0x0  }
0x9e: {  	s6 =	rddreg [dreg:$0x4];
	[sflag:s31] =	ssyncadd.s32 $0xFFFFE000  }
0x9f: {  	[hbm4b:s6+s1] =	stream.linear.scatter [tilespmem:s0], [sflag:$0x3], $0x2000, $0x38;
	[tilespmem:$0x1F780] =	vst v63  }
0xa0: {  	_ =	swait.ge [sflag:s31], $0x2000  }
0xa1: {  	[sflag:s31] =	ssyncset.done $0x0  }
0xa2: {  	[sflag:s31] =	ssyncadd.s32 $0xFFFFE000  }
0xa3: {  	[tilespmem:s0], [sflag:$0x3] =	stream.linear.gather [spmem:s19], $0x2000, $0x38;
	[tilespmem:$0x1F780] =	vst v63  }
0xa4: {  	_ =	swait.ge [sflag:s31], $0x2000  }
0xa5: {  	[sflag:s31] =	ssyncset.done $0x0  }
0xa6: {  	s7 =	rddreg [dreg:$0x5];
	[sflag:s31] =	ssyncadd.s32 $0xFFFFE000  }
0xa7: {  	[hbm4b:s7+s1] =	stream.linear.scatter [tilespmem:s0], [sflag:$0x3], $0x2000, $0x38;
	[tilespmem:$0x1F780] =	vst v63  }
0xa8: {  	_ =	swait.ge [sflag:s31], $0x2000  }
0xa9: {  	[sflag:s31] =	ssyncset.done $0x0  }
0xaa: {  	[sflag:s31] =	ssyncadd.s32 $0xFFFFE000  }
0xab: {  	[tilespmem:s0], [sflag:$0x3] =	stream.linear.gather [spmem:s20], $0x2000, $0x38;
	[tilespmem:$0x1F780] =	vst v63  }
0xac: {  	_ =	swait.ge [sflag:s31], $0x2000  }
0xad: {  	[sflag:s31] =	ssyncset.done $0x0  }
0xae: {  	s8 =	rddreg [dreg:$0x6];
	[sflag:s31] =	ssyncadd.s32 $0xFFFFE000  }
0xaf: {  	[hbm4b:s8+s1] =	stream.linear.scatter [tilespmem:s0], [sflag:$0x3], $0x2000, $0x38;
	[tilespmem:$0x1F780] =	vst v63  }
0xb0: {  	_ =	swait.ge [sflag:s31], $0x2000  }
0xb1: {  	[sflag:s31] =	ssyncset.done $0x0  }
0xb2: {  	[sflag:s31] =	ssyncadd.s32 $0xFFFFE000  }
0xb3: {  	[tilespmem:s0], [sflag:$0x3] =	stream.linear.gather [spmem:s21], $0x2000, $0x38;
	[tilespmem:$0x1F780] =	vst v63  }
0xb4: {  	_ =	swait.ge [sflag:s31], $0x2000  }
0xb5: {  	[sflag:s31] =	ssyncset.done $0x0  }
0xb6: {  	s6 =	rddreg [dreg:$0x7];
	[sflag:s31] =	ssyncadd.s32 $0xFFFFE000  }
0xb7: {  	[hbm4b:s6+s1] =	stream.linear.scatter [tilespmem:s0], [sflag:$0x3], $0x2000, $0x38;
	[tilespmem:$0x1F780] =	vst v63  }
0xb8: {  	_ =	swait.ge [sflag:s31], $0x2000  }
0xb9: {  	[sflag:s31] =	ssyncset.done $0x0  }
0xba: {  	[sflag:s31] =	ssyncadd.s32 $0xFFFFE000  }
0xbb: {  	[tilespmem:s0], [sflag:$0x3] =	stream.linear.gather [spmem:s22], $0x2000, $0x38;
	[tilespmem:$0x1F780] =	vst v63  }
0xbc: {  	_ =	swait.ge [sflag:s31], $0x2000  }
0xbd: {  	[sflag:s31] =	ssyncset.done $0x0  }
0xbe: {  	s7 =	rddreg [dreg:$0x8];
	[sflag:s31] =	ssyncadd.s32 $0xFFFFE000  }
0xbf: {  	[hbm4b:s7+s1] =	stream.linear.scatter [tilespmem:s0], [sflag:$0x3], $0x2000, $0x38;
	[tilespmem:$0x1F780] =	vst v63  }
0xc0: {  	_ =	swait.ge [sflag:s31], $0x2000  }
0xc1: {  	[sflag:s31] =	ssyncset.done $0x0  }
0xc2: {  	[sflag:s31] =	ssyncadd.s32 $0xFFFFE000  }
0xc3: {  	[tilespmem:s0], [sflag:$0x3] =	stream.linear.gather [spmem:s23], $0x2000, $0x38;
	[tilespmem:$0x1F780] =	vst v63  }
0xc4: {  	_ =	swait.ge [sflag:s31], $0x2000  }
0xc5: {  	[sflag:s31] =	ssyncset.done $0x0  }
0xc6: {  	s8 =	rddreg [dreg:$0x9];
	[sflag:s31] =	ssyncadd.s32 $0xFFFFE000  }
0xc7: {  	[hbm4b:s8+s1] =	stream.linear.scatter [tilespmem:s0], [sflag:$0x3], $0x2000, $0x38;
	[tilespmem:$0x1F780] =	vst v63  }
0xc8: {  	_ =	swait.ge [sflag:s31], $0x2000  }
0xc9: {  	[sflag:s31] =	ssyncset.done $0x0  }
0xca: {  	[sflag:s31] =	ssyncadd.s32 $0xFFFFE000  }
0xcb: {  	[tilespmem:s0], [sflag:$0x3] =	stream.linear.gather [spmem:s24], $0x2000, $0x38;
	[tilespmem:$0x1F780] =	vst v63  }
0xcc: {  	_ =	swait.ge [sflag:s31], $0x2000  }
0xcd: {  	[sflag:s31] =	ssyncset.done $0x0  }
0xce: {  	[sflag:s31] =	ssyncadd.s32 $0xFFFFE000  }
0xcf: {  	[hbm4b:s9+s1] =	stream.linear.scatter [tilespmem:s0], [sflag:$0x3], $0x2000, $0x38;
	[tilespmem:$0x1F780] =	vst v63  }
0xd0: {  	_ =	swait.ge [sflag:s31], $0x2000  }
0xd1: {  	[sflag:s31] =	ssyncset.done $0x0  }
0xd2: {  	[sflag:s31] =	ssyncadd.s32 $0xFFFFE000  }
0xd3: {  	[tilespmem:s0], [sflag:$0x3] =	stream.linear.gather [spmem:s25], $0x2000, $0x38;
	[tilespmem:$0x1F780] =	vst v63  }
0xd4: {  	_ =	swait.ge [sflag:s31], $0x2000  }
0xd5: {  	[sflag:s31] =	ssyncset.done $0x0  }
0xd6: {  	[sflag:s31] =	ssyncadd.s32 $0xFFFFE000  }
0xd7: {  	[hbm4b:s11+s1] =	stream.linear.scatter [tilespmem:s0], [sflag:$0x3], $0x2000, $0x38;
	[tilespmem:$0x1F780] =	vst v63  }
0xd8: {  	_ =	swait.ge [sflag:s31], $0x2000  }
0xd9: {  	[sflag:s31] =	ssyncset.done $0x0  }
0xda: {  	[sflag:s31] =	ssyncadd.s32 $0xFFFFE000  }
0xdb: {  	[tilespmem:s0], [sflag:$0x3] =	stream.linear.gather [spmem:s26], $0x2000, $0x38;
	[tilespmem:$0x1F780] =	vst v63  }
0xdc: {  	s4 =	sadd.s32 $0x1, s4;
	_ =	swait.ge [sflag:s31], $0x2000  }
0xdd: {  	p0 =	sne.s32 s4, s28;
	[sflag:s31] =	ssyncset.done $0x0  }
.Ltmp2:
0xde: {  	[sflag:s31] =	ssyncadd.s32 $0xFFFFE000;
	(pc) =	sbr.rel @p0 .LBB2_1-.Ltmp2, $4  }
0xdf: {  	[hbm4b:s13+s1] =	stream.linear.scatter [tilespmem:s0], [sflag:$0x3], $0x2000, $0x38;
	[tilespmem:$0x1F780] =	vst v63  }
0xe0: {  	_ =	swait.ge [sflag:s31], $0x2000  }
0xe1: {  	[sflag:s31] =	ssyncset.done $0x0  }
0xe2: {  	[sflag:s31] =	ssyncadd.s32 $0xFFFFE000  }
0xe3: {  	_ =	sfence.sel $0x180000  }
0xe4: {  	[bflag:$0x0] =	sbarrier.arrive $0xFFFF  }
0xe5: {  	_ =	strace $0x9000004A  }
0xe6: {  	s0 =	stileid.u32;
	[bflag:$0x2] =	sbarrier.arrive $0xFFFF  }
0xe7: {  	p0 =	sne.s32 s0, $0x0;
	s0 =	rddreg [dreg:$0x2]  }
0xe8: {  	s0 =	sadd.s32 @!p0 $0x100000, s0  }
0xe9: {  	[sflag:s0] =	ssyncadd.tile.s32 @!p0 $0x1;
	_ =	shalt  }
.Lfunc_end2:
_tile_overlayer_lowered:
.L_overlay_start_2:
0xea: {  	(tag) =	ssettag $0x2  }
0xeb: {  	s0 =	rddreg [dreg:$0x0];
	s2 =	stileid.u32  }
0xec: {  	s1 =	rddreg [dreg:$0x1];
	p0 =	sne.s32 s2, $0x0  }
0xed: {  	s3 =	rddreg [dreg:$0x2];
	[bflag:$0x3] =	sbarrier.arrive $0xFFFF;
	s2 =	simm.s32 @!p0 $0x1C03  }
0xee: {  	[timem:s3], [sflag:s2] =	dma.local @!p0 [hbm:s0], s1  }
0xef: {  	s0 =	simm.s32 @!p0 $0x3  }
0xf0: {  	_ =	swait.ge @!p0 [sflag:s0], s1  }
0xf1: {  	s1 =	ssub.s32 @!p0 $0x0, s1;
	[sflag:s0] =	ssyncset.done @!p0 $0x0  }
0xf2: {  	[sflag:s0] =	ssyncadd.s32 @!p0 s1  }
0xf3: {  	[bflag:$0x3] =	sbarrier.arrive $0xFFFF  }
0xf4: {  	_ =	shalt  }

// kernel: kernel.23.cloned.1.call-start
scs
__scs_entry_jumppad:
0x0: {  	(pc) =	sbr.rel $0x88, $3  }
0x1: {  	(tag) =	ssettag $0x0;
	lr =	simm.s32 $0x1  }
0x2: {  	[smem:$0x3F94] =	sst lr;
	_ =	strace $0xD0000000  }
0x3: {  	_ = 	snop  }
0x4: {  	_ = 	snop  }
0x5: {  	_ = 	snop  }
0x6: {  	_ = 	snop  }
0x7: {  	_ = 	snop  }
__scs_overlays_trampoline_lowered:
0x8: {  	[smem:$0x3FA3] =	sst s0  }
0x9: {  	[smem:$0x3FA4] =	sst s1  }
0xa: {  	[smem:$0x3FA5] =	sst s2  }
0xb: {  	[smem:$0x3FA6] =	sst s3  }
0xc: {  	[smem:$0x3FA7] =	sst s4  }
0xd: {  	[smem:$0x3FA8] =	sst s5  }
0xe: {  	[smem:$0x3FA9] =	sst s6  }
0xf: {  	[smem:$0x3FAA] =	sst s7  }
0x10: {  	[smem:$0x3FAB] =	sst s8  }
0x11: {  	[smem:$0x3FAC] =	sst s9;
	s0 =	simm.s32 @!p0 $0x0  }
0x12: {  	s1 =	sld [smem:$0x3F92];
	s0 =	simm.s32 @p0 $0x1  }
0x13: {  	[smem:$0x3FAD] =	sst s0;
	s0 =	simm.s32 @!p1 $0x0  }
0x14: {  	s2 =	sld [smem:$0x3F91];
	s0 =	simm.s32 @p1 $0x1  }
0x15: {  	[smem:$0x3FAE] =	sst s0;
	s0 =	simm.s32 @!p2 $0x0  }
0x16: {  	s3 =	sld [smem:$0x3FDB];
	s0 =	simm.s32 @p2 $0x1  }
0x17: {  	s4 =	simm.s32 $0x1BF5;
	[smem:$0x3FB0] =	sst s0  }
0x18: {  	s0 =	sld [smem:$0x3F93];
	_ =	swait.ge [sflag:s4], $0x0  }
0x19: {  	s7 =	sld [smem:$0x3F94]  }
0x1a: {  	s8 =	sadd.s32 $0xFFFFE003, lr  }
0x1b: {  	s9 =	sadd.s32 $0xFFFFFEF7, lr;
	s5 =	simm.s32 $0xFFFFFFFF;
	p2 =	slt.u32 s8, $0xFFFFF086  }
0x1c: {  	p1 =	slt.u32 s9, $0xF7A;
	s5 =	simm.s32 @!p2 $0x0  }
0x1d: {  	s5 =	simm.s32 @p1 $0x1;
	p0 =	seq.s32 s7, s2  }
0x1e: {  	s7 =	smul.u32 @!p0 $0xF7A, s2;
	p2 =	seq.s32 @!p0 s5, $0x0  }
0x1f: {  	s9 =	smul.u32 $0xF7A, s1;
	s8 =	simm.s32 @!p0 $0x1BF5;
	p2 =	por !p2, p0  }
0x20: {  	[sflag:s8] =	ssyncset.s32 @!p0 $0xFFFFF086;
	s6 =	sadd.s32 @!p0 s3, s7;
	s7 =	simm.s32 @!p0 $0x108  }
0x21: {  	s3 =	sadd.s32 s3, s9;
	s6 =	sadd.s32 @!p0 $0x88, s6;
	s7 =	simm.s32 @p2 $0x1082  }
0x22: {  	[simem:s7], [sflag:s8] =	dma.local @!p0 [hbm:s6], $0xF7A  }
0x23: {  	s9 =	sor.u32 $0xD0000000, s2;
	s6 =	simm.s32 $0x108;
	_ =	swait.ge @!p0 [sflag:s8], $0x0  }
0x24: {  	s3 =	sadd.s32 $0x88, s3;
	s6 =	simm.s32 @!p1 $0x1082;
	[sflag:s4] =	ssyncset.s32 $0xFFFFF086  }
0x25: {  	[simem:s6], [sflag:s4] =	dma.local [hbm:s3], $0xF7A  }
0x26: {  	[smem:$0x3F94] =	sst s1;
	(tag) =	ssettag s2;
	_ =	strace s9  }
0x27: {  	s1 =	sld [smem:$0x3FA4]  }
0x28: {  	s2 =	sld [smem:$0x3FA5]  }
0x29: {  	s4 =	sld [smem:$0x3FA7]  }
0x2a: {  	p0 =	seq.s32 s5, $0x0;
	s5 =	sld [smem:$0x3FA8]  }
0x2b: {  	s6 =	sld [smem:$0x3FA9]  }
0x2c: {  	s7 =	sld [smem:$0x3FAA]  }
0x2d: {  	s3 =	simm.s32 $0x108;
	s8 =	sld [smem:$0x3FAB]  }
0x2e: {  	s3 =	simm.s32 @!p0 $0x1082;
	s9 =	sld [smem:$0x3FAC]  }
0x2f: {  	lr =	sadd.s32 s0, s3;
	s0 =	sld [smem:$0x3FA3]  }
0x30: {  	s3 =	sld [smem:$0x3FA6]  }
0x31: {  	[smem:$0x3FAF] =	sst s10  }
0x32: {  	s10 =	sld [smem:$0x3FAD];
	_ =	sdelay $0x3  }
0x33: {  	p0 =	seq.s32 s10, $0x1;
	s10 =	sld [smem:$0x3FAF];
	_ =	sdelay $0x3  }
0x34: {  	[smem:$0x3FAF] =	sst s10  }
0x35: {  	s10 =	sld [smem:$0x3FAE];
	_ =	sdelay $0x3  }
0x36: {  	p1 =	seq.s32 s10, $0x1;
	s10 =	sld [smem:$0x3FAF];
	_ =	sdelay $0x3  }
0x37: {  	[smem:$0x3FAF] =	sst s10  }
0x38: {  	s10 =	sld [smem:$0x3FB0]  }
0x39: {  	_ = 	snop;
	(pc) =	sbr.ind lr, $3  }
0x3a: {  	_ = 	snop  }
0x3b: {  	_ = 	snop  }
0x3c: {  	p2 =	seq.s32 s10, $0x1;
	s10 =	sld [smem:$0x3FAF]  }
0x3d: {  	_ =	shalt  }
0x3e: {  	_ =	shalt  }
0x3f: {  	_ =	shalt  }
0x40: {  	_ =	shalt  }
0x41: {  	_ =	shalt  }
0x42: {  	_ =	shalt  }
0x43: {  	_ =	shalt  }
0x44: {  	_ =	shalt  }
0x45: {  	_ =	shalt  }
0x46: {  	_ =	shalt  }
0x47: {  	_ =	shalt  }
0x48: {  	_ =	shalt  }
0x49: {  	_ =	shalt  }
0x4a: {  	_ =	shalt  }
0x4b: {  	_ =	shalt  }
0x4c: {  	_ =	shalt  }
0x4d: {  	_ =	shalt  }
0x4e: {  	_ =	shalt  }
0x4f: {  	_ =	shalt  }
0x50: {  	_ =	shalt  }
0x51: {  	_ =	shalt  }
0x52: {  	_ =	shalt  }
0x53: {  	_ =	shalt  }
0x54: {  	_ =	shalt  }
0x55: {  	_ =	shalt  }
0x56: {  	_ =	shalt  }
0x57: {  	_ =	shalt  }
0x58: {  	_ =	shalt  }
0x59: {  	_ =	shalt  }
0x5a: {  	_ =	shalt  }
0x5b: {  	_ =	shalt  }
0x5c: {  	_ =	shalt  }
0x5d: {  	_ =	shalt  }
0x5e: {  	_ =	shalt  }
0x5f: {  	_ =	shalt  }
0x60: {  	_ =	shalt  }
0x61: {  	_ =	shalt  }
0x62: {  	_ =	shalt  }
0x63: {  	_ =	shalt  }
0x64: {  	_ =	shalt  }
0x65: {  	_ =	shalt  }
0x66: {  	_ =	shalt  }
0x67: {  	_ =	shalt  }
0x68: {  	_ =	shalt  }
0x69: {  	_ =	shalt  }
0x6a: {  	_ =	shalt  }
0x6b: {  	_ =	shalt  }
0x6c: {  	_ =	shalt  }
0x6d: {  	_ =	shalt  }
0x6e: {  	_ =	shalt  }
0x6f: {  	_ =	shalt  }
0x70: {  	_ =	shalt  }
0x71: {  	_ =	shalt  }
0x72: {  	_ =	shalt  }
0x73: {  	_ =	shalt  }
0x74: {  	_ =	shalt  }
0x75: {  	_ =	shalt  }
0x76: {  	_ =	shalt  }
0x77: {  	_ =	shalt  }
0x78: {  	_ =	shalt  }
0x79: {  	_ =	shalt  }
0x7a: {  	_ =	shalt  }
0x7b: {  	_ =	shalt  }
0x7c: {  	_ =	shalt  }
0x7d: {  	_ =	shalt  }
0x7e: {  	_ =	shalt  }
0x7f: {  	_ =	shalt  }
0x80: {  	_ =	shalt  }
0x81: {  	_ =	shalt  }
0x82: {  	_ =	shalt  }
0x83: {  	_ =	shalt  }
0x84: {  	_ =	shalt  }
0x85: {  	_ =	shalt  }
0x86: {  	_ =	shalt  }
0x87: {  	_ =	shalt  }
.Lfunc_end0:
.L_simem_size_0:
called_computation.2_lowered:
.L_overlay_start_0:
0x88: {  	s2 =	sld [smem:$0x3FD9]  }
0x89: {  	s3 =	sld [smem:$0x3FFE];
	_ =	sdelay $0x1  }
0x8a: {  	s1 =	srdreg.scid  }
0x8b: {  	s0 =	sand.u32 $0x1, s1  }
0x8c: {  	s16 =	sshll.u32 s0, $0xA;
	s2 =	sadd.s32 s3, s2  }
0x8d: {  	s2 =	sadd.s32 s2, s16  }
0x8e: {  	[smem:$0x3FBB] =	sst s2  }
0x8f: {  	_ = 	snop  }
0x90: {  	(tm) =	ssettm $0x1  }
0x91: {  	s17 =	sld [smem:$0x3FFB];
	_ =	sdelay $0x3  }
0x92: {  	_ =	strace s17  }
0x93: {  	s2 =	sld [smem:$0x3FFC];
	_ =	sdelay $0x3  }
0x94: {  	_ =	strace s2  }
0x95: {  	s2 =	sld [smem:$0x3FFD];
	_ =	sdelay $0x3  }
0x96: {  	_ =	strace s2  }
0x97: {  	_ =	strace $0x8FFFFFFF  }
0x98: {  	s18 =	sld [smem:$0x3FDB];
	_ =	sdelay $0x1  }
0x99: {  	s19 =	simm.s32 $_scs_section_size  }
0x9a: {  	s4 =	simm.s32 $_size__tile_overlayer_lowered;
	s5 =	simm.s32 $_tile_overlayer_lowered  }
0x9b: {  	s22 =	simm.s32 $0x1BFF;
	s21 =	sshll.u32 s5, $0x1;
	s2 =	sadd.s32 s19, s18  }
0x9c: {  	s6 =	simm.s32 $0x0;
	s20 =	sshll.u32 s4, $0x1;
	s4 =	sadd.s32 s21, s2  }
0x9d: {  	[timem:s6], [sflag:s22] =	dma.local [hbm:s4], s20  }
0x9e: {  	_ =	swait.ge [sflag:s22], s20  }
0x9f: {  	s3 =	ssub.s32 $0x0, s20;
	[sflag:s22] =	ssyncset.done $0x0  }
0xa0: {  	[sflag:s22] =	ssyncadd.s32 s3;
	_ =	sdelay $0x1  }
0xa1: {  	s23 =	simm.s32 $0x1B8B  }
0xa2: {  	_ =	swait.ge [sflag:s23], $0x1  }
0xa3: {  	[sflag:s23] =	ssyncset.done $0x0  }
0xa4: {  	s25 =	simm.s32 $0x1B8E;
	s24 =	sld [smem:$0x3FFE];
	[sflag:s23] =	ssyncadd.s32 $0xFFFFFFFF  }
0xa5: {  	s26 =	simm.s32 $execute0_lowered;
	[smem:$0x3FD2] =	sst s25  }
0xa6: {  	s4 =	sshll.u32 s26, $0x1;
	_ =	strace $0x8000004C;
	[dreg:$0x1] =	wrdreg $0xFFFFFFFF  }
0xa7: {  	s28 =	simm.s32 $_size_execute0_lowered;
	s2 =	sadd.s32 s2, s4;
	[dreg:$0x0] =	wrdreg $0x0  }
0xa8: {  	s4 =	sshll.u32 s28, $0x1;
	[dreg:$0x2] =	wrdreg s2  }
0xa9: {  	[dreg:$0x3] =	wrdreg s4  }
0xaa: {  	[dreg:$0x4] =	wrdreg $0xC0  }
0xab: {  	_ =	task [dreg:s6], $0x5FFFF  }
0xac: {  	[dreg:$0x1] =	wrdreg $0xFFFFFFFF  }
0xad: {  	[dreg:$0x0] =	wrdreg $0x60  }
0xae: {  	[dreg:$0x2] =	wrdreg s24  }
0xaf: {  	[dreg:$0x3] =	wrdreg $0x9  }
0xb0: {  	_ =	task.clear_ibuf [dreg:s6], $0x4FFFF;
	_ =	strace $0x9000004C  }
0xb1: {  	s29 =	simm.s32 $0x9;
	_ =	strace $0x8000004E  }
0xb2: {  	_ =	swait.ge [sflag:s29], $0x1  }
0xb3: {  	[sflag:s29] =	ssyncadd.s32 $0xFFFFFFFF  }
0xb4: {  	_ =	strace $0x9000004E  }
0xb5: {  	_ =	sfence  }
0xb6: {  	s30 =	sld [smem:$0x0];
	_ =	sdelay $0x2  }
0xb7: {  	s31 =	sshll.u32 s1, $0xD;
	s1 =	sshrl.u32 s1, $0x2  }
0xb8: {  	s3 =	sand.u32 $0x4000, s31;
	s1 =	sadd.s32 s1, s30  }
0xb9: {  	s0 =	sor.u32 s3, s0;
	s1 =	sshll.u32 s1, $0x11  }
0xba: {  	s0 =	sor.u32 s1, s0  }
0xbb: {  	s0 =	sadd.s32 $0x8F2B, s0  }
0xbc: {  	[sflag:s0] =	ssyncadd.remote.s32 $0x1  }
0xbd: {  	_ =	sfence.sel $0xFFFF  }
0xbe: {  	[dreg:$0x0] =	wrdreg $0xFFFFFFFF;
	(pc) =	sbr.abs _section_cstart, $3  }
0xbf: {  	[dreg:$0x1] =	wrdreg $0xFFFFFFFF  }
0xc0: {  	_ =	task.clear_ibuf [dreg:s6], $0x2FFFF;
	_ =	strace $0x9FFFFFFF  }
0xc1: {  	(tm) =	ssettm $0x7FFFFFFF  }
tec
execute0_lowered:
.L_overlay_start_1:
0x0: {  	(tag) =	ssettag $0x1  }
0x1: {  	s4 =	rddreg [dreg:$0x0]  }
0x2: {  	s0 =	rddreg [dreg:$0x1];
	s2 =	simm.s32 $0x0  }
0x3: {  	s1 =	stileid.u32;
	s3 =	srdreg.scid;
	s10 =	simm.s32 $0x400  }
0x4: {  	s11 =	simm.s32 $0x2800;
	s12 =	simm.s32 $0x4F80;
	s13 =	simm.s32 $0x7700  }
0x5: {  	s14 =	simm.s32 $0x0;
	[smem:$0x7FF] =	sst s2;
	s5 =	sshrl.u32 s1, $0x2  }
0x6: {  	s6 =	sand.u32 $0x1, s3;
	s29 =	sshll.u32 s1, $0x8;
	s7 =	smul.u32 $0x13C00, s5  }
0x7: {  	s8 =	sshll.u32 s6, $0x7;
	s3 =	sand.u32 $0x300, s29;
	s5 =	smul.u32 $0x14000, s5  }
0x8: {  	_ =	strace $0x8000004D;
	s6 =	ssub.s32 $0x2, s6;
	s8 =	sor.u32 s8, s3  }
0x9: {  	s3 =	sadd.s32 $0x7200, s4;
	s31 =	sshrl.u32 s6, $0x1;
	s7 =	sor.u32 s7, s8  }
0xa: {  	s5 =	sor.u32 s5, s8;
	s9 =	ssub.s32 s6, s31;
	s7 =	sshrl.u32 s7, $0x3  }
0xb: {  	s8 =	simm.s32 $0x1;
	s5 =	sshrl.u32 s5, $0x3;
	s7 =	sadd.s32 s7, s4  }
0xc: {  	s30 =	sadd.s32 s5, s4;
	s4 =	sadd.s32 $0x7800, s7;
	s5 =	sadd.s32 $0x11600, s7  }
0xd: {  	v0 =	vimm.f32 $0.0e+00;
	s6 =	sadd.s32 $0x1B400, s30;
	s7 =	smax.u32 s9, $0x1;
	s9 =	simm.s32 $0x80  }
.LBB2_1:
0xe: {  	[tilespmem:s2], [sflag:$0x1] =	stream.linear.gather [hbm4b:s3+s2], $0x2800, $0x38;
	[tilespmem:$0x9F00] =	vst v63  }
0xf: {  	_ =	swait.ge [sflag:s8], $0x2800  }
0x10: {  	[sflag:s8] =	ssyncset.done $0x0  }
0x11: {  	[sflag:s8] =	ssyncadd.s32 $0xFFFFD800  }
0x12: {  	[tilespmem:s11], [sflag:$0x1] =	stream.strided.gather [hbm4b:s4+s9], $0x2780, s10, s9, $0x38;
	[tilespmem:$0x9F00] =	vst v63  }
0x13: {  	_ =	swait.ge [sflag:s8], $0x2780  }
0x14: {  	[sflag:s8] =	ssyncset.done $0x0  }
0x15: {  	[sflag:s8] =	ssyncadd.s32 $0xFFFFD880  }
0x16: {  	[tilespmem:s12], [sflag:$0x1] =	stream.strided.gather [hbm4b:s5+s9], $0x2780, s10, s9, $0x38;
	[tilespmem:$0x9F00] =	vst v63  }
0x17: {  	_ =	swait.ge [sflag:s8], $0x2780  }
0x18: {  	[sflag:s8] =	ssyncset.done $0x0  }
0x19: {  	s15 =	simm.s32 $0x0;
	[sflag:s8] =	ssyncadd.s32 $0xFFFFD880  }
.LBB2_2:
0x1a: {  	p0 =	sne.s32 s15, $0x9FC0  }
.Ltmp0:
0x1b: {  	_ = 	snop;
	(pc) =	sbr.rel @p0 .LBB2_2-.Ltmp0, $3  }
0x1c: {  	_ =	sdelay $0x1  }
0x1d: {  	s16 =	sshra.s32 s15, $0x2  }
0x1e: {  	s15 =	sadd.s32 $0x40, s15;
	[tilespmem:s16+$0x7700] =	vst v0  }
0x1f: {  	s16 =	simm.s32 $0x0;
	s15 =	simm.s32 $0x40  }
.LBB2_4:
0x20: {  	p0 =	sne.s32 s15, $0x9DC0;
	v1 =	vld [tilespmem:s16+$0x2800];
	_ =	sdelay $0x5  }
0x21: {  	v2 =	vld [tilespmem:s16+$0x4F80];
	_ =	sdelay $0x1  }
0x22: {  	v1 =	vld.idx.msk [tilespmem:v1+s2+$0x0], $0xffff;
	_ =	sdelay $0x1  }
.Ltmp1:
0x23: {  	(pc) =	sbr.rel @p0 .LBB2_4-.Ltmp1, $2  }
0x24: {  	_ =	sdelay $0x2  }
0x25: {  	s16 =	sshra.s32 s15, $0x2;
	s15 =	sadd.s32 $0x40, s15;
	[tilespmem:v2+s13+$0x0] =	vst.idx.add.f32.msk $0xffff, v1  }
0x26: {  	v1 =	vld [tilespmem:s16+$0x2800];
	_ =	sdelay $0x4  }
0x27: {  	v2 =	vld [tilespmem:s16+$0x4F80];
	_ =	sdelay $0x2  }
0x28: {  	v1 =	vld.idx.msk [tilespmem:v1+s2+$0x0], $0xffff;
	_ =	sdelay $0x2  }
0x29: {  	s14 =	sadd.s32 $0x1, s14  }
0x2a: {  	p0 =	sne.s32 s14, s7  }
.Ltmp2:
0x2b: {  	[tilespmem:v2+s13+$0x0] =	vst.idx.add.f32.msk $0xffff, v1;
	(pc) =	sbr.rel @p0 .LBB2_1-.Ltmp2, $4  }
0x2c: {  	[hbm4b:s6+s9] =	stream.strided.scatter [tilespmem:s13], [sflag:$0x1], $0x2800, s10, s9, $0x38;
	[tilespmem:$0x9F00] =	vst v63  }
0x2d: {  	_ =	swait.ge [sflag:s8], $0x2800  }
0x2e: {  	[sflag:s8] =	ssyncset.done $0x0  }
0x2f: {  	[sflag:s8] =	ssyncadd.s32 $0xFFFFD800  }
0x30: {  	_ =	sfence.sel $0x180000  }
0x31: {  	[bflag:$0x0] =	sbarrier.arrive $0xFFFF  }
0x32: {  	p0 =	sne.s32 s1, $0x0;
	_ =	strace $0x9000004D  }
0x33: {  	s0 =	sadd.s32 @!p0 $0x100000, s0;
	[bflag:$0x2] =	sbarrier.arrive $0xFFFF  }
0x34: {  	[sflag:s0] =	ssyncadd.tile.s32 @!p0 $0x1;
	_ =	shalt  }
.Lfunc_end2:
_tile_overlayer_lowered:
.L_overlay_start_2:
0x35: {  	(tag) =	ssettag $0x2  }
0x36: {  	s0 =	rddreg [dreg:$0x0];
	s2 =	stileid.u32  }
0x37: {  	s1 =	rddreg [dreg:$0x1];
	p0 =	sne.s32 s2, $0x0  }
0x38: {  	s3 =	rddreg [dreg:$0x2];
	[bflag:$0x3] =	sbarrier.arrive $0xFFFF;
	s2 =	simm.s32 @!p0 $0x1C01  }
0x39: {  	[timem:s3], [sflag:s2] =	dma.local @!p0 [hbm:s0], s1  }
0x3a: {  	s0 =	simm.s32 @!p0 $0x1  }
0x3b: {  	_ =	swait.ge @!p0 [sflag:s0], s1  }
0x3c: {  	s1 =	ssub.s32 @!p0 $0x0, s1;
	[sflag:s0] =	ssyncset.done @!p0 $0x0  }
0x3d: {  	[sflag:s0] =	ssyncadd.s32 @!p0 s1  }
0x3e: {  	[bflag:$0x3] =	sbarrier.arrive $0xFFFF  }
0x3f: {  	_ =	shalt  }

// kernel: kernel.26.cloned.1.call-start
scs
__scs_entry_jumppad:
0x0: {  	(pc) =	sbr.rel $0x88, $3  }
0x1: {  	(tag) =	ssettag $0x0;
	lr =	simm.s32 $0x1  }
0x2: {  	[smem:$0x3F94] =	sst lr;
	_ =	strace $0xD0000000  }
0x3: {  	_ = 	snop  }
0x4: {  	_ = 	snop  }
0x5: {  	_ = 	snop  }
0x6: {  	_ = 	snop  }
0x7: {  	_ = 	snop  }
__scs_overlays_trampoline_lowered:
0x8: {  	[smem:$0x3FA3] =	sst s0  }
0x9: {  	[smem:$0x3FA4] =	sst s1  }
0xa: {  	[smem:$0x3FA5] =	sst s2  }
0xb: {  	[smem:$0x3FA6] =	sst s3  }
0xc: {  	[smem:$0x3FA7] =	sst s4  }
0xd: {  	[smem:$0x3FA8] =	sst s5  }
0xe: {  	[smem:$0x3FA9] =	sst s6  }
0xf: {  	[smem:$0x3FAA] =	sst s7  }
0x10: {  	[smem:$0x3FAB] =	sst s8  }
0x11: {  	[smem:$0x3FAC] =	sst s9;
	s0 =	simm.s32 @!p0 $0x0  }
0x12: {  	s1 =	sld [smem:$0x3F92];
	s0 =	simm.s32 @p0 $0x1  }
0x13: {  	[smem:$0x3FAD] =	sst s0;
	s0 =	simm.s32 @!p1 $0x0  }
0x14: {  	s2 =	sld [smem:$0x3F91];
	s0 =	simm.s32 @p1 $0x1  }
0x15: {  	[smem:$0x3FAE] =	sst s0;
	s0 =	simm.s32 @!p2 $0x0  }
0x16: {  	s3 =	sld [smem:$0x3FDB];
	s0 =	simm.s32 @p2 $0x1  }
0x17: {  	s4 =	simm.s32 $0x1BF5;
	[smem:$0x3FB0] =	sst s0  }
0x18: {  	s0 =	sld [smem:$0x3F93];
	_ =	swait.ge [sflag:s4], $0x0  }
0x19: {  	s7 =	sld [smem:$0x3F94]  }
0x1a: {  	s8 =	sadd.s32 $0xFFFFE003, lr  }
0x1b: {  	s9 =	sadd.s32 $0xFFFFFEF7, lr;
	s5 =	simm.s32 $0xFFFFFFFF;
	p2 =	slt.u32 s8, $0xFFFFF086  }
0x1c: {  	p1 =	slt.u32 s9, $0xF7A;
	s5 =	simm.s32 @!p2 $0x0  }
0x1d: {  	s5 =	simm.s32 @p1 $0x1;
	p0 =	seq.s32 s7, s2  }
0x1e: {  	s7 =	smul.u32 @!p0 $0xF7A, s2;
	p2 =	seq.s32 @!p0 s5, $0x0  }
0x1f: {  	s9 =	smul.u32 $0xF7A, s1;
	s8 =	simm.s32 @!p0 $0x1BF5;
	p2 =	por !p2, p0  }
0x20: {  	[sflag:s8] =	ssyncset.s32 @!p0 $0xFFFFF086;
	s6 =	sadd.s32 @!p0 s3, s7;
	s7 =	simm.s32 @!p0 $0x108  }
0x21: {  	s3 =	sadd.s32 s3, s9;
	s6 =	sadd.s32 @!p0 $0x88, s6;
	s7 =	simm.s32 @p2 $0x1082  }
0x22: {  	[simem:s7], [sflag:s8] =	dma.local @!p0 [hbm:s6], $0xF7A  }
0x23: {  	s9 =	sor.u32 $0xD0000000, s2;
	s6 =	simm.s32 $0x108;
	_ =	swait.ge @!p0 [sflag:s8], $0x0  }
0x24: {  	s3 =	sadd.s32 $0x88, s3;
	s6 =	simm.s32 @!p1 $0x1082;
	[sflag:s4] =	ssyncset.s32 $0xFFFFF086  }
0x25: {  	[simem:s6], [sflag:s4] =	dma.local [hbm:s3], $0xF7A  }
0x26: {  	[smem:$0x3F94] =	sst s1;
	(tag) =	ssettag s2;
	_ =	strace s9  }
0x27: {  	s1 =	sld [smem:$0x3FA4]  }
0x28: {  	s2 =	sld [smem:$0x3FA5]  }
0x29: {  	s4 =	sld [smem:$0x3FA7]  }
0x2a: {  	p0 =	seq.s32 s5, $0x0;
	s5 =	sld [smem:$0x3FA8]  }
0x2b: {  	s6 =	sld [smem:$0x3FA9]  }
0x2c: {  	s7 =	sld [smem:$0x3FAA]  }
0x2d: {  	s3 =	simm.s32 $0x108;
	s8 =	sld [smem:$0x3FAB]  }
0x2e: {  	s3 =	simm.s32 @!p0 $0x1082;
	s9 =	sld [smem:$0x3FAC]  }
0x2f: {  	lr =	sadd.s32 s0, s3;
	s0 =	sld [smem:$0x3FA3]  }
0x30: {  	s3 =	sld [smem:$0x3FA6]  }
0x31: {  	[smem:$0x3FAF] =	sst s10  }
0x32: {  	s10 =	sld [smem:$0x3FAD];
	_ =	sdelay $0x3  }
0x33: {  	p0 =	seq.s32 s10, $0x1;
	s10 =	sld [smem:$0x3FAF];
	_ =	sdelay $0x3  }
0x34: {  	[smem:$0x3FAF] =	sst s10  }
0x35: {  	s10 =	sld [smem:$0x3FAE];
	_ =	sdelay $0x3  }
0x36: {  	p1 =	seq.s32 s10, $0x1;
	s10 =	sld [smem:$0x3FAF];
	_ =	sdelay $0x3  }
0x37: {  	[smem:$0x3FAF] =	sst s10  }
0x38: {  	s10 =	sld [smem:$0x3FB0]  }
0x39: {  	_ = 	snop;
	(pc) =	sbr.ind lr, $3  }
0x3a: {  	_ = 	snop  }
0x3b: {  	_ = 	snop  }
0x3c: {  	p2 =	seq.s32 s10, $0x1;
	s10 =	sld [smem:$0x3FAF]  }
0x3d: {  	_ =	shalt  }
0x3e: {  	_ =	shalt  }
0x3f: {  	_ =	shalt  }
0x40: {  	_ =	shalt  }
0x41: {  	_ =	shalt  }
0x42: {  	_ =	shalt  }
0x43: {  	_ =	shalt  }
0x44: {  	_ =	shalt  }
0x45: {  	_ =	shalt  }
0x46: {  	_ =	shalt  }
0x47: {  	_ =	shalt  }
0x48: {  	_ =	shalt  }
0x49: {  	_ =	shalt  }
0x4a: {  	_ =	shalt  }
0x4b: {  	_ =	shalt  }
0x4c: {  	_ =	shalt  }
0x4d: {  	_ =	shalt  }
0x4e: {  	_ =	shalt  }
0x4f: {  	_ =	shalt  }
0x50: {  	_ =	shalt  }
0x51: {  	_ =	shalt  }
0x52: {  	_ =	shalt  }
0x53: {  	_ =	shalt  }
0x54: {  	_ =	shalt  }
0x55: {  	_ =	shalt  }
0x56: {  	_ =	shalt  }
0x57: {  	_ =	shalt  }
0x58: {  	_ =	shalt  }
0x59: {  	_ =	shalt  }
0x5a: {  	_ =	shalt  }
0x5b: {  	_ =	shalt  }
0x5c: {  	_ =	shalt  }
0x5d: {  	_ =	shalt  }
0x5e: {  	_ =	shalt  }
0x5f: {  	_ =	shalt  }
0x60: {  	_ =	shalt  }
0x61: {  	_ =	shalt  }
0x62: {  	_ =	shalt  }
0x63: {  	_ =	shalt  }
0x64: {  	_ =	shalt  }
0x65: {  	_ =	shalt  }
0x66: {  	_ =	shalt  }
0x67: {  	_ =	shalt  }
0x68: {  	_ =	shalt  }
0x69: {  	_ =	shalt  }
0x6a: {  	_ =	shalt  }
0x6b: {  	_ =	shalt  }
0x6c: {  	_ =	shalt  }
0x6d: {  	_ =	shalt  }
0x6e: {  	_ =	shalt  }
0x6f: {  	_ =	shalt  }
0x70: {  	_ =	shalt  }
0x71: {  	_ =	shalt  }
0x72: {  	_ =	shalt  }
0x73: {  	_ =	shalt  }
0x74: {  	_ =	shalt  }
0x75: {  	_ =	shalt  }
0x76: {  	_ =	shalt  }
0x77: {  	_ =	shalt  }
0x78: {  	_ =	shalt  }
0x79: {  	_ =	shalt  }
0x7a: {  	_ =	shalt  }
0x7b: {  	_ =	shalt  }
0x7c: {  	_ =	shalt  }
0x7d: {  	_ =	shalt  }
0x7e: {  	_ =	shalt  }
0x7f: {  	_ =	shalt  }
0x80: {  	_ =	shalt  }
0x81: {  	_ =	shalt  }
0x82: {  	_ =	shalt  }
0x83: {  	_ =	shalt  }
0x84: {  	_ =	shalt  }
0x85: {  	_ =	shalt  }
0x86: {  	_ =	shalt  }
0x87: {  	_ =	shalt  }
.Lfunc_end0:
.L_simem_size_0:
called_computation.3_lowered:
.L_overlay_start_0:
0x88: {  	s2 =	sld [smem:$0x3FD9]  }
0x89: {  	s3 =	sld [smem:$0x3FFE];
	_ =	sdelay $0x1  }
0x8a: {  	s1 =	srdreg.scid  }
0x8b: {  	s0 =	sand.u32 $0x1, s1  }
0x8c: {  	s16 =	sshll.u32 s0, $0xA;
	s2 =	sadd.s32 s3, s2  }
0x8d: {  	s2 =	sadd.s32 s2, s16  }
0x8e: {  	[smem:$0x3FBB] =	sst s2  }
0x8f: {  	_ = 	snop  }
0x90: {  	(tm) =	ssettm $0x1  }
0x91: {  	s17 =	sld [smem:$0x3FFB];
	_ =	sdelay $0x3  }
0x92: {  	_ =	strace s17  }
0x93: {  	s2 =	sld [smem:$0x3FFC];
	_ =	sdelay $0x3  }
0x94: {  	_ =	strace s2  }
0x95: {  	s2 =	sld [smem:$0x3FFD];
	_ =	sdelay $0x3  }
0x96: {  	_ =	strace s2  }
0x97: {  	_ =	strace $0x8FFFFFFF  }
0x98: {  	s18 =	sld [smem:$0x3FDB];
	_ =	sdelay $0x1  }
0x99: {  	s19 =	simm.s32 $_scs_section_size  }
0x9a: {  	s4 =	simm.s32 $_size__tile_overlayer_lowered;
	s5 =	simm.s32 $_tile_overlayer_lowered  }
0x9b: {  	s22 =	simm.s32 $0x1BFF;
	s21 =	sshll.u32 s5, $0x1;
	s2 =	sadd.s32 s19, s18  }
0x9c: {  	s6 =	simm.s32 $0x0;
	s20 =	sshll.u32 s4, $0x1;
	s4 =	sadd.s32 s21, s2  }
0x9d: {  	[timem:s6], [sflag:s22] =	dma.local [hbm:s4], s20  }
0x9e: {  	_ =	swait.ge [sflag:s22], s20  }
0x9f: {  	s3 =	ssub.s32 $0x0, s20;
	[sflag:s22] =	ssyncset.done $0x0  }
0xa0: {  	[sflag:s22] =	ssyncadd.s32 s3;
	_ =	sdelay $0x1  }
0xa1: {  	s23 =	simm.s32 $0x1B8B  }
0xa2: {  	_ =	swait.ge [sflag:s23], $0x1  }
0xa3: {  	[sflag:s23] =	ssyncset.done $0x0  }
0xa4: {  	s25 =	simm.s32 $0x1B8E;
	s24 =	sld [smem:$0x3FFE];
	[sflag:s23] =	ssyncadd.s32 $0xFFFFFFFF  }
0xa5: {  	s26 =	simm.s32 $execute0_lowered;
	[smem:$0x3FD2] =	sst s25  }
0xa6: {  	s4 =	sshll.u32 s26, $0x1;
	_ =	strace $0x8000004F;
	[dreg:$0x1] =	wrdreg $0xFFFFFFFF  }
0xa7: {  	s28 =	simm.s32 $_size_execute0_lowered;
	s2 =	sadd.s32 s2, s4;
	[dreg:$0x0] =	wrdreg $0x0  }
0xa8: {  	s4 =	sshll.u32 s28, $0x1;
	[dreg:$0x2] =	wrdreg s2  }
0xa9: {  	[dreg:$0x3] =	wrdreg s4  }
0xaa: {  	[dreg:$0x4] =	wrdreg $0xC0  }
0xab: {  	_ =	task [dreg:s6], $0x5FFFF  }
0xac: {  	[dreg:$0x1] =	wrdreg $0xFFFFFFFF  }
0xad: {  	[dreg:$0x0] =	wrdreg $0x60  }
0xae: {  	[dreg:$0x2] =	wrdreg s24  }
0xaf: {  	[dreg:$0x3] =	wrdreg $0xB7800  }
0xb0: {  	[dreg:$0x4] =	wrdreg $0x9  }
0xb1: {  	_ =	task.clear_ibuf [dreg:s6], $0x5FFFF;
	_ =	strace $0x9000004F  }
0xb2: {  	s29 =	simm.s32 $0x9;
	_ =	strace $0x80000051  }
0xb3: {  	_ =	swait.ge [sflag:s29], $0x1  }
0xb4: {  	[sflag:s29] =	ssyncadd.s32 $0xFFFFFFFF  }
0xb5: {  	_ =	strace $0x90000051  }
0xb6: {  	_ =	sfence  }
0xb7: {  	s30 =	sld [smem:$0x0];
	_ =	sdelay $0x2  }
0xb8: {  	s31 =	sshll.u32 s1, $0xD;
	s1 =	sshrl.u32 s1, $0x2  }
0xb9: {  	s3 =	sand.u32 $0x4000, s31;
	s1 =	sadd.s32 s1, s30  }
0xba: {  	s0 =	sor.u32 s3, s0;
	s1 =	sshll.u32 s1, $0x11  }
0xbb: {  	s0 =	sor.u32 s1, s0  }
0xbc: {  	s0 =	sadd.s32 $0x8F2B, s0  }
0xbd: {  	[sflag:s0] =	ssyncadd.remote.s32 $0x1  }
0xbe: {  	_ =	sfence.sel $0xFFFF  }
0xbf: {  	[dreg:$0x0] =	wrdreg $0xFFFFFFFF;
	(pc) =	sbr.abs _section_cstart, $3  }
0xc0: {  	[dreg:$0x1] =	wrdreg $0xFFFFFFFF  }
0xc1: {  	_ =	task.clear_ibuf [dreg:s6], $0x2FFFF;
	_ =	strace $0x9FFFFFFF  }
0xc2: {  	(tm) =	ssettm $0x7FFFFFFF  }
0xc3: {  	_ =	shalt  }
tec
execute0_lowered:
.L_overlay_start_1:
0x0: {  	(tag) =	ssettag $0x1  }
0x1: {  	s0 =	srdreg.scid;
	s14 =	stileid.u32  }
0x2: {  	s4 =	rddreg [dreg:$0x0];
	s1 =	simm.s32 $0x0;
	s31 =	simm.s32 $0x3  }
0x3: {  	s29 =	simm.s32 $0x40;
	s30 =	simm.s32 $0x1;
	s2 =	sand.u32 $0x1, s0  }
0x4: {  	s5 =	sshll.u32 s14, $0x7;
	s7 =	smul.u32 $0x14000, s14;
	[smem:$0x7FF] =	sst s1  }
0x5: {  	s10 =	sadd.s32 $0x129400, s4;
	s0 =	sshll.u32 s2, $0x4;
	s5 =	sand.u32 $0x380, s5  }
0x6: {  	s6 =	ssub.s32 $0x2, s2;
	s2 =	smul.u32 $0x140000, s2;
	s3 =	sor.u32 s14, s0  }
0x7: {  	s9 =	sshrl.u32 s6, $0x1;
	s19 =	sadd.s32 $0x4000, s7;
	s20 =	sadd.s32 $0x6000, s7  }
0x8: {  	s21 =	sadd.s32 $0x8000, s7;
	s22 =	sadd.s32 $0xA000, s7;
	s23 =	sadd.s32 $0xC000, s7  }
0x9: {  	s24 =	sadd.s32 $0xE000, s7;
	s25 =	sadd.s32 $0x10000, s7;
	s0 =	sshrl.u32 s3, $0x3  }
0xa: {  	s8 =	sadd.s32 s7, s2;
	s12 =	sadd.s32 s2, s19;
	s15 =	sadd.s32 s2, s20  }
0xb: {  	s17 =	sadd.s32 s2, s21;
	s26 =	sadd.s32 s2, s22;
	s0 =	smul.u32 $0x13C00, s0  }
0xc: {  	s8 =	sshrl.u32 s8, $0x3;
	s13 =	sshrl.u32 s12, $0x3;
	s16 =	sshrl.u32 s15, $0x3  }
0xd: {  	s18 =	sshrl.u32 s17, $0x3;
	s12 =	sadd.s32 s2, s23;
	s15 =	sadd.s32 s2, s24  }
0xe: {  	s5 =	sor.u32 s5, s0;
	s0 =	ssub.s32 s6, s9;
	s6 =	sor.u32 $0x2000, s7  }
0xf: {  	s8 =	sadd.s32 s10, s8;
	s7 =	sadd.s32 $0x12000, s7;
	s9 =	sadd.s32 s2, s6  }
0x10: {  	[dreg:$0x3] =	wrdreg s8;
	s17 =	sshrl.u32 s5, $0x3;
	s11 =	sshrl.u32 s9, $0x3  }
0x11: {  	s28 =	smax.u32 s0, $0x1;
	s0 =	simm.s32 $0x7780;
	s8 =	sadd.s32 s10, s11  }
0x12: {  	s9 =	sshrl.u32 s15, $0x3;
	s11 =	sshrl.u32 s26, $0x3;
	[dreg:$0x4] =	wrdreg s8  }
0x13: {  	s8 =	sadd.s32 s10, s13;
	s13 =	sshrl.u32 s12, $0x3;
	s12 =	rddreg [dreg:$0x1]  }
0x14: {  	s9 =	sadd.s32 s10, s9;
	[dreg:$0x5] =	wrdreg s8;
	s8 =	sadd.s32 s10, s16  }
0x15: {  	s16 =	smul.u32 $0xA00, s3;
	s3 =	sadd.s32 s17, s4;
	s19 =	sadd.s32 s19, s12  }
0x16: {  	s20 =	sadd.s32 s20, s12;
	s21 =	sadd.s32 s21, s12;
	s22 =	sadd.s32 s22, s12  }
0x17: {  	s23 =	sadd.s32 s23, s12;
	s24 =	sadd.s32 s24, s12;
	[dreg:$0x6] =	wrdreg s8  }
0x18: {  	s8 =	sadd.s32 s10, s18;
	s18 =	smul.u32 $0x50000, s14;
	s14 =	sadd.s32 $0xB1600, s4  }
0x19: {  	s15 =	sadd.s32 $0x7800, s3;
	s3 =	simm.s32 $0x2740;
	[dreg:$0x7] =	wrdreg s8  }
0x1a: {  	s8 =	sadd.s32 s10, s11;
	s11 =	sadd.s32 s2, s25;
	s2 =	sadd.s32 s2, s7  }
0x1b: {  	s25 =	sadd.s32 s25, s12;
	[dreg:$0x8] =	wrdreg s8;
	s8 =	sadd.s32 s10, s13  }
0x1c: {  	s11 =	sshrl.u32 s11, $0x3;
	s2 =	sshrl.u32 s2, $0x3;
	s26 =	sshrl.u32 s18, $0x2  }
0x1d: {  	s18 =	sadd.s32 s6, s12;
	[dreg:$0x9] =	wrdreg s8;
	s11 =	sadd.s32 s10, s11  }
0x1e: {  	s13 =	sadd.s32 s10, s2;
	s2 =	sadd.s32 s16, s4;
	s17 =	sadd.s32 s26, s12  }
0x1f: {  	s26 =	sadd.s32 s7, s12;
	s10 =	simm.s32 $0x9780;
	s4 =	simm.s32 $0x0  }
0x20: {  	v0 =	vimm.f32 $0.0e+00;
	_ =	strace $0x80000050;
	s16 =	sadd.s32 $0x25400, s2;
	s2 =	simm.s32 $0x2  }
.LBB2_1:
0x21: {  	s5 =	simm.s32 $0x80;
	s6 =	simm.s32 $0x400  }
0x22: {  	[tilespmem:s1], [sflag:$0x3] =	stream.strided.gather [hbm4b:s15+s5], $0x2780, s6, s5, $0x38;
	[tilespmem:$0x1F780] =	vst v63  }
0x23: {  	_ =	swait.ge [sflag:s31], $0x2780  }
0x24: {  	[sflag:s31] =	ssyncset.done $0x0  }
0x25: {  	s6 =	simm.s32 $0x2780;
	[sflag:s31] =	ssyncadd.s32 $0xFFFFD880  }
0x26: {  	[tilespmem:s6], [sflag:$0x3] =	stream.linear.gather [hbm4b:s16+s1], $0x4F00, $0x38;
	[tilespmem:$0x1F780] =	vst v63  }
0x27: {  	s7 =	sand.u32 $0x7E00, s1;
	s8 =	sand.u32 $0x70, s1;
	_ =	swait.ge [sflag:s31], $0x4F00  }
0x28: {  	s7 =	sshrl.u32 s7, $0x2;
	s5 =	simm.s32 $0x40;
	[sflag:s31] =	ssyncset.done $0x0  }
0x29: {  	s7 =	sor.u32 s8, s7;
	s6 =	simm.s32 $0x0;
	[sflag:s31] =	ssyncadd.s32 $0xFFFFB100  }
.LBB2_2:
0x2a: {  	p0 =	sne.s32 s5, $0x7FC0  }
0x2b: {  	[tilespmem:s7+$0x7780] =	vst v0;
	s6 =	sadd.s32 $0x10, s6;
	s7 =	smov.u32 s5;
	s5 =	sadd.s32 $0x40, s5  }
.Ltmp0:
0x2c: {  	(pc) =	sbr.rel @p0 .LBB2_2-.Ltmp0, $4  }
0x2d: {  	_ = 	snop  }
0x2e: {  	s7 =	sand.u32 $0x7E00, s7  }
0x2f: {  	s8 =	sand.u32 $0x70, s6;
	s7 =	sshrl.u32 s7, $0x2  }
0x30: {  	s7 =	sor.u32 s8, s7  }
0x31: {  	[tilespmem:s7+$0x7780] =	vst v0  }
0x32: {  	[spmem:s17] =	stream.linear.scatter [tilespmem:s0], [sflag:$0x3], $0x2000, $0x38;
	[tilespmem:$0x1F780] =	vst v63  }
0x33: {  	_ =	swait.ge [sflag:s31], $0x2000  }
0x34: {  	[sflag:s31] =	ssyncset.done $0x0  }
0x35: {  	[sflag:s31] =	ssyncadd.s32 $0xFFFFE000  }
0x36: {  	[spmem:s18] =	stream.linear.scatter [tilespmem:s0], [sflag:$0x3], $0x2000, $0x38;
	[tilespmem:$0x1F780] =	vst v63  }
0x37: {  	_ =	swait.ge [sflag:s31], $0x2000  }
0x38: {  	[sflag:s31] =	ssyncset.done $0x0  }
0x39: {  	[sflag:s31] =	ssyncadd.s32 $0xFFFFE000  }
0x3a: {  	[spmem:s19] =	stream.linear.scatter [tilespmem:s0], [sflag:$0x3], $0x2000, $0x38;
	[tilespmem:$0x1F780] =	vst v63  }
0x3b: {  	_ =	swait.ge [sflag:s31], $0x2000  }
0x3c: {  	[sflag:s31] =	ssyncset.done $0x0  }
0x3d: {  	[sflag:s31] =	ssyncadd.s32 $0xFFFFE000  }
0x3e: {  	[spmem:s20] =	stream.linear.scatter [tilespmem:s0], [sflag:$0x3], $0x2000, $0x38;
	[tilespmem:$0x1F780] =	vst v63  }
0x3f: {  	_ =	swait.ge [sflag:s31], $0x2000  }
0x40: {  	[sflag:s31] =	ssyncset.done $0x0  }
0x41: {  	[sflag:s31] =	ssyncadd.s32 $0xFFFFE000  }
0x42: {  	[spmem:s21] =	stream.linear.scatter [tilespmem:s0], [sflag:$0x3], $0x2000, $0x38;
	[tilespmem:$0x1F780] =	vst v63  }
0x43: {  	_ =	swait.ge [sflag:s31], $0x2000  }
0x44: {  	[sflag:s31] =	ssyncset.done $0x0  }
0x45: {  	[sflag:s31] =	ssyncadd.s32 $0xFFFFE000  }
0x46: {  	[spmem:s22] =	stream.linear.scatter [tilespmem:s0], [sflag:$0x3], $0x2000, $0x38;
	[tilespmem:$0x1F780] =	vst v63  }
0x47: {  	_ =	swait.ge [sflag:s31], $0x2000  }
0x48: {  	[sflag:s31] =	ssyncset.done $0x0  }
0x49: {  	[sflag:s31] =	ssyncadd.s32 $0xFFFFE000  }
0x4a: {  	[spmem:s23] =	stream.linear.scatter [tilespmem:s0], [sflag:$0x3], $0x2000, $0x38;
	[tilespmem:$0x1F780] =	vst v63  }
0x4b: {  	_ =	swait.ge [sflag:s31], $0x2000  }
0x4c: {  	[sflag:s31] =	ssyncset.done $0x0  }
0x4d: {  	[sflag:s31] =	ssyncadd.s32 $0xFFFFE000  }
0x4e: {  	[spmem:s24] =	stream.linear.scatter [tilespmem:s0], [sflag:$0x3], $0x2000, $0x38;
	[tilespmem:$0x1F780] =	vst v63  }
0x4f: {  	_ =	swait.ge [sflag:s31], $0x2000  }
0x50: {  	[sflag:s31] =	ssyncset.done $0x0  }
0x51: {  	[sflag:s31] =	ssyncadd.s32 $0xFFFFE000  }
0x52: {  	[spmem:s25] =	stream.linear.scatter [tilespmem:s0], [sflag:$0x3], $0x2000, $0x38;
	[tilespmem:$0x1F780] =	vst v63  }
0x53: {  	_ =	swait.ge [sflag:s31], $0x2000  }
0x54: {  	[sflag:s31] =	ssyncset.done $0x0  }
0x55: {  	[sflag:s31] =	ssyncadd.s32 $0xFFFFE000  }
0x56: {  	[spmem:s26] =	stream.linear.scatter [tilespmem:s0], [sflag:$0x3], $0x2000, $0x38;
	[tilespmem:$0x1F780] =	vst v63  }
0x57: {  	_ =	swait.ge [sflag:s31], $0x2000  }
0x58: {  	[sflag:s31] =	ssyncset.done $0x0  }
0x59: {  	[sflag:s31] =	ssyncadd.s32 $0xFFFFE000  }
0x5a: {  	s5 =	simm.s32 $0x0;
	[bflag:$0x0] =	sbarrier.arrive $0xFFFF  }
0x5b: {  	[tilespmem:s0], [sflag:$0x1] =	stream.indirect.gather [hbm4b:s14+s29], $0x80, s5, s29, $0xb8;
	[tilespmem:$0x1F780] =	vst v63  }
0x5c: {  	_ =	swait.ge [sflag:s30], $0x2000  }
0x5d: {  	[sflag:s30] =	ssyncset.done $0x0  }
0x5e: {  	s7 =	simm.s32 $0x40;
	[sflag:s30] =	ssyncadd.s32 $0xFFFFE000  }
0x5f: {  	[tilespmem:s10], [sflag:$0x2] =	stream.indirect.gather [hbm4b:s14+s29], $0x80, s7, s29, $0xb8;
	[tilespmem:$0x1F780] =	vst v63  }
0x60: {  	s8 =	simm.s32 $0x2780  }
0x61: {  	[spmem:s12] =	stream.indirect.scatter.add.f32 [tilespmem:s0], [sflag:$0x3], $0x80, s8, s29, $0xb8;
	[tilespmem:$0x1F780] =	vst v63  }
0x62: {  	_ =	swait.ge [sflag:s31], $0x2000  }
0x63: {  	[sflag:s31] =	ssyncset.done $0x0  }
0x64: {  	s5 =	simm.s32 $0x80;
	[sflag:s31] =	ssyncadd.s32 $0xFFFFE000  }
0x65: {  	[tilespmem:s0], [sflag:$0x1] =	stream.indirect.gather [hbm4b:s14+s29], $0x80, s5, s29, $0xb8;
	[tilespmem:$0x1F780] =	vst v63  }
0x66: {  	_ =	swait.ge [sflag:s2], $0x2000  }
0x67: {  	[sflag:s2] =	ssyncset.done $0x0  }
0x68: {  	s6 =	simm.s32 $0x2800;
	[sflag:s2] =	ssyncadd.s32 $0xFFFFE000  }
0x69: {  	[spmem:s12] =	stream.indirect.scatter.add.f32 [tilespmem:s10], [sflag:$0x3], $0x80, s6, s29, $0xb8;
	[tilespmem:$0x1F780] =	vst v63  }
0x6a: {  	_ =	swait.ge [sflag:s31], $0x2000  }
0x6b: {  	s6 =	simm.s32 $0x400;
	[sflag:s31] =	ssyncset.done $0x0  }
.LBB2_4:
0x6c: {  	p0 =	sne.s32 s6, $0x13400;
	[sflag:s31] =	ssyncadd.s32 $0xFFFFE000;
	s5 =	sadd.s32 $0x80, s5  }
0x6d: {  	s7 =	smov.u32 s6;
	s6 =	sadd.s32 $0x400, s6;
	_ =	swait.ge [sflag:s30], $0x2000  }
0x6e: {  	[sflag:s30] =	ssyncset.done $0x0  }
0x6f: {  	s8 =	sadd.s32 $0xFFFFFFC0, s5;
	s7 =	sshra.s32 s7, $0x2;
	[sflag:s30] =	ssyncadd.s32 $0xFFFFE000  }
0x70: {  	[tilespmem:s10], [sflag:$0x2] =	stream.indirect.gather [hbm4b:s14+s29], $0x80, s8, s29, $0xb8;
	[tilespmem:$0x1F780] =	vst v63  }
0x71: {  	s8 =	sadd.s32 $0x2780, s7  }
0x72: {  	[spmem:s12] =	stream.indirect.scatter.add.f32 [tilespmem:s0], [sflag:$0x3], $0x80, s8, s29, $0xb8;
	[tilespmem:$0x1F780] =	vst v63  }
0x73: {  	_ =	swait.ge [sflag:s31], $0x2000  }
0x74: {  	[sflag:s31] =	ssyncset.done $0x0  }
0x75: {  	[sflag:s31] =	ssyncadd.s32 $0xFFFFE000  }
0x76: {  	[tilespmem:s0], [sflag:$0x1] =	stream.indirect.gather [hbm4b:s14+s29], $0x80, s5, s29, $0xb8;
	[tilespmem:$0x1F780] =	vst v63  }
0x77: {  	_ =	swait.ge [sflag:s2], $0x2000  }
.Ltmp1:
0x78: {  	[sflag:s2] =	ssyncset.done $0x0;
	(pc) =	sbr.rel @p0 .LBB2_4-.Ltmp1, $4  }
0x79: {  	s7 =	sadd.s32 $0x2800, s7;
	[sflag:s2] =	ssyncadd.s32 $0xFFFFE000  }
0x7a: {  	[spmem:s12] =	stream.indirect.scatter.add.f32 [tilespmem:s10], [sflag:$0x3], $0x80, s7, s29, $0xb8;
	[tilespmem:$0x1F780] =	vst v63  }
0x7b: {  	_ =	swait.ge [sflag:s31], $0x2000  }
0x7c: {  	[sflag:s31] =	ssyncset.done $0x0  }
0x7d: {  	[sflag:s31] =	ssyncadd.s32 $0xFFFFE000  }
0x7e: {  	_ =	swait.ge [sflag:s30], $0x2000  }
0x7f: {  	[sflag:s30] =	ssyncset.done $0x0  }
0x80: {  	[sflag:s30] =	ssyncadd.s32 $0xFFFFE000  }
0x81: {  	[tilespmem:s10], [sflag:$0x2] =	stream.indirect.gather [hbm4b:s14+s29], $0x80, s3, s29, $0xb8;
	[tilespmem:$0x1F780] =	vst v63  }
0x82: {  	s5 =	simm.s32 $0x7580  }
0x83: {  	[spmem:s12] =	stream.indirect.scatter.add.f32 [tilespmem:s0], [sflag:$0x3], $0x80, s5, s29, $0xb8;
	[tilespmem:$0x1F780] =	vst v63  }
0x84: {  	_ =	swait.ge [sflag:s31], $0x2000  }
0x85: {  	[sflag:s31] =	ssyncset.done $0x0  }
0x86: {  	[sflag:s31] =	ssyncadd.s32 $0xFFFFE000  }
0x87: {  	[tilespmem:s0], [sflag:$0x1] =	stream.indirect.gather [hbm4b:s14+s29], $0x80, s3, s29, $0xb8;
	[tilespmem:$0x1F780] =	vst v63  }
0x88: {  	_ =	swait.ge [sflag:s2], $0x2000  }
0x89: {  	[sflag:s2] =	ssyncset.done $0x0  }
0x8a: {  	s7 =	simm.s32 $0x7600;
	[sflag:s2] =	ssyncadd.s32 $0xFFFFE000  }
0x8b: {  	[spmem:s12] =	stream.indirect.scatter.add.f32 [tilespmem:s10], [sflag:$0x3], $0x80, s7, s29, $0xb8;
	[tilespmem:$0x1F780] =	vst v63  }
0x8c: {  	_ =	swait.ge [sflag:s31], $0x2000  }
0x8d: {  	[sflag:s31] =	ssyncset.done $0x0  }
0x8e: {  	[sflag:s31] =	ssyncadd.s32 $0xFFFFE000  }
0x8f: {  	_ =	swait.ge [sflag:s30], $0x2000  }
0x90: {  	[sflag:s30] =	ssyncset.done $0x0  }
0x91: {  	[sflag:s30] =	ssyncadd.s32 $0xFFFFE000  }
0x92: {  	[bflag:$0x0] =	sbarrier.arrive $0xFFFF  }
0x93: {  	[tilespmem:s0], [sflag:$0x3] =	stream.linear.gather [spmem:s17], $0x2000, $0x38;
	[tilespmem:$0x1F780] =	vst v63  }
0x94: {  	_ =	swait.ge [sflag:s31], $0x2000  }
0x95: {  	[sflag:s31] =	ssyncset.done $0x0  }
0x96: {  	s8 =	rddreg [dreg:$0x3];
	[sflag:s31] =	ssyncadd.s32 $0xFFFFE000  }
0x97: {  	[hbm4b:s8+s1] =	stream.linear.scatter [tilespmem:s0], [sflag:$0x3], $0x2000, $0x38;
	[tilespmem:$0x1F780] =	vst v63  }
0x98: {  	_ =	swait.ge [sflag:s31], $0x2000  }
0x99: {  	[sflag:s31] =	ssyncset.done $0x0  }
0x9a: {  	[sflag:s31] =	ssyncadd.s32 $0xFFFFE000  }
0x9b: {  	[tilespmem:s0], [sflag:$0x3] =	stream.linear.gather [spmem:s18], $0x2000, $0x38;
	[tilespmem:$0x1F780] =	vst v63  }
0x9c: {  	_ =	swait.ge [sflag:s31], $0x2000  }
0x9d: {  	[sflag:s31] =	ssyncset.done $0x0  }
0x9e: {  	s6 =	rddreg [dreg:$0x4];
	[sflag:s31] =	ssyncadd.s32 $0xFFFFE000  }
0x9f: {  	[hbm4b:s6+s1] =	stream.linear.scatter [tilespmem:s0], [sflag:$0x3], $0x2000, $0x38;
	[tilespmem:$0x1F780] =	vst v63  }
0xa0: {  	_ =	swait.ge [sflag:s31], $0x2000  }
0xa1: {  	[sflag:s31] =	ssyncset.done $0x0  }
0xa2: {  	[sflag:s31] =	ssyncadd.s32 $0xFFFFE000  }
0xa3: {  	[tilespmem:s0], [sflag:$0x3] =	stream.linear.gather [spmem:s19], $0x2000, $0x38;
	[tilespmem:$0x1F780] =	vst v63  }
0xa4: {  	_ =	swait.ge [sflag:s31], $0x2000  }
0xa5: {  	[sflag:s31] =	ssyncset.done $0x0  }
0xa6: {  	s7 =	rddreg [dreg:$0x5];
	[sflag:s31] =	ssyncadd.s32 $0xFFFFE000  }
0xa7: {  	[hbm4b:s7+s1] =	stream.linear.scatter [tilespmem:s0], [sflag:$0x3], $0x2000, $0x38;
	[tilespmem:$0x1F780] =	vst v63  }
0xa8: {  	_ =	swait.ge [sflag:s31], $0x2000  }
0xa9: {  	[sflag:s31] =	ssyncset.done $0x0  }
0xaa: {  	[sflag:s31] =	ssyncadd.s32 $0xFFFFE000  }
0xab: {  	[tilespmem:s0], [sflag:$0x3] =	stream.linear.gather [spmem:s20], $0x2000, $0x38;
	[tilespmem:$0x1F780] =	vst v63  }
0xac: {  	_ =	swait.ge [sflag:s31], $0x2000  }
0xad: {  	[sflag:s31] =	ssyncset.done $0x0  }
0xae: {  	s8 =	rddreg [dreg:$0x6];
	[sflag:s31] =	ssyncadd.s32 $0xFFFFE000  }
0xaf: {  	[hbm4b:s8+s1] =	stream.linear.scatter [tilespmem:s0], [sflag:$0x3], $0x2000, $0x38;
	[tilespmem:$0x1F780] =	vst v63  }
0xb0: {  	_ =	swait.ge [sflag:s31], $0x2000  }
0xb1: {  	[sflag:s31] =	ssyncset.done $0x0  }
0xb2: {  	[sflag:s31] =	ssyncadd.s32 $0xFFFFE000  }
0xb3: {  	[tilespmem:s0], [sflag:$0x3] =	stream.linear.gather [spmem:s21], $0x2000, $0x38;
	[tilespmem:$0x1F780] =	vst v63  }
0xb4: {  	_ =	swait.ge [sflag:s31], $0x2000  }
0xb5: {  	[sflag:s31] =	ssyncset.done $0x0  }
0xb6: {  	s6 =	rddreg [dreg:$0x7];
	[sflag:s31] =	ssyncadd.s32 $0xFFFFE000  }
0xb7: {  	[hbm4b:s6+s1] =	stream.linear.scatter [tilespmem:s0], [sflag:$0x3], $0x2000, $0x38;
	[tilespmem:$0x1F780] =	vst v63  }
0xb8: {  	_ =	swait.ge [sflag:s31], $0x2000  }
0xb9: {  	[sflag:s31] =	ssyncset.done $0x0  }
0xba: {  	[sflag:s31] =	ssyncadd.s32 $0xFFFFE000  }
0xbb: {  	[tilespmem:s0], [sflag:$0x3] =	stream.linear.gather [spmem:s22], $0x2000, $0x38;
	[tilespmem:$0x1F780] =	vst v63  }
0xbc: {  	_ =	swait.ge [sflag:s31], $0x2000  }
0xbd: {  	[sflag:s31] =	ssyncset.done $0x0  }
0xbe: {  	s7 =	rddreg [dreg:$0x8];
	[sflag:s31] =	ssyncadd.s32 $0xFFFFE000  }
0xbf: {  	[hbm4b:s7+s1] =	stream.linear.scatter [tilespmem:s0], [sflag:$0x3], $0x2000, $0x38;
	[tilespmem:$0x1F780] =	vst v63  }
0xc0: {  	_ =	swait.ge [sflag:s31], $0x2000  }
0xc1: {  	[sflag:s31] =	ssyncset.done $0x0  }
0xc2: {  	[sflag:s31] =	ssyncadd.s32 $0xFFFFE000  }
0xc3: {  	[tilespmem:s0], [sflag:$0x3] =	stream.linear.gather [spmem:s23], $0x2000, $0x38;
	[tilespmem:$0x1F780] =	vst v63  }
0xc4: {  	_ =	swait.ge [sflag:s31], $0x2000  }
0xc5: {  	[sflag:s31] =	ssyncset.done $0x0  }
0xc6: {  	s8 =	rddreg [dreg:$0x9];
	[sflag:s31] =	ssyncadd.s32 $0xFFFFE000  }
0xc7: {  	[hbm4b:s8+s1] =	stream.linear.scatter [tilespmem:s0], [sflag:$0x3], $0x2000, $0x38;
	[tilespmem:$0x1F780] =	vst v63  }
0xc8: {  	_ =	swait.ge [sflag:s31], $0x2000  }
0xc9: {  	[sflag:s31] =	ssyncset.done $0x0  }
0xca: {  	[sflag:s31] =	ssyncadd.s32 $0xFFFFE000  }
0xcb: {  	[tilespmem:s0], [sflag:$0x3] =	stream.linear.gather [spmem:s24], $0x2000, $0x38;
	[tilespmem:$0x1F780] =	vst v63  }
0xcc: {  	_ =	swait.ge [sflag:s31], $0x2000  }
0xcd: {  	[sflag:s31] =	ssyncset.done $0x0  }
0xce: {  	[sflag:s31] =	ssyncadd.s32 $0xFFFFE000  }
0xcf: {  	[hbm4b:s9+s1] =	stream.linear.scatter [tilespmem:s0], [sflag:$0x3], $0x2000, $0x38;
	[tilespmem:$0x1F780] =	vst v63  }
0xd0: {  	_ =	swait.ge [sflag:s31], $0x2000  }
0xd1: {  	[sflag:s31] =	ssyncset.done $0x0  }
0xd2: {  	[sflag:s31] =	ssyncadd.s32 $0xFFFFE000  }
0xd3: {  	[tilespmem:s0], [sflag:$0x3] =	stream.linear.gather [spmem:s25], $0x2000, $0x38;
	[tilespmem:$0x1F780] =	vst v63  }
0xd4: {  	_ =	swait.ge [sflag:s31], $0x2000  }
0xd5: {  	[sflag:s31] =	ssyncset.done $0x0  }
0xd6: {  	[sflag:s31] =	ssyncadd.s32 $0xFFFFE000  }
0xd7: {  	[hbm4b:s11+s1] =	stream.linear.scatter [tilespmem:s0], [sflag:$0x3], $0x2000, $0x38;
	[tilespmem:$0x1F780] =	vst v63  }
0xd8: {  	_ =	swait.ge [sflag:s31], $0x2000  }
0xd9: {  	[sflag:s31] =	ssyncset.done $0x0  }
0xda: {  	[sflag:s31] =	ssyncadd.s32 $0xFFFFE000  }
0xdb: {  	[tilespmem:s0], [sflag:$0x3] =	stream.linear.gather [spmem:s26], $0x2000, $0x38;
	[tilespmem:$0x1F780] =	vst v63  }
0xdc: {  	s4 =	sadd.s32 $0x1, s4;
	_ =	swait.ge [sflag:s31], $0x2000  }
0xdd: {  	p0 =	sne.s32 s4, s28;
	[sflag:s31] =	ssyncset.done $0x0  }
.Ltmp2:
0xde: {  	[sflag:s31] =	ssyncadd.s32 $0xFFFFE000;
	(pc) =	sbr.rel @p0 .LBB2_1-.Ltmp2, $4  }
0xdf: {  	[hbm4b:s13+s1] =	stream.linear.scatter [tilespmem:s0], [sflag:$0x3], $0x2000, $0x38;
	[tilespmem:$0x1F780] =	vst v63  }
0xe0: {  	_ =	swait.ge [sflag:s31], $0x2000  }
0xe1: {  	[sflag:s31] =	ssyncset.done $0x0  }
0xe2: {  	[sflag:s31] =	ssyncadd.s32 $0xFFFFE000  }
0xe3: {  	_ =	sfence.sel $0x180000  }
0xe4: {  	[bflag:$0x0] =	sbarrier.arrive $0xFFFF  }
0xe5: {  	_ =	strace $0x90000050  }
0xe6: {  	s0 =	stileid.u32;
	[bflag:$0x2] =	sbarrier.arrive $0xFFFF  }
0xe7: {  	p0 =	sne.s32 s0, $0x0;
	s0 =	rddreg [dreg:$0x2]  }
0xe8: {  	s0 =	sadd.s32 @!p0 $0x100000, s0  }
0xe9: {  	[sflag:s0] =	ssyncadd.tile.s32 @!p0 $0x1;
	_ =	shalt  }
.Lfunc_end2:
_tile_overlayer_lowered:
.L_overlay_start_2:
0xea: {  	(tag) =	ssettag $0x2  }
0xeb: {  	s0 =	rddreg [dreg:$0x0];
	s2 =	stileid.u32  }
0xec: {  	s1 =	rddreg [dreg:$0x1];
	p0 =	sne.s32 s2, $0x0  }
0xed: {  	s3 =	rddreg [dreg:$0x2];
	[bflag:$0x3] =	sbarrier.arrive $0xFFFF;
	s2 =	simm.s32 @!p0 $0x1C03  }
0xee: {  	[timem:s3], [sflag:s2] =	dma.local @!p0 [hbm:s0], s1  }
0xef: {  	s0 =	simm.s32 @!p0 $0x3  }
0xf0: {  	_ =	swait.ge @!p0 [sflag:s0], s1  }
0xf1: {  	s1 =	ssub.s32 @!p0 $0x0, s1;
	[sflag:s0] =	ssyncset.done @!p0 $0x0  }
0xf2: {  	[sflag:s0] =	ssyncadd.s32 @!p0 s1  }
0xf3: {  	[bflag:$0x3] =	sbarrier.arrive $0xFFFF  }
0xf4: {  	_ =	shalt  }

</sc_bundles>
